<compile_context>
chip_gen: v7x
topology: tpu7x:2x2x1
jax: 0.10.2.dev20260603
libtpu: 0.0.44.dev20260713+nightly
codegen_flags: <defaults>
</compile_context>

<pallas_src>
import functools

import jax
import jax.numpy as jnp
from jax import lax
from jax.experimental import pallas as pl
from jax.experimental.pallas import tpu as pltpu
from jax.experimental.pallas import tpu_sc as plsc

NC = 2
NS = 16
LANES = 16


def _sc_segment_sum(x, src, dst):
    N, D = x.shape
    E = src.shape[0]
    NW = NC * NS
    e_per_tile = E // NW
    C = 80
    n_iter = e_per_tile // C
    NBUF = 4
    NI = 8
    G = 3
    K = NBUF - G
    n_groups = n_iter // NI
    rows_per_tile = (N // NS) // 8 * 8
    rem_rows = N - rows_per_tile * NS

    mesh = plsc.VectorSubcoreMesh(core_axis_name="c", subcore_axis_name="s")

    @functools.partial(
        pl.kernel,
        out_type=jax.ShapeDtypeStruct((NC, N, D), jnp.float32),
        mesh=mesh,
        scratch_types=[
            [pltpu.VMEM((C, D), jnp.float32) for _ in range(NBUF)],
            [pltpu.VMEM((C,), jnp.int32) for _ in range(NI)],
            [pltpu.VMEM((C,), jnp.int32) for _ in range(NI)],
            pltpu.VMEM_SHARED((N, D), jnp.float32),
            [pltpu.SemaphoreType.DMA for _ in range(NBUF)],
            [pltpu.SemaphoreType.DMA for _ in range(NI)],
            [pltpu.SemaphoreType.DMA for _ in range(NBUF)],
            pltpu.SemaphoreType.DMA,
        ],
    )
    def seg_sum(x_hbm, src_hbm, dst_hbm, out_hbm, rows_v, src_v, dst_v,
                agg_sh, sem_r, sem_i, sem_s, sem_z):
        c = lax.axis_index("c")
        s = lax.axis_index("s")
        wid = c * NS + s
        base = wid * e_per_tile

        def issue_idx(j, bi):
            off = pl.multiple_of(base + j * C, 8)
            pltpu.async_copy(src_hbm.at[pl.ds(off, C)], src_v[bi], sem_i[bi])
            pltpu.async_copy(dst_hbm.at[pl.ds(off, C)], dst_v[bi], sem_i[bi])

        def wait_idx(bi):
            pltpu.make_async_copy(src_hbm.at[pl.ds(0, C)], src_v[bi],
                                  sem_i[bi]).wait()
            pltpu.make_async_copy(dst_hbm.at[pl.ds(0, C)], dst_v[bi],
                                  sem_i[bi]).wait()

        def issue_gather(b, bi):
            pltpu.async_copy(x_hbm.at[src_v[bi]], rows_v[b], sem_r[b])

        def wait_rows(b):
            pltpu.make_async_copy(x_hbm.at[pl.ds(0, C)], rows_v[b],
                                  sem_r[b]).wait()

        def issue_scatter(b, bi):
            pltpu.async_copy(rows_v[b], agg_sh.at[dst_v[bi]], sem_s[b],
                             add=True)

        def wait_scatter(b):
            pltpu.make_async_copy(rows_v[b], agg_sh.at[pl.ds(0, C)],
                                  sem_s[b]).wait()

        for bi in range(NI):
            issue_idx(bi, bi)

        def zrow(r, carry):
            for k in range(D // LANES):
                rows_v[0][r, pl.ds(k * LANES, LANES)] = jnp.zeros(
                    (LANES,), jnp.float32)
            return carry
        lax.fori_loop(0, C, zrow, 0)

        row0 = s * rows_per_tile
        n_full = rows_per_tile // C
        rem = rows_per_tile % C
        for j in range(n_full):
            pltpu.async_copy(rows_v[0], agg_sh.at[pl.ds(row0 + j * C, C)],
                             sem_z)
        if rem:
            pltpu.async_copy(rows_v[0].at[pl.ds(0, rem)],
                             agg_sh.at[pl.ds(row0 + n_full * C, rem)], sem_z)
        if rem_rows:
            @pl.when(s == NS - 1)
            def _():
                pltpu.async_copy(
                    rows_v[0].at[pl.ds(0, rem_rows)],
                    agg_sh.at[pl.ds(NS * rows_per_tile, rem_rows)], sem_z)
        for j in range(n_full):
            pltpu.make_async_copy(rows_v[0], agg_sh.at[pl.ds(0, C)],
                                  sem_z).wait()
        if rem:
            pltpu.make_async_copy(rows_v[0].at[pl.ds(0, rem)],
                                  agg_sh.at[pl.ds(0, rem)], sem_z).wait()
        if rem_rows:
            @pl.when(s == NS - 1)
            def _():
                pltpu.make_async_copy(
                    rows_v[0].at[pl.ds(0, rem_rows)],
                    agg_sh.at[pl.ds(0, rem_rows)], sem_z).wait()

        for b in range(G):
            wait_idx(b)
            issue_gather(b, b)
        plsc.subcore_barrier()

        def chunk_body(j, b, bi):
            bp = (b - K) % NBUF
            bip = (bi - K) % NI
            big = (bi + G) % NI

            @pl.when(j >= K)
            def _retire_prev():
                wait_scatter(bp)

            @pl.when(j + G < n_iter)
            def _next_gather():
                wait_idx(big)
                issue_gather((b + G) % NBUF, big)

            wait_rows(b)
            issue_scatter(b, bi)

            @pl.when((j >= K) & (j + NI - K < n_iter))
            def _refill_idx():
                issue_idx(j - K + NI, bip)

        def group(g, carry):
            j0 = g * NI
            for u in range(NI):
                chunk_body(j0 + u, u % NBUF, u)
            return carry
        lax.fori_loop(0, n_groups, group, 0)
        for j in range(n_groups * NI, n_iter):
            chunk_body(j, j % NBUF, j % NI)
        for j in range(n_iter - K, n_iter):
            wait_scatter(j % NBUF)

        plsc.subcore_barrier()
        pltpu.sync_copy(agg_sh.at[pl.ds(row0, rows_per_tile)],
                        out_hbm.at[c, pl.ds(row0, rows_per_tile)])
        if rem_rows:
            @pl.when(s == NS - 1)
            def _():
                pltpu.sync_copy(
                    agg_sh.at[pl.ds(NS * rows_per_tile, rem_rows)],
                    out_hbm.at[c, pl.ds(NS * rows_per_tile, rem_rows)])

    return seg_sum(x, src, dst)


_BLK = 2000


def _leaky(z):
    return jnp.where(z >= 0.0, z, 0.01 * z)


def _bn_scale_shift(s_ref, q_ref, g_ref, bt_ref, n):
    mean = s_ref[0:1, :] / n
    var = q_ref[0:1, :] / n - mean * mean
    inv = lax.rsqrt(var + 1e-5)
    scale = g_ref[...] * inv
    shift = bt_ref[...] - mean * scale
    return scale, shift


def _gin_layer_body(eps_ref, x_ref, agg_ref, w_ref, b_ref, g_ref, bt_ref,
                    out_ref, lin_ref, s_ref, q_ref, *, n_rows):
    p = pl.program_id(0)
    i = pl.program_id(1)

    @pl.when(p == 0)
    def _():
        h = x_ref[...] * (1.0 + eps_ref[0, 0]) + agg_ref[0] + agg_ref[1]
        lin = jnp.dot(h, w_ref[...], preferred_element_type=jnp.float32)
        lin = lin + b_ref[...]
        lin_ref[pl.ds(i * _BLK, _BLK), :] = lin

        @pl.when(i == 0)
        def _():
            s_ref[...] = jnp.zeros_like(s_ref)
            q_ref[...] = jnp.zeros_like(q_ref)

        s_ref[...] += jnp.broadcast_to(
            jnp.sum(lin, axis=0, keepdims=True), s_ref.shape)
        q_ref[...] += jnp.broadcast_to(
            jnp.sum(lin * lin, axis=0, keepdims=True), q_ref.shape)

    @pl.when(p == 1)
    def _():
        scale, shift = _bn_scale_shift(s_ref, q_ref, g_ref, bt_ref,
                                       float(n_rows))
        y = lin_ref[pl.ds(i * _BLK, _BLK), :] * scale + shift
        out_ref[...] = jnp.where(y >= 0.0, y, 1e-4 * y)


def _gin_layer(eps_arr, x, agg, w, b_row, gamma_row, beta_row):
    N, D = x.shape
    H = w.shape[1]
    grid = N // _BLK
    full = lambda p, i: (0, 0)
    blk = lambda p, i: (i, 0)
    return pl.pallas_call(
        functools.partial(_gin_layer_body, n_rows=N),
        grid=(2, grid),
        in_specs=[
            pl.BlockSpec(memory_space=pltpu.SMEM),
            pl.BlockSpec((_BLK, D), lambda p, i: (i * (1 - p), 0)),
            pl.BlockSpec((NC, _BLK, D), lambda p, i: (0, i * (1 - p), 0)),
            pl.BlockSpec((D, H), full),
            pl.BlockSpec((1, H), full),
            pl.BlockSpec((1, H), full),
            pl.BlockSpec((1, H), full),
        ],
        out_specs=pl.BlockSpec((_BLK, H), blk),
        out_shape=jax.ShapeDtypeStruct((N, H), jnp.float32),
        scratch_shapes=[
            pltpu.VMEM((N, H), jnp.float32),
            pltpu.VMEM((8, H), jnp.float32),
            pltpu.VMEM((8, H), jnp.float32),
        ],
    )(eps_arr, x, agg, w, b_row, gamma_row, beta_row)


def _gin3_head_body(eps_ref, x_ref, agg_ref, w_ref, b_ref, g_ref, bt_ref,
                    w1_ref, b1_ref, w2_ref, b2_ref, w3_ref, b3_ref,
                    wf_ref, bf_ref, out_ref, lin_ref, s_ref, q_ref, *,
                    n_rows):
    p = pl.program_id(0)
    i = pl.program_id(1)

    @pl.when(p == 0)
    def _():
        h = x_ref[...] * (1.0 + eps_ref[0, 0]) + agg_ref[0] + agg_ref[1]
        lin = jnp.dot(h, w_ref[...], preferred_element_type=jnp.float32)
        lin = lin + b_ref[...]
        lin_ref[pl.ds(i * _BLK, _BLK), :] = lin

        @pl.when(i == 0)
        def _():
            s_ref[...] = jnp.zeros_like(s_ref)
            q_ref[...] = jnp.zeros_like(q_ref)

        s_ref[...] += jnp.broadcast_to(
            jnp.sum(lin, axis=0, keepdims=True), s_ref.shape)
        q_ref[...] += jnp.broadcast_to(
            jnp.sum(lin * lin, axis=0, keepdims=True), q_ref.shape)

    @pl.when(p == 1)
    def _():
        scale, shift = _bn_scale_shift(s_ref, q_ref, g_ref, bt_ref,
                                       float(n_rows))
        y = lin_ref[pl.ds(i * _BLK, _BLK), :] * scale + shift
        h = jnp.where(y >= 0.0, y, 1e-4 * y)
        z = jnp.dot(h, w1_ref[...], preferred_element_type=jnp.float32)
        z = z + b1_ref[...]
        z = jnp.dot(z, w2_ref[...], preferred_element_type=jnp.float32)
        z = _leaky(z + b2_ref[...])
        z = jnp.dot(z, w3_ref[...], preferred_element_type=jnp.float32)
        z = _leaky(z + b3_ref[...])
        zf = jnp.sum(z * wf_ref[...], axis=1, keepdims=True)
        zf = zf + bf_ref[0, 0]
        out_ref[...] = jnp.broadcast_to(jax.nn.sigmoid(zf), out_ref.shape)


def _gin3_head(eps_arr, x, agg, w, b_row, gamma_row, beta_row,
               w1, b1, w2, b2, w3, b3, wf_row, bf_arr):
    N, D = x.shape
    H = w.shape[1]
    grid = N // _BLK
    full = lambda p, i: (0, 0)
    return pl.pallas_call(
        functools.partial(_gin3_head_body, n_rows=N),
        grid=(2, grid),
        in_specs=[
            pl.BlockSpec(memory_space=pltpu.SMEM),
            pl.BlockSpec((_BLK, D), lambda p, i: (i * (1 - p), 0)),
            pl.BlockSpec((NC, _BLK, D), lambda p, i: (0, i * (1 - p), 0)),
            pl.BlockSpec((D, H), full),
            pl.BlockSpec((1, H), full),
            pl.BlockSpec((1, H), full),
            pl.BlockSpec((1, H), full),
            pl.BlockSpec((H, H), full), pl.BlockSpec((1, H), full),
            pl.BlockSpec((H, H), full), pl.BlockSpec((1, H), full),
            pl.BlockSpec((H, H), full), pl.BlockSpec((1, H), full),
            pl.BlockSpec((1, H), full),
            pl.BlockSpec(memory_space=pltpu.SMEM),
        ],
        out_specs=pl.BlockSpec((_BLK, H), lambda p, i: (i, 0)),
        out_shape=jax.ShapeDtypeStruct((N, H), jnp.float32),
        scratch_shapes=[
            pltpu.VMEM((N, H), jnp.float32),
            pltpu.VMEM((8, H), jnp.float32),
            pltpu.VMEM((8, H), jnp.float32),
        ],
    )(eps_arr, x, agg, w, b_row, gamma_row, beta_row,
      w1, b1, w2, b2, w3, b3, wf_row, bf_arr)


def kernel(x, edge_index, batch, params):
    N, D = x.shape
    H = params["convs"][0]["W"].shape[1]
    src = edge_index[0]
    dst = edge_index[1]

    cls1 = params["cls1"]
    cls = params["cls"]
    fin = params["final"]
    wf_row = fin["W"].reshape(1, H)
    bf_arr = fin["b"].reshape(1, 1)

    h = x
    for li, layer in enumerate(params["convs"]):
        agg = _sc_segment_sum(h, src, dst)
        eps_arr = layer["eps"].reshape(1, 1)
        args = (eps_arr, h, agg, layer["W"], layer["b"][None, :],
                layer["gamma"][None, :], layer["beta"][None, :])
        if li < 2:
            h = _gin_layer(*args)
        else:
            out = _gin3_head(*args, cls1["W"], cls1["b"][None, :],
                             cls[0]["W"], cls[0]["b"][None, :],
                             cls[1]["W"], cls[1]["b"][None, :],
                             wf_row, bf_arr)
    return out[:, 0:1]

# --- scband reference (transcript-rebuilt; emitter-appended) ---
"""Pipeline reference for scband-ginna-76699525972535 (READ-ONLY COPY).

The authoritative reference and input builder live on the scoring server;
editing this copy changes nothing except your own understanding.
"""

import jax, jax.numpy as jnp
import numpy as np

N = 10000
E = 320000
D = 128
H = 128


def _lin_init(k, din, dout):
    k1, k2 = jax.random.split(k)
    return {"W": jax.random.normal(k1, (din, dout), jnp.float32) * 0.05,
            "b": jax.random.normal(k2, (dout,), jnp.float32) * 0.05}


def _init_params(key):
    ks = jax.random.split(key, 16)
    convs = []
    for i in range(3):
        l = _lin_init(ks[i], D if i == 0 else H, H)
        l["gamma"] = jnp.ones((H,), jnp.float32)
        l["beta"] = jnp.zeros((H,), jnp.float32)
        l["eps"] = jnp.zeros((), jnp.float32)
        convs.append(l)
    cls1 = _lin_init(ks[4], H, H)
    cls = [_lin_init(ks[5 + i], H, H) for i in range(2)]
    final = _lin_init(ks[8], H, 1)
    return {"convs": convs, "cls1": cls1, "cls": cls, "final": final}


def setup_inputs(seed: int = 0):
    key = jax.random.key(seed)
    k1, k2, k3, k4 = jax.random.split(key, 4)
    x = jax.random.normal(k1, (N, D), jnp.float32)
    edge_index = jax.random.randint(k2, (2, E), 0, N, jnp.int32)
    batch = jnp.sort(jax.random.randint(k3, (N,), 0, 64, jnp.int32))
    params = _init_params(k4)
    return {"x": x, "edge_index": edge_index, "batch": batch, "params": params}


def _leaky(x):
    return jax.nn.leaky_relu(x, 0.01)


def _bn(h, gamma, beta):
    mu = jnp.mean(h, axis=0)
    var = jnp.var(h, axis=0)
    return (h - mu) / jnp.sqrt(var + 1e-5) * gamma + beta


def _gin(x, layer, edge_index, num_nodes):
    # GINConv: nn((1+eps)*x + sum_{j->i} x_j); nn = Linear -> BN -> LeakyReLU -> Dropout(p=0)
    src = edge_index[0]
    dst = edge_index[1]
    agg = jax.ops.segment_sum(jnp.take(x, src, axis=0), dst, num_segments=num_nodes)
    h = (1.0 + layer["eps"]) * x + agg
    h = h @ layer["W"] + layer["b"]
    h = _bn(h, layer["gamma"], layer["beta"])
    h = _leaky(h)  # LeakyReLU inside Sequential; Dropout(p=0) is identity
    return h


def _forward(x, params, edge_index):
    n = x.shape[0]
    h = x
    for layer in params["convs"]:
        h = _gin(h, layer, edge_index, n)
        h = _leaky(h)  # outer leaky_relu in GINNA.forward
    h = h @ params["cls1"]["W"] + params["cls1"]["b"]
    for layer in params["cls"]:
        h = h @ layer["W"] + layer["b"]
        h = _leaky(h)
    h = h @ params["final"]["W"] + params["final"]["b"]
    return jax.nn.sigmoid(h)


def reference(x, edge_index, batch, params):
    # batch is accepted but unused, matching the torch forward signature
    return _forward(x, params, edge_index)

if __name__ == "__main__":
    import jax
    _d = setup_inputs()
    print(jax.jit(kernel)(*tuple(_d.values())))

</pallas_src>

<mosaic_0001>
#map = affine_map<(d0, d1) -> (0, 0)>
#map1 = affine_map<(d0, d1) -> (0)>
#map2 = affine_map<(d0, d1) -> (0, 0, 0)>
module attributes {stable_mosaic.version = 14 : i64} {
  func.func @seg_sum(%arg0: i32, %arg1: i32, %arg2: memref<10000x128xf32, #tpu.memory_space<hbm>>, %arg3: memref<320000xi32, #tpu.memory_space<hbm>>, %arg4: memref<320000xi32, #tpu.memory_space<hbm>>, %arg5: memref<2x10000x128xf32, #tpu.memory_space<hbm>>, %arg6: memref<80x128xf32, #tpu.memory_space<vmem>>, %arg7: memref<80x128xf32, #tpu.memory_space<vmem>>, %arg8: memref<80x128xf32, #tpu.memory_space<vmem>>, %arg9: memref<80x128xf32, #tpu.memory_space<vmem>>, %arg10: memref<80xi32, #tpu.memory_space<vmem>>, %arg11: memref<80xi32, #tpu.memory_space<vmem>>, %arg12: memref<80xi32, #tpu.memory_space<vmem>>, %arg13: memref<80xi32, #tpu.memory_space<vmem>>, %arg14: memref<80xi32, #tpu.memory_space<vmem>>, %arg15: memref<80xi32, #tpu.memory_space<vmem>>, %arg16: memref<80xi32, #tpu.memory_space<vmem>>, %arg17: memref<80xi32, #tpu.memory_space<vmem>>, %arg18: memref<80xi32, #tpu.memory_space<vmem>>, %arg19: memref<80xi32, #tpu.memory_space<vmem>>, %arg20: memref<80xi32, #tpu.memory_space<vmem>>, %arg21: memref<80xi32, #tpu.memory_space<vmem>>, %arg22: memref<80xi32, #tpu.memory_space<vmem>>, %arg23: memref<80xi32, #tpu.memory_space<vmem>>, %arg24: memref<80xi32, #tpu.memory_space<vmem>>, %arg25: memref<80xi32, #tpu.memory_space<vmem>>, %arg26: memref<10000x128xf32, #tpu.memory_space<vmem_shared>>, %arg27: memref<!tpu.dma_semaphore, #tpu.memory_space<semaphore_mem>>, %arg28: memref<!tpu.dma_semaphore, #tpu.memory_space<semaphore_mem>>, %arg29: memref<!tpu.dma_semaphore, #tpu.memory_space<semaphore_mem>>, %arg30: memref<!tpu.dma_semaphore, #tpu.memory_space<semaphore_mem>>, %arg31: memref<!tpu.dma_semaphore, #tpu.memory_space<semaphore_mem>>, %arg32: memref<!tpu.dma_semaphore, #tpu.memory_space<semaphore_mem>>, %arg33: memref<!tpu.dma_semaphore, #tpu.memory_space<semaphore_mem>>, %arg34: memref<!tpu.dma_semaphore, #tpu.memory_space<semaphore_mem>>, %arg35: memref<!tpu.dma_semaphore, #tpu.memory_space<semaphore_mem>>, %arg36: memref<!tpu.dma_semaphore, #tpu.memory_space<semaphore_mem>>, %arg37: memref<!tpu.dma_semaphore, #tpu.memory_space<semaphore_mem>>, %arg38: memref<!tpu.dma_semaphore, #tpu.memory_space<semaphore_mem>>, %arg39: memref<!tpu.dma_semaphore, #tpu.memory_space<semaphore_mem>>, %arg40: memref<!tpu.dma_semaphore, #tpu.memory_space<semaphore_mem>>, %arg41: memref<!tpu.dma_semaphore, #tpu.memory_space<semaphore_mem>>, %arg42: memref<!tpu.dma_semaphore, #tpu.memory_space<semaphore_mem>>, %arg43: memref<!tpu.dma_semaphore, #tpu.memory_space<semaphore_mem>>) attributes {dimension_semantics = [#tpu.dimension_semantics<core_parallel>, #tpu.dimension_semantics<subcore_parallel>], iteration_bounds = array<i64: 2, 16>, scalar_prefetch = 0 : i64, scratch_operands = 38 : i64, tpu.core_type = #tpu.core_type<sc_vector_subcore>, window_params = [{transform_indices = #map}, {transform_indices = #map1}, {transform_indices = #map1}, {transform_indices = #map2}]} {
    %mul3A = arith.constant 16 : i32
    %mul3A_0 = arith.muli %arg0, %mul3A : i32
    %add3A = arith.addi %mul3A_0, %arg1 : i32
    %mul3A_1 = arith.constant 10000 : i32
    %mul3A_2 = arith.muli %add3A, %mul3A_1 : i32
    %add3A_3 = arith.constant 0 : i32
    %add3A_4 = arith.addi %mul3A_2, %add3A_3 : i32
    %multiple_of3A = tpu.assume_multiple %add3A_4, 8 : i32
    %dma_start3A = tpu.memref_slice %arg3[%multiple_of3A] : memref<320000xi32, #tpu.memory_space<hbm>> -> memref<80xi32, #tpu.memory_space<hbm>>
    %dma_start3A_5 = tpu.memref_slice %arg3[%multiple_of3A] : memref<320000xi32, #tpu.memory_space<hbm>> -> memref<80xi32, #tpu.memory_space<hbm>>
    tpu.enqueue_dma source(%dma_start3A_5 : memref<80xi32, #tpu.memory_space<hbm>>) target(%arg10 : memref<80xi32, #tpu.memory_space<vmem>>) target_semaphore(%arg31 : memref<!tpu.dma_semaphore, #tpu.memory_space<semaphore_mem>>)
    %dma_start3A_6 = tpu.memref_slice %arg4[%multiple_of3A] : memref<320000xi32, #tpu.memory_space<hbm>> -> memref<80xi32, #tpu.memory_space<hbm>>
    %dma_start3A_7 = tpu.memref_slice %arg4[%multiple_of3A] : memref<320000xi32, #tpu.memory_space<hbm>> -> memref<80xi32, #tpu.memory_space<hbm>>
    tpu.enqueue_dma source(%dma_start3A_7 : memref<80xi32, #tpu.memory_space<hbm>>) target(%arg18 : memref<80xi32, #tpu.memory_space<vmem>>) target_semaphore(%arg31 : memref<!tpu.dma_semaphore, #tpu.memory_space<semaphore_mem>>)
    %add3A_8 = arith.constant 80 : i32
    %add3A_9 = arith.addi %mul3A_2, %add3A_8 : i32
    %multiple_of3A_10 = tpu.assume_multiple %add3A_9, 8 : i32
    %dma_start3A_11 = tpu.memref_slice %arg3[%multiple_of3A_10] : memref<320000xi32, #tpu.memory_space<hbm>> -> memref<80xi32, #tpu.memory_space<hbm>>
    %dma_start3A_12 = tpu.memref_slice %arg3[%multiple_of3A_10] : memref<320000xi32, #tpu.memory_space<hbm>> -> memref<80xi32, #tpu.memory_space<hbm>>
    tpu.enqueue_dma source(%dma_start3A_12 : memref<80xi32, #tpu.memory_space<hbm>>) target(%arg11 : memref<80xi32, #tpu.memory_space<vmem>>) target_semaphore(%arg32 : memref<!tpu.dma_semaphore, #tpu.memory_space<semaphore_mem>>)
    %dma_start3A_13 = tpu.memref_slice %arg4[%multiple_of3A_10] : memref<320000xi32, #tpu.memory_space<hbm>> -> memref<80xi32, #tpu.memory_space<hbm>>
    %dma_start3A_14 = tpu.memref_slice %arg4[%multiple_of3A_10] : memref<320000xi32, #tpu.memory_space<hbm>> -> memref<80xi32, #tpu.memory_space<hbm>>
    tpu.enqueue_dma source(%dma_start3A_14 : memref<80xi32, #tpu.memory_space<hbm>>) target(%arg19 : memref<80xi32, #tpu.memory_space<vmem>>) target_semaphore(%arg32 : memref<!tpu.dma_semaphore, #tpu.memory_space<semaphore_mem>>)
    %add3A_15 = arith.constant 160 : i32
    %add3A_16 = arith.addi %mul3A_2, %add3A_15 : i32
    %multiple_of3A_17 = tpu.assume_multiple %add3A_16, 8 : i32
    %dma_start3A_18 = tpu.memref_slice %arg3[%multiple_of3A_17] : memref<320000xi32, #tpu.memory_space<hbm>> -> memref<80xi32, #tpu.memory_space<hbm>>
    %dma_start3A_19 = tpu.memref_slice %arg3[%multiple_of3A_17] : memref<320000xi32, #tpu.memory_space<hbm>> -> memref<80xi32, #tpu.memory_space<hbm>>
    tpu.enqueue_dma source(%dma_start3A_19 : memref<80xi32, #tpu.memory_space<hbm>>) target(%arg12 : memref<80xi32, #tpu.memory_space<vmem>>) target_semaphore(%arg33 : memref<!tpu.dma_semaphore, #tpu.memory_space<semaphore_mem>>)
    %dma_start3A_20 = tpu.memref_slice %arg4[%multiple_of3A_17] : memref<320000xi32, #tpu.memory_space<hbm>> -> memref<80xi32, #tpu.memory_space<hbm>>
    %dma_start3A_21 = tpu.memref_slice %arg4[%multiple_of3A_17] : memref<320000xi32, #tpu.memory_space<hbm>> -> memref<80xi32, #tpu.memory_space<hbm>>
    tpu.enqueue_dma source(%dma_start3A_21 : memref<80xi32, #tpu.memory_space<hbm>>) target(%arg20 : memref<80xi32, #tpu.memory_space<vmem>>) target_semaphore(%arg33 : memref<!tpu.dma_semaphore, #tpu.memory_space<semaphore_mem>>)
    %add3A_22 = arith.constant 240 : i32
    %add3A_23 = arith.addi %mul3A_2, %add3A_22 : i32
    %multiple_of3A_24 = tpu.assume_multiple %add3A_23, 8 : i32
    %dma_start3A_25 = tpu.memref_slice %arg3[%multiple_of3A_24] : memref<320000xi32, #tpu.memory_space<hbm>> -> memref<80xi32, #tpu.memory_space<hbm>>
    %dma_start3A_26 = tpu.memref_slice %arg3[%multiple_of3A_24] : memref<320000xi32, #tpu.memory_space<hbm>> -> memref<80xi32, #tpu.memory_space<hbm>>
    tpu.enqueue_dma source(%dma_start3A_26 : memref<80xi32, #tpu.memory_space<hbm>>) target(%arg13 : memref<80xi32, #tpu.memory_space<vmem>>) target_semaphore(%arg34 : memref<!tpu.dma_semaphore, #tpu.memory_space<semaphore_mem>>)
    %dma_start3A_27 = tpu.memref_slice %arg4[%multiple_of3A_24] : memref<320000xi32, #tpu.memory_space<hbm>> -> memref<80xi32, #tpu.memory_space<hbm>>
    %dma_start3A_28 = tpu.memref_slice %arg4[%multiple_of3A_24] : memref<320000xi32, #tpu.memory_space<hbm>> -> memref<80xi32, #tpu.memory_space<hbm>>
    tpu.enqueue_dma source(%dma_start3A_28 : memref<80xi32, #tpu.memory_space<hbm>>) target(%arg21 : memref<80xi32, #tpu.memory_space<vmem>>) target_semaphore(%arg34 : memref<!tpu.dma_semaphore, #tpu.memory_space<semaphore_mem>>)
    %add3A_29 = arith.constant 320 : i32
    %add3A_30 = arith.addi %mul3A_2, %add3A_29 : i32
    %multiple_of3A_31 = tpu.assume_multiple %add3A_30, 8 : i32
    %dma_start3A_32 = tpu.memref_slice %arg3[%multiple_of3A_31] : memref<320000xi32, #tpu.memory_space<hbm>> -> memref<80xi32, #tpu.memory_space<hbm>>
    %dma_start3A_33 = tpu.memref_slice %arg3[%multiple_of3A_31] : memref<320000xi32, #tpu.memory_space<hbm>> -> memref<80xi32, #tpu.memory_space<hbm>>
    tpu.enqueue_dma source(%dma_start3A_33 : memref<80xi32, #tpu.memory_space<hbm>>) target(%arg14 : memref<80xi32, #tpu.memory_space<vmem>>) target_semaphore(%arg35 : memref<!tpu.dma_semaphore, #tpu.memory_space<semaphore_mem>>)
    %dma_start3A_34 = tpu.memref_slice %arg4[%multiple_of3A_31] : memref<320000xi32, #tpu.memory_space<hbm>> -> memref<80xi32, #tpu.memory_space<hbm>>
    %dma_start3A_35 = tpu.memref_slice %arg4[%multiple_of3A_31] : memref<320000xi32, #tpu.memory_space<hbm>> -> memref<80xi32, #tpu.memory_space<hbm>>
    tpu.enqueue_dma source(%dma_start3A_35 : memref<80xi32, #tpu.memory_space<hbm>>) target(%arg22 : memref<80xi32, #tpu.memory_space<vmem>>) target_semaphore(%arg35 : memref<!tpu.dma_semaphore, #tpu.memory_space<semaphore_mem>>)
    %add3A_36 = arith.constant 400 : i32
    %add3A_37 = arith.addi %mul3A_2, %add3A_36 : i32
    %multiple_of3A_38 = tpu.assume_multiple %add3A_37, 8 : i32
    %dma_start3A_39 = tpu.memref_slice %arg3[%multiple_of3A_38] : memref<320000xi32, #tpu.memory_space<hbm>> -> memref<80xi32, #tpu.memory_space<hbm>>
    %dma_start3A_40 = tpu.memref_slice %arg3[%multiple_of3A_38] : memref<320000xi32, #tpu.memory_space<hbm>> -> memref<80xi32, #tpu.memory_space<hbm>>
    tpu.enqueue_dma source(%dma_start3A_40 : memref<80xi32, #tpu.memory_space<hbm>>) target(%arg15 : memref<80xi32, #tpu.memory_space<vmem>>) target_semaphore(%arg36 : memref<!tpu.dma_semaphore, #tpu.memory_space<semaphore_mem>>)
    %dma_start3A_41 = tpu.memref_slice %arg4[%multiple_of3A_38] : memref<320000xi32, #tpu.memory_space<hbm>> -> memref<80xi32, #tpu.memory_space<hbm>>
    %dma_start3A_42 = tpu.memref_slice %arg4[%multiple_of3A_38] : memref<320000xi32, #tpu.memory_space<hbm>> -> memref<80xi32, #tpu.memory_space<hbm>>
    tpu.enqueue_dma source(%dma_start3A_42 : memref<80xi32, #tpu.memory_space<hbm>>) target(%arg23 : memref<80xi32, #tpu.memory_space<vmem>>) target_semaphore(%arg36 : memref<!tpu.dma_semaphore, #tpu.memory_space<semaphore_mem>>)
    %add3A_43 = arith.constant 480 : i32
    %add3A_44 = arith.addi %mul3A_2, %add3A_43 : i32
    %multiple_of3A_45 = tpu.assume_multiple %add3A_44, 8 : i32
    %dma_start3A_46 = tpu.memref_slice %arg3[%multiple_of3A_45] : memref<320000xi32, #tpu.memory_space<hbm>> -> memref<80xi32, #tpu.memory_space<hbm>>
    %dma_start3A_47 = tpu.memref_slice %arg3[%multiple_of3A_45] : memref<320000xi32, #tpu.memory_space<hbm>> -> memref<80xi32, #tpu.memory_space<hbm>>
    tpu.enqueue_dma source(%dma_start3A_47 : memref<80xi32, #tpu.memory_space<hbm>>) target(%arg16 : memref<80xi32, #tpu.memory_space<vmem>>) target_semaphore(%arg37 : memref<!tpu.dma_semaphore, #tpu.memory_space<semaphore_mem>>)
    %dma_start3A_48 = tpu.memref_slice %arg4[%multiple_of3A_45] : memref<320000xi32, #tpu.memory_space<hbm>> -> memref<80xi32, #tpu.memory_space<hbm>>
    %dma_start3A_49 = tpu.memref_slice %arg4[%multiple_of3A_45] : memref<320000xi32, #tpu.memory_space<hbm>> -> memref<80xi32, #tpu.memory_space<hbm>>
    tpu.enqueue_dma source(%dma_start3A_49 : memref<80xi32, #tpu.memory_space<hbm>>) target(%arg24 : memref<80xi32, #tpu.memory_space<vmem>>) target_semaphore(%arg37 : memref<!tpu.dma_semaphore, #tpu.memory_space<semaphore_mem>>)
    %add3A_50 = arith.constant 560 : i32
    %add3A_51 = arith.addi %mul3A_2, %add3A_50 : i32
    %multiple_of3A_52 = tpu.assume_multiple %add3A_51, 8 : i32
    %dma_start3A_53 = tpu.memref_slice %arg3[%multiple_of3A_52] : memref<320000xi32, #tpu.memory_space<hbm>> -> memref<80xi32, #tpu.memory_space<hbm>>
    %dma_start3A_54 = tpu.memref_slice %arg3[%multiple_of3A_52] : memref<320000xi32, #tpu.memory_space<hbm>> -> memref<80xi32, #tpu.memory_space<hbm>>
    tpu.enqueue_dma source(%dma_start3A_54 : memref<80xi32, #tpu.memory_space<hbm>>) target(%arg17 : memref<80xi32, #tpu.memory_space<vmem>>) target_semaphore(%arg38 : memref<!tpu.dma_semaphore, #tpu.memory_space<semaphore_mem>>)
    %dma_start3A_55 = tpu.memref_slice %arg4[%multiple_of3A_52] : memref<320000xi32, #tpu.memory_space<hbm>> -> memref<80xi32, #tpu.memory_space<hbm>>
    %dma_start3A_56 = tpu.memref_slice %arg4[%multiple_of3A_52] : memref<320000xi32, #tpu.memory_space<hbm>> -> memref<80xi32, #tpu.memory_space<hbm>>
    tpu.enqueue_dma source(%dma_start3A_56 : memref<80xi32, #tpu.memory_space<hbm>>) target(%arg25 : memref<80xi32, #tpu.memory_space<vmem>>) target_semaphore(%arg38 : memref<!tpu.dma_semaphore, #tpu.memory_space<semaphore_mem>>)
    %scan3A = arith.constant 0 : i32
    %scan3A_57 = arith.constant 0 : i32
    %scan3A_58 = arith.constant 80 : i32
    %scan3A_59 = arith.addi %scan3A_57, %scan3A_58 : i32
    %scan3A_60 = arith.constant 1 : i32
    scf.for %scan3A_326 = %scan3A_57 to %scan3A_59 step %scan3A_60  : i32 {
      %broadcast_in_dim3A = arith.constant 0.000000e+00 : f32
      %broadcast_in_dim3A_327 = vector.broadcast %broadcast_in_dim3A : f32 to vector<16xf32>
      %swap3A = arith.index_cast %scan3A_326 : i32 to index
      %swap3A_328 = arith.constant 0 : index
      %swap3A_329 = tpu.vector_load %arg6[%swap3A, %swap3A_328] {strides = array<i32>} : memref<80x128xf32, #tpu.memory_space<vmem>>, vector<1x16xf32>,
      %swap3A_330 = vector.shape_cast %swap3A_329 : vector<1x16xf32> to vector<16xf32>
      %swap3A_331 = vector.shape_cast %broadcast_in_dim3A_327 : vector<16xf32> to vector<1x16xf32>
      tpu.vector_store %arg6[%swap3A, %swap3A_328], %swap3A_331 {strides = array<i32>} : memref<80x128xf32, #tpu.memory_space<vmem>>, vector<1x16xf32>,
      %broadcast_in_dim3A_332 = arith.constant 0.000000e+00 : f32
      %broadcast_in_dim3A_333 = vector.broadcast %broadcast_in_dim3A_332 : f32 to vector<16xf32>
      %swap3A_334 = arith.index_cast %scan3A_326 : i32 to index
      %swap3A_335 = arith.constant 16 : index
      %swap3A_336 = tpu.vector_load %arg6[%swap3A_334, %swap3A_335] {strides = array<i32>} : memref<80x128xf32, #tpu.memory_space<vmem>>, vector<1x16xf32>,
      %swap3A_337 = vector.shape_cast %swap3A_336 : vector<1x16xf32> to vector<16xf32>
      %swap3A_338 = vector.shape_cast %broadcast_in_dim3A_333 : vector<16xf32> to vector<1x16xf32>
      tpu.vector_store %arg6[%swap3A_334, %swap3A_335], %swap3A_338 {strides = array<i32>} : memref<80x128xf32, #tpu.memory_space<vmem>>, vector<1x16xf32>,
      %broadcast_in_dim3A_339 = arith.constant 0.000000e+00 : f32
      %broadcast_in_dim3A_340 = vector.broadcast %broadcast_in_dim3A_339 : f32 to vector<16xf32>
      %swap3A_341 = arith.index_cast %scan3A_326 : i32 to index
      %swap3A_342 = arith.constant 32 : index
      %swap3A_343 = tpu.vector_load %arg6[%swap3A_341, %swap3A_342] {strides = array<i32>} : memref<80x128xf32, #tpu.memory_space<vmem>>, vector<1x16xf32>,
      %swap3A_344 = vector.shape_cast %swap3A_343 : vector<1x16xf32> to vector<16xf32>
      %swap3A_345 = vector.shape_cast %broadcast_in_dim3A_340 : vector<16xf32> to vector<1x16xf32>
      tpu.vector_store %arg6[%swap3A_341, %swap3A_342], %swap3A_345 {strides = array<i32>} : memref<80x128xf32, #tpu.memory_space<vmem>>, vector<1x16xf32>,
      %broadcast_in_dim3A_346 = arith.constant 0.000000e+00 : f32
      %broadcast_in_dim3A_347 = vector.broadcast %broadcast_in_dim3A_346 : f32 to vector<16xf32>
      %swap3A_348 = arith.index_cast %scan3A_326 : i32 to index
      %swap3A_349 = arith.constant 48 : index
      %swap3A_350 = tpu.vector_load %arg6[%swap3A_348, %swap3A_349] {strides = array<i32>} : memref<80x128xf32, #tpu.memory_space<vmem>>, vector<1x16xf32>,
      %swap3A_351 = vector.shape_cast %swap3A_350 : vector<1x16xf32> to vector<16xf32>
      %swap3A_352 = vector.shape_cast %broadcast_in_dim3A_347 : vector<16xf32> to vector<1x16xf32>
      tpu.vector_store %arg6[%swap3A_348, %swap3A_349], %swap3A_352 {strides = array<i32>} : memref<80x128xf32, #tpu.memory_space<vmem>>, vector<1x16xf32>,
      %broadcast_in_dim3A_353 = arith.constant 0.000000e+00 : f32
      %broadcast_in_dim3A_354 = vector.broadcast %broadcast_in_dim3A_353 : f32 to vector<16xf32>
      %swap3A_355 = arith.index_cast %scan3A_326 : i32 to index
      %swap3A_356 = arith.constant 64 : index
      %swap3A_357 = tpu.vector_load %arg6[%swap3A_355, %swap3A_356] {strides = array<i32>} : memref<80x128xf32, #tpu.memory_space<vmem>>, vector<1x16xf32>,
      %swap3A_358 = vector.shape_cast %swap3A_357 : vector<1x16xf32> to vector<16xf32>
      %swap3A_359 = vector.shape_cast %broadcast_in_dim3A_354 : vector<16xf32> to vector<1x16xf32>
      tpu.vector_store %arg6[%swap3A_355, %swap3A_356], %swap3A_359 {strides = array<i32>} : memref<80x128xf32, #tpu.memory_space<vmem>>, vector<1x16xf32>,
      %broadcast_in_dim3A_360 = arith.constant 0.000000e+00 : f32
      %broadcast_in_dim3A_361 = vector.broadcast %broadcast_in_dim3A_360 : f32 to vector<16xf32>
      %swap3A_362 = arith.index_cast %scan3A_326 : i32 to index
      %swap3A_363 = arith.constant 80 : index
      %swap3A_364 = tpu.vector_load %arg6[%swap3A_362, %swap3A_363] {strides = array<i32>} : memref<80x128xf32, #tpu.memory_space<vmem>>, vector<1x16xf32>,
      %swap3A_365 = vector.shape_cast %swap3A_364 : vector<1x16xf32> to vector<16xf32>
      %swap3A_366 = vector.shape_cast %broadcast_in_dim3A_361 : vector<16xf32> to vector<1x16xf32>
      tpu.vector_store %arg6[%swap3A_362, %swap3A_363], %swap3A_366 {strides = array<i32>} : memref<80x128xf32, #tpu.memory_space<vmem>>, vector<1x16xf32>,
      %broadcast_in_dim3A_367 = arith.constant 0.000000e+00 : f32
      %broadcast_in_dim3A_368 = vector.broadcast %broadcast_in_dim3A_367 : f32 to vector<16xf32>
      %swap3A_369 = arith.index_cast %scan3A_326 : i32 to index
      %swap3A_370 = arith.constant 96 : index
      %swap3A_371 = tpu.vector_load %arg6[%swap3A_369, %swap3A_370] {strides = array<i32>} : memref<80x128xf32, #tpu.memory_space<vmem>>, vector<1x16xf32>,
      %swap3A_372 = vector.shape_cast %swap3A_371 : vector<1x16xf32> to vector<16xf32>
      %swap3A_373 = vector.shape_cast %broadcast_in_dim3A_368 : vector<16xf32> to vector<1x16xf32>
      tpu.vector_store %arg6[%swap3A_369, %swap3A_370], %swap3A_373 {strides = array<i32>} : memref<80x128xf32, #tpu.memory_space<vmem>>, vector<1x16xf32>,
      %broadcast_in_dim3A_374 = arith.constant 0.000000e+00 : f32
      %broadcast_in_dim3A_375 = vector.broadcast %broadcast_in_dim3A_374 : f32 to vector<16xf32>
      %swap3A_376 = arith.index_cast %scan3A_326 : i32 to index
      %swap3A_377 = arith.constant 112 : index
      %swap3A_378 = tpu.vector_load %arg6[%swap3A_376, %swap3A_377] {strides = array<i32>} : memref<80x128xf32, #tpu.memory_space<vmem>>, vector<1x16xf32>,
      %swap3A_379 = vector.shape_cast %swap3A_378 : vector<1x16xf32> to vector<16xf32>
      %swap3A_380 = vector.shape_cast %broadcast_in_dim3A_375 : vector<16xf32> to vector<1x16xf32>
      tpu.vector_store %arg6[%swap3A_376, %swap3A_377], %swap3A_380 {strides = array<i32>} : memref<80x128xf32, #tpu.memory_space<vmem>>, vector<1x16xf32>,
    }
    %scan3A_61 = arith.constant 80 : i32
    %mul3A_62 = arith.constant 624 : i32
    %mul3A_63 = arith.muli %arg1, %mul3A_62 : i32
    %add3A_64 = arith.constant 0 : i32
    %add3A_65 = arith.addi %mul3A_63, %add3A_64 : i32
    %dma_start3A_66 = arith.constant 0 : i32
    %dma_start3A_67 = tpu.memref_slice %arg26[%add3A_65, %dma_start3A_66] : memref<10000x128xf32, #tpu.memory_space<vmem_shared>> -> memref<80x128xf32, #tpu.memory_space<vmem_shared>>
    %dma_start3A_68 = arith.constant 0 : i32
    %dma_start3A_69 = tpu.memref_slice %arg26[%add3A_65, %dma_start3A_68] : memref<10000x128xf32, #tpu.memory_space<vmem_shared>> -> memref<80x128xf32, #tpu.memory_space<vmem_shared>>
    tpu.enqueue_dma source(%arg6 : memref<80x128xf32, #tpu.memory_space<vmem>>) target(%dma_start3A_69 : memref<80x128xf32, #tpu.memory_space<vmem_shared>>) target_semaphore(%arg43 : memref<!tpu.dma_semaphore, #tpu.memory_space<semaphore_mem>>)
    %add3A_70 = arith.constant 80 : i32
    %add3A_71 = arith.addi %mul3A_63, %add3A_70 : i32
    %dma_start3A_72 = arith.constant 0 : i32
    %dma_start3A_73 = tpu.memref_slice %arg26[%add3A_71, %dma_start3A_72] : memref<10000x128xf32, #tpu.memory_space<vmem_shared>> -> memref<80x128xf32, #tpu.memory_space<vmem_shared>>
    %dma_start3A_74 = arith.constant 0 : i32
    %dma_start3A_75 = tpu.memref_slice %arg26[%add3A_71, %dma_start3A_74] : memref<10000x128xf32, #tpu.memory_space<vmem_shared>> -> memref<80x128xf32, #tpu.memory_space<vmem_shared>>
    tpu.enqueue_dma source(%arg6 : memref<80x128xf32, #tpu.memory_space<vmem>>) target(%dma_start3A_75 : memref<80x128xf32, #tpu.memory_space<vmem_shared>>) target_semaphore(%arg43 : memref<!tpu.dma_semaphore, #tpu.memory_space<semaphore_mem>>)
    %add3A_76 = arith.constant 160 : i32
    %add3A_77 = arith.addi %mul3A_63, %add3A_76 : i32
    %dma_start3A_78 = arith.constant 0 : i32
    %dma_start3A_79 = tpu.memref_slice %arg26[%add3A_77, %dma_start3A_78] : memref<10000x128xf32, #tpu.memory_space<vmem_shared>> -> memref<80x128xf32, #tpu.memory_space<vmem_shared>>
    %dma_start3A_80 = arith.constant 0 : i32
    %dma_start3A_81 = tpu.memref_slice %arg26[%add3A_77, %dma_start3A_80] : memref<10000x128xf32, #tpu.memory_space<vmem_shared>> -> memref<80x128xf32, #tpu.memory_space<vmem_shared>>
    tpu.enqueue_dma source(%arg6 : memref<80x128xf32, #tpu.memory_space<vmem>>) target(%dma_start3A_81 : memref<80x128xf32, #tpu.memory_space<vmem_shared>>) target_semaphore(%arg43 : memref<!tpu.dma_semaphore, #tpu.memory_space<semaphore_mem>>)
    %add3A_82 = arith.constant 240 : i32
    %add3A_83 = arith.addi %mul3A_63, %add3A_82 : i32
    %dma_start3A_84 = arith.constant 0 : i32
    %dma_start3A_85 = tpu.memref_slice %arg26[%add3A_83, %dma_start3A_84] : memref<10000x128xf32, #tpu.memory_space<vmem_shared>> -> memref<80x128xf32, #tpu.memory_space<vmem_shared>>
    %dma_start3A_86 = arith.constant 0 : i32
    %dma_start3A_87 = tpu.memref_slice %arg26[%add3A_83, %dma_start3A_86] : memref<10000x128xf32, #tpu.memory_space<vmem_shared>> -> memref<80x128xf32, #tpu.memory_space<vmem_shared>>
    tpu.enqueue_dma source(%arg6 : memref<80x128xf32, #tpu.memory_space<vmem>>) target(%dma_start3A_87 : memref<80x128xf32, #tpu.memory_space<vmem_shared>>) target_semaphore(%arg43 : memref<!tpu.dma_semaphore, #tpu.memory_space<semaphore_mem>>)
    %add3A_88 = arith.constant 320 : i32
    %add3A_89 = arith.addi %mul3A_63, %add3A_88 : i32
    %dma_start3A_90 = arith.constant 0 : i32
    %dma_start3A_91 = tpu.memref_slice %arg26[%add3A_89, %dma_start3A_90] : memref<10000x128xf32, #tpu.memory_space<vmem_shared>> -> memref<80x128xf32, #tpu.memory_space<vmem_shared>>
    %dma_start3A_92 = arith.constant 0 : i32
    %dma_start3A_93 = tpu.memref_slice %arg26[%add3A_89, %dma_start3A_92] : memref<10000x128xf32, #tpu.memory_space<vmem_shared>> -> memref<80x128xf32, #tpu.memory_space<vmem_shared>>
    tpu.enqueue_dma source(%arg6 : memref<80x128xf32, #tpu.memory_space<vmem>>) target(%dma_start3A_93 : memref<80x128xf32, #tpu.memory_space<vmem_shared>>) target_semaphore(%arg43 : memref<!tpu.dma_semaphore, #tpu.memory_space<semaphore_mem>>)
    %add3A_94 = arith.constant 400 : i32
    %add3A_95 = arith.addi %mul3A_63, %add3A_94 : i32
    %dma_start3A_96 = arith.constant 0 : i32
    %dma_start3A_97 = tpu.memref_slice %arg26[%add3A_95, %dma_start3A_96] : memref<10000x128xf32, #tpu.memory_space<vmem_shared>> -> memref<80x128xf32, #tpu.memory_space<vmem_shared>>
    %dma_start3A_98 = arith.constant 0 : i32
    %dma_start3A_99 = tpu.memref_slice %arg26[%add3A_95, %dma_start3A_98] : memref<10000x128xf32, #tpu.memory_space<vmem_shared>> -> memref<80x128xf32, #tpu.memory_space<vmem_shared>>
    tpu.enqueue_dma source(%arg6 : memref<80x128xf32, #tpu.memory_space<vmem>>) target(%dma_start3A_99 : memref<80x128xf32, #tpu.memory_space<vmem_shared>>) target_semaphore(%arg43 : memref<!tpu.dma_semaphore, #tpu.memory_space<semaphore_mem>>)
    %add3A_100 = arith.constant 480 : i32
    %add3A_101 = arith.addi %mul3A_63, %add3A_100 : i32
    %dma_start3A_102 = arith.constant 0 : i32
    %dma_start3A_103 = tpu.memref_slice %arg26[%add3A_101, %dma_start3A_102] : memref<10000x128xf32, #tpu.memory_space<vmem_shared>> -> memref<80x128xf32, #tpu.memory_space<vmem_shared>>
    %dma_start3A_104 = arith.constant 0 : i32
    %dma_start3A_105 = tpu.memref_slice %arg26[%add3A_101, %dma_start3A_104] : memref<10000x128xf32, #tpu.memory_space<vmem_shared>> -> memref<80x128xf32, #tpu.memory_space<vmem_shared>>
    tpu.enqueue_dma source(%arg6 : memref<80x128xf32, #tpu.memory_space<vmem>>) target(%dma_start3A_105 : memref<80x128xf32, #tpu.memory_space<vmem_shared>>) target_semaphore(%arg43 : memref<!tpu.dma_semaphore, #tpu.memory_space<semaphore_mem>>)
    %add3A_106 = arith.constant 560 : i32
    %add3A_107 = arith.addi %mul3A_63, %add3A_106 : i32
    %dma_start3A_108 = arith.constant 0 : i32
    %dma_start3A_109 = arith.constant 0 : i32
    %dma_start3A_110 = tpu.memref_slice %arg6[%dma_start3A_108, %dma_start3A_109] : memref<80x128xf32, #tpu.memory_space<vmem>> -> memref<64x128xf32, #tpu.memory_space<vmem>>
    %dma_start3A_111 = arith.constant 0 : i32
    %dma_start3A_112 = tpu.memref_slice %arg26[%add3A_107, %dma_start3A_111] : memref<10000x128xf32, #tpu.memory_space<vmem_shared>> -> memref<64x128xf32, #tpu.memory_space<vmem_shared>>
    %dma_start3A_113 = arith.constant 0 : i32
    %dma_start3A_114 = tpu.memref_slice %arg26[%add3A_107, %dma_start3A_113] : memref<10000x128xf32, #tpu.memory_space<vmem_shared>> -> memref<64x128xf32, #tpu.memory_space<vmem_shared>>
    %dma_start3A_115 = arith.constant 0 : i32
    %dma_start3A_116 = arith.constant 0 : i32
    %dma_start3A_117 = tpu.memref_slice %arg6[%dma_start3A_115, %dma_start3A_116] : memref<80x128xf32, #tpu.memory_space<vmem>> -> memref<64x128xf32, #tpu.memory_space<vmem>>
    tpu.enqueue_dma source(%dma_start3A_117 : memref<64x128xf32, #tpu.memory_space<vmem>>) target(%dma_start3A_114 : memref<64x128xf32, #tpu.memory_space<vmem_shared>>) target_semaphore(%arg43 : memref<!tpu.dma_semaphore, #tpu.memory_space<semaphore_mem>>)
    %eq3A = arith.constant 15 : i32
    %eq3A_118 = arith.cmpi eq, %arg1, %eq3A : i32
    %convert_element_type3A = arith.extui %eq3A_118 : i1 to i32
    %cond3A = arith.constant 0 : i32
    %cond3A_119 = arith.cmpi ne, %convert_element_type3A, %cond3A : i32
    scf.if %cond3A_119 {
      %dma_start3A_326 = arith.constant 0 : i32
      %dma_start3A_327 = arith.constant 0 : i32
      %dma_start3A_328 = tpu.memref_slice %arg6[%dma_start3A_326, %dma_start3A_327] : memref<80x128xf32, #tpu.memory_space<vmem>> -> memref<16x128xf32, #tpu.memory_space<vmem>>
      %dma_start3A_329 = arith.constant 9984 : i32
      %dma_start3A_330 = arith.constant 0 : i32
      %dma_start3A_331 = tpu.memref_slice %arg26[%dma_start3A_329, %dma_start3A_330] : memref<10000x128xf32, #tpu.memory_space<vmem_shared>> -> memref<16x128xf32, #tpu.memory_space<vmem_shared>>
      %dma_start3A_332 = arith.constant 9984 : i32
      %dma_start3A_333 = arith.constant 0 : i32
      %dma_start3A_334 = tpu.memref_slice %arg26[%dma_start3A_332, %dma_start3A_333] : memref<10000x128xf32, #tpu.memory_space<vmem_shared>> -> memref<16x128xf32, #tpu.memory_space<vmem_shared>>
      %dma_start3A_335 = arith.constant 0 : i32
      %dma_start3A_336 = arith.constant 0 : i32
      %dma_start3A_337 = tpu.memref_slice %arg6[%dma_start3A_335, %dma_start3A_336] : memref<80x128xf32, #tpu.memory_space<vmem>> -> memref<16x128xf32, #tpu.memory_space<vmem>>
      tpu.enqueue_dma source(%dma_start3A_337 : memref<16x128xf32, #tpu.memory_space<vmem>>) target(%dma_start3A_334 : memref<16x128xf32, #tpu.memory_space<vmem_shared>>) target_semaphore(%arg43 : memref<!tpu.dma_semaphore, #tpu.memory_space<semaphore_mem>>)
    } else {
    }
    %dma_wait3A = arith.constant 0 : i32
    %dma_wait3A_120 = arith.constant 0 : i32
    %dma_wait3A_121 = tpu.memref_slice %arg26[%dma_wait3A, %dma_wait3A_120] : memref<10000x128xf32, #tpu.memory_space<vmem_shared>> -> memref<80x128xf32, #tpu.memory_space<vmem_shared>>
    %dma_wait3A_122 = arith.constant 0 : i32
    %dma_wait3A_123 = arith.constant 0 : i32
    %dma_wait3A_124 = tpu.memref_slice %arg26[%dma_wait3A_122, %dma_wait3A_123] : memref<10000x128xf32, #tpu.memory_space<vmem_shared>> -> memref<80x128xf32, #tpu.memory_space<vmem_shared>>
    tpu.wait_dma2 semaphore(%arg43 : memref<!tpu.dma_semaphore, #tpu.memory_space<semaphore_mem>>) src(%arg6 : memref<80x128xf32, #tpu.memory_space<vmem>>) dst(%dma_wait3A_124 : memref<80x128xf32, #tpu.memory_space<vmem_shared>>)
    %dma_wait3A_125 = arith.constant 0 : i32
    %dma_wait3A_126 = arith.constant 0 : i32
    %dma_wait3A_127 = tpu.memref_slice %arg26[%dma_wait3A_125, %dma_wait3A_126] : memref<10000x128xf32, #tpu.memory_space<vmem_shared>> -> memref<80x128xf32, #tpu.memory_space<vmem_shared>>
    %dma_wait3A_128 = arith.constant 0 : i32
    %dma_wait3A_129 = arith.constant 0 : i32
    %dma_wait3A_130 = tpu.memref_slice %arg26[%dma_wait3A_128, %dma_wait3A_129] : memref<10000x128xf32, #tpu.memory_space<vmem_shared>> -> memref<80x128xf32, #tpu.memory_space<vmem_shared>>
    tpu.wait_dma2 semaphore(%arg43 : memref<!tpu.dma_semaphore, #tpu.memory_space<semaphore_mem>>) src(%arg6 : memref<80x128xf32, #tpu.memory_space<vmem>>) dst(%dma_wait3A_130 : memref<80x128xf32, #tpu.memory_space<vmem_shared>>)
    %dma_wait3A_131 = arith.constant 0 : i32
    %dma_wait3A_132 = arith.constant 0 : i32
    %dma_wait3A_133 = tpu.memref_slice %arg26[%dma_wait3A_131, %dma_wait3A_132] : memref<10000x128xf32, #tpu.memory_space<vmem_shared>> -> memref<80x128xf32, #tpu.memory_space<vmem_shared>>
    %dma_wait3A_134 = arith.constant 0 : i32
    %dma_wait3A_135 = arith.constant 0 : i32
    %dma_wait3A_136 = tpu.memref_slice %arg26[%dma_wait3A_134, %dma_wait3A_135] : memref<10000x128xf32, #tpu.memory_space<vmem_shared>> -> memref<80x128xf32, #tpu.memory_space<vmem_shared>>
    tpu.wait_dma2 semaphore(%arg43 : memref<!tpu.dma_semaphore, #tpu.memory_space<semaphore_mem>>) src(%arg6 : memref<80x128xf32, #tpu.memory_space<vmem>>) dst(%dma_wait3A_136 : memref<80x128xf32, #tpu.memory_space<vmem_shared>>)
    %dma_wait3A_137 = arith.constant 0 : i32
    %dma_wait3A_138 = arith.constant 0 : i32
    %dma_wait3A_139 = tpu.memref_slice %arg26[%dma_wait3A_137, %dma_wait3A_138] : memref<10000x128xf32, #tpu.memory_space<vmem_shared>> -> memref<80x128xf32, #tpu.memory_space<vmem_shared>>
    %dma_wait3A_140 = arith.constant 0 : i32
    %dma_wait3A_141 = arith.constant 0 : i32
    %dma_wait3A_142 = tpu.memref_slice %arg26[%dma_wait3A_140, %dma_wait3A_141] : memref<10000x128xf32, #tpu.memory_space<vmem_shared>> -> memref<80x128xf32, #tpu.memory_space<vmem_shared>>
    tpu.wait_dma2 semaphore(%arg43 : memref<!tpu.dma_semaphore, #tpu.memory_space<semaphore_mem>>) src(%arg6 : memref<80x128xf32, #tpu.memory_space<vmem>>) dst(%dma_wait3A_142 : memref<80x128xf32, #tpu.memory_space<vmem_shared>>)
    %dma_wait3A_143 = arith.constant 0 : i32
    %dma_wait3A_144 = arith.constant 0 : i32
    %dma_wait3A_145 = tpu.memref_slice %arg26[%dma_wait3A_143, %dma_wait3A_144] : memref<10000x128xf32, #tpu.memory_space<vmem_shared>> -> memref<80x128xf32, #tpu.memory_space<vmem_shared>>
    %dma_wait3A_146 = arith.constant 0 : i32
    %dma_wait3A_147 = arith.constant 0 : i32
    %dma_wait3A_148 = tpu.memref_slice %arg26[%dma_wait3A_146, %dma_wait3A_147] : memref<10000x128xf32, #tpu.memory_space<vmem_shared>> -> memref<80x128xf32, #tpu.memory_space<vmem_shared>>
    tpu.wait_dma2 semaphore(%arg43 : memref<!tpu.dma_semaphore, #tpu.memory_space<semaphore_mem>>) src(%arg6 : memref<80x128xf32, #tpu.memory_space<vmem>>) dst(%dma_wait3A_148 : memref<80x128xf32, #tpu.memory_space<vmem_shared>>)
    %dma_wait3A_149 = arith.constant 0 : i32
    %dma_wait3A_150 = arith.constant 0 : i32
    %dma_wait3A_151 = tpu.memref_slice %arg26[%dma_wait3A_149, %dma_wait3A_150] : memref<10000x128xf32, #tpu.memory_space<vmem_shared>> -> memref<80x128xf32, #tpu.memory_space<vmem_shared>>
    %dma_wait3A_152 = arith.constant 0 : i32
    %dma_wait3A_153 = arith.constant 0 : i32
    %dma_wait3A_154 = tpu.memref_slice %arg26[%dma_wait3A_152, %dma_wait3A_153] : memref<10000x128xf32, #tpu.memory_space<vmem_shared>> -> memref<80x128xf32, #tpu.memory_space<vmem_shared>>
    tpu.wait_dma2 semaphore(%arg43 : memref<!tpu.dma_semaphore, #tpu.memory_space<semaphore_mem>>) src(%arg6 : memref<80x128xf32, #tpu.memory_space<vmem>>) dst(%dma_wait3A_154 : memref<80x128xf32, #tpu.memory_space<vmem_shared>>)
    %dma_wait3A_155 = arith.constant 0 : i32
    %dma_wait3A_156 = arith.constant 0 : i32
    %dma_wait3A_157 = tpu.memref_slice %arg26[%dma_wait3A_155, %dma_wait3A_156] : memref<10000x128xf32, #tpu.memory_space<vmem_shared>> -> memref<80x128xf32, #tpu.memory_space<vmem_shared>>
    %dma_wait3A_158 = arith.constant 0 : i32
    %dma_wait3A_159 = arith.constant 0 : i32
    %dma_wait3A_160 = tpu.memref_slice %arg26[%dma_wait3A_158, %dma_wait3A_159] : memref<10000x128xf32, #tpu.memory_space<vmem_shared>> -> memref<80x128xf32, #tpu.memory_space<vmem_shared>>
    tpu.wait_dma2 semaphore(%arg43 : memref<!tpu.dma_semaphore, #tpu.memory_space<semaphore_mem>>) src(%arg6 : memref<80x128xf32, #tpu.memory_space<vmem>>) dst(%dma_wait3A_160 : memref<80x128xf32, #tpu.memory_space<vmem_shared>>)
    %dma_wait3A_161 = arith.constant 0 : i32
    %dma_wait3A_162 = arith.constant 0 : i32
    %dma_wait3A_163 = tpu.memref_slice %arg6[%dma_wait3A_161, %dma_wait3A_162] : memref<80x128xf32, #tpu.memory_space<vmem>> -> memref<64x128xf32, #tpu.memory_space<vmem>>
    %dma_wait3A_164 = arith.constant 0 : i32
    %dma_wait3A_165 = arith.constant 0 : i32
    %dma_wait3A_166 = tpu.memref_slice %arg26[%dma_wait3A_164, %dma_wait3A_165] : memref<10000x128xf32, #tpu.memory_space<vmem_shared>> -> memref<64x128xf32, #tpu.memory_space<vmem_shared>>
    %dma_wait3A_167 = arith.constant 0 : i32
    %dma_wait3A_168 = arith.constant 0 : i32
    %dma_wait3A_169 = tpu.memref_slice %arg26[%dma_wait3A_167, %dma_wait3A_168] : memref<10000x128xf32, #tpu.memory_space<vmem_shared>> -> memref<64x128xf32, #tpu.memory_space<vmem_shared>>
    %dma_wait3A_170 = arith.constant 0 : i32
    %dma_wait3A_171 = arith.constant 0 : i32
    %dma_wait3A_172 = tpu.memref_slice %arg6[%dma_wait3A_170, %dma_wait3A_171] : memref<80x128xf32, #tpu.memory_space<vmem>> -> memref<64x128xf32, #tpu.memory_space<vmem>>
    tpu.wait_dma2 semaphore(%arg43 : memref<!tpu.dma_semaphore, #tpu.memory_space<semaphore_mem>>) src(%dma_wait3A_172 : memref<64x128xf32, #tpu.memory_space<vmem>>) dst(%dma_wait3A_169 : memref<64x128xf32, #tpu.memory_space<vmem_shared>>)
    %eq3A_173 = arith.constant 15 : i32
    %eq3A_174 = arith.cmpi eq, %arg1, %eq3A_173 : i32
    %convert_element_type3A_175 = arith.extui %eq3A_174 : i1 to i32
    %cond3A_176 = arith.constant 0 : i32
    %cond3A_177 = arith.cmpi ne, %convert_element_type3A_175, %cond3A_176 : i32
    scf.if %cond3A_177 {
      %dma_wait3A_326 = arith.constant 0 : i32
      %dma_wait3A_327 = arith.constant 0 : i32
      %dma_wait3A_328 = tpu.memref_slice %arg6[%dma_wait3A_326, %dma_wait3A_327] : memref<80x128xf32, #tpu.memory_space<vmem>> -> memref<16x128xf32, #tpu.memory_space<vmem>>
      %dma_wait3A_329 = arith.constant 0 : i32
      %dma_wait3A_330 = arith.constant 0 : i32
      %dma_wait3A_331 = tpu.memref_slice %arg26[%dma_wait3A_329, %dma_wait3A_330] : memref<10000x128xf32, #tpu.memory_space<vmem_shared>> -> memref<16x128xf32, #tpu.memory_space<vmem_shared>>
      %dma_wait3A_332 = arith.constant 0 : i32
      %dma_wait3A_333 = arith.constant 0 : i32
      %dma_wait3A_334 = tpu.memref_slice %arg26[%dma_wait3A_332, %dma_wait3A_333] : memref<10000x128xf32, #tpu.memory_space<vmem_shared>> -> memref<16x128xf32, #tpu.memory_space<vmem_shared>>
      %dma_wait3A_335 = arith.constant 0 : i32
      %dma_wait3A_336 = arith.constant 0 : i32
      %dma_wait3A_337 = tpu.memref_slice %arg6[%dma_wait3A_335, %dma_wait3A_336] : memref<80x128xf32, #tpu.memory_space<vmem>> -> memref<16x128xf32, #tpu.memory_space<vmem>>
      tpu.wait_dma2 semaphore(%arg43 : memref<!tpu.dma_semaphore, #tpu.memory_space<semaphore_mem>>) src(%dma_wait3A_337 : memref<16x128xf32, #tpu.memory_space<vmem>>) dst(%dma_wait3A_334 : memref<16x128xf32, #tpu.memory_space<vmem_shared>>)
    } else {
    }
    %dma_wait3A_178 = arith.constant 0 : i32
    %dma_wait3A_179 = tpu.memref_slice %arg3[%dma_wait3A_178] : memref<320000xi32, #tpu.memory_space<hbm>> -> memref<80xi32, #tpu.memory_space<hbm>>
    %dma_wait3A_180 = arith.constant 0 : i32
    %dma_wait3A_181 = tpu.memref_slice %arg3[%dma_wait3A_180] : memref<320000xi32, #tpu.memory_space<hbm>> -> memref<80xi32, #tpu.memory_space<hbm>>
    tpu.wait_dma2 semaphore(%arg31 : memref<!tpu.dma_semaphore, #tpu.memory_space<semaphore_mem>>) src(%dma_wait3A_181 : memref<80xi32, #tpu.memory_space<hbm>>) dst(%arg10 : memref<80xi32, #tpu.memory_space<vmem>>)
    %dma_wait3A_182 = arith.constant 0 : i32
    %dma_wait3A_183 = tpu.memref_slice %arg4[%dma_wait3A_182] : memref<320000xi32, #tpu.memory_space<hbm>> -> memref<80xi32, #tpu.memory_space<hbm>>
    %dma_wait3A_184 = arith.constant 0 : i32
    %dma_wait3A_185 = tpu.memref_slice %arg4[%dma_wait3A_184] : memref<320000xi32, #tpu.memory_space<hbm>> -> memref<80xi32, #tpu.memory_space<hbm>>
    tpu.wait_dma2 semaphore(%arg31 : memref<!tpu.dma_semaphore, #tpu.memory_space<semaphore_mem>>) src(%dma_wait3A_185 : memref<80xi32, #tpu.memory_space<hbm>>) dst(%arg18 : memref<80xi32, #tpu.memory_space<vmem>>)
    %dma_start3A_186 = arith.constant 0 : i32
    %dma_start3A_187 = arith.constant 0 : i32
    %dma_start3A_188 = tpu.memref_slice %arg2[%dma_start3A_186, %dma_start3A_187] : memref<10000x128xf32, #tpu.memory_space<hbm>> -> memref<10000x128xf32, #tpu.memory_space<hbm>>
    tpu.enqueue_indirect_dma source(%dma_start3A_188 : memref<10000x128xf32, #tpu.memory_space<hbm>>) target(%arg6 : memref<80x128xf32, #tpu.memory_space<vmem>>) offsets(%arg10 : memref<80xi32, #tpu.memory_space<vmem>>) semaphore(%arg27 : memref<!tpu.dma_semaphore, #tpu.memory_space<semaphore_mem>>)
    %dma_wait3A_189 = arith.constant 0 : i32
    %dma_wait3A_190 = tpu.memref_slice %arg3[%dma_wait3A_189] : memref<320000xi32, #tpu.memory_space<hbm>> -> memref<80xi32, #tpu.memory_space<hbm>>
    %dma_wait3A_191 = arith.constant 0 : i32
    %dma_wait3A_192 = tpu.memref_slice %arg3[%dma_wait3A_191] : memref<320000xi32, #tpu.memory_space<hbm>> -> memref<80xi32, #tpu.memory_space<hbm>>
    tpu.wait_dma2 semaphore(%arg32 : memref<!tpu.dma_semaphore, #tpu.memory_space<semaphore_mem>>) src(%dma_wait3A_192 : memref<80xi32, #tpu.memory_space<hbm>>) dst(%arg11 : memref<80xi32, #tpu.memory_space<vmem>>)
    %dma_wait3A_193 = arith.constant 0 : i32
    %dma_wait3A_194 = tpu.memref_slice %arg4[%dma_wait3A_193] : memref<320000xi32, #tpu.memory_space<hbm>> -> memref<80xi32, #tpu.memory_space<hbm>>
    %dma_wait3A_195 = arith.constant 0 : i32
    %dma_wait3A_196 = tpu.memref_slice %arg4[%dma_wait3A_195] : memref<320000xi32, #tpu.memory_space<hbm>> -> memref<80xi32, #tpu.memory_space<hbm>>
    tpu.wait_dma2 semaphore(%arg32 : memref<!tpu.dma_semaphore, #tpu.memory_space<semaphore_mem>>) src(%dma_wait3A_196 : memref<80xi32, #tpu.memory_space<hbm>>) dst(%arg19 : memref<80xi32, #tpu.memory_space<vmem>>)
    %dma_start3A_197 = arith.constant 0 : i32
    %dma_start3A_198 = arith.constant 0 : i32
    %dma_start3A_199 = tpu.memref_slice %arg2[%dma_start3A_197, %dma_start3A_198] : memref<10000x128xf32, #tpu.memory_space<hbm>> -> memref<10000x128xf32, #tpu.memory_space<hbm>>
    tpu.enqueue_indirect_dma source(%dma_start3A_199 : memref<10000x128xf32, #tpu.memory_space<hbm>>) target(%arg7 : memref<80x128xf32, #tpu.memory_space<vmem>>) offsets(%arg11 : memref<80xi32, #tpu.memory_space<vmem>>) semaphore(%arg28 : memref<!tpu.dma_semaphore, #tpu.memory_space<semaphore_mem>>)
    %dma_wait3A_200 = arith.constant 0 : i32
    %dma_wait3A_201 = tpu.memref_slice %arg3[%dma_wait3A_200] : memref<320000xi32, #tpu.memory_space<hbm>> -> memref<80xi32, #tpu.memory_space<hbm>>
    %dma_wait3A_202 = arith.constant 0 : i32
    %dma_wait3A_203 = tpu.memref_slice %arg3[%dma_wait3A_202] : memref<320000xi32, #tpu.memory_space<hbm>> -> memref<80xi32, #tpu.memory_space<hbm>>
    tpu.wait_dma2 semaphore(%arg33 : memref<!tpu.dma_semaphore, #tpu.memory_space<semaphore_mem>>) src(%dma_wait3A_203 : memref<80xi32, #tpu.memory_space<hbm>>) dst(%arg12 : memref<80xi32, #tpu.memory_space<vmem>>)
    %dma_wait3A_204 = arith.constant 0 : i32
    %dma_wait3A_205 = tpu.memref_slice %arg4[%dma_wait3A_204] : memref<320000xi32, #tpu.memory_space<hbm>> -> memref<80xi32, #tpu.memory_space<hbm>>
    %dma_wait3A_206 = arith.constant 0 : i32
    %dma_wait3A_207 = tpu.memref_slice %arg4[%dma_wait3A_206] : memref<320000xi32, #tpu.memory_space<hbm>> -> memref<80xi32, #tpu.memory_space<hbm>>
    tpu.wait_dma2 semaphore(%arg33 : memref<!tpu.dma_semaphore, #tpu.memory_space<semaphore_mem>>) src(%dma_wait3A_207 : memref<80xi32, #tpu.memory_space<hbm>>) dst(%arg20 : memref<80xi32, #tpu.memory_space<vmem>>)
    %dma_start3A_208 = arith.constant 0 : i32
    %dma_start3A_209 = arith.constant 0 : i32
    %dma_start3A_210 = tpu.memref_slice %arg2[%dma_start3A_208, %dma_start3A_209] : memref<10000x128xf32, #tpu.memory_space<hbm>> -> memref<10000x128xf32, #tpu.memory_space<hbm>>
    tpu.enqueue_indirect_dma source(%dma_start3A_210 : memref<10000x128xf32, #tpu.memory_space<hbm>>) target(%arg8 : memref<80x128xf32, #tpu.memory_space<vmem>>) offsets(%arg12 : memref<80xi32, #tpu.memory_space<vmem>>) semaphore(%arg29 : memref<!tpu.dma_semaphore, #tpu.memory_space<semaphore_mem>>)
    %barrier3A = arith.constant 0 : index
    tpu.barrier barrier_id(%barrier3A)
    %scan3A_211 = arith.constant 0 : i32
    %scan3A_212 = arith.constant 0 : i32
    %scan3A_213 = arith.constant 15 : i32
    %scan3A_214 = arith.addi %scan3A_212, %scan3A_213 : i32
    %scan3A_215 = arith.constant 1 : i32
    scf.for %scan3A_326 = %scan3A_212 to %scan3A_214 step %scan3A_215  : i32 {
      %mul3A_327 = arith.constant 8 : i32
      %mul3A_328 = arith.muli %scan3A_326, %mul3A_327 : i32
      %add3A_329 = arith.constant 0 : i32
      %add3A_330 = arith.addi %mul3A_328, %add3A_329 : i32
      %ge3A = arith.constant 1 : i32
      %ge3A_331 = arith.cmpi sge, %add3A_330, %ge3A : i32
      %convert_element_type3A_332 = arith.extui %ge3A_331 : i1 to i32
      %cond3A_333 = arith.constant 0 : i32
      %cond3A_334 = arith.cmpi ne, %convert_element_type3A_332, %cond3A_333 : i32
      scf.if %cond3A_334 {
        %dma_wait3A_605 = arith.constant 0 : i32
        %dma_wait3A_606 = arith.constant 0 : i32
        %dma_wait3A_607 = tpu.memref_slice %arg26[%dma_wait3A_605, %dma_wait3A_606] : memref<10000x128xf32, #tpu.memory_space<vmem_shared>> -> memref<80x128xf32, #tpu.memory_space<vmem_shared>>
        %dma_wait3A_608 = arith.constant 0 : i32
        %dma_wait3A_609 = arith.constant 0 : i32
        %dma_wait3A_610 = tpu.memref_slice %arg26[%dma_wait3A_608, %dma_wait3A_609] : memref<10000x128xf32, #tpu.memory_space<vmem_shared>> -> memref<80x128xf32, #tpu.memory_space<vmem_shared>>
        tpu.wait_dma2 semaphore(%arg42 : memref<!tpu.dma_semaphore, #tpu.memory_space<semaphore_mem>>) src(%arg9 : memref<80x128xf32, #tpu.memory_space<vmem>>) dst(%dma_wait3A_610 : memref<80x128xf32, #tpu.memory_space<vmem_shared>>)
      } else {
      }
      %add3A_335 = arith.constant 3 : i32
      %add3A_336 = arith.addi %add3A_330, %add3A_335 : i32
      %lt3A = arith.constant 125 : i32
      %lt3A_337 = arith.cmpi slt, %add3A_336, %lt3A : i32
      %convert_element_type3A_338 = arith.extui %lt3A_337 : i1 to i32
      %cond3A_339 = arith.constant 0 : i32
      %cond3A_340 = arith.cmpi ne, %convert_element_type3A_338, %cond3A_339 : i32
      scf.if %cond3A_340 {
        %dma_wait3A_605 = arith.constant 0 : i32
        %dma_wait3A_606 = tpu.memref_slice %arg3[%dma_wait3A_605] : memref<320000xi32, #tpu.memory_space<hbm>> -> memref<80xi32, #tpu.memory_space<hbm>>
        %dma_wait3A_607 = arith.constant 0 : i32
        %dma_wait3A_608 = tpu.memref_slice %arg3[%dma_wait3A_607] : memref<320000xi32, #tpu.memory_space<hbm>> -> memref<80xi32, #tpu.memory_space<hbm>>
        tpu.wait_dma2 semaphore(%arg34 : memref<!tpu.dma_semaphore, #tpu.memory_space<semaphore_mem>>) src(%dma_wait3A_608 : memref<80xi32, #tpu.memory_space<hbm>>) dst(%arg13 : memref<80xi32, #tpu.memory_space<vmem>>)
        %dma_wait3A_609 = arith.constant 0 : i32
        %dma_wait3A_610 = tpu.memref_slice %arg4[%dma_wait3A_609] : memref<320000xi32, #tpu.memory_space<hbm>> -> memref<80xi32, #tpu.memory_space<hbm>>
        %dma_wait3A_611 = arith.constant 0 : i32
        %dma_wait3A_612 = tpu.memref_slice %arg4[%dma_wait3A_611] : memref<320000xi32, #tpu.memory_space<hbm>> -> memref<80xi32, #tpu.memory_space<hbm>>
        tpu.wait_dma2 semaphore(%arg34 : memref<!tpu.dma_semaphore, #tpu.memory_space<semaphore_mem>>) src(%dma_wait3A_612 : memref<80xi32, #tpu.memory_space<hbm>>) dst(%arg21 : memref<80xi32, #tpu.memory_space<vmem>>)
        %dma_start3A_613 = arith.constant 0 : i32
        %dma_start3A_614 = arith.constant 0 : i32
        %dma_start3A_615 = tpu.memref_slice %arg2[%dma_start3A_613, %dma_start3A_614] : memref<10000x128xf32, #tpu.memory_space<hbm>> -> memref<10000x128xf32, #tpu.memory_space<hbm>>
        tpu.enqueue_indirect_dma source(%dma_start3A_615 : memref<10000x128xf32, #tpu.memory_space<hbm>>) target(%arg9 : memref<80x128xf32, #tpu.memory_space<vmem>>) offsets(%arg13 : memref<80xi32, #tpu.memory_space<vmem>>) semaphore(%arg30 : memref<!tpu.dma_semaphore, #tpu.memory_space<semaphore_mem>>)
      } else {
      }
      %dma_wait3A_341 = arith.constant 0 : i32
      %dma_wait3A_342 = arith.constant 0 : i32
      %dma_wait3A_343 = tpu.memref_slice %arg2[%dma_wait3A_341, %dma_wait3A_342] : memref<10000x128xf32, #tpu.memory_space<hbm>> -> memref<80x128xf32, #tpu.memory_space<hbm>>
      %dma_wait3A_344 = arith.constant 0 : i32
      %dma_wait3A_345 = arith.constant 0 : i32
      %dma_wait3A_346 = tpu.memref_slice %arg2[%dma_wait3A_344, %dma_wait3A_345] : memref<10000x128xf32, #tpu.memory_space<hbm>> -> memref<80x128xf32, #tpu.memory_space<hbm>>
      tpu.wait_dma2 semaphore(%arg27 : memref<!tpu.dma_semaphore, #tpu.memory_space<semaphore_mem>>) src(%dma_wait3A_346 : memref<80x128xf32, #tpu.memory_space<hbm>>) dst(%arg6 : memref<80x128xf32, #tpu.memory_space<vmem>>)
      %dma_start3A_347 = arith.constant 0 : i32
      %dma_start3A_348 = arith.constant 0 : i32
      %dma_start3A_349 = tpu.memref_slice %arg26[%dma_start3A_347, %dma_start3A_348] : memref<10000x128xf32, #tpu.memory_space<vmem_shared>> -> memref<10000x128xf32, #tpu.memory_space<vmem_shared>>
      tpu.enqueue_indirect_dma source(%arg6 : memref<80x128xf32, #tpu.memory_space<vmem>>) target(%dma_start3A_349 : memref<10000x128xf32, #tpu.memory_space<vmem_shared>>) offsets(%arg18 : memref<80xi32, #tpu.memory_space<vmem>>) semaphore(%arg39 : memref<!tpu.dma_semaphore, #tpu.memory_space<semaphore_mem>>) {add = true}
      %ge3A_350 = arith.constant 1 : i32
      %ge3A_351 = arith.cmpi sge, %add3A_330, %ge3A_350 : i32
      %add3A_352 = arith.constant 8 : i32
      %add3A_353 = arith.addi %add3A_330, %add3A_352 : i32
      %sub3A = arith.constant 1 : i32
      %sub3A_354 = arith.subi %add3A_353, %sub3A : i32
      %lt3A_355 = arith.constant 125 : i32
      %lt3A_356 = arith.cmpi slt, %sub3A_354, %lt3A_355 : i32
      %and3A = arith.andi %ge3A_351, %lt3A_356 : i1
      %convert_element_type3A_357 = arith.extui %and3A : i1 to i32
      %cond3A_358 = arith.constant 0 : i32
      %cond3A_359 = arith.cmpi ne, %convert_element_type3A_357, %cond3A_358 : i32
      scf.if %cond3A_359 {
        %sub3A_605 = arith.constant 1 : i32
        %sub3A_606 = arith.subi %add3A_330, %sub3A_605 : i32
        %add3A_607 = arith.constant 8 : i32
        %add3A_608 = arith.addi %sub3A_606, %add3A_607 : i32
        %mul3A_609 = arith.constant 80 : i32
        %mul3A_610 = arith.muli %add3A_608, %mul3A_609 : i32
        %add3A_611 = arith.addi %mul3A_2, %mul3A_610 : i32
        %multiple_of3A_612 = tpu.assume_multiple %add3A_611, 8 : i32
        %dma_start3A_613 = tpu.memref_slice %arg3[%multiple_of3A_612] : memref<320000xi32, #tpu.memory_space<hbm>> -> memref<80xi32, #tpu.memory_space<hbm>>
        %dma_start3A_614 = tpu.memref_slice %arg3[%multiple_of3A_612] : memref<320000xi32, #tpu.memory_space<hbm>> -> memref<80xi32, #tpu.memory_space<hbm>>
        tpu.enqueue_dma source(%dma_start3A_614 : memref<80xi32, #tpu.memory_space<hbm>>) target(%arg17 : memref<80xi32, #tpu.memory_space<vmem>>) target_semaphore(%arg38 : memref<!tpu.dma_semaphore, #tpu.memory_space<semaphore_mem>>)
        %dma_start3A_615 = tpu.memref_slice %arg4[%multiple_of3A_612] : memref<320000xi32, #tpu.memory_space<hbm>> -> memref<80xi32, #tpu.memory_space<hbm>>
        %dma_start3A_616 = tpu.memref_slice %arg4[%multiple_of3A_612] : memref<320000xi32, #tpu.memory_space<hbm>> -> memref<80xi32, #tpu.memory_space<hbm>>
        tpu.enqueue_dma source(%dma_start3A_616 : memref<80xi32, #tpu.memory_space<hbm>>) target(%arg25 : memref<80xi32, #tpu.memory_space<vmem>>) target_semaphore(%arg38 : memref<!tpu.dma_semaphore, #tpu.memory_space<semaphore_mem>>)
      } else {
      }
      %add3A_360 = arith.constant 1 : i32
      %add3A_361 = arith.addi %mul3A_328, %add3A_360 : i32
      %ge3A_362 = arith.constant 1 : i32
      %ge3A_363 = arith.cmpi sge, %add3A_361, %ge3A_362 : i32
      %convert_element_type3A_364 = arith.extui %ge3A_363 : i1 to i32
      %cond3A_365 = arith.constant 0 : i32
      %cond3A_366 = arith.cmpi ne, %convert_element_type3A_364, %cond3A_365 : i32
      scf.if %cond3A_366 {
        %dma_wait3A_605 = arith.constant 0 : i32
        %dma_wait3A_606 = arith.constant 0 : i32
        %dma_wait3A_607 = tpu.memref_slice %arg26[%dma_wait3A_605, %dma_wait3A_606] : memref<10000x128xf32, #tpu.memory_space<vmem_shared>> -> memref<80x128xf32, #tpu.memory_space<vmem_shared>>
        %dma_wait3A_608 = arith.constant 0 : i32
        %dma_wait3A_609 = arith.constant 0 : i32
        %dma_wait3A_610 = tpu.memref_slice %arg26[%dma_wait3A_608, %dma_wait3A_609] : memref<10000x128xf32, #tpu.memory_space<vmem_shared>> -> memref<80x128xf32, #tpu.memory_space<vmem_shared>>
        tpu.wait_dma2 semaphore(%arg39 : memref<!tpu.dma_semaphore, #tpu.memory_space<semaphore_mem>>) src(%arg6 : memref<80x128xf32, #tpu.memory_space<vmem>>) dst(%dma_wait3A_610 : memref<80x128xf32, #tpu.memory_space<vmem_shared>>)
      } else {
      }
      %add3A_367 = arith.constant 3 : i32
      %add3A_368 = arith.addi %add3A_361, %add3A_367 : i32
      %lt3A_369 = arith.constant 125 : i32
      %lt3A_370 = arith.cmpi slt, %add3A_368, %lt3A_369 : i32
      %convert_element_type3A_371 = arith.extui %lt3A_370 : i1 to i32
      %cond3A_372 = arith.constant 0 : i32
      %cond3A_373 = arith.cmpi ne, %convert_element_type3A_371, %cond3A_372 : i32
      scf.if %cond3A_373 {
        %dma_wait3A_605 = arith.constant 0 : i32
        %dma_wait3A_606 = tpu.memref_slice %arg3[%dma_wait3A_605] : memref<320000xi32, #tpu.memory_space<hbm>> -> memref<80xi32, #tpu.memory_space<hbm>>
        %dma_wait3A_607 = arith.constant 0 : i32
        %dma_wait3A_608 = tpu.memref_slice %arg3[%dma_wait3A_607] : memref<320000xi32, #tpu.memory_space<hbm>> -> memref<80xi32, #tpu.memory_space<hbm>>
        tpu.wait_dma2 semaphore(%arg35 : memref<!tpu.dma_semaphore, #tpu.memory_space<semaphore_mem>>) src(%dma_wait3A_608 : memref<80xi32, #tpu.memory_space<hbm>>) dst(%arg14 : memref<80xi32, #tpu.memory_space<vmem>>)
        %dma_wait3A_609 = arith.constant 0 : i32
        %dma_wait3A_610 = tpu.memref_slice %arg4[%dma_wait3A_609] : memref<320000xi32, #tpu.memory_space<hbm>> -> memref<80xi32, #tpu.memory_space<hbm>>
        %dma_wait3A_611 = arith.constant 0 : i32
        %dma_wait3A_612 = tpu.memref_slice %arg4[%dma_wait3A_611] : memref<320000xi32, #tpu.memory_space<hbm>> -> memref<80xi32, #tpu.memory_space<hbm>>
        tpu.wait_dma2 semaphore(%arg35 : memref<!tpu.dma_semaphore, #tpu.memory_space<semaphore_mem>>) src(%dma_wait3A_612 : memref<80xi32, #tpu.memory_space<hbm>>) dst(%arg22 : memref<80xi32, #tpu.memory_space<vmem>>)
        %dma_start3A_613 = arith.constant 0 : i32
        %dma_start3A_614 = arith.constant 0 : i32
        %dma_start3A_615 = tpu.memref_slice %arg2[%dma_start3A_613, %dma_start3A_614] : memref<10000x128xf32, #tpu.memory_space<hbm>> -> memref<10000x128xf32, #tpu.memory_space<hbm>>
        tpu.enqueue_indirect_dma source(%dma_start3A_615 : memref<10000x128xf32, #tpu.memory_space<hbm>>) target(%arg6 : memref<80x128xf32, #tpu.memory_space<vmem>>) offsets(%arg14 : memref<80xi32, #tpu.memory_space<vmem>>) semaphore(%arg27 : memref<!tpu.dma_semaphore, #tpu.memory_space<semaphore_mem>>)
      } else {
      }
      %dma_wait3A_374 = arith.constant 0 : i32
      %dma_wait3A_375 = arith.constant 0 : i32
      %dma_wait3A_376 = tpu.memref_slice %arg2[%dma_wait3A_374, %dma_wait3A_375] : memref<10000x128xf32, #tpu.memory_space<hbm>> -> memref<80x128xf32, #tpu.memory_space<hbm>>
      %dma_wait3A_377 = arith.constant 0 : i32
      %dma_wait3A_378 = arith.constant 0 : i32
      %dma_wait3A_379 = tpu.memref_slice %arg2[%dma_wait3A_377, %dma_wait3A_378] : memref<10000x128xf32, #tpu.memory_space<hbm>> -> memref<80x128xf32, #tpu.memory_space<hbm>>
      tpu.wait_dma2 semaphore(%arg28 : memref<!tpu.dma_semaphore, #tpu.memory_space<semaphore_mem>>) src(%dma_wait3A_379 : memref<80x128xf32, #tpu.memory_space<hbm>>) dst(%arg7 : memref<80x128xf32, #tpu.memory_space<vmem>>)
      %dma_start3A_380 = arith.constant 0 : i32
      %dma_start3A_381 = arith.constant 0 : i32
      %dma_start3A_382 = tpu.memref_slice %arg26[%dma_start3A_380, %dma_start3A_381] : memref<10000x128xf32, #tpu.memory_space<vmem_shared>> -> memref<10000x128xf32, #tpu.memory_space<vmem_shared>>
      tpu.enqueue_indirect_dma source(%arg7 : memref<80x128xf32, #tpu.memory_space<vmem>>) target(%dma_start3A_382 : memref<10000x128xf32, #tpu.memory_space<vmem_shared>>) offsets(%arg19 : memref<80xi32, #tpu.memory_space<vmem>>) semaphore(%arg40 : memref<!tpu.dma_semaphore, #tpu.memory_space<semaphore_mem>>) {add = true}
      %ge3A_383 = arith.constant 1 : i32
      %ge3A_384 = arith.cmpi sge, %add3A_361, %ge3A_383 : i32
      %add3A_385 = arith.constant 8 : i32
      %add3A_386 = arith.addi %add3A_361, %add3A_385 : i32
      %sub3A_387 = arith.constant 1 : i32
      %sub3A_388 = arith.subi %add3A_386, %sub3A_387 : i32
      %lt3A_389 = arith.constant 125 : i32
      %lt3A_390 = arith.cmpi slt, %sub3A_388, %lt3A_389 : i32
      %and3A_391 = arith.andi %ge3A_384, %lt3A_390 : i1
      %convert_element_type3A_392 = arith.extui %and3A_391 : i1 to i32
      %cond3A_393 = arith.constant 0 : i32
      %cond3A_394 = arith.cmpi ne, %convert_element_type3A_392, %cond3A_393 : i32
      scf.if %cond3A_394 {
        %sub3A_605 = arith.constant 1 : i32
        %sub3A_606 = arith.subi %add3A_361, %sub3A_605 : i32
        %add3A_607 = arith.constant 8 : i32
        %add3A_608 = arith.addi %sub3A_606, %add3A_607 : i32
        %mul3A_609 = arith.constant 80 : i32
        %mul3A_610 = arith.muli %add3A_608, %mul3A_609 : i32
        %add3A_611 = arith.addi %mul3A_2, %mul3A_610 : i32
        %multiple_of3A_612 = tpu.assume_multiple %add3A_611, 8 : i32
        %dma_start3A_613 = tpu.memref_slice %arg3[%multiple_of3A_612] : memref<320000xi32, #tpu.memory_space<hbm>> -> memref<80xi32, #tpu.memory_space<hbm>>
        %dma_start3A_614 = tpu.memref_slice %arg3[%multiple_of3A_612] : memref<320000xi32, #tpu.memory_space<hbm>> -> memref<80xi32, #tpu.memory_space<hbm>>
        tpu.enqueue_dma source(%dma_start3A_614 : memref<80xi32, #tpu.memory_space<hbm>>) target(%arg10 : memref<80xi32, #tpu.memory_space<vmem>>) target_semaphore(%arg31 : memref<!tpu.dma_semaphore, #tpu.memory_space<semaphore_mem>>)
        %dma_start3A_615 = tpu.memref_slice %arg4[%multiple_of3A_612] : memref<320000xi32, #tpu.memory_space<hbm>> -> memref<80xi32, #tpu.memory_space<hbm>>
        %dma_start3A_616 = tpu.memref_slice %arg4[%multiple_of3A_612] : memref<320000xi32, #tpu.memory_space<hbm>> -> memref<80xi32, #tpu.memory_space<hbm>>
        tpu.enqueue_dma source(%dma_start3A_616 : memref<80xi32, #tpu.memory_space<hbm>>) target(%arg18 : memref<80xi32, #tpu.memory_space<vmem>>) target_semaphore(%arg31 : memref<!tpu.dma_semaphore, #tpu.memory_space<semaphore_mem>>)
      } else {
      }
      %add3A_395 = arith.constant 2 : i32
      %add3A_396 = arith.addi %mul3A_328, %add3A_395 : i32
      %ge3A_397 = arith.constant 1 : i32
      %ge3A_398 = arith.cmpi sge, %add3A_396, %ge3A_397 : i32
      %convert_element_type3A_399 = arith.extui %ge3A_398 : i1 to i32
      %cond3A_400 = arith.constant 0 : i32
      %cond3A_401 = arith.cmpi ne, %convert_element_type3A_399, %cond3A_400 : i32
      scf.if %cond3A_401 {
        %dma_wait3A_605 = arith.constant 0 : i32
        %dma_wait3A_606 = arith.constant 0 : i32
        %dma_wait3A_607 = tpu.memref_slice %arg26[%dma_wait3A_605, %dma_wait3A_606] : memref<10000x128xf32, #tpu.memory_space<vmem_shared>> -> memref<80x128xf32, #tpu.memory_space<vmem_shared>>
        %dma_wait3A_608 = arith.constant 0 : i32
        %dma_wait3A_609 = arith.constant 0 : i32
        %dma_wait3A_610 = tpu.memref_slice %arg26[%dma_wait3A_608, %dma_wait3A_609] : memref<10000x128xf32, #tpu.memory_space<vmem_shared>> -> memref<80x128xf32, #tpu.memory_space<vmem_shared>>
        tpu.wait_dma2 semaphore(%arg40 : memref<!tpu.dma_semaphore, #tpu.memory_space<semaphore_mem>>) src(%arg7 : memref<80x128xf32, #tpu.memory_space<vmem>>) dst(%dma_wait3A_610 : memref<80x128xf32, #tpu.memory_space<vmem_shared>>)
      } else {
      }
      %add3A_402 = arith.constant 3 : i32
      %add3A_403 = arith.addi %add3A_396, %add3A_402 : i32
      %lt3A_404 = arith.constant 125 : i32
      %lt3A_405 = arith.cmpi slt, %add3A_403, %lt3A_404 : i32
      %convert_element_type3A_406 = arith.extui %lt3A_405 : i1 to i32
      %cond3A_407 = arith.constant 0 : i32
      %cond3A_408 = arith.cmpi ne, %convert_element_type3A_406, %cond3A_407 : i32
      scf.if %cond3A_408 {
        %dma_wait3A_605 = arith.constant 0 : i32
        %dma_wait3A_606 = tpu.memref_slice %arg3[%dma_wait3A_605] : memref<320000xi32, #tpu.memory_space<hbm>> -> memref<80xi32, #tpu.memory_space<hbm>>
        %dma_wait3A_607 = arith.constant 0 : i32
        %dma_wait3A_608 = tpu.memref_slice %arg3[%dma_wait3A_607] : memref<320000xi32, #tpu.memory_space<hbm>> -> memref<80xi32, #tpu.memory_space<hbm>>
        tpu.wait_dma2 semaphore(%arg36 : memref<!tpu.dma_semaphore, #tpu.memory_space<semaphore_mem>>) src(%dma_wait3A_608 : memref<80xi32, #tpu.memory_space<hbm>>) dst(%arg15 : memref<80xi32, #tpu.memory_space<vmem>>)
        %dma_wait3A_609 = arith.constant 0 : i32
        %dma_wait3A_610 = tpu.memref_slice %arg4[%dma_wait3A_609] : memref<320000xi32, #tpu.memory_space<hbm>> -> memref<80xi32, #tpu.memory_space<hbm>>
        %dma_wait3A_611 = arith.constant 0 : i32
        %dma_wait3A_612 = tpu.memref_slice %arg4[%dma_wait3A_611] : memref<320000xi32, #tpu.memory_space<hbm>> -> memref<80xi32, #tpu.memory_space<hbm>>
        tpu.wait_dma2 semaphore(%arg36 : memref<!tpu.dma_semaphore, #tpu.memory_space<semaphore_mem>>) src(%dma_wait3A_612 : memref<80xi32, #tpu.memory_space<hbm>>) dst(%arg23 : memref<80xi32, #tpu.memory_space<vmem>>)
        %dma_start3A_613 = arith.constant 0 : i32
        %dma_start3A_614 = arith.constant 0 : i32
        %dma_start3A_615 = tpu.memref_slice %arg2[%dma_start3A_613, %dma_start3A_614] : memref<10000x128xf32, #tpu.memory_space<hbm>> -> memref<10000x128xf32, #tpu.memory_space<hbm>>
        tpu.enqueue_indirect_dma source(%dma_start3A_615 : memref<10000x128xf32, #tpu.memory_space<hbm>>) target(%arg7 : memref<80x128xf32, #tpu.memory_space<vmem>>) offsets(%arg15 : memref<80xi32, #tpu.memory_space<vmem>>) semaphore(%arg28 : memref<!tpu.dma_semaphore, #tpu.memory_space<semaphore_mem>>)
      } else {
      }
      %dma_wait3A_409 = arith.constant 0 : i32
      %dma_wait3A_410 = arith.constant 0 : i32
      %dma_wait3A_411 = tpu.memref_slice %arg2[%dma_wait3A_409, %dma_wait3A_410] : memref<10000x128xf32, #tpu.memory_space<hbm>> -> memref<80x128xf32, #tpu.memory_space<hbm>>
      %dma_wait3A_412 = arith.constant 0 : i32
      %dma_wait3A_413 = arith.constant 0 : i32
      %dma_wait3A_414 = tpu.memref_slice %arg2[%dma_wait3A_412, %dma_wait3A_413] : memref<10000x128xf32, #tpu.memory_space<hbm>> -> memref<80x128xf32, #tpu.memory_space<hbm>>
      tpu.wait_dma2 semaphore(%arg29 : memref<!tpu.dma_semaphore, #tpu.memory_space<semaphore_mem>>) src(%dma_wait3A_414 : memref<80x128xf32, #tpu.memory_space<hbm>>) dst(%arg8 : memref<80x128xf32, #tpu.memory_space<vmem>>)
      %dma_start3A_415 = arith.constant 0 : i32
      %dma_start3A_416 = arith.constant 0 : i32
      %dma_start3A_417 = tpu.memref_slice %arg26[%dma_start3A_415, %dma_start3A_416] : memref<10000x128xf32, #tpu.memory_space<vmem_shared>> -> memref<10000x128xf32, #tpu.memory_space<vmem_shared>>
      tpu.enqueue_indirect_dma source(%arg8 : memref<80x128xf32, #tpu.memory_space<vmem>>) target(%dma_start3A_417 : memref<10000x128xf32, #tpu.memory_space<vmem_shared>>) offsets(%arg20 : memref<80xi32, #tpu.memory_space<vmem>>) semaphore(%arg41 : memref<!tpu.dma_semaphore, #tpu.memory_space<semaphore_mem>>) {add = true}
      %ge3A_418 = arith.constant 1 : i32
      %ge3A_419 = arith.cmpi sge, %add3A_396, %ge3A_418 : i32
      %add3A_420 = arith.constant 8 : i32
      %add3A_421 = arith.addi %add3A_396, %add3A_420 : i32
      %sub3A_422 = arith.constant 1 : i32
      %sub3A_423 = arith.subi %add3A_421, %sub3A_422 : i32
      %lt3A_424 = arith.constant 125 : i32
      %lt3A_425 = arith.cmpi slt, %sub3A_423, %lt3A_424 : i32
      %and3A_426 = arith.andi %ge3A_419, %lt3A_425 : i1
      %convert_element_type3A_427 = arith.extui %and3A_426 : i1 to i32
      %cond3A_428 = arith.constant 0 : i32
      %cond3A_429 = arith.cmpi ne, %convert_element_type3A_427, %cond3A_428 : i32
      scf.if %cond3A_429 {
        %sub3A_605 = arith.constant 1 : i32
        %sub3A_606 = arith.subi %add3A_396, %sub3A_605 : i32
        %add3A_607 = arith.constant 8 : i32
        %add3A_608 = arith.addi %sub3A_606, %add3A_607 : i32
        %mul3A_609 = arith.constant 80 : i32
        %mul3A_610 = arith.muli %add3A_608, %mul3A_609 : i32
        %add3A_611 = arith.addi %mul3A_2, %mul3A_610 : i32
        %multiple_of3A_612 = tpu.assume_multiple %add3A_611, 8 : i32
        %dma_start3A_613 = tpu.memref_slice %arg3[%multiple_of3A_612] : memref<320000xi32, #tpu.memory_space<hbm>> -> memref<80xi32, #tpu.memory_space<hbm>>
        %dma_start3A_614 = tpu.memref_slice %arg3[%multiple_of3A_612] : memref<320000xi32, #tpu.memory_space<hbm>> -> memref<80xi32, #tpu.memory_space<hbm>>
        tpu.enqueue_dma source(%dma_start3A_614 : memref<80xi32, #tpu.memory_space<hbm>>) target(%arg11 : memref<80xi32, #tpu.memory_space<vmem>>) target_semaphore(%arg32 : memref<!tpu.dma_semaphore, #tpu.memory_space<semaphore_mem>>)
        %dma_start3A_615 = tpu.memref_slice %arg4[%multiple_of3A_612] : memref<320000xi32, #tpu.memory_space<hbm>> -> memref<80xi32, #tpu.memory_space<hbm>>
        %dma_start3A_616 = tpu.memref_slice %arg4[%multiple_of3A_612] : memref<320000xi32, #tpu.memory_space<hbm>> -> memref<80xi32, #tpu.memory_space<hbm>>
        tpu.enqueue_dma source(%dma_start3A_616 : memref<80xi32, #tpu.memory_space<hbm>>) target(%arg19 : memref<80xi32, #tpu.memory_space<vmem>>) target_semaphore(%arg32 : memref<!tpu.dma_semaphore, #tpu.memory_space<semaphore_mem>>)
      } else {
      }
      %add3A_430 = arith.constant 3 : i32
      %add3A_431 = arith.addi %mul3A_328, %add3A_430 : i32
      %ge3A_432 = arith.constant 1 : i32
      %ge3A_433 = arith.cmpi sge, %add3A_431, %ge3A_432 : i32
      %convert_element_type3A_434 = arith.extui %ge3A_433 : i1 to i32
      %cond3A_435 = arith.constant 0 : i32
      %cond3A_436 = arith.cmpi ne, %convert_element_type3A_434, %cond3A_435 : i32
      scf.if %cond3A_436 {
        %dma_wait3A_605 = arith.constant 0 : i32
        %dma_wait3A_606 = arith.constant 0 : i32
        %dma_wait3A_607 = tpu.memref_slice %arg26[%dma_wait3A_605, %dma_wait3A_606] : memref<10000x128xf32, #tpu.memory_space<vmem_shared>> -> memref<80x128xf32, #tpu.memory_space<vmem_shared>>
        %dma_wait3A_608 = arith.constant 0 : i32
        %dma_wait3A_609 = arith.constant 0 : i32
        %dma_wait3A_610 = tpu.memref_slice %arg26[%dma_wait3A_608, %dma_wait3A_609] : memref<10000x128xf32, #tpu.memory_space<vmem_shared>> -> memref<80x128xf32, #tpu.memory_space<vmem_shared>>
        tpu.wait_dma2 semaphore(%arg41 : memref<!tpu.dma_semaphore, #tpu.memory_space<semaphore_mem>>) src(%arg8 : memref<80x128xf32, #tpu.memory_space<vmem>>) dst(%dma_wait3A_610 : memref<80x128xf32, #tpu.memory_space<vmem_shared>>)
      } else {
      }
      %add3A_437 = arith.constant 3 : i32
      %add3A_438 = arith.addi %add3A_431, %add3A_437 : i32
      %lt3A_439 = arith.constant 125 : i32
      %lt3A_440 = arith.cmpi slt, %add3A_438, %lt3A_439 : i32
      %convert_element_type3A_441 = arith.extui %lt3A_440 : i1 to i32
      %cond3A_442 = arith.constant 0 : i32
      %cond3A_443 = arith.cmpi ne, %convert_element_type3A_441, %cond3A_442 : i32
      scf.if %cond3A_443 {
        %dma_wait3A_605 = arith.constant 0 : i32
        %dma_wait3A_606 = tpu.memref_slice %arg3[%dma_wait3A_605] : memref<320000xi32, #tpu.memory_space<hbm>> -> memref<80xi32, #tpu.memory_space<hbm>>
        %dma_wait3A_607 = arith.constant 0 : i32
        %dma_wait3A_608 = tpu.memref_slice %arg3[%dma_wait3A_607] : memref<320000xi32, #tpu.memory_space<hbm>> -> memref<80xi32, #tpu.memory_space<hbm>>
        tpu.wait_dma2 semaphore(%arg37 : memref<!tpu.dma_semaphore, #tpu.memory_space<semaphore_mem>>) src(%dma_wait3A_608 : memref<80xi32, #tpu.memory_space<hbm>>) dst(%arg16 : memref<80xi32, #tpu.memory_space<vmem>>)
        %dma_wait3A_609 = arith.constant 0 : i32
        %dma_wait3A_610 = tpu.memref_slice %arg4[%dma_wait3A_609] : memref<320000xi32, #tpu.memory_space<hbm>> -> memref<80xi32, #tpu.memory_space<hbm>>
        %dma_wait3A_611 = arith.constant 0 : i32
        %dma_wait3A_612 = tpu.memref_slice %arg4[%dma_wait3A_611] : memref<320000xi32, #tpu.memory_space<hbm>> -> memref<80xi32, #tpu.memory_space<hbm>>
        tpu.wait_dma2 semaphore(%arg37 : memref<!tpu.dma_semaphore, #tpu.memory_space<semaphore_mem>>) src(%dma_wait3A_612 : memref<80xi32, #tpu.memory_space<hbm>>) dst(%arg24 : memref<80xi32, #tpu.memory_space<vmem>>)
        %dma_start3A_613 = arith.constant 0 : i32
        %dma_start3A_614 = arith.constant 0 : i32
        %dma_start3A_615 = tpu.memref_slice %arg2[%dma_start3A_613, %dma_start3A_614] : memref<10000x128xf32, #tpu.memory_space<hbm>> -> memref<10000x128xf32, #tpu.memory_space<hbm>>
        tpu.enqueue_indirect_dma source(%dma_start3A_615 : memref<10000x128xf32, #tpu.memory_space<hbm>>) target(%arg8 : memref<80x128xf32, #tpu.memory_space<vmem>>) offsets(%arg16 : memref<80xi32, #tpu.memory_space<vmem>>) semaphore(%arg29 : memref<!tpu.dma_semaphore, #tpu.memory_space<semaphore_mem>>)
      } else {
      }
      %dma_wait3A_444 = arith.constant 0 : i32
      %dma_wait3A_445 = arith.constant 0 : i32
      %dma_wait3A_446 = tpu.memref_slice %arg2[%dma_wait3A_444, %dma_wait3A_445] : memref<10000x128xf32, #tpu.memory_space<hbm>> -> memref<80x128xf32, #tpu.memory_space<hbm>>
      %dma_wait3A_447 = arith.constant 0 : i32
      %dma_wait3A_448 = arith.constant 0 : i32
      %dma_wait3A_449 = tpu.memref_slice %arg2[%dma_wait3A_447, %dma_wait3A_448] : memref<10000x128xf32, #tpu.memory_space<hbm>> -> memref<80x128xf32, #tpu.memory_space<hbm>>
      tpu.wait_dma2 semaphore(%arg30 : memref<!tpu.dma_semaphore, #tpu.memory_space<semaphore_mem>>) src(%dma_wait3A_449 : memref<80x128xf32, #tpu.memory_space<hbm>>) dst(%arg9 : memref<80x128xf32, #tpu.memory_space<vmem>>)
      %dma_start3A_450 = arith.constant 0 : i32
      %dma_start3A_451 = arith.constant 0 : i32
      %dma_start3A_452 = tpu.memref_slice %arg26[%dma_start3A_450, %dma_start3A_451] : memref<10000x128xf32, #tpu.memory_space<vmem_shared>> -> memref<10000x128xf32, #tpu.memory_space<vmem_shared>>
      tpu.enqueue_indirect_dma source(%arg9 : memref<80x128xf32, #tpu.memory_space<vmem>>) target(%dma_start3A_452 : memref<10000x128xf32, #tpu.memory_space<vmem_shared>>) offsets(%arg21 : memref<80xi32, #tpu.memory_space<vmem>>) semaphore(%arg42 : memref<!tpu.dma_semaphore, #tpu.memory_space<semaphore_mem>>) {add = true}
      %ge3A_453 = arith.constant 1 : i32
      %ge3A_454 = arith.cmpi sge, %add3A_431, %ge3A_453 : i32
      %add3A_455 = arith.constant 8 : i32
      %add3A_456 = arith.addi %add3A_431, %add3A_455 : i32
      %sub3A_457 = arith.constant 1 : i32
      %sub3A_458 = arith.subi %add3A_456, %sub3A_457 : i32
      %lt3A_459 = arith.constant 125 : i32
      %lt3A_460 = arith.cmpi slt, %sub3A_458, %lt3A_459 : i32
      %and3A_461 = arith.andi %ge3A_454, %lt3A_460 : i1
      %convert_element_type3A_462 = arith.extui %and3A_461 : i1 to i32
      %cond3A_463 = arith.constant 0 : i32
      %cond3A_464 = arith.cmpi ne, %convert_element_type3A_462, %cond3A_463 : i32
      scf.if %cond3A_464 {
        %sub3A_605 = arith.constant 1 : i32
        %sub3A_606 = arith.subi %add3A_431, %sub3A_605 : i32
        %add3A_607 = arith.constant 8 : i32
        %add3A_608 = arith.addi %sub3A_606, %add3A_607 : i32
        %mul3A_609 = arith.constant 80 : i32
        %mul3A_610 = arith.muli %add3A_608, %mul3A_609 : i32
        %add3A_611 = arith.addi %mul3A_2, %mul3A_610 : i32
        %multiple_of3A_612 = tpu.assume_multiple %add3A_611, 8 : i32
        %dma_start3A_613 = tpu.memref_slice %arg3[%multiple_of3A_612] : memref<320000xi32, #tpu.memory_space<hbm>> -> memref<80xi32, #tpu.memory_space<hbm>>
        %dma_start3A_614 = tpu.memref_slice %arg3[%multiple_of3A_612] : memref<320000xi32, #tpu.memory_space<hbm>> -> memref<80xi32, #tpu.memory_space<hbm>>
        tpu.enqueue_dma source(%dma_start3A_614 : memref<80xi32, #tpu.memory_space<hbm>>) target(%arg12 : memref<80xi32, #tpu.memory_space<vmem>>) target_semaphore(%arg33 : memref<!tpu.dma_semaphore, #tpu.memory_space<semaphore_mem>>)
        %dma_start3A_615 = tpu.memref_slice %arg4[%multiple_of3A_612] : memref<320000xi32, #tpu.memory_space<hbm>> -> memref<80xi32, #tpu.memory_space<hbm>>
        %dma_start3A_616 = tpu.memref_slice %arg4[%multiple_of3A_612] : memref<320000xi32, #tpu.memory_space<hbm>> -> memref<80xi32, #tpu.memory_space<hbm>>
        tpu.enqueue_dma source(%dma_start3A_616 : memref<80xi32, #tpu.memory_space<hbm>>) target(%arg20 : memref<80xi32, #tpu.memory_space<vmem>>) target_semaphore(%arg33 : memref<!tpu.dma_semaphore, #tpu.memory_space<semaphore_mem>>)
      } else {
      }
      %add3A_465 = arith.constant 4 : i32
      %add3A_466 = arith.addi %mul3A_328, %add3A_465 : i32
      %ge3A_467 = arith.constant 1 : i32
      %ge3A_468 = arith.cmpi sge, %add3A_466, %ge3A_467 : i32
      %convert_element_type3A_469 = arith.extui %ge3A_468 : i1 to i32
      %cond3A_470 = arith.constant 0 : i32
      %cond3A_471 = arith.cmpi ne, %convert_element_type3A_469, %cond3A_470 : i32
      scf.if %cond3A_471 {
        %dma_wait3A_605 = arith.constant 0 : i32
        %dma_wait3A_606 = arith.constant 0 : i32
        %dma_wait3A_607 = tpu.memref_slice %arg26[%dma_wait3A_605, %dma_wait3A_606] : memref<10000x128xf32, #tpu.memory_space<vmem_shared>> -> memref<80x128xf32, #tpu.memory_space<vmem_shared>>
        %dma_wait3A_608 = arith.constant 0 : i32
        %dma_wait3A_609 = arith.constant 0 : i32
        %dma_wait3A_610 = tpu.memref_slice %arg26[%dma_wait3A_608, %dma_wait3A_609] : memref<10000x128xf32, #tpu.memory_space<vmem_shared>> -> memref<80x128xf32, #tpu.memory_space<vmem_shared>>
        tpu.wait_dma2 semaphore(%arg42 : memref<!tpu.dma_semaphore, #tpu.memory_space<semaphore_mem>>) src(%arg9 : memref<80x128xf32, #tpu.memory_space<vmem>>) dst(%dma_wait3A_610 : memref<80x128xf32, #tpu.memory_space<vmem_shared>>)
      } else {
      }
      %add3A_472 = arith.constant 3 : i32
      %add3A_473 = arith.addi %add3A_466, %add3A_472 : i32
      %lt3A_474 = arith.constant 125 : i32
      %lt3A_475 = arith.cmpi slt, %add3A_473, %lt3A_474 : i32
      %convert_element_type3A_476 = arith.extui %lt3A_475 : i1 to i32
      %cond3A_477 = arith.constant 0 : i32
      %cond3A_478 = arith.cmpi ne, %convert_element_type3A_476, %cond3A_477 : i32
      scf.if %cond3A_478 {
        %dma_wait3A_605 = arith.constant 0 : i32
        %dma_wait3A_606 = tpu.memref_slice %arg3[%dma_wait3A_605] : memref<320000xi32, #tpu.memory_space<hbm>> -> memref<80xi32, #tpu.memory_space<hbm>>
        %dma_wait3A_607 = arith.constant 0 : i32
        %dma_wait3A_608 = tpu.memref_slice %arg3[%dma_wait3A_607] : memref<320000xi32, #tpu.memory_space<hbm>> -> memref<80xi32, #tpu.memory_space<hbm>>
        tpu.wait_dma2 semaphore(%arg38 : memref<!tpu.dma_semaphore, #tpu.memory_space<semaphore_mem>>) src(%dma_wait3A_608 : memref<80xi32, #tpu.memory_space<hbm>>) dst(%arg17 : memref<80xi32, #tpu.memory_space<vmem>>)
        %dma_wait3A_609 = arith.constant 0 : i32
        %dma_wait3A_610 = tpu.memref_slice %arg4[%dma_wait3A_609] : memref<320000xi32, #tpu.memory_space<hbm>> -> memref<80xi32, #tpu.memory_space<hbm>>
        %dma_wait3A_611 = arith.constant 0 : i32
        %dma_wait3A_612 = tpu.memref_slice %arg4[%dma_wait3A_611] : memref<320000xi32, #tpu.memory_space<hbm>> -> memref<80xi32, #tpu.memory_space<hbm>>
        tpu.wait_dma2 semaphore(%arg38 : memref<!tpu.dma_semaphore, #tpu.memory_space<semaphore_mem>>) src(%dma_wait3A_612 : memref<80xi32, #tpu.memory_space<hbm>>) dst(%arg25 : memref<80xi32, #tpu.memory_space<vmem>>)
        %dma_start3A_613 = arith.constant 0 : i32
        %dma_start3A_614 = arith.constant 0 : i32
        %dma_start3A_615 = tpu.memref_slice %arg2[%dma_start3A_613, %dma_start3A_614] : memref<10000x128xf32, #tpu.memory_space<hbm>> -> memref<10000x128xf32, #tpu.memory_space<hbm>>
        tpu.enqueue_indirect_dma source(%dma_start3A_615 : memref<10000x128xf32, #tpu.memory_space<hbm>>) target(%arg9 : memref<80x128xf32, #tpu.memory_space<vmem>>) offsets(%arg17 : memref<80xi32, #tpu.memory_space<vmem>>) semaphore(%arg30 : memref<!tpu.dma_semaphore, #tpu.memory_space<semaphore_mem>>)
      } else {
      }
      %dma_wait3A_479 = arith.constant 0 : i32
      %dma_wait3A_480 = arith.constant 0 : i32
      %dma_wait3A_481 = tpu.memref_slice %arg2[%dma_wait3A_479, %dma_wait3A_480] : memref<10000x128xf32, #tpu.memory_space<hbm>> -> memref<80x128xf32, #tpu.memory_space<hbm>>
      %dma_wait3A_482 = arith.constant 0 : i32
      %dma_wait3A_483 = arith.constant 0 : i32
      %dma_wait3A_484 = tpu.memref_slice %arg2[%dma_wait3A_482, %dma_wait3A_483] : memref<10000x128xf32, #tpu.memory_space<hbm>> -> memref<80x128xf32, #tpu.memory_space<hbm>>
      tpu.wait_dma2 semaphore(%arg27 : memref<!tpu.dma_semaphore, #tpu.memory_space<semaphore_mem>>) src(%dma_wait3A_484 : memref<80x128xf32, #tpu.memory_space<hbm>>) dst(%arg6 : memref<80x128xf32, #tpu.memory_space<vmem>>)
      %dma_start3A_485 = arith.constant 0 : i32
      %dma_start3A_486 = arith.constant 0 : i32
      %dma_start3A_487 = tpu.memref_slice %arg26[%dma_start3A_485, %dma_start3A_486] : memref<10000x128xf32, #tpu.memory_space<vmem_shared>> -> memref<10000x128xf32, #tpu.memory_space<vmem_shared>>
      tpu.enqueue_indirect_dma source(%arg6 : memref<80x128xf32, #tpu.memory_space<vmem>>) target(%dma_start3A_487 : memref<10000x128xf32, #tpu.memory_space<vmem_shared>>) offsets(%arg22 : memref<80xi32, #tpu.memory_space<vmem>>) semaphore(%arg39 : memref<!tpu.dma_semaphore, #tpu.memory_space<semaphore_mem>>) {add = true}
      %ge3A_488 = arith.constant 1 : i32
      %ge3A_489 = arith.cmpi sge, %add3A_466, %ge3A_488 : i32
      %add3A_490 = arith.constant 8 : i32
      %add3A_491 = arith.addi %add3A_466, %add3A_490 : i32
      %sub3A_492 = arith.constant 1 : i32
      %sub3A_493 = arith.subi %add3A_491, %sub3A_492 : i32
      %lt3A_494 = arith.constant 125 : i32
      %lt3A_495 = arith.cmpi slt, %sub3A_493, %lt3A_494 : i32
      %and3A_496 = arith.andi %ge3A_489, %lt3A_495 : i1
      %convert_element_type3A_497 = arith.extui %and3A_496 : i1 to i32
      %cond3A_498 = arith.constant 0 : i32
      %cond3A_499 = arith.cmpi ne, %convert_element_type3A_497, %cond3A_498 : i32
      scf.if %cond3A_499 {
        %sub3A_605 = arith.constant 1 : i32
        %sub3A_606 = arith.subi %add3A_466, %sub3A_605 : i32
        %add3A_607 = arith.constant 8 : i32
        %add3A_608 = arith.addi %sub3A_606, %add3A_607 : i32
        %mul3A_609 = arith.constant 80 : i32
        %mul3A_610 = arith.muli %add3A_608, %mul3A_609 : i32
        %add3A_611 = arith.addi %mul3A_2, %mul3A_610 : i32
        %multiple_of3A_612 = tpu.assume_multiple %add3A_611, 8 : i32
        %dma_start3A_613 = tpu.memref_slice %arg3[%multiple_of3A_612] : memref<320000xi32, #tpu.memory_space<hbm>> -> memref<80xi32, #tpu.memory_space<hbm>>
        %dma_start3A_614 = tpu.memref_slice %arg3[%multiple_of3A_612] : memref<320000xi32, #tpu.memory_space<hbm>> -> memref<80xi32, #tpu.memory_space<hbm>>
        tpu.enqueue_dma source(%dma_start3A_614 : memref<80xi32, #tpu.memory_space<hbm>>) target(%arg13 : memref<80xi32, #tpu.memory_space<vmem>>) target_semaphore(%arg34 : memref<!tpu.dma_semaphore, #tpu.memory_space<semaphore_mem>>)
        %dma_start3A_615 = tpu.memref_slice %arg4[%multiple_of3A_612] : memref<320000xi32, #tpu.memory_space<hbm>> -> memref<80xi32, #tpu.memory_space<hbm>>
        %dma_start3A_616 = tpu.memref_slice %arg4[%multiple_of3A_612] : memref<320000xi32, #tpu.memory_space<hbm>> -> memref<80xi32, #tpu.memory_space<hbm>>
        tpu.enqueue_dma source(%dma_start3A_616 : memref<80xi32, #tpu.memory_space<hbm>>) target(%arg21 : memref<80xi32, #tpu.memory_space<vmem>>) target_semaphore(%arg34 : memref<!tpu.dma_semaphore, #tpu.memory_space<semaphore_mem>>)
      } else {
      }
      %add3A_500 = arith.constant 5 : i32
      %add3A_501 = arith.addi %mul3A_328, %add3A_500 : i32
      %ge3A_502 = arith.constant 1 : i32
      %ge3A_503 = arith.cmpi sge, %add3A_501, %ge3A_502 : i32
      %convert_element_type3A_504 = arith.extui %ge3A_503 : i1 to i32
      %cond3A_505 = arith.constant 0 : i32
      %cond3A_506 = arith.cmpi ne, %convert_element_type3A_504, %cond3A_505 : i32
      scf.if %cond3A_506 {
        %dma_wait3A_605 = arith.constant 0 : i32
        %dma_wait3A_606 = arith.constant 0 : i32
        %dma_wait3A_607 = tpu.memref_slice %arg26[%dma_wait3A_605, %dma_wait3A_606] : memref<10000x128xf32, #tpu.memory_space<vmem_shared>> -> memref<80x128xf32, #tpu.memory_space<vmem_shared>>
        %dma_wait3A_608 = arith.constant 0 : i32
        %dma_wait3A_609 = arith.constant 0 : i32
        %dma_wait3A_610 = tpu.memref_slice %arg26[%dma_wait3A_608, %dma_wait3A_609] : memref<10000x128xf32, #tpu.memory_space<vmem_shared>> -> memref<80x128xf32, #tpu.memory_space<vmem_shared>>
        tpu.wait_dma2 semaphore(%arg39 : memref<!tpu.dma_semaphore, #tpu.memory_space<semaphore_mem>>) src(%arg6 : memref<80x128xf32, #tpu.memory_space<vmem>>) dst(%dma_wait3A_610 : memref<80x128xf32, #tpu.memory_space<vmem_shared>>)
      } else {
      }
      %add3A_507 = arith.constant 3 : i32
      %add3A_508 = arith.addi %add3A_501, %add3A_507 : i32
      %lt3A_509 = arith.constant 125 : i32
      %lt3A_510 = arith.cmpi slt, %add3A_508, %lt3A_509 : i32
      %convert_element_type3A_511 = arith.extui %lt3A_510 : i1 to i32
      %cond3A_512 = arith.constant 0 : i32
      %cond3A_513 = arith.cmpi ne, %convert_element_type3A_511, %cond3A_512 : i32
      scf.if %cond3A_513 {
        %dma_wait3A_605 = arith.constant 0 : i32
        %dma_wait3A_606 = tpu.memref_slice %arg3[%dma_wait3A_605] : memref<320000xi32, #tpu.memory_space<hbm>> -> memref<80xi32, #tpu.memory_space<hbm>>
        %dma_wait3A_607 = arith.constant 0 : i32
        %dma_wait3A_608 = tpu.memref_slice %arg3[%dma_wait3A_607] : memref<320000xi32, #tpu.memory_space<hbm>> -> memref<80xi32, #tpu.memory_space<hbm>>
        tpu.wait_dma2 semaphore(%arg31 : memref<!tpu.dma_semaphore, #tpu.memory_space<semaphore_mem>>) src(%dma_wait3A_608 : memref<80xi32, #tpu.memory_space<hbm>>) dst(%arg10 : memref<80xi32, #tpu.memory_space<vmem>>)
        %dma_wait3A_609 = arith.constant 0 : i32
        %dma_wait3A_610 = tpu.memref_slice %arg4[%dma_wait3A_609] : memref<320000xi32, #tpu.memory_space<hbm>> -> memref<80xi32, #tpu.memory_space<hbm>>
        %dma_wait3A_611 = arith.constant 0 : i32
        %dma_wait3A_612 = tpu.memref_slice %arg4[%dma_wait3A_611] : memref<320000xi32, #tpu.memory_space<hbm>> -> memref<80xi32, #tpu.memory_space<hbm>>
        tpu.wait_dma2 semaphore(%arg31 : memref<!tpu.dma_semaphore, #tpu.memory_space<semaphore_mem>>) src(%dma_wait3A_612 : memref<80xi32, #tpu.memory_space<hbm>>) dst(%arg18 : memref<80xi32, #tpu.memory_space<vmem>>)
        %dma_start3A_613 = arith.constant 0 : i32
        %dma_start3A_614 = arith.constant 0 : i32
        %dma_start3A_615 = tpu.memref_slice %arg2[%dma_start3A_613, %dma_start3A_614] : memref<10000x128xf32, #tpu.memory_space<hbm>> -> memref<10000x128xf32, #tpu.memory_space<hbm>>
        tpu.enqueue_indirect_dma source(%dma_start3A_615 : memref<10000x128xf32, #tpu.memory_space<hbm>>) target(%arg6 : memref<80x128xf32, #tpu.memory_space<vmem>>) offsets(%arg10 : memref<80xi32, #tpu.memory_space<vmem>>) semaphore(%arg27 : memref<!tpu.dma_semaphore, #tpu.memory_space<semaphore_mem>>)
      } else {
      }
      %dma_wait3A_514 = arith.constant 0 : i32
      %dma_wait3A_515 = arith.constant 0 : i32
      %dma_wait3A_516 = tpu.memref_slice %arg2[%dma_wait3A_514, %dma_wait3A_515] : memref<10000x128xf32, #tpu.memory_space<hbm>> -> memref<80x128xf32, #tpu.memory_space<hbm>>
      %dma_wait3A_517 = arith.constant 0 : i32
      %dma_wait3A_518 = arith.constant 0 : i32
      %dma_wait3A_519 = tpu.memref_slice %arg2[%dma_wait3A_517, %dma_wait3A_518] : memref<10000x128xf32, #tpu.memory_space<hbm>> -> memref<80x128xf32, #tpu.memory_space<hbm>>
      tpu.wait_dma2 semaphore(%arg28 : memref<!tpu.dma_semaphore, #tpu.memory_space<semaphore_mem>>) src(%dma_wait3A_519 : memref<80x128xf32, #tpu.memory_space<hbm>>) dst(%arg7 : memref<80x128xf32, #tpu.memory_space<vmem>>)
      %dma_start3A_520 = arith.constant 0 : i32
      %dma_start3A_521 = arith.constant 0 : i32
      %dma_start3A_522 = tpu.memref_slice %arg26[%dma_start3A_520, %dma_start3A_521] : memref<10000x128xf32, #tpu.memory_space<vmem_shared>> -> memref<10000x128xf32, #tpu.memory_space<vmem_shared>>
      tpu.enqueue_indirect_dma source(%arg7 : memref<80x128xf32, #tpu.memory_space<vmem>>) target(%dma_start3A_522 : memref<10000x128xf32, #tpu.memory_space<vmem_shared>>) offsets(%arg23 : memref<80xi32, #tpu.memory_space<vmem>>) semaphore(%arg40 : memref<!tpu.dma_semaphore, #tpu.memory_space<semaphore_mem>>) {add = true}
      %ge3A_523 = arith.constant 1 : i32
      %ge3A_524 = arith.cmpi sge, %add3A_501, %ge3A_523 : i32
      %add3A_525 = arith.constant 8 : i32
      %add3A_526 = arith.addi %add3A_501, %add3A_525 : i32
      %sub3A_527 = arith.constant 1 : i32
      %sub3A_528 = arith.subi %add3A_526, %sub3A_527 : i32
      %lt3A_529 = arith.constant 125 : i32
      %lt3A_530 = arith.cmpi slt, %sub3A_528, %lt3A_529 : i32
      %and3A_531 = arith.andi %ge3A_524, %lt3A_530 : i1
      %convert_element_type3A_532 = arith.extui %and3A_531 : i1 to i32
      %cond3A_533 = arith.constant 0 : i32
      %cond3A_534 = arith.cmpi ne, %convert_element_type3A_532, %cond3A_533 : i32
      scf.if %cond3A_534 {
        %sub3A_605 = arith.constant 1 : i32
        %sub3A_606 = arith.subi %add3A_501, %sub3A_605 : i32
        %add3A_607 = arith.constant 8 : i32
        %add3A_608 = arith.addi %sub3A_606, %add3A_607 : i32
        %mul3A_609 = arith.constant 80 : i32
        %mul3A_610 = arith.muli %add3A_608, %mul3A_609 : i32
        %add3A_611 = arith.addi %mul3A_2, %mul3A_610 : i32
        %multiple_of3A_612 = tpu.assume_multiple %add3A_611, 8 : i32
        %dma_start3A_613 = tpu.memref_slice %arg3[%multiple_of3A_612] : memref<320000xi32, #tpu.memory_space<hbm>> -> memref<80xi32, #tpu.memory_space<hbm>>
        %dma_start3A_614 = tpu.memref_slice %arg3[%multiple_of3A_612] : memref<320000xi32, #tpu.memory_space<hbm>> -> memref<80xi32, #tpu.memory_space<hbm>>
        tpu.enqueue_dma source(%dma_start3A_614 : memref<80xi32, #tpu.memory_space<hbm>>) target(%arg14 : memref<80xi32, #tpu.memory_space<vmem>>) target_semaphore(%arg35 : memref<!tpu.dma_semaphore, #tpu.memory_space<semaphore_mem>>)
        %dma_start3A_615 = tpu.memref_slice %arg4[%multiple_of3A_612] : memref<320000xi32, #tpu.memory_space<hbm>> -> memref<80xi32, #tpu.memory_space<hbm>>
        %dma_start3A_616 = tpu.memref_slice %arg4[%multiple_of3A_612] : memref<320000xi32, #tpu.memory_space<hbm>> -> memref<80xi32, #tpu.memory_space<hbm>>
        tpu.enqueue_dma source(%dma_start3A_616 : memref<80xi32, #tpu.memory_space<hbm>>) target(%arg22 : memref<80xi32, #tpu.memory_space<vmem>>) target_semaphore(%arg35 : memref<!tpu.dma_semaphore, #tpu.memory_space<semaphore_mem>>)
      } else {
      }
      %add3A_535 = arith.constant 6 : i32
      %add3A_536 = arith.addi %mul3A_328, %add3A_535 : i32
      %ge3A_537 = arith.constant 1 : i32
      %ge3A_538 = arith.cmpi sge, %add3A_536, %ge3A_537 : i32
      %convert_element_type3A_539 = arith.extui %ge3A_538 : i1 to i32
      %cond3A_540 = arith.constant 0 : i32
      %cond3A_541 = arith.cmpi ne, %convert_element_type3A_539, %cond3A_540 : i32
      scf.if %cond3A_541 {
        %dma_wait3A_605 = arith.constant 0 : i32
        %dma_wait3A_606 = arith.constant 0 : i32
        %dma_wait3A_607 = tpu.memref_slice %arg26[%dma_wait3A_605, %dma_wait3A_606] : memref<10000x128xf32, #tpu.memory_space<vmem_shared>> -> memref<80x128xf32, #tpu.memory_space<vmem_shared>>
        %dma_wait3A_608 = arith.constant 0 : i32
        %dma_wait3A_609 = arith.constant 0 : i32
        %dma_wait3A_610 = tpu.memref_slice %arg26[%dma_wait3A_608, %dma_wait3A_609] : memref<10000x128xf32, #tpu.memory_space<vmem_shared>> -> memref<80x128xf32, #tpu.memory_space<vmem_shared>>
        tpu.wait_dma2 semaphore(%arg40 : memref<!tpu.dma_semaphore, #tpu.memory_space<semaphore_mem>>) src(%arg7 : memref<80x128xf32, #tpu.memory_space<vmem>>) dst(%dma_wait3A_610 : memref<80x128xf32, #tpu.memory_space<vmem_shared>>)
      } else {
      }
      %add3A_542 = arith.constant 3 : i32
      %add3A_543 = arith.addi %add3A_536, %add3A_542 : i32
      %lt3A_544 = arith.constant 125 : i32
      %lt3A_545 = arith.cmpi slt, %add3A_543, %lt3A_544 : i32
      %convert_element_type3A_546 = arith.extui %lt3A_545 : i1 to i32
      %cond3A_547 = arith.constant 0 : i32
      %cond3A_548 = arith.cmpi ne, %convert_element_type3A_546, %cond3A_547 : i32
      scf.if %cond3A_548 {
        %dma_wait3A_605 = arith.constant 0 : i32
        %dma_wait3A_606 = tpu.memref_slice %arg3[%dma_wait3A_605] : memref<320000xi32, #tpu.memory_space<hbm>> -> memref<80xi32, #tpu.memory_space<hbm>>
        %dma_wait3A_607 = arith.constant 0 : i32
        %dma_wait3A_608 = tpu.memref_slice %arg3[%dma_wait3A_607] : memref<320000xi32, #tpu.memory_space<hbm>> -> memref<80xi32, #tpu.memory_space<hbm>>
        tpu.wait_dma2 semaphore(%arg32 : memref<!tpu.dma_semaphore, #tpu.memory_space<semaphore_mem>>) src(%dma_wait3A_608 : memref<80xi32, #tpu.memory_space<hbm>>) dst(%arg11 : memref<80xi32, #tpu.memory_space<vmem>>)
        %dma_wait3A_609 = arith.constant 0 : i32
        %dma_wait3A_610 = tpu.memref_slice %arg4[%dma_wait3A_609] : memref<320000xi32, #tpu.memory_space<hbm>> -> memref<80xi32, #tpu.memory_space<hbm>>
        %dma_wait3A_611 = arith.constant 0 : i32
        %dma_wait3A_612 = tpu.memref_slice %arg4[%dma_wait3A_611] : memref<320000xi32, #tpu.memory_space<hbm>> -> memref<80xi32, #tpu.memory_space<hbm>>
        tpu.wait_dma2 semaphore(%arg32 : memref<!tpu.dma_semaphore, #tpu.memory_space<semaphore_mem>>) src(%dma_wait3A_612 : memref<80xi32, #tpu.memory_space<hbm>>) dst(%arg19 : memref<80xi32, #tpu.memory_space<vmem>>)
        %dma_start3A_613 = arith.constant 0 : i32
        %dma_start3A_614 = arith.constant 0 : i32
        %dma_start3A_615 = tpu.memref_slice %arg2[%dma_start3A_613, %dma_start3A_614] : memref<10000x128xf32, #tpu.memory_space<hbm>> -> memref<10000x128xf32, #tpu.memory_space<hbm>>
        tpu.enqueue_indirect_dma source(%dma_start3A_615 : memref<10000x128xf32, #tpu.memory_space<hbm>>) target(%arg7 : memref<80x128xf32, #tpu.memory_space<vmem>>) offsets(%arg11 : memref<80xi32, #tpu.memory_space<vmem>>) semaphore(%arg28 : memref<!tpu.dma_semaphore, #tpu.memory_space<semaphore_mem>>)
      } else {
      }
      %dma_wait3A_549 = arith.constant 0 : i32
      %dma_wait3A_550 = arith.constant 0 : i32
      %dma_wait3A_551 = tpu.memref_slice %arg2[%dma_wait3A_549, %dma_wait3A_550] : memref<10000x128xf32, #tpu.memory_space<hbm>> -> memref<80x128xf32, #tpu.memory_space<hbm>>
      %dma_wait3A_552 = arith.constant 0 : i32
      %dma_wait3A_553 = arith.constant 0 : i32
      %dma_wait3A_554 = tpu.memref_slice %arg2[%dma_wait3A_552, %dma_wait3A_553] : memref<10000x128xf32, #tpu.memory_space<hbm>> -> memref<80x128xf32, #tpu.memory_space<hbm>>
      tpu.wait_dma2 semaphore(%arg29 : memref<!tpu.dma_semaphore, #tpu.memory_space<semaphore_mem>>) src(%dma_wait3A_554 : memref<80x128xf32, #tpu.memory_space<hbm>>) dst(%arg8 : memref<80x128xf32, #tpu.memory_space<vmem>>)
      %dma_start3A_555 = arith.constant 0 : i32
      %dma_start3A_556 = arith.constant 0 : i32
      %dma_start3A_557 = tpu.memref_slice %arg26[%dma_start3A_555, %dma_start3A_556] : memref<10000x128xf32, #tpu.memory_space<vmem_shared>> -> memref<10000x128xf32, #tpu.memory_space<vmem_shared>>
      tpu.enqueue_indirect_dma source(%arg8 : memref<80x128xf32, #tpu.memory_space<vmem>>) target(%dma_start3A_557 : memref<10000x128xf32, #tpu.memory_space<vmem_shared>>) offsets(%arg24 : memref<80xi32, #tpu.memory_space<vmem>>) semaphore(%arg41 : memref<!tpu.dma_semaphore, #tpu.memory_space<semaphore_mem>>) {add = true}
      %ge3A_558 = arith.constant 1 : i32
      %ge3A_559 = arith.cmpi sge, %add3A_536, %ge3A_558 : i32
      %add3A_560 = arith.constant 8 : i32
      %add3A_561 = arith.addi %add3A_536, %add3A_560 : i32
      %sub3A_562 = arith.constant 1 : i32
      %sub3A_563 = arith.subi %add3A_561, %sub3A_562 : i32
      %lt3A_564 = arith.constant 125 : i32
      %lt3A_565 = arith.cmpi slt, %sub3A_563, %lt3A_564 : i32
      %and3A_566 = arith.andi %ge3A_559, %lt3A_565 : i1
      %convert_element_type3A_567 = arith.extui %and3A_566 : i1 to i32
      %cond3A_568 = arith.constant 0 : i32
      %cond3A_569 = arith.cmpi ne, %convert_element_type3A_567, %cond3A_568 : i32
      scf.if %cond3A_569 {
        %sub3A_605 = arith.constant 1 : i32
        %sub3A_606 = arith.subi %add3A_536, %sub3A_605 : i32
        %add3A_607 = arith.constant 8 : i32
        %add3A_608 = arith.addi %sub3A_606, %add3A_607 : i32
        %mul3A_609 = arith.constant 80 : i32
        %mul3A_610 = arith.muli %add3A_608, %mul3A_609 : i32
        %add3A_611 = arith.addi %mul3A_2, %mul3A_610 : i32
        %multiple_of3A_612 = tpu.assume_multiple %add3A_611, 8 : i32
        %dma_start3A_613 = tpu.memref_slice %arg3[%multiple_of3A_612] : memref<320000xi32, #tpu.memory_space<hbm>> -> memref<80xi32, #tpu.memory_space<hbm>>
        %dma_start3A_614 = tpu.memref_slice %arg3[%multiple_of3A_612] : memref<320000xi32, #tpu.memory_space<hbm>> -> memref<80xi32, #tpu.memory_space<hbm>>
        tpu.enqueue_dma source(%dma_start3A_614 : memref<80xi32, #tpu.memory_space<hbm>>) target(%arg15 : memref<80xi32, #tpu.memory_space<vmem>>) target_semaphore(%arg36 : memref<!tpu.dma_semaphore, #tpu.memory_space<semaphore_mem>>)
        %dma_start3A_615 = tpu.memref_slice %arg4[%multiple_of3A_612] : memref<320000xi32, #tpu.memory_space<hbm>> -> memref<80xi32, #tpu.memory_space<hbm>>
        %dma_start3A_616 = tpu.memref_slice %arg4[%multiple_of3A_612] : memref<320000xi32, #tpu.memory_space<hbm>> -> memref<80xi32, #tpu.memory_space<hbm>>
        tpu.enqueue_dma source(%dma_start3A_616 : memref<80xi32, #tpu.memory_space<hbm>>) target(%arg23 : memref<80xi32, #tpu.memory_space<vmem>>) target_semaphore(%arg36 : memref<!tpu.dma_semaphore, #tpu.memory_space<semaphore_mem>>)
      } else {
      }
      %add3A_570 = arith.constant 7 : i32
      %add3A_571 = arith.addi %mul3A_328, %add3A_570 : i32
      %ge3A_572 = arith.constant 1 : i32
      %ge3A_573 = arith.cmpi sge, %add3A_571, %ge3A_572 : i32
      %convert_element_type3A_574 = arith.extui %ge3A_573 : i1 to i32
      %cond3A_575 = arith.constant 0 : i32
      %cond3A_576 = arith.cmpi ne, %convert_element_type3A_574, %cond3A_575 : i32
      scf.if %cond3A_576 {
        %dma_wait3A_605 = arith.constant 0 : i32
        %dma_wait3A_606 = arith.constant 0 : i32
        %dma_wait3A_607 = tpu.memref_slice %arg26[%dma_wait3A_605, %dma_wait3A_606] : memref<10000x128xf32, #tpu.memory_space<vmem_shared>> -> memref<80x128xf32, #tpu.memory_space<vmem_shared>>
        %dma_wait3A_608 = arith.constant 0 : i32
        %dma_wait3A_609 = arith.constant 0 : i32
        %dma_wait3A_610 = tpu.memref_slice %arg26[%dma_wait3A_608, %dma_wait3A_609] : memref<10000x128xf32, #tpu.memory_space<vmem_shared>> -> memref<80x128xf32, #tpu.memory_space<vmem_shared>>
        tpu.wait_dma2 semaphore(%arg41 : memref<!tpu.dma_semaphore, #tpu.memory_space<semaphore_mem>>) src(%arg8 : memref<80x128xf32, #tpu.memory_space<vmem>>) dst(%dma_wait3A_610 : memref<80x128xf32, #tpu.memory_space<vmem_shared>>)
      } else {
      }
      %add3A_577 = arith.constant 3 : i32
      %add3A_578 = arith.addi %add3A_571, %add3A_577 : i32
      %lt3A_579 = arith.constant 125 : i32
      %lt3A_580 = arith.cmpi slt, %add3A_578, %lt3A_579 : i32
      %convert_element_type3A_581 = arith.extui %lt3A_580 : i1 to i32
      %cond3A_582 = arith.constant 0 : i32
      %cond3A_583 = arith.cmpi ne, %convert_element_type3A_581, %cond3A_582 : i32
      scf.if %cond3A_583 {
        %dma_wait3A_605 = arith.constant 0 : i32
        %dma_wait3A_606 = tpu.memref_slice %arg3[%dma_wait3A_605] : memref<320000xi32, #tpu.memory_space<hbm>> -> memref<80xi32, #tpu.memory_space<hbm>>
        %dma_wait3A_607 = arith.constant 0 : i32
        %dma_wait3A_608 = tpu.memref_slice %arg3[%dma_wait3A_607] : memref<320000xi32, #tpu.memory_space<hbm>> -> memref<80xi32, #tpu.memory_space<hbm>>
        tpu.wait_dma2 semaphore(%arg33 : memref<!tpu.dma_semaphore, #tpu.memory_space<semaphore_mem>>) src(%dma_wait3A_608 : memref<80xi32, #tpu.memory_space<hbm>>) dst(%arg12 : memref<80xi32, #tpu.memory_space<vmem>>)
        %dma_wait3A_609 = arith.constant 0 : i32
        %dma_wait3A_610 = tpu.memref_slice %arg4[%dma_wait3A_609] : memref<320000xi32, #tpu.memory_space<hbm>> -> memref<80xi32, #tpu.memory_space<hbm>>
        %dma_wait3A_611 = arith.constant 0 : i32
        %dma_wait3A_612 = tpu.memref_slice %arg4[%dma_wait3A_611] : memref<320000xi32, #tpu.memory_space<hbm>> -> memref<80xi32, #tpu.memory_space<hbm>>
        tpu.wait_dma2 semaphore(%arg33 : memref<!tpu.dma_semaphore, #tpu.memory_space<semaphore_mem>>) src(%dma_wait3A_612 : memref<80xi32, #tpu.memory_space<hbm>>) dst(%arg20 : memref<80xi32, #tpu.memory_space<vmem>>)
        %dma_start3A_613 = arith.constant 0 : i32
        %dma_start3A_614 = arith.constant 0 : i32
        %dma_start3A_615 = tpu.memref_slice %arg2[%dma_start3A_613, %dma_start3A_614] : memref<10000x128xf32, #tpu.memory_space<hbm>> -> memref<10000x128xf32, #tpu.memory_space<hbm>>
        tpu.enqueue_indirect_dma source(%dma_start3A_615 : memref<10000x128xf32, #tpu.memory_space<hbm>>) target(%arg8 : memref<80x128xf32, #tpu.memory_space<vmem>>) offsets(%arg12 : memref<80xi32, #tpu.memory_space<vmem>>) semaphore(%arg29 : memref<!tpu.dma_semaphore, #tpu.memory_space<semaphore_mem>>)
      } else {
      }
      %dma_wait3A_584 = arith.constant 0 : i32
      %dma_wait3A_585 = arith.constant 0 : i32
      %dma_wait3A_586 = tpu.memref_slice %arg2[%dma_wait3A_584, %dma_wait3A_585] : memref<10000x128xf32, #tpu.memory_space<hbm>> -> memref<80x128xf32, #tpu.memory_space<hbm>>
      %dma_wait3A_587 = arith.constant 0 : i32
      %dma_wait3A_588 = arith.constant 0 : i32
      %dma_wait3A_589 = tpu.memref_slice %arg2[%dma_wait3A_587, %dma_wait3A_588] : memref<10000x128xf32, #tpu.memory_space<hbm>> -> memref<80x128xf32, #tpu.memory_space<hbm>>
      tpu.wait_dma2 semaphore(%arg30 : memref<!tpu.dma_semaphore, #tpu.memory_space<semaphore_mem>>) src(%dma_wait3A_589 : memref<80x128xf32, #tpu.memory_space<hbm>>) dst(%arg9 : memref<80x128xf32, #tpu.memory_space<vmem>>)
      %dma_start3A_590 = arith.constant 0 : i32
      %dma_start3A_591 = arith.constant 0 : i32
      %dma_start3A_592 = tpu.memref_slice %arg26[%dma_start3A_590, %dma_start3A_591] : memref<10000x128xf32, #tpu.memory_space<vmem_shared>> -> memref<10000x128xf32, #tpu.memory_space<vmem_shared>>
      tpu.enqueue_indirect_dma source(%arg9 : memref<80x128xf32, #tpu.memory_space<vmem>>) target(%dma_start3A_592 : memref<10000x128xf32, #tpu.memory_space<vmem_shared>>) offsets(%arg25 : memref<80xi32, #tpu.memory_space<vmem>>) semaphore(%arg42 : memref<!tpu.dma_semaphore, #tpu.memory_space<semaphore_mem>>) {add = true}
      %ge3A_593 = arith.constant 1 : i32
      %ge3A_594 = arith.cmpi sge, %add3A_571, %ge3A_593 : i32
      %add3A_595 = arith.constant 8 : i32
      %add3A_596 = arith.addi %add3A_571, %add3A_595 : i32
      %sub3A_597 = arith.constant 1 : i32
      %sub3A_598 = arith.subi %add3A_596, %sub3A_597 : i32
      %lt3A_599 = arith.constant 125 : i32
      %lt3A_600 = arith.cmpi slt, %sub3A_598, %lt3A_599 : i32
      %and3A_601 = arith.andi %ge3A_594, %lt3A_600 : i1
      %convert_element_type3A_602 = arith.extui %and3A_601 : i1 to i32
      %cond3A_603 = arith.constant 0 : i32
      %cond3A_604 = arith.cmpi ne, %convert_element_type3A_602, %cond3A_603 : i32
      scf.if %cond3A_604 {
        %sub3A_605 = arith.constant 1 : i32
        %sub3A_606 = arith.subi %add3A_571, %sub3A_605 : i32
        %add3A_607 = arith.constant 8 : i32
        %add3A_608 = arith.addi %sub3A_606, %add3A_607 : i32
        %mul3A_609 = arith.constant 80 : i32
        %mul3A_610 = arith.muli %add3A_608, %mul3A_609 : i32
        %add3A_611 = arith.addi %mul3A_2, %mul3A_610 : i32
        %multiple_of3A_612 = tpu.assume_multiple %add3A_611, 8 : i32
        %dma_start3A_613 = tpu.memref_slice %arg3[%multiple_of3A_612] : memref<320000xi32, #tpu.memory_space<hbm>> -> memref<80xi32, #tpu.memory_space<hbm>>
        %dma_start3A_614 = tpu.memref_slice %arg3[%multiple_of3A_612] : memref<320000xi32, #tpu.memory_space<hbm>> -> memref<80xi32, #tpu.memory_space<hbm>>
        tpu.enqueue_dma source(%dma_start3A_614 : memref<80xi32, #tpu.memory_space<hbm>>) target(%arg16 : memref<80xi32, #tpu.memory_space<vmem>>) target_semaphore(%arg37 : memref<!tpu.dma_semaphore, #tpu.memory_space<semaphore_mem>>)
        %dma_start3A_615 = tpu.memref_slice %arg4[%multiple_of3A_612] : memref<320000xi32, #tpu.memory_space<hbm>> -> memref<80xi32, #tpu.memory_space<hbm>>
        %dma_start3A_616 = tpu.memref_slice %arg4[%multiple_of3A_612] : memref<320000xi32, #tpu.memory_space<hbm>> -> memref<80xi32, #tpu.memory_space<hbm>>
        tpu.enqueue_dma source(%dma_start3A_616 : memref<80xi32, #tpu.memory_space<hbm>>) target(%arg24 : memref<80xi32, #tpu.memory_space<vmem>>) target_semaphore(%arg37 : memref<!tpu.dma_semaphore, #tpu.memory_space<semaphore_mem>>)
      } else {
      }
    }
    %scan3A_216 = arith.constant 15 : i32
    %dma_wait3A_217 = arith.constant 0 : i32
    %dma_wait3A_218 = arith.constant 0 : i32
    %dma_wait3A_219 = tpu.memref_slice %arg26[%dma_wait3A_217, %dma_wait3A_218] : memref<10000x128xf32, #tpu.memory_space<vmem_shared>> -> memref<80x128xf32, #tpu.memory_space<vmem_shared>>
    %dma_wait3A_220 = arith.constant 0 : i32
    %dma_wait3A_221 = arith.constant 0 : i32
    %dma_wait3A_222 = tpu.memref_slice %arg26[%dma_wait3A_220, %dma_wait3A_221] : memref<10000x128xf32, #tpu.memory_space<vmem_shared>> -> memref<80x128xf32, #tpu.memory_space<vmem_shared>>
    tpu.wait_dma2 semaphore(%arg42 : memref<!tpu.dma_semaphore, #tpu.memory_space<semaphore_mem>>) src(%arg9 : memref<80x128xf32, #tpu.memory_space<vmem>>) dst(%dma_wait3A_222 : memref<80x128xf32, #tpu.memory_space<vmem_shared>>)
    %dma_wait3A_223 = arith.constant 0 : i32
    %dma_wait3A_224 = tpu.memref_slice %arg3[%dma_wait3A_223] : memref<320000xi32, #tpu.memory_space<hbm>> -> memref<80xi32, #tpu.memory_space<hbm>>
    %dma_wait3A_225 = arith.constant 0 : i32
    %dma_wait3A_226 = tpu.memref_slice %arg3[%dma_wait3A_225] : memref<320000xi32, #tpu.memory_space<hbm>> -> memref<80xi32, #tpu.memory_space<hbm>>
    tpu.wait_dma2 semaphore(%arg34 : memref<!tpu.dma_semaphore, #tpu.memory_space<semaphore_mem>>) src(%dma_wait3A_226 : memref<80xi32, #tpu.memory_space<hbm>>) dst(%arg13 : memref<80xi32, #tpu.memory_space<vmem>>)
    %dma_wait3A_227 = arith.constant 0 : i32
    %dma_wait3A_228 = tpu.memref_slice %arg4[%dma_wait3A_227] : memref<320000xi32, #tpu.memory_space<hbm>> -> memref<80xi32, #tpu.memory_space<hbm>>
    %dma_wait3A_229 = arith.constant 0 : i32
    %dma_wait3A_230 = tpu.memref_slice %arg4[%dma_wait3A_229] : memref<320000xi32, #tpu.memory_space<hbm>> -> memref<80xi32, #tpu.memory_space<hbm>>
    tpu.wait_dma2 semaphore(%arg34 : memref<!tpu.dma_semaphore, #tpu.memory_space<semaphore_mem>>) src(%dma_wait3A_230 : memref<80xi32, #tpu.memory_space<hbm>>) dst(%arg21 : memref<80xi32, #tpu.memory_space<vmem>>)
    %dma_start3A_231 = arith.constant 0 : i32
    %dma_start3A_232 = arith.constant 0 : i32
    %dma_start3A_233 = tpu.memref_slice %arg2[%dma_start3A_231, %dma_start3A_232] : memref<10000x128xf32, #tpu.memory_space<hbm>> -> memref<10000x128xf32, #tpu.memory_space<hbm>>
    tpu.enqueue_indirect_dma source(%dma_start3A_233 : memref<10000x128xf32, #tpu.memory_space<hbm>>) target(%arg9 : memref<80x128xf32, #tpu.memory_space<vmem>>) offsets(%arg13 : memref<80xi32, #tpu.memory_space<vmem>>) semaphore(%arg30 : memref<!tpu.dma_semaphore, #tpu.memory_space<semaphore_mem>>)
    %dma_wait3A_234 = arith.constant 0 : i32
    %dma_wait3A_235 = arith.constant 0 : i32
    %dma_wait3A_236 = tpu.memref_slice %arg2[%dma_wait3A_234, %dma_wait3A_235] : memref<10000x128xf32, #tpu.memory_space<hbm>> -> memref<80x128xf32, #tpu.memory_space<hbm>>
    %dma_wait3A_237 = arith.constant 0 : i32
    %dma_wait3A_238 = arith.constant 0 : i32
    %dma_wait3A_239 = tpu.memref_slice %arg2[%dma_wait3A_237, %dma_wait3A_238] : memref<10000x128xf32, #tpu.memory_space<hbm>> -> memref<80x128xf32, #tpu.memory_space<hbm>>
    tpu.wait_dma2 semaphore(%arg27 : memref<!tpu.dma_semaphore, #tpu.memory_space<semaphore_mem>>) src(%dma_wait3A_239 : memref<80x128xf32, #tpu.memory_space<hbm>>) dst(%arg6 : memref<80x128xf32, #tpu.memory_space<vmem>>)
    %dma_start3A_240 = arith.constant 0 : i32
    %dma_start3A_241 = arith.constant 0 : i32
    %dma_start3A_242 = tpu.memref_slice %arg26[%dma_start3A_240, %dma_start3A_241] : memref<10000x128xf32, #tpu.memory_space<vmem_shared>> -> memref<10000x128xf32, #tpu.memory_space<vmem_shared>>
    tpu.enqueue_indirect_dma source(%arg6 : memref<80x128xf32, #tpu.memory_space<vmem>>) target(%dma_start3A_242 : memref<10000x128xf32, #tpu.memory_space<vmem_shared>>) offsets(%arg18 : memref<80xi32, #tpu.memory_space<vmem>>) semaphore(%arg39 : memref<!tpu.dma_semaphore, #tpu.memory_space<semaphore_mem>>) {add = true}
    %dma_wait3A_243 = arith.constant 0 : i32
    %dma_wait3A_244 = arith.constant 0 : i32
    %dma_wait3A_245 = tpu.memref_slice %arg26[%dma_wait3A_243, %dma_wait3A_244] : memref<10000x128xf32, #tpu.memory_space<vmem_shared>> -> memref<80x128xf32, #tpu.memory_space<vmem_shared>>
    %dma_wait3A_246 = arith.constant 0 : i32
    %dma_wait3A_247 = arith.constant 0 : i32
    %dma_wait3A_248 = tpu.memref_slice %arg26[%dma_wait3A_246, %dma_wait3A_247] : memref<10000x128xf32, #tpu.memory_space<vmem_shared>> -> memref<80x128xf32, #tpu.memory_space<vmem_shared>>
    tpu.wait_dma2 semaphore(%arg39 : memref<!tpu.dma_semaphore, #tpu.memory_space<semaphore_mem>>) src(%arg6 : memref<80x128xf32, #tpu.memory_space<vmem>>) dst(%dma_wait3A_248 : memref<80x128xf32, #tpu.memory_space<vmem_shared>>)
    %dma_wait3A_249 = arith.constant 0 : i32
    %dma_wait3A_250 = tpu.memref_slice %arg3[%dma_wait3A_249] : memref<320000xi32, #tpu.memory_space<hbm>> -> memref<80xi32, #tpu.memory_space<hbm>>
    %dma_wait3A_251 = arith.constant 0 : i32
    %dma_wait3A_252 = tpu.memref_slice %arg3[%dma_wait3A_251] : memref<320000xi32, #tpu.memory_space<hbm>> -> memref<80xi32, #tpu.memory_space<hbm>>
    tpu.wait_dma2 semaphore(%arg35 : memref<!tpu.dma_semaphore, #tpu.memory_space<semaphore_mem>>) src(%dma_wait3A_252 : memref<80xi32, #tpu.memory_space<hbm>>) dst(%arg14 : memref<80xi32, #tpu.memory_space<vmem>>)
    %dma_wait3A_253 = arith.constant 0 : i32
    %dma_wait3A_254 = tpu.memref_slice %arg4[%dma_wait3A_253] : memref<320000xi32, #tpu.memory_space<hbm>> -> memref<80xi32, #tpu.memory_space<hbm>>
    %dma_wait3A_255 = arith.constant 0 : i32
    %dma_wait3A_256 = tpu.memref_slice %arg4[%dma_wait3A_255] : memref<320000xi32, #tpu.memory_space<hbm>> -> memref<80xi32, #tpu.memory_space<hbm>>
    tpu.wait_dma2 semaphore(%arg35 : memref<!tpu.dma_semaphore, #tpu.memory_space<semaphore_mem>>) src(%dma_wait3A_256 : memref<80xi32, #tpu.memory_space<hbm>>) dst(%arg22 : memref<80xi32, #tpu.memory_space<vmem>>)
    %dma_start3A_257 = arith.constant 0 : i32
    %dma_start3A_258 = arith.constant 0 : i32
    %dma_start3A_259 = tpu.memref_slice %arg2[%dma_start3A_257, %dma_start3A_258] : memref<10000x128xf32, #tpu.memory_space<hbm>> -> memref<10000x128xf32, #tpu.memory_space<hbm>>
    tpu.enqueue_indirect_dma source(%dma_start3A_259 : memref<10000x128xf32, #tpu.memory_space<hbm>>) target(%arg6 : memref<80x128xf32, #tpu.memory_space<vmem>>) offsets(%arg14 : memref<80xi32, #tpu.memory_space<vmem>>) semaphore(%arg27 : memref<!tpu.dma_semaphore, #tpu.memory_space<semaphore_mem>>)
    %dma_wait3A_260 = arith.constant 0 : i32
    %dma_wait3A_261 = arith.constant 0 : i32
    %dma_wait3A_262 = tpu.memref_slice %arg2[%dma_wait3A_260, %dma_wait3A_261] : memref<10000x128xf32, #tpu.memory_space<hbm>> -> memref<80x128xf32, #tpu.memory_space<hbm>>
    %dma_wait3A_263 = arith.constant 0 : i32
    %dma_wait3A_264 = arith.constant 0 : i32
    %dma_wait3A_265 = tpu.memref_slice %arg2[%dma_wait3A_263, %dma_wait3A_264] : memref<10000x128xf32, #tpu.memory_space<hbm>> -> memref<80x128xf32, #tpu.memory_space<hbm>>
    tpu.wait_dma2 semaphore(%arg28 : memref<!tpu.dma_semaphore, #tpu.memory_space<semaphore_mem>>) src(%dma_wait3A_265 : memref<80x128xf32, #tpu.memory_space<hbm>>) dst(%arg7 : memref<80x128xf32, #tpu.memory_space<vmem>>)
    %dma_start3A_266 = arith.constant 0 : i32
    %dma_start3A_267 = arith.constant 0 : i32
    %dma_start3A_268 = tpu.memref_slice %arg26[%dma_start3A_266, %dma_start3A_267] : memref<10000x128xf32, #tpu.memory_space<vmem_shared>> -> memref<10000x128xf32, #tpu.memory_space<vmem_shared>>
    tpu.enqueue_indirect_dma source(%arg7 : memref<80x128xf32, #tpu.memory_space<vmem>>) target(%dma_start3A_268 : memref<10000x128xf32, #tpu.memory_space<vmem_shared>>) offsets(%arg19 : memref<80xi32, #tpu.memory_space<vmem>>) semaphore(%arg40 : memref<!tpu.dma_semaphore, #tpu.memory_space<semaphore_mem>>) {add = true}
    %dma_wait3A_269 = arith.constant 0 : i32
    %dma_wait3A_270 = arith.constant 0 : i32
    %dma_wait3A_271 = tpu.memref_slice %arg26[%dma_wait3A_269, %dma_wait3A_270] : memref<10000x128xf32, #tpu.memory_space<vmem_shared>> -> memref<80x128xf32, #tpu.memory_space<vmem_shared>>
    %dma_wait3A_272 = arith.constant 0 : i32
    %dma_wait3A_273 = arith.constant 0 : i32
    %dma_wait3A_274 = tpu.memref_slice %arg26[%dma_wait3A_272, %dma_wait3A_273] : memref<10000x128xf32, #tpu.memory_space<vmem_shared>> -> memref<80x128xf32, #tpu.memory_space<vmem_shared>>
    tpu.wait_dma2 semaphore(%arg40 : memref<!tpu.dma_semaphore, #tpu.memory_space<semaphore_mem>>) src(%arg7 : memref<80x128xf32, #tpu.memory_space<vmem>>) dst(%dma_wait3A_274 : memref<80x128xf32, #tpu.memory_space<vmem_shared>>)
    %dma_wait3A_275 = arith.constant 0 : i32
    %dma_wait3A_276 = arith.constant 0 : i32
    %dma_wait3A_277 = tpu.memref_slice %arg2[%dma_wait3A_275, %dma_wait3A_276] : memref<10000x128xf32, #tpu.memory_space<hbm>> -> memref<80x128xf32, #tpu.memory_space<hbm>>
    %dma_wait3A_278 = arith.constant 0 : i32
    %dma_wait3A_279 = arith.constant 0 : i32
    %dma_wait3A_280 = tpu.memref_slice %arg2[%dma_wait3A_278, %dma_wait3A_279] : memref<10000x128xf32, #tpu.memory_space<hbm>> -> memref<80x128xf32, #tpu.memory_space<hbm>>
    tpu.wait_dma2 semaphore(%arg29 : memref<!tpu.dma_semaphore, #tpu.memory_space<semaphore_mem>>) src(%dma_wait3A_280 : memref<80x128xf32, #tpu.memory_space<hbm>>) dst(%arg8 : memref<80x128xf32, #tpu.memory_space<vmem>>)
    %dma_start3A_281 = arith.constant 0 : i32
    %dma_start3A_282 = arith.constant 0 : i32
    %dma_start3A_283 = tpu.memref_slice %arg26[%dma_start3A_281, %dma_start3A_282] : memref<10000x128xf32, #tpu.memory_space<vmem_shared>> -> memref<10000x128xf32, #tpu.memory_space<vmem_shared>>
    tpu.enqueue_indirect_dma source(%arg8 : memref<80x128xf32, #tpu.memory_space<vmem>>) target(%dma_start3A_283 : memref<10000x128xf32, #tpu.memory_space<vmem_shared>>) offsets(%arg20 : memref<80xi32, #tpu.memory_space<vmem>>) semaphore(%arg41 : memref<!tpu.dma_semaphore, #tpu.memory_space<semaphore_mem>>) {add = true}
    %dma_wait3A_284 = arith.constant 0 : i32
    %dma_wait3A_285 = arith.constant 0 : i32
    %dma_wait3A_286 = tpu.memref_slice %arg26[%dma_wait3A_284, %dma_wait3A_285] : memref<10000x128xf32, #tpu.memory_space<vmem_shared>> -> memref<80x128xf32, #tpu.memory_space<vmem_shared>>
    %dma_wait3A_287 = arith.constant 0 : i32
    %dma_wait3A_288 = arith.constant 0 : i32
    %dma_wait3A_289 = tpu.memref_slice %arg26[%dma_wait3A_287, %dma_wait3A_288] : memref<10000x128xf32, #tpu.memory_space<vmem_shared>> -> memref<80x128xf32, #tpu.memory_space<vmem_shared>>
    tpu.wait_dma2 semaphore(%arg41 : memref<!tpu.dma_semaphore, #tpu.memory_space<semaphore_mem>>) src(%arg8 : memref<80x128xf32, #tpu.memory_space<vmem>>) dst(%dma_wait3A_289 : memref<80x128xf32, #tpu.memory_space<vmem_shared>>)
    %dma_wait3A_290 = arith.constant 0 : i32
    %dma_wait3A_291 = arith.constant 0 : i32
    %dma_wait3A_292 = tpu.memref_slice %arg2[%dma_wait3A_290, %dma_wait3A_291] : memref<10000x128xf32, #tpu.memory_space<hbm>> -> memref<80x128xf32, #tpu.memory_space<hbm>>
    %dma_wait3A_293 = arith.constant 0 : i32
    %dma_wait3A_294 = arith.constant 0 : i32
    %dma_wait3A_295 = tpu.memref_slice %arg2[%dma_wait3A_293, %dma_wait3A_294] : memref<10000x128xf32, #tpu.memory_space<hbm>> -> memref<80x128xf32, #tpu.memory_space<hbm>>
    tpu.wait_dma2 semaphore(%arg30 : memref<!tpu.dma_semaphore, #tpu.memory_space<semaphore_mem>>) src(%dma_wait3A_295 : memref<80x128xf32, #tpu.memory_space<hbm>>) dst(%arg9 : memref<80x128xf32, #tpu.memory_space<vmem>>)
    %dma_start3A_296 = arith.constant 0 : i32
    %dma_start3A_297 = arith.constant 0 : i32
    %dma_start3A_298 = tpu.memref_slice %arg26[%dma_start3A_296, %dma_start3A_297] : memref<10000x128xf32, #tpu.memory_space<vmem_shared>> -> memref<10000x128xf32, #tpu.memory_space<vmem_shared>>
    tpu.enqueue_indirect_dma source(%arg9 : memref<80x128xf32, #tpu.memory_space<vmem>>) target(%dma_start3A_298 : memref<10000x128xf32, #tpu.memory_space<vmem_shared>>) offsets(%arg21 : memref<80xi32, #tpu.memory_space<vmem>>) semaphore(%arg42 : memref<!tpu.dma_semaphore, #tpu.memory_space<semaphore_mem>>) {add = true}
    %dma_wait3A_299 = arith.constant 0 : i32
    %dma_wait3A_300 = arith.constant 0 : i32
    %dma_wait3A_301 = tpu.memref_slice %arg26[%dma_wait3A_299, %dma_wait3A_300] : memref<10000x128xf32, #tpu.memory_space<vmem_shared>> -> memref<80x128xf32, #tpu.memory_space<vmem_shared>>
    %dma_wait3A_302 = arith.constant 0 : i32
    %dma_wait3A_303 = arith.constant 0 : i32
    %dma_wait3A_304 = tpu.memref_slice %arg26[%dma_wait3A_302, %dma_wait3A_303] : memref<10000x128xf32, #tpu.memory_space<vmem_shared>> -> memref<80x128xf32, #tpu.memory_space<vmem_shared>>
    tpu.wait_dma2 semaphore(%arg42 : memref<!tpu.dma_semaphore, #tpu.memory_space<semaphore_mem>>) src(%arg9 : memref<80x128xf32, #tpu.memory_space<vmem>>) dst(%dma_wait3A_304 : memref<80x128xf32, #tpu.memory_space<vmem_shared>>)
    %dma_wait3A_305 = arith.constant 0 : i32
    %dma_wait3A_306 = arith.constant 0 : i32
    %dma_wait3A_307 = tpu.memref_slice %arg2[%dma_wait3A_305, %dma_wait3A_306] : memref<10000x128xf32, #tpu.memory_space<hbm>> -> memref<80x128xf32, #tpu.memory_space<hbm>>
    %dma_wait3A_308 = arith.constant 0 : i32
    %dma_wait3A_309 = arith.constant 0 : i32
    %dma_wait3A_310 = tpu.memref_slice %arg2[%dma_wait3A_308, %dma_wait3A_309] : memref<10000x128xf32, #tpu.memory_space<hbm>> -> memref<80x128xf32, #tpu.memory_space<hbm>>
    tpu.wait_dma2 semaphore(%arg27 : memref<!tpu.dma_semaphore, #tpu.memory_space<semaphore_mem>>) src(%dma_wait3A_310 : memref<80x128xf32, #tpu.memory_space<hbm>>) dst(%arg6 : memref<80x128xf32, #tpu.memory_space<vmem>>)
    %dma_start3A_311 = arith.constant 0 : i32
    %dma_start3A_312 = arith.constant 0 : i32
    %dma_start3A_313 = tpu.memref_slice %arg26[%dma_start3A_311, %dma_start3A_312] : memref<10000x128xf32, #tpu.memory_space<vmem_shared>> -> memref<10000x128xf32, #tpu.memory_space<vmem_shared>>
    tpu.enqueue_indirect_dma source(%arg6 : memref<80x128xf32, #tpu.memory_space<vmem>>) target(%dma_start3A_313 : memref<10000x128xf32, #tpu.memory_space<vmem_shared>>) offsets(%arg22 : memref<80xi32, #tpu.memory_space<vmem>>) semaphore(%arg39 : memref<!tpu.dma_semaphore, #tpu.memory_space<semaphore_mem>>) {add = true}
    %dma_wait3A_314 = arith.constant 0 : i32
    %dma_wait3A_315 = arith.constant 0 : i32
    %dma_wait3A_316 = tpu.memref_slice %arg26[%dma_wait3A_314, %dma_wait3A_315] : memref<10000x128xf32, #tpu.memory_space<vmem_shared>> -> memref<80x128xf32, #tpu.memory_space<vmem_shared>>
    %dma_wait3A_317 = arith.constant 0 : i32
    %dma_wait3A_318 = arith.constant 0 : i32
    %dma_wait3A_319 = tpu.memref_slice %arg26[%dma_wait3A_317, %dma_wait3A_318] : memref<10000x128xf32, #tpu.memory_space<vmem_shared>> -> memref<80x128xf32, #tpu.memory_space<vmem_shared>>
    tpu.wait_dma2 semaphore(%arg39 : memref<!tpu.dma_semaphore, #tpu.memory_space<semaphore_mem>>) src(%arg6 : memref<80x128xf32, #tpu.memory_space<vmem>>) dst(%dma_wait3A_319 : memref<80x128xf32, #tpu.memory_space<vmem_shared>>)
    %barrier3A_320 = arith.constant 0 : index
    tpu.barrier barrier_id(%barrier3A_320)
    "tpu.region"() ({
      %run_scoped3A = tpu.sem_alloc : memref<!tpu.dma_semaphore, #tpu.memory_space<semaphore_mem>>
      %dma_start3A_326 = arith.constant 0 : i32
      %dma_start3A_327 = tpu.memref_slice %arg5[%arg0, %mul3A_63, %dma_start3A_326] : memref<2x10000x128xf32, #tpu.memory_space<hbm>> -> memref<1x624x128xf32, #tpu.memory_space<hbm>>
      %dma_start3A_328 = tpu.memref_squeeze %dma_start3A_327 : memref<1x624x128xf32, #tpu.memory_space<hbm>> -> memref<624x128xf32, #tpu.memory_space<hbm>>
      %dma_start3A_329 = arith.constant 0 : i32
      %dma_start3A_330 = tpu.memref_slice %arg26[%mul3A_63, %dma_start3A_329] : memref<10000x128xf32, #tpu.memory_space<vmem_shared>> -> memref<624x128xf32, #tpu.memory_space<vmem_shared>>
      tpu.enqueue_dma source(%dma_start3A_330 : memref<624x128xf32, #tpu.memory_space<vmem_shared>>) target(%dma_start3A_328 : memref<624x128xf32, #tpu.memory_space<hbm>>) target_semaphore(%run_scoped3A : memref<!tpu.dma_semaphore, #tpu.memory_space<semaphore_mem>>)
      %dma_wait3A_331 = arith.constant 0 : i32
      %dma_wait3A_332 = tpu.memref_slice %arg5[%arg0, %mul3A_63, %dma_wait3A_331] : memref<2x10000x128xf32, #tpu.memory_space<hbm>> -> memref<1x624x128xf32, #tpu.memory_space<hbm>>
      %dma_wait3A_333 = tpu.memref_squeeze %dma_wait3A_332 : memref<1x624x128xf32, #tpu.memory_space<hbm>> -> memref<624x128xf32, #tpu.memory_space<hbm>>
      %dma_wait3A_334 = arith.constant 0 : i32
      %dma_wait3A_335 = tpu.memref_slice %arg26[%mul3A_63, %dma_wait3A_334] : memref<10000x128xf32, #tpu.memory_space<vmem_shared>> -> memref<624x128xf32, #tpu.memory_space<vmem_shared>>
      tpu.wait_dma2 semaphore(%run_scoped3A : memref<!tpu.dma_semaphore, #tpu.memory_space<semaphore_mem>>) src(%dma_wait3A_335 : memref<624x128xf32, #tpu.memory_space<vmem_shared>>) dst(%dma_wait3A_333 : memref<624x128xf32, #tpu.memory_space<hbm>>)
      tpu.yield
    }) : () -> ()
    %eq3A_321 = arith.constant 15 : i32
    %eq3A_322 = arith.cmpi eq, %arg1, %eq3A_321 : i32
    %convert_element_type3A_323 = arith.extui %eq3A_322 : i1 to i32
    %cond3A_324 = arith.constant 0 : i32
    %cond3A_325 = arith.cmpi ne, %convert_element_type3A_323, %cond3A_324 : i32
    scf.if %cond3A_325 {
      "tpu.region"() ({
        %run_scoped3A = tpu.sem_alloc : memref<!tpu.dma_semaphore, #tpu.memory_space<semaphore_mem>>
        %dma_start3A_326 = arith.constant 9984 : i32
        %dma_start3A_327 = arith.constant 0 : i32
        %dma_start3A_328 = tpu.memref_slice %arg5[%arg0, %dma_start3A_326, %dma_start3A_327] : memref<2x10000x128xf32, #tpu.memory_space<hbm>> -> memref<1x16x128xf32, #tpu.memory_space<hbm>>
        %dma_start3A_329 = tpu.memref_squeeze %dma_start3A_328 : memref<1x16x128xf32, #tpu.memory_space<hbm>> -> memref<16x128xf32, #tpu.memory_space<hbm>>
        %dma_start3A_330 = arith.constant 9984 : i32
        %dma_start3A_331 = arith.constant 0 : i32
        %dma_start3A_332 = tpu.memref_slice %arg26[%dma_start3A_330, %dma_start3A_331] : memref<10000x128xf32, #tpu.memory_space<vmem_shared>> -> memref<16x128xf32, #tpu.memory_space<vmem_shared>>
        tpu.enqueue_dma source(%dma_start3A_332 : memref<16x128xf32, #tpu.memory_space<vmem_shared>>) target(%dma_start3A_329 : memref<16x128xf32, #tpu.memory_space<hbm>>) target_semaphore(%run_scoped3A : memref<!tpu.dma_semaphore, #tpu.memory_space<semaphore_mem>>)
        %dma_wait3A_333 = arith.constant 9984 : i32
        %dma_wait3A_334 = arith.constant 0 : i32
        %dma_wait3A_335 = tpu.memref_slice %arg5[%arg0, %dma_wait3A_333, %dma_wait3A_334] : memref<2x10000x128xf32, #tpu.memory_space<hbm>> -> memref<1x16x128xf32, #tpu.memory_space<hbm>>
        %dma_wait3A_336 = tpu.memref_squeeze %dma_wait3A_335 : memref<1x16x128xf32, #tpu.memory_space<hbm>> -> memref<16x128xf32, #tpu.memory_space<hbm>>
        %dma_wait3A_337 = arith.constant 9984 : i32
        %dma_wait3A_338 = arith.constant 0 : i32
        %dma_wait3A_339 = tpu.memref_slice %arg26[%dma_wait3A_337, %dma_wait3A_338] : memref<10000x128xf32, #tpu.memory_space<vmem_shared>> -> memref<16x128xf32, #tpu.memory_space<vmem_shared>>
        tpu.wait_dma2 semaphore(%run_scoped3A : memref<!tpu.dma_semaphore, #tpu.memory_space<semaphore_mem>>) src(%dma_wait3A_339 : memref<16x128xf32, #tpu.memory_space<vmem_shared>>) dst(%dma_wait3A_336 : memref<16x128xf32, #tpu.memory_space<hbm>>)
        tpu.yield
      }) : () -> ()
    } else {
    }
    return
  }
}

#map = affine_map<(d0, d1) -> (0, 0)>
#map1 = affine_map<(d0, d1) -> (0)>
#map2 = affine_map<(d0, d1) -> (0, 0, 0)>
module attributes {stable_mosaic.version = 14 : i64} {
  func.func @seg_sum(%arg0: i32, %arg1: i32, %arg2: memref<10000x128xf32, #tpu.memory_space<hbm>>, %arg3: memref<320000xi32, #tpu.memory_space<hbm>>, %arg4: memref<320000xi32, #tpu.memory_space<hbm>>, %arg5: memref<2x10000x128xf32, #tpu.memory_space<hbm>>, %arg6: memref<80x128xf32, #tpu.memory_space<vmem>>, %arg7: memref<80x128xf32, #tpu.memory_space<vmem>>, %arg8: memref<80x128xf32, #tpu.memory_space<vmem>>, %arg9: memref<80x128xf32, #tpu.memory_space<vmem>>, %arg10: memref<80xi32, #tpu.memory_space<vmem>>, %arg11: memref<80xi32, #tpu.memory_space<vmem>>, %arg12: memref<80xi32, #tpu.memory_space<vmem>>, %arg13: memref<80xi32, #tpu.memory_space<vmem>>, %arg14: memref<80xi32, #tpu.memory_space<vmem>>, %arg15: memref<80xi32, #tpu.memory_space<vmem>>, %arg16: memref<80xi32, #tpu.memory_space<vmem>>, %arg17: memref<80xi32, #tpu.memory_space<vmem>>, %arg18: memref<80xi32, #tpu.memory_space<vmem>>, %arg19: memref<80xi32, #tpu.memory_space<vmem>>, %arg20: memref<80xi32, #tpu.memory_space<vmem>>, %arg21: memref<80xi32, #tpu.memory_space<vmem>>, %arg22: memref<80xi32, #tpu.memory_space<vmem>>, %arg23: memref<80xi32, #tpu.memory_space<vmem>>, %arg24: memref<80xi32, #tpu.memory_space<vmem>>, %arg25: memref<80xi32, #tpu.memory_space<vmem>>, %arg26: memref<10000x128xf32, #tpu.memory_space<vmem_shared>>, %arg27: memref<!tpu.dma_semaphore, #tpu.memory_space<semaphore_mem>>, %arg28: memref<!tpu.dma_semaphore, #tpu.memory_space<semaphore_mem>>, %arg29: memref<!tpu.dma_semaphore, #tpu.memory_space<semaphore_mem>>, %arg30: memref<!tpu.dma_semaphore, #tpu.memory_space<semaphore_mem>>, %arg31: memref<!tpu.dma_semaphore, #tpu.memory_space<semaphore_mem>>, %arg32: memref<!tpu.dma_semaphore, #tpu.memory_space<semaphore_mem>>, %arg33: memref<!tpu.dma_semaphore, #tpu.memory_space<semaphore_mem>>, %arg34: memref<!tpu.dma_semaphore, #tpu.memory_space<semaphore_mem>>, %arg35: memref<!tpu.dma_semaphore, #tpu.memory_space<semaphore_mem>>, %arg36: memref<!tpu.dma_semaphore, #tpu.memory_space<semaphore_mem>>, %arg37: memref<!tpu.dma_semaphore, #tpu.memory_space<semaphore_mem>>, %arg38: memref<!tpu.dma_semaphore, #tpu.memory_space<semaphore_mem>>, %arg39: memref<!tpu.dma_semaphore, #tpu.memory_space<semaphore_mem>>, %arg40: memref<!tpu.dma_semaphore, #tpu.memory_space<semaphore_mem>>, %arg41: memref<!tpu.dma_semaphore, #tpu.memory_space<semaphore_mem>>, %arg42: memref<!tpu.dma_semaphore, #tpu.memory_space<semaphore_mem>>, %arg43: memref<!tpu.dma_semaphore, #tpu.memory_space<semaphore_mem>>) attributes {dimension_semantics = [#tpu.dimension_semantics<core_parallel>, #tpu.dimension_semantics<subcore_parallel>], iteration_bounds = array<i64: 2, 16>, scalar_prefetch = 0 : i64, scratch_operands = 38 : i64, tpu.core_type = #tpu.core_type<sc_vector_subcore>, window_params = [{transform_indices = #map}, {transform_indices = #map1}, {transform_indices = #map1}, {transform_indices = #map2}]} {
    %mul3A = arith.constant 16 : i32
    %mul3A_0 = arith.muli %arg0, %mul3A : i32
    %add3A = arith.addi %mul3A_0, %arg1 : i32
    %mul3A_1 = arith.constant 10000 : i32
    %mul3A_2 = arith.muli %add3A, %mul3A_1 : i32
    %add3A_3 = arith.constant 0 : i32
    %add3A_4 = arith.addi %mul3A_2, %add3A_3 : i32
    %multiple_of3A = tpu.assume_multiple %add3A_4, 8 : i32
    %dma_start3A = tpu.memref_slice %arg3[%multiple_of3A] : memref<320000xi32, #tpu.memory_space<hbm>> -> memref<80xi32, #tpu.memory_space<hbm>>
    %dma_start3A_5 = tpu.memref_slice %arg3[%multiple_of3A] : memref<320000xi32, #tpu.memory_space<hbm>> -> memref<80xi32, #tpu.memory_space<hbm>>
    tpu.enqueue_dma source(%dma_start3A_5 : memref<80xi32, #tpu.memory_space<hbm>>) target(%arg10 : memref<80xi32, #tpu.memory_space<vmem>>) target_semaphore(%arg31 : memref<!tpu.dma_semaphore, #tpu.memory_space<semaphore_mem>>)
    %dma_start3A_6 = tpu.memref_slice %arg4[%multiple_of3A] : memref<320000xi32, #tpu.memory_space<hbm>> -> memref<80xi32, #tpu.memory_space<hbm>>
    %dma_start3A_7 = tpu.memref_slice %arg4[%multiple_of3A] : memref<320000xi32, #tpu.memory_space<hbm>> -> memref<80xi32, #tpu.memory_space<hbm>>
    tpu.enqueue_dma source(%dma_start3A_7 : memref<80xi32, #tpu.memory_space<hbm>>) target(%arg18 : memref<80xi32, #tpu.memory_space<vmem>>) target_semaphore(%arg31 : memref<!tpu.dma_semaphore, #tpu.memory_space<semaphore_mem>>)
    %add3A_8 = arith.constant 80 : i32
    %add3A_9 = arith.addi %mul3A_2, %add3A_8 : i32
    %multiple_of3A_10 = tpu.assume_multiple %add3A_9, 8 : i32
    %dma_start3A_11 = tpu.memref_slice %arg3[%multiple_of3A_10] : memref<320000xi32, #tpu.memory_space<hbm>> -> memref<80xi32, #tpu.memory_space<hbm>>
    %dma_start3A_12 = tpu.memref_slice %arg3[%multiple_of3A_10] : memref<320000xi32, #tpu.memory_space<hbm>> -> memref<80xi32, #tpu.memory_space<hbm>>
    tpu.enqueue_dma source(%dma_start3A_12 : memref<80xi32, #tpu.memory_space<hbm>>) target(%arg11 : memref<80xi32, #tpu.memory_space<vmem>>) target_semaphore(%arg32 : memref<!tpu.dma_semaphore, #tpu.memory_space<semaphore_mem>>)
    %dma_start3A_13 = tpu.memref_slice %arg4[%multiple_of3A_10] : memref<320000xi32, #tpu.memory_space<hbm>> -> memref<80xi32, #tpu.memory_space<hbm>>
    %dma_start3A_14 = tpu.memref_slice %arg4[%multiple_of3A_10] : memref<320000xi32, #tpu.memory_space<hbm>> -> memref<80xi32, #tpu.memory_space<hbm>>
    tpu.enqueue_dma source(%dma_start3A_14 : memref<80xi32, #tpu.memory_space<hbm>>) target(%arg19 : memref<80xi32, #tpu.memory_space<vmem>>) target_semaphore(%arg32 : memref<!tpu.dma_semaphore, #tpu.memory_space<semaphore_mem>>)
    %add3A_15 = arith.constant 160 : i32
    %add3A_16 = arith.addi %mul3A_2, %add3A_15 : i32
    %multiple_of3A_17 = tpu.assume_multiple %add3A_16, 8 : i32
    %dma_start3A_18 = tpu.memref_slice %arg3[%multiple_of3A_17] : memref<320000xi32, #tpu.memory_space<hbm>> -> memref<80xi32, #tpu.memory_space<hbm>>
    %dma_start3A_19 = tpu.memref_slice %arg3[%multiple_of3A_17] : memref<320000xi32, #tpu.memory_space<hbm>> -> memref<80xi32, #tpu.memory_space<hbm>>
    tpu.enqueue_dma source(%dma_start3A_19 : memref<80xi32, #tpu.memory_space<hbm>>) target(%arg12 : memref<80xi32, #tpu.memory_space<vmem>>) target_semaphore(%arg33 : memref<!tpu.dma_semaphore, #tpu.memory_space<semaphore_mem>>)
    %dma_start3A_20 = tpu.memref_slice %arg4[%multiple_of3A_17] : memref<320000xi32, #tpu.memory_space<hbm>> -> memref<80xi32, #tpu.memory_space<hbm>>
    %dma_start3A_21 = tpu.memref_slice %arg4[%multiple_of3A_17] : memref<320000xi32, #tpu.memory_space<hbm>> -> memref<80xi32, #tpu.memory_space<hbm>>
    tpu.enqueue_dma source(%dma_start3A_21 : memref<80xi32, #tpu.memory_space<hbm>>) target(%arg20 : memref<80xi32, #tpu.memory_space<vmem>>) target_semaphore(%arg33 : memref<!tpu.dma_semaphore, #tpu.memory_space<semaphore_mem>>)
    %add3A_22 = arith.constant 240 : i32
    %add3A_23 = arith.addi %mul3A_2, %add3A_22 : i32
    %multiple_of3A_24 = tpu.assume_multiple %add3A_23, 8 : i32
    %dma_start3A_25 = tpu.memref_slice %arg3[%multiple_of3A_24] : memref<320000xi32, #tpu.memory_space<hbm>> -> memref<80xi32, #tpu.memory_space<hbm>>
    %dma_start3A_26 = tpu.memref_slice %arg3[%multiple_of3A_24] : memref<320000xi32, #tpu.memory_space<hbm>> -> memref<80xi32, #tpu.memory_space<hbm>>
    tpu.enqueue_dma source(%dma_start3A_26 : memref<80xi32, #tpu.memory_space<hbm>>) target(%arg13 : memref<80xi32, #tpu.memory_space<vmem>>) target_semaphore(%arg34 : memref<!tpu.dma_semaphore, #tpu.memory_space<semaphore_mem>>)
    %dma_start3A_27 = tpu.memref_slice %arg4[%multiple_of3A_24] : memref<320000xi32, #tpu.memory_space<hbm>> -> memref<80xi32, #tpu.memory_space<hbm>>
    %dma_start3A_28 = tpu.memref_slice %arg4[%multiple_of3A_24] : memref<320000xi32, #tpu.memory_space<hbm>> -> memref<80xi32, #tpu.memory_space<hbm>>
    tpu.enqueue_dma source(%dma_start3A_28 : memref<80xi32, #tpu.memory_space<hbm>>) target(%arg21 : memref<80xi32, #tpu.memory_space<vmem>>) target_semaphore(%arg34 : memref<!tpu.dma_semaphore, #tpu.memory_space<semaphore_mem>>)
    %add3A_29 = arith.constant 320 : i32
    %add3A_30 = arith.addi %mul3A_2, %add3A_29 : i32
    %multiple_of3A_31 = tpu.assume_multiple %add3A_30, 8 : i32
    %dma_start3A_32 = tpu.memref_slice %arg3[%multiple_of3A_31] : memref<320000xi32, #tpu.memory_space<hbm>> -> memref<80xi32, #tpu.memory_space<hbm>>
    %dma_start3A_33 = tpu.memref_slice %arg3[%multiple_of3A_31] : memref<320000xi32, #tpu.memory_space<hbm>> -> memref<80xi32, #tpu.memory_space<hbm>>
    tpu.enqueue_dma source(%dma_start3A_33 : memref<80xi32, #tpu.memory_space<hbm>>) target(%arg14 : memref<80xi32, #tpu.memory_space<vmem>>) target_semaphore(%arg35 : memref<!tpu.dma_semaphore, #tpu.memory_space<semaphore_mem>>)
    %dma_start3A_34 = tpu.memref_slice %arg4[%multiple_of3A_31] : memref<320000xi32, #tpu.memory_space<hbm>> -> memref<80xi32, #tpu.memory_space<hbm>>
    %dma_start3A_35 = tpu.memref_slice %arg4[%multiple_of3A_31] : memref<320000xi32, #tpu.memory_space<hbm>> -> memref<80xi32, #tpu.memory_space<hbm>>
    tpu.enqueue_dma source(%dma_start3A_35 : memref<80xi32, #tpu.memory_space<hbm>>) target(%arg22 : memref<80xi32, #tpu.memory_space<vmem>>) target_semaphore(%arg35 : memref<!tpu.dma_semaphore, #tpu.memory_space<semaphore_mem>>)
    %add3A_36 = arith.constant 400 : i32
    %add3A_37 = arith.addi %mul3A_2, %add3A_36 : i32
    %multiple_of3A_38 = tpu.assume_multiple %add3A_37, 8 : i32
    %dma_start3A_39 = tpu.memref_slice %arg3[%multiple_of3A_38] : memref<320000xi32, #tpu.memory_space<hbm>> -> memref<80xi32, #tpu.memory_space<hbm>>
    %dma_start3A_40 = tpu.memref_slice %arg3[%multiple_of3A_38] : memref<320000xi32, #tpu.memory_space<hbm>> -> memref<80xi32, #tpu.memory_space<hbm>>
    tpu.enqueue_dma source(%dma_start3A_40 : memref<80xi32, #tpu.memory_space<hbm>>) target(%arg15 : memref<80xi32, #tpu.memory_space<vmem>>) target_semaphore(%arg36 : memref<!tpu.dma_semaphore, #tpu.memory_space<semaphore_mem>>)
    %dma_start3A_41 = tpu.memref_slice %arg4[%multiple_of3A_38] : memref<320000xi32, #tpu.memory_space<hbm>> -> memref<80xi32, #tpu.memory_space<hbm>>
    %dma_start3A_42 = tpu.memref_slice %arg4[%multiple_of3A_38] : memref<320000xi32, #tpu.memory_space<hbm>> -> memref<80xi32, #tpu.memory_space<hbm>>
    tpu.enqueue_dma source(%dma_start3A_42 : memref<80xi32, #tpu.memory_space<hbm>>) target(%arg23 : memref<80xi32, #tpu.memory_space<vmem>>) target_semaphore(%arg36 : memref<!tpu.dma_semaphore, #tpu.memory_space<semaphore_mem>>)
    %add3A_43 = arith.constant 480 : i32
    %add3A_44 = arith.addi %mul3A_2, %add3A_43 : i32
    %multiple_of3A_45 = tpu.assume_multiple %add3A_44, 8 : i32
    %dma_start3A_46 = tpu.memref_slice %arg3[%multiple_of3A_45] : memref<320000xi32, #tpu.memory_space<hbm>> -> memref<80xi32, #tpu.memory_space<hbm>>
    %dma_start3A_47 = tpu.memref_slice %arg3[%multiple_of3A_45] : memref<320000xi32, #tpu.memory_space<hbm>> -> memref<80xi32, #tpu.memory_space<hbm>>
    tpu.enqueue_dma source(%dma_start3A_47 : memref<80xi32, #tpu.memory_space<hbm>>) target(%arg16 : memref<80xi32, #tpu.memory_space<vmem>>) target_semaphore(%arg37 : memref<!tpu.dma_semaphore, #tpu.memory_space<semaphore_mem>>)
    %dma_start3A_48 = tpu.memref_slice %arg4[%multiple_of3A_45] : memref<320000xi32, #tpu.memory_space<hbm>> -> memref<80xi32, #tpu.memory_space<hbm>>
    %dma_start3A_49 = tpu.memref_slice %arg4[%multiple_of3A_45] : memref<320000xi32, #tpu.memory_space<hbm>> -> memref<80xi32, #tpu.memory_space<hbm>>
    tpu.enqueue_dma source(%dma_start3A_49 : memref<80xi32, #tpu.memory_space<hbm>>) target(%arg24 : memref<80xi32, #tpu.memory_space<vmem>>) target_semaphore(%arg37 : memref<!tpu.dma_semaphore, #tpu.memory_space<semaphore_mem>>)
    %add3A_50 = arith.constant 560 : i32
    %add3A_51 = arith.addi %mul3A_2, %add3A_50 : i32
    %multiple_of3A_52 = tpu.assume_multiple %add3A_51, 8 : i32
    %dma_start3A_53 = tpu.memref_slice %arg3[%multiple_of3A_52] : memref<320000xi32, #tpu.memory_space<hbm>> -> memref<80xi32, #tpu.memory_space<hbm>>
    %dma_start3A_54 = tpu.memref_slice %arg3[%multiple_of3A_52] : memref<320000xi32, #tpu.memory_space<hbm>> -> memref<80xi32, #tpu.memory_space<hbm>>
    tpu.enqueue_dma source(%dma_start3A_54 : memref<80xi32, #tpu.memory_space<hbm>>) target(%arg17 : memref<80xi32, #tpu.memory_space<vmem>>) target_semaphore(%arg38 : memref<!tpu.dma_semaphore, #tpu.memory_space<semaphore_mem>>)
    %dma_start3A_55 = tpu.memref_slice %arg4[%multiple_of3A_52] : memref<320000xi32, #tpu.memory_space<hbm>> -> memref<80xi32, #tpu.memory_space<hbm>>
    %dma_start3A_56 = tpu.memref_slice %arg4[%multiple_of3A_52] : memref<320000xi32, #tpu.memory_space<hbm>> -> memref<80xi32, #tpu.memory_space<hbm>>
    tpu.enqueue_dma source(%dma_start3A_56 : memref<80xi32, #tpu.memory_space<hbm>>) target(%arg25 : memref<80xi32, #tpu.memory_space<vmem>>) target_semaphore(%arg38 : memref<!tpu.dma_semaphore, #tpu.memory_space<semaphore_mem>>)
    %scan3A = arith.constant 0 : i32
    %scan3A_57 = arith.constant 0 : i32
    %scan3A_58 = arith.constant 80 : i32
    %scan3A_59 = arith.addi %scan3A_57, %scan3A_58 : i32
    %scan3A_60 = arith.constant 1 : i32
    scf.for %scan3A_326 = %scan3A_57 to %scan3A_59 step %scan3A_60  : i32 {
      %broadcast_in_dim3A = arith.constant 0.000000e+00 : f32
      %broadcast_in_dim3A_327 = vector.broadcast %broadcast_in_dim3A : f32 to vector<16xf32>
      %swap3A = arith.index_cast %scan3A_326 : i32 to index
      %swap3A_328 = arith.constant 0 : index
      %swap3A_329 = tpu.vector_load %arg6[%swap3A, %swap3A_328] {strides = array<i32>} : memref<80x128xf32, #tpu.memory_space<vmem>>, vector<1x16xf32>,
      %swap3A_330 = vector.shape_cast %swap3A_329 : vector<1x16xf32> to vector<16xf32>
      %swap3A_331 = vector.shape_cast %broadcast_in_dim3A_327 : vector<16xf32> to vector<1x16xf32>
      tpu.vector_store %arg6[%swap3A, %swap3A_328], %swap3A_331 {strides = array<i32>} : memref<80x128xf32, #tpu.memory_space<vmem>>, vector<1x16xf32>,
      %broadcast_in_dim3A_332 = arith.constant 0.000000e+00 : f32
      %broadcast_in_dim3A_333 = vector.broadcast %broadcast_in_dim3A_332 : f32 to vector<16xf32>
      %swap3A_334 = arith.index_cast %scan3A_326 : i32 to index
      %swap3A_335 = arith.constant 16 : index
      %swap3A_336 = tpu.vector_load %arg6[%swap3A_334, %swap3A_335] {strides = array<i32>} : memref<80x128xf32, #tpu.memory_space<vmem>>, vector<1x16xf32>,
      %swap3A_337 = vector.shape_cast %swap3A_336 : vector<1x16xf32> to vector<16xf32>
      %swap3A_338 = vector.shape_cast %broadcast_in_dim3A_333 : vector<16xf32> to vector<1x16xf32>
      tpu.vector_store %arg6[%swap3A_334, %swap3A_335], %swap3A_338 {strides = array<i32>} : memref<80x128xf32, #tpu.memory_space<vmem>>, vector<1x16xf32>,
      %broadcast_in_dim3A_339 = arith.constant 0.000000e+00 : f32
      %broadcast_in_dim3A_340 = vector.broadcast %broadcast_in_dim3A_339 : f32 to vector<16xf32>
      %swap3A_341 = arith.index_cast %scan3A_326 : i32 to index
      %swap3A_342 = arith.constant 32 : index
      %swap3A_343 = tpu.vector_load %arg6[%swap3A_341, %swap3A_342] {strides = array<i32>} : memref<80x128xf32, #tpu.memory_space<vmem>>, vector<1x16xf32>,
      %swap3A_344 = vector.shape_cast %swap3A_343 : vector<1x16xf32> to vector<16xf32>
      %swap3A_345 = vector.shape_cast %broadcast_in_dim3A_340 : vector<16xf32> to vector<1x16xf32>
      tpu.vector_store %arg6[%swap3A_341, %swap3A_342], %swap3A_345 {strides = array<i32>} : memref<80x128xf32, #tpu.memory_space<vmem>>, vector<1x16xf32>,
      %broadcast_in_dim3A_346 = arith.constant 0.000000e+00 : f32
      %broadcast_in_dim3A_347 = vector.broadcast %broadcast_in_dim3A_346 : f32 to vector<16xf32>
      %swap3A_348 = arith.index_cast %scan3A_326 : i32 to index
      %swap3A_349 = arith.constant 48 : index
      %swap3A_350 = tpu.vector_load %arg6[%swap3A_348, %swap3A_349] {strides = array<i32>} : memref<80x128xf32, #tpu.memory_space<vmem>>, vector<1x16xf32>,
      %swap3A_351 = vector.shape_cast %swap3A_350 : vector<1x16xf32> to vector<16xf32>
      %swap3A_352 = vector.shape_cast %broadcast_in_dim3A_347 : vector<16xf32> to vector<1x16xf32>
      tpu.vector_store %arg6[%swap3A_348, %swap3A_349], %swap3A_352 {strides = array<i32>} : memref<80x128xf32, #tpu.memory_space<vmem>>, vector<1x16xf32>,
      %broadcast_in_dim3A_353 = arith.constant 0.000000e+00 : f32
      %broadcast_in_dim3A_354 = vector.broadcast %broadcast_in_dim3A_353 : f32 to vector<16xf32>
      %swap3A_355 = arith.index_cast %scan3A_326 : i32 to index
      %swap3A_356 = arith.constant 64 : index
      %swap3A_357 = tpu.vector_load %arg6[%swap3A_355, %swap3A_356] {strides = array<i32>} : memref<80x128xf32, #tpu.memory_space<vmem>>, vector<1x16xf32>,
      %swap3A_358 = vector.shape_cast %swap3A_357 : vector<1x16xf32> to vector<16xf32>
      %swap3A_359 = vector.shape_cast %broadcast_in_dim3A_354 : vector<16xf32> to vector<1x16xf32>
      tpu.vector_store %arg6[%swap3A_355, %swap3A_356], %swap3A_359 {strides = array<i32>} : memref<80x128xf32, #tpu.memory_space<vmem>>, vector<1x16xf32>,
      %broadcast_in_dim3A_360 = arith.constant 0.000000e+00 : f32
      %broadcast_in_dim3A_361 = vector.broadcast %broadcast_in_dim3A_360 : f32 to vector<16xf32>
      %swap3A_362 = arith.index_cast %scan3A_326 : i32 to index
      %swap3A_363 = arith.constant 80 : index
      %swap3A_364 = tpu.vector_load %arg6[%swap3A_362, %swap3A_363] {strides = array<i32>} : memref<80x128xf32, #tpu.memory_space<vmem>>, vector<1x16xf32>,
      %swap3A_365 = vector.shape_cast %swap3A_364 : vector<1x16xf32> to vector<16xf32>
      %swap3A_366 = vector.shape_cast %broadcast_in_dim3A_361 : vector<16xf32> to vector<1x16xf32>
      tpu.vector_store %arg6[%swap3A_362, %swap3A_363], %swap3A_366 {strides = array<i32>} : memref<80x128xf32, #tpu.memory_space<vmem>>, vector<1x16xf32>,
      %broadcast_in_dim3A_367 = arith.constant 0.000000e+00 : f32
      %broadcast_in_dim3A_368 = vector.broadcast %broadcast_in_dim3A_367 : f32 to vector<16xf32>
      %swap3A_369 = arith.index_cast %scan3A_326 : i32 to index
      %swap3A_370 = arith.constant 96 : index
      %swap3A_371 = tpu.vector_load %arg6[%swap3A_369, %swap3A_370] {strides = array<i32>} : memref<80x128xf32, #tpu.memory_space<vmem>>, vector<1x16xf32>,
      %swap3A_372 = vector.shape_cast %swap3A_371 : vector<1x16xf32> to vector<16xf32>
      %swap3A_373 = vector.shape_cast %broadcast_in_dim3A_368 : vector<16xf32> to vector<1x16xf32>
      tpu.vector_store %arg6[%swap3A_369, %swap3A_370], %swap3A_373 {strides = array<i32>} : memref<80x128xf32, #tpu.memory_space<vmem>>, vector<1x16xf32>,
      %broadcast_in_dim3A_374 = arith.constant 0.000000e+00 : f32
      %broadcast_in_dim3A_375 = vector.broadcast %broadcast_in_dim3A_374 : f32 to vector<16xf32>
      %swap3A_376 = arith.index_cast %scan3A_326 : i32 to index
      %swap3A_377 = arith.constant 112 : index
      %swap3A_378 = tpu.vector_load %arg6[%swap3A_376, %swap3A_377] {strides = array<i32>} : memref<80x128xf32, #tpu.memory_space<vmem>>, vector<1x16xf32>,
      %swap3A_379 = vector.shape_cast %swap3A_378 : vector<1x16xf32> to vector<16xf32>
      %swap3A_380 = vector.shape_cast %broadcast_in_dim3A_375 : vector<16xf32> to vector<1x16xf32>
      tpu.vector_store %arg6[%swap3A_376, %swap3A_377], %swap3A_380 {strides = array<i32>} : memref<80x128xf32, #tpu.memory_space<vmem>>, vector<1x16xf32>,
    }
    %scan3A_61 = arith.constant 80 : i32
    %mul3A_62 = arith.constant 624 : i32
    %mul3A_63 = arith.muli %arg1, %mul3A_62 : i32
    %add3A_64 = arith.constant 0 : i32
    %add3A_65 = arith.addi %mul3A_63, %add3A_64 : i32
    %dma_start3A_66 = arith.constant 0 : i32
    %dma_start3A_67 = tpu.memref_slice %arg26[%add3A_65, %dma_start3A_66] : memref<10000x128xf32, #tpu.memory_space<vmem_shared>> -> memref<80x128xf32, #tpu.memory_space<vmem_shared>>
    %dma_start3A_68 = arith.constant 0 : i32
    %dma_start3A_69 = tpu.memref_slice %arg26[%add3A_65, %dma_start3A_68] : memref<10000x128xf32, #tpu.memory_space<vmem_shared>> -> memref<80x128xf32, #tpu.memory_space<vmem_shared>>
    tpu.enqueue_dma source(%arg6 : memref<80x128xf32, #tpu.memory_space<vmem>>) target(%dma_start3A_69 : memref<80x128xf32, #tpu.memory_space<vmem_shared>>) target_semaphore(%arg43 : memref<!tpu.dma_semaphore, #tpu.memory_space<semaphore_mem>>)
    %add3A_70 = arith.constant 80 : i32
    %add3A_71 = arith.addi %mul3A_63, %add3A_70 : i32
    %dma_start3A_72 = arith.constant 0 : i32
    %dma_start3A_73 = tpu.memref_slice %arg26[%add3A_71, %dma_start3A_72] : memref<10000x128xf32, #tpu.memory_space<vmem_shared>> -> memref<80x128xf32, #tpu.memory_space<vmem_shared>>
    %dma_start3A_74 = arith.constant 0 : i32
    %dma_start3A_75 = tpu.memref_slice %arg26[%add3A_71, %dma_start3A_74] : memref<10000x128xf32, #tpu.memory_space<vmem_shared>> -> memref<80x128xf32, #tpu.memory_space<vmem_shared>>
    tpu.enqueue_dma source(%arg6 : memref<80x128xf32, #tpu.memory_space<vmem>>) target(%dma_start3A_75 : memref<80x128xf32, #tpu.memory_space<vmem_shared>>) target_semaphore(%arg43 : memref<!tpu.dma_semaphore, #tpu.memory_space<semaphore_mem>>)
    %add3A_76 = arith.constant 160 : i32
    %add3A_77 = arith.addi %mul3A_63, %add3A_76 : i32
    %dma_start3A_78 = arith.constant 0 : i32
    %dma_start3A_79 = tpu.memref_slice %arg26[%add3A_77, %dma_start3A_78] : memref<10000x128xf32, #tpu.memory_space<vmem_shared>> -> memref<80x128xf32, #tpu.memory_space<vmem_shared>>
    %dma_start3A_80 = arith.constant 0 : i32
    %dma_start3A_81 = tpu.memref_slice %arg26[%add3A_77, %dma_start3A_80] : memref<10000x128xf32, #tpu.memory_space<vmem_shared>> -> memref<80x128xf32, #tpu.memory_space<vmem_shared>>
    tpu.enqueue_dma source(%arg6 : memref<80x128xf32, #tpu.memory_space<vmem>>) target(%dma_start3A_81 : memref<80x128xf32, #tpu.memory_space<vmem_shared>>) target_semaphore(%arg43 : memref<!tpu.dma_semaphore, #tpu.memory_space<semaphore_mem>>)
    %add3A_82 = arith.constant 240 : i32
    %add3A_83 = arith.addi %mul3A_63, %add3A_82 : i32
    %dma_start3A_84 = arith.constant 0 : i32
    %dma_start3A_85 = tpu.memref_slice %arg26[%add3A_83, %dma_start3A_84] : memref<10000x128xf32, #tpu.memory_space<vmem_shared>> -> memref<80x128xf32, #tpu.memory_space<vmem_shared>>
    %dma_start3A_86 = arith.constant 0 : i32
    %dma_start3A_87 = tpu.memref_slice %arg26[%add3A_83, %dma_start3A_86] : memref<10000x128xf32, #tpu.memory_space<vmem_shared>> -> memref<80x128xf32, #tpu.memory_space<vmem_shared>>
    tpu.enqueue_dma source(%arg6 : memref<80x128xf32, #tpu.memory_space<vmem>>) target(%dma_start3A_87 : memref<80x128xf32, #tpu.memory_space<vmem_shared>>) target_semaphore(%arg43 : memref<!tpu.dma_semaphore, #tpu.memory_space<semaphore_mem>>)
    %add3A_88 = arith.constant 320 : i32
    %add3A_89 = arith.addi %mul3A_63, %add3A_88 : i32
    %dma_start3A_90 = arith.constant 0 : i32
    %dma_start3A_91 = tpu.memref_slice %arg26[%add3A_89, %dma_start3A_90] : memref<10000x128xf32, #tpu.memory_space<vmem_shared>> -> memref<80x128xf32, #tpu.memory_space<vmem_shared>>
    %dma_start3A_92 = arith.constant 0 : i32
    %dma_start3A_93 = tpu.memref_slice %arg26[%add3A_89, %dma_start3A_92] : memref<10000x128xf32, #tpu.memory_space<vmem_shared>> -> memref<80x128xf32, #tpu.memory_space<vmem_shared>>
    tpu.enqueue_dma source(%arg6 : memref<80x128xf32, #tpu.memory_space<vmem>>) target(%dma_start3A_93 : memref<80x128xf32, #tpu.memory_space<vmem_shared>>) target_semaphore(%arg43 : memref<!tpu.dma_semaphore, #tpu.memory_space<semaphore_mem>>)
    %add3A_94 = arith.constant 400 : i32
    %add3A_95 = arith.addi %mul3A_63, %add3A_94 : i32
    %dma_start3A_96 = arith.constant 0 : i32
    %dma_start3A_97 = tpu.memref_slice %arg26[%add3A_95, %dma_start3A_96] : memref<10000x128xf32, #tpu.memory_space<vmem_shared>> -> memref<80x128xf32, #tpu.memory_space<vmem_shared>>
    %dma_start3A_98 = arith.constant 0 : i32
    %dma_start3A_99 = tpu.memref_slice %arg26[%add3A_95, %dma_start3A_98] : memref<10000x128xf32, #tpu.memory_space<vmem_shared>> -> memref<80x128xf32, #tpu.memory_space<vmem_shared>>
    tpu.enqueue_dma source(%arg6 : memref<80x128xf32, #tpu.memory_space<vmem>>) target(%dma_start3A_99 : memref<80x128xf32, #tpu.memory_space<vmem_shared>>) target_semaphore(%arg43 : memref<!tpu.dma_semaphore, #tpu.memory_space<semaphore_mem>>)
    %add3A_100 = arith.constant 480 : i32
    %add3A_101 = arith.addi %mul3A_63, %add3A_100 : i32
    %dma_start3A_102 = arith.constant 0 : i32
    %dma_start3A_103 = tpu.memref_slice %arg26[%add3A_101, %dma_start3A_102] : memref<10000x128xf32, #tpu.memory_space<vmem_shared>> -> memref<80x128xf32, #tpu.memory_space<vmem_shared>>
    %dma_start3A_104 = arith.constant 0 : i32
    %dma_start3A_105 = tpu.memref_slice %arg26[%add3A_101, %dma_start3A_104] : memref<10000x128xf32, #tpu.memory_space<vmem_shared>> -> memref<80x128xf32, #tpu.memory_space<vmem_shared>>
    tpu.enqueue_dma source(%arg6 : memref<80x128xf32, #tpu.memory_space<vmem>>) target(%dma_start3A_105 : memref<80x128xf32, #tpu.memory_space<vmem_shared>>) target_semaphore(%arg43 : memref<!tpu.dma_semaphore, #tpu.memory_space<semaphore_mem>>)
    %add3A_106 = arith.constant 560 : i32
    %add3A_107 = arith.addi %mul3A_63, %add3A_106 : i32
    %dma_start3A_108 = arith.constant 0 : i32
    %dma_start3A_109 = arith.constant 0 : i32
    %dma_start3A_110 = tpu.memref_slice %arg6[%dma_start3A_108, %dma_start3A_109] : memref<80x128xf32, #tpu.memory_space<vmem>> -> memref<64x128xf32, #tpu.memory_space<vmem>>
    %dma_start3A_111 = arith.constant 0 : i32
    %dma_start3A_112 = tpu.memref_slice %arg26[%add3A_107, %dma_start3A_111] : memref<10000x128xf32, #tpu.memory_space<vmem_shared>> -> memref<64x128xf32, #tpu.memory_space<vmem_shared>>
    %dma_start3A_113 = arith.constant 0 : i32
    %dma_start3A_114 = tpu.memref_slice %arg26[%add3A_107, %dma_start3A_113] : memref<10000x128xf32, #tpu.memory_space<vmem_shared>> -> memref<64x128xf32, #tpu.memory_space<vmem_shared>>
    %dma_start3A_115 = arith.constant 0 : i32
    %dma_start3A_116 = arith.constant 0 : i32
    %dma_start3A_117 = tpu.memref_slice %arg6[%dma_start3A_115, %dma_start3A_116] : memref<80x128xf32, #tpu.memory_space<vmem>> -> memref<64x128xf32, #tpu.memory_space<vmem>>
    tpu.enqueue_dma source(%dma_start3A_117 : memref<64x128xf32, #tpu.memory_space<vmem>>) target(%dma_start3A_114 : memref<64x128xf32, #tpu.memory_space<vmem_shared>>) target_semaphore(%arg43 : memref<!tpu.dma_semaphore, #tpu.memory_space<semaphore_mem>>)
    %eq3A = arith.constant 15 : i32
    %eq3A_118 = arith.cmpi eq, %arg1, %eq3A : i32
    %convert_element_type3A = arith.extui %eq3A_118 : i1 to i32
    %cond3A = arith.constant 0 : i32
    %cond3A_119 = arith.cmpi ne, %convert_element_type3A, %cond3A : i32
    scf.if %cond3A_119 {
      %dma_start3A_326 = arith.constant 0 : i32
      %dma_start3A_327 = arith.constant 0 : i32
      %dma_start3A_328 = tpu.memref_slice %arg6[%dma_start3A_326, %dma_start3A_327] : memref<80x128xf32, #tpu.memory_space<vmem>> -> memref<16x128xf32, #tpu.memory_space<vmem>>
      %dma_start3A_329 = arith.constant 9984 : i32
      %dma_start3A_330 = arith.constant 0 : i32
      %dma_start3A_331 = tpu.memref_slice %arg26[%dma_start3A_329, %dma_start3A_330] : memref<10000x128xf32, #tpu.memory_space<vmem_shared>> -> memref<16x128xf32, #tpu.memory_space<vmem_shared>>
      %dma_start3A_332 = arith.constant 9984 : i32
      %dma_start3A_333 = arith.constant 0 : i32
      %dma_start3A_334 = tpu.memref_slice %arg26[%dma_start3A_332, %dma_start3A_333] : memref<10000x128xf32, #tpu.memory_space<vmem_shared>> -> memref<16x128xf32, #tpu.memory_space<vmem_shared>>
      %dma_start3A_335 = arith.constant 0 : i32
      %dma_start3A_336 = arith.constant 0 : i32
      %dma_start3A_337 = tpu.memref_slice %arg6[%dma_start3A_335, %dma_start3A_336] : memref<80x128xf32, #tpu.memory_space<vmem>> -> memref<16x128xf32, #tpu.memory_space<vmem>>
      tpu.enqueue_dma source(%dma_start3A_337 : memref<16x128xf32, #tpu.memory_space<vmem>>) target(%dma_start3A_334 : memref<16x128xf32, #tpu.memory_space<vmem_shared>>) target_semaphore(%arg43 : memref<!tpu.dma_semaphore, #tpu.memory_space<semaphore_mem>>)
    } else {
    }
    %dma_wait3A = arith.constant 0 : i32
    %dma_wait3A_120 = arith.constant 0 : i32
    %dma_wait3A_121 = tpu.memref_slice %arg26[%dma_wait3A, %dma_wait3A_120] : memref<10000x128xf32, #tpu.memory_space<vmem_shared>> -> memref<80x128xf32, #tpu.memory_space<vmem_shared>>
    %dma_wait3A_122 = arith.constant 0 : i32
    %dma_wait3A_123 = arith.constant 0 : i32
    %dma_wait3A_124 = tpu.memref_slice %arg26[%dma_wait3A_122, %dma_wait3A_123] : memref<10000x128xf32, #tpu.memory_space<vmem_shared>> -> memref<80x128xf32, #tpu.memory_space<vmem_shared>>
    tpu.wait_dma2 semaphore(%arg43 : memref<!tpu.dma_semaphore, #tpu.memory_space<semaphore_mem>>) src(%arg6 : memref<80x128xf32, #tpu.memory_space<vmem>>) dst(%dma_wait3A_124 : memref<80x128xf32, #tpu.memory_space<vmem_shared>>)
    %dma_wait3A_125 = arith.constant 0 : i32
    %dma_wait3A_126 = arith.constant 0 : i32
    %dma_wait3A_127 = tpu.memref_slice %arg26[%dma_wait3A_125, %dma_wait3A_126] : memref<10000x128xf32, #tpu.memory_space<vmem_shared>> -> memref<80x128xf32, #tpu.memory_space<vmem_shared>>
    %dma_wait3A_128 = arith.constant 0 : i32
    %dma_wait3A_129 = arith.constant 0 : i32
    %dma_wait3A_130 = tpu.memref_slice %arg26[%dma_wait3A_128, %dma_wait3A_129] : memref<10000x128xf32, #tpu.memory_space<vmem_shared>> -> memref<80x128xf32, #tpu.memory_space<vmem_shared>>
    tpu.wait_dma2 semaphore(%arg43 : memref<!tpu.dma_semaphore, #tpu.memory_space<semaphore_mem>>) src(%arg6 : memref<80x128xf32, #tpu.memory_space<vmem>>) dst(%dma_wait3A_130 : memref<80x128xf32, #tpu.memory_space<vmem_shared>>)
    %dma_wait3A_131 = arith.constant 0 : i32
    %dma_wait3A_132 = arith.constant 0 : i32
    %dma_wait3A_133 = tpu.memref_slice %arg26[%dma_wait3A_131, %dma_wait3A_132] : memref<10000x128xf32, #tpu.memory_space<vmem_shared>> -> memref<80x128xf32, #tpu.memory_space<vmem_shared>>
    %dma_wait3A_134 = arith.constant 0 : i32
    %dma_wait3A_135 = arith.constant 0 : i32
    %dma_wait3A_136 = tpu.memref_slice %arg26[%dma_wait3A_134, %dma_wait3A_135] : memref<10000x128xf32, #tpu.memory_space<vmem_shared>> -> memref<80x128xf32, #tpu.memory_space<vmem_shared>>
    tpu.wait_dma2 semaphore(%arg43 : memref<!tpu.dma_semaphore, #tpu.memory_space<semaphore_mem>>) src(%arg6 : memref<80x128xf32, #tpu.memory_space<vmem>>) dst(%dma_wait3A_136 : memref<80x128xf32, #tpu.memory_space<vmem_shared>>)
    %dma_wait3A_137 = arith.constant 0 : i32
    %dma_wait3A_138 = arith.constant 0 : i32
    %dma_wait3A_139 = tpu.memref_slice %arg26[%dma_wait3A_137, %dma_wait3A_138] : memref<10000x128xf32, #tpu.memory_space<vmem_shared>> -> memref<80x128xf32, #tpu.memory_space<vmem_shared>>
    %dma_wait3A_140 = arith.constant 0 : i32
    %dma_wait3A_141 = arith.constant 0 : i32
    %dma_wait3A_142 = tpu.memref_slice %arg26[%dma_wait3A_140, %dma_wait3A_141] : memref<10000x128xf32, #tpu.memory_space<vmem_shared>> -> memref<80x128xf32, #tpu.memory_space<vmem_shared>>
    tpu.wait_dma2 semaphore(%arg43 : memref<!tpu.dma_semaphore, #tpu.memory_space<semaphore_mem>>) src(%arg6 : memref<80x128xf32, #tpu.memory_space<vmem>>) dst(%dma_wait3A_142 : memref<80x128xf32, #tpu.memory_space<vmem_shared>>)
    %dma_wait3A_143 = arith.constant 0 : i32
    %dma_wait3A_144 = arith.constant 0 : i32
    %dma_wait3A_145 = tpu.memref_slice %arg26[%dma_wait3A_143, %dma_wait3A_144] : memref<10000x128xf32, #tpu.memory_space<vmem_shared>> -> memref<80x128xf32, #tpu.memory_space<vmem_shared>>
    %dma_wait3A_146 = arith.constant 0 : i32
    %dma_wait3A_147 = arith.constant 0 : i32
    %dma_wait3A_148 = tpu.memref_slice %arg26[%dma_wait3A_146, %dma_wait3A_147] : memref<10000x128xf32, #tpu.memory_space<vmem_shared>> -> memref<80x128xf32, #tpu.memory_space<vmem_shared>>
    tpu.wait_dma2 semaphore(%arg43 : memref<!tpu.dma_semaphore, #tpu.memory_space<semaphore_mem>>) src(%arg6 : memref<80x128xf32, #tpu.memory_space<vmem>>) dst(%dma_wait3A_148 : memref<80x128xf32, #tpu.memory_space<vmem_shared>>)
    %dma_wait3A_149 = arith.constant 0 : i32
    %dma_wait3A_150 = arith.constant 0 : i32
    %dma_wait3A_151 = tpu.memref_slice %arg26[%dma_wait3A_149, %dma_wait3A_150] : memref<10000x128xf32, #tpu.memory_space<vmem_shared>> -> memref<80x128xf32, #tpu.memory_space<vmem_shared>>
    %dma_wait3A_152 = arith.constant 0 : i32
    %dma_wait3A_153 = arith.constant 0 : i32
    %dma_wait3A_154 = tpu.memref_slice %arg26[%dma_wait3A_152, %dma_wait3A_153] : memref<10000x128xf32, #tpu.memory_space<vmem_shared>> -> memref<80x128xf32, #tpu.memory_space<vmem_shared>>
    tpu.wait_dma2 semaphore(%arg43 : memref<!tpu.dma_semaphore, #tpu.memory_space<semaphore_mem>>) src(%arg6 : memref<80x128xf32, #tpu.memory_space<vmem>>) dst(%dma_wait3A_154 : memref<80x128xf32, #tpu.memory_space<vmem_shared>>)
    %dma_wait3A_155 = arith.constant 0 : i32
    %dma_wait3A_156 = arith.constant 0 : i32
    %dma_wait3A_157 = tpu.memref_slice %arg26[%dma_wait3A_155, %dma_wait3A_156] : memref<10000x128xf32, #tpu.memory_space<vmem_shared>> -> memref<80x128xf32, #tpu.memory_space<vmem_shared>>
    %dma_wait3A_158 = arith.constant 0 : i32
    %dma_wait3A_159 = arith.constant 0 : i32
    %dma_wait3A_160 = tpu.memref_slice %arg26[%dma_wait3A_158, %dma_wait3A_159] : memref<10000x128xf32, #tpu.memory_space<vmem_shared>> -> memref<80x128xf32, #tpu.memory_space<vmem_shared>>
    tpu.wait_dma2 semaphore(%arg43 : memref<!tpu.dma_semaphore, #tpu.memory_space<semaphore_mem>>) src(%arg6 : memref<80x128xf32, #tpu.memory_space<vmem>>) dst(%dma_wait3A_160 : memref<80x128xf32, #tpu.memory_space<vmem_shared>>)
    %dma_wait3A_161 = arith.constant 0 : i32
    %dma_wait3A_162 = arith.constant 0 : i32
    %dma_wait3A_163 = tpu.memref_slice %arg6[%dma_wait3A_161, %dma_wait3A_162] : memref<80x128xf32, #tpu.memory_space<vmem>> -> memref<64x128xf32, #tpu.memory_space<vmem>>
    %dma_wait3A_164 = arith.constant 0 : i32
    %dma_wait3A_165 = arith.constant 0 : i32
    %dma_wait3A_166 = tpu.memref_slice %arg26[%dma_wait3A_164, %dma_wait3A_165] : memref<10000x128xf32, #tpu.memory_space<vmem_shared>> -> memref<64x128xf32, #tpu.memory_space<vmem_shared>>
    %dma_wait3A_167 = arith.constant 0 : i32
    %dma_wait3A_168 = arith.constant 0 : i32
    %dma_wait3A_169 = tpu.memref_slice %arg26[%dma_wait3A_167, %dma_wait3A_168] : memref<10000x128xf32, #tpu.memory_space<vmem_shared>> -> memref<64x128xf32, #tpu.memory_space<vmem_shared>>
    %dma_wait3A_170 = arith.constant 0 : i32
    %dma_wait3A_171 = arith.constant 0 : i32
    %dma_wait3A_172 = tpu.memref_slice %arg6[%dma_wait3A_170, %dma_wait3A_171] : memref<80x128xf32, #tpu.memory_space<vmem>> -> memref<64x128xf32, #tpu.memory_space<vmem>>
    tpu.wait_dma2 semaphore(%arg43 : memref<!tpu.dma_semaphore, #tpu.memory_space<semaphore_mem>>) src(%dma_wait3A_172 : memref<64x128xf32, #tpu.memory_space<vmem>>) dst(%dma_wait3A_169 : memref<64x128xf32, #tpu.memory_space<vmem_shared>>)
    %eq3A_173 = arith.constant 15 : i32
    %eq3A_174 = arith.cmpi eq, %arg1, %eq3A_173 : i32
    %convert_element_type3A_175 = arith.extui %eq3A_174 : i1 to i32
    %cond3A_176 = arith.constant 0 : i32
    %cond3A_177 = arith.cmpi ne, %convert_element_type3A_175, %cond3A_176 : i32
    scf.if %cond3A_177 {
      %dma_wait3A_326 = arith.constant 0 : i32
      %dma_wait3A_327 = arith.constant 0 : i32
      %dma_wait3A_328 = tpu.memref_slice %arg6[%dma_wait3A_326, %dma_wait3A_327] : memref<80x128xf32, #tpu.memory_space<vmem>> -> memref<16x128xf32, #tpu.memory_space<vmem>>
      %dma_wait3A_329 = arith.constant 0 : i32
      %dma_wait3A_330 = arith.constant 0 : i32
      %dma_wait3A_331 = tpu.memref_slice %arg26[%dma_wait3A_329, %dma_wait3A_330] : memref<10000x128xf32, #tpu.memory_space<vmem_shared>> -> memref<16x128xf32, #tpu.memory_space<vmem_shared>>
      %dma_wait3A_332 = arith.constant 0 : i32
      %dma_wait3A_333 = arith.constant 0 : i32
      %dma_wait3A_334 = tpu.memref_slice %arg26[%dma_wait3A_332, %dma_wait3A_333] : memref<10000x128xf32, #tpu.memory_space<vmem_shared>> -> memref<16x128xf32, #tpu.memory_space<vmem_shared>>
      %dma_wait3A_335 = arith.constant 0 : i32
      %dma_wait3A_336 = arith.constant 0 : i32
      %dma_wait3A_337 = tpu.memref_slice %arg6[%dma_wait3A_335, %dma_wait3A_336] : memref<80x128xf32, #tpu.memory_space<vmem>> -> memref<16x128xf32, #tpu.memory_space<vmem>>
      tpu.wait_dma2 semaphore(%arg43 : memref<!tpu.dma_semaphore, #tpu.memory_space<semaphore_mem>>) src(%dma_wait3A_337 : memref<16x128xf32, #tpu.memory_space<vmem>>) dst(%dma_wait3A_334 : memref<16x128xf32, #tpu.memory_space<vmem_shared>>)
    } else {
    }
    %dma_wait3A_178 = arith.constant 0 : i32
    %dma_wait3A_179 = tpu.memref_slice %arg3[%dma_wait3A_178] : memref<320000xi32, #tpu.memory_space<hbm>> -> memref<80xi32, #tpu.memory_space<hbm>>
    %dma_wait3A_180 = arith.constant 0 : i32
    %dma_wait3A_181 = tpu.memref_slice %arg3[%dma_wait3A_180] : memref<320000xi32, #tpu.memory_space<hbm>> -> memref<80xi32, #tpu.memory_space<hbm>>
    tpu.wait_dma2 semaphore(%arg31 : memref<!tpu.dma_semaphore, #tpu.memory_space<semaphore_mem>>) src(%dma_wait3A_181 : memref<80xi32, #tpu.memory_space<hbm>>) dst(%arg10 : memref<80xi32, #tpu.memory_space<vmem>>)
    %dma_wait3A_182 = arith.constant 0 : i32
    %dma_wait3A_183 = tpu.memref_slice %arg4[%dma_wait3A_182] : memref<320000xi32, #tpu.memory_space<hbm>> -> memref<80xi32, #tpu.memory_space<hbm>>
    %dma_wait3A_184 = arith.constant 0 : i32
    %dma_wait3A_185 = tpu.memref_slice %arg4[%dma_wait3A_184] : memref<320000xi32, #tpu.memory_space<hbm>> -> memref<80xi32, #tpu.memory_space<hbm>>
    tpu.wait_dma2 semaphore(%arg31 : memref<!tpu.dma_semaphore, #tpu.memory_space<semaphore_mem>>) src(%dma_wait3A_185 : memref<80xi32, #tpu.memory_space<hbm>>) dst(%arg18 : memref<80xi32, #tpu.memory_space<vmem>>)
    %dma_start3A_186 = arith.constant 0 : i32
    %dma_start3A_187 = arith.constant 0 : i32
    %dma_start3A_188 = tpu.memref_slice %arg2[%dma_start3A_186, %dma_start3A_187] : memref<10000x128xf32, #tpu.memory_space<hbm>> -> memref<10000x128xf32, #tpu.memory_space<hbm>>
    tpu.enqueue_indirect_dma source(%dma_start3A_188 : memref<10000x128xf32, #tpu.memory_space<hbm>>) target(%arg6 : memref<80x128xf32, #tpu.memory_space<vmem>>) offsets(%arg10 : memref<80xi32, #tpu.memory_space<vmem>>) semaphore(%arg27 : memref<!tpu.dma_semaphore, #tpu.memory_space<semaphore_mem>>)
    %dma_wait3A_189 = arith.constant 0 : i32
    %dma_wait3A_190 = tpu.memref_slice %arg3[%dma_wait3A_189] : memref<320000xi32, #tpu.memory_space<hbm>> -> memref<80xi32, #tpu.memory_space<hbm>>
    %dma_wait3A_191 = arith.constant 0 : i32
    %dma_wait3A_192 = tpu.memref_slice %arg3[%dma_wait3A_191] : memref<320000xi32, #tpu.memory_space<hbm>> -> memref<80xi32, #tpu.memory_space<hbm>>
    tpu.wait_dma2 semaphore(%arg32 : memref<!tpu.dma_semaphore, #tpu.memory_space<semaphore_mem>>) src(%dma_wait3A_192 : memref<80xi32, #tpu.memory_space<hbm>>) dst(%arg11 : memref<80xi32, #tpu.memory_space<vmem>>)
    %dma_wait3A_193 = arith.constant 0 : i32
    %dma_wait3A_194 = tpu.memref_slice %arg4[%dma_wait3A_193] : memref<320000xi32, #tpu.memory_space<hbm>> -> memref<80xi32, #tpu.memory_space<hbm>>
    %dma_wait3A_195 = arith.constant 0 : i32
    %dma_wait3A_196 = tpu.memref_slice %arg4[%dma_wait3A_195] : memref<320000xi32, #tpu.memory_space<hbm>> -> memref<80xi32, #tpu.memory_space<hbm>>
    tpu.wait_dma2 semaphore(%arg32 : memref<!tpu.dma_semaphore, #tpu.memory_space<semaphore_mem>>) src(%dma_wait3A_196 : memref<80xi32, #tpu.memory_space<hbm>>) dst(%arg19 : memref<80xi32, #tpu.memory_space<vmem>>)
    %dma_start3A_197 = arith.constant 0 : i32
    %dma_start3A_198 = arith.constant 0 : i32
    %dma_start3A_199 = tpu.memref_slice %arg2[%dma_start3A_197, %dma_start3A_198] : memref<10000x128xf32, #tpu.memory_space<hbm>> -> memref<10000x128xf32, #tpu.memory_space<hbm>>
    tpu.enqueue_indirect_dma source(%dma_start3A_199 : memref<10000x128xf32, #tpu.memory_space<hbm>>) target(%arg7 : memref<80x128xf32, #tpu.memory_space<vmem>>) offsets(%arg11 : memref<80xi32, #tpu.memory_space<vmem>>) semaphore(%arg28 : memref<!tpu.dma_semaphore, #tpu.memory_space<semaphore_mem>>)
    %dma_wait3A_200 = arith.constant 0 : i32
    %dma_wait3A_201 = tpu.memref_slice %arg3[%dma_wait3A_200] : memref<320000xi32, #tpu.memory_space<hbm>> -> memref<80xi32, #tpu.memory_space<hbm>>
    %dma_wait3A_202 = arith.constant 0 : i32
    %dma_wait3A_203 = tpu.memref_slice %arg3[%dma_wait3A_202] : memref<320000xi32, #tpu.memory_space<hbm>> -> memref<80xi32, #tpu.memory_space<hbm>>
    tpu.wait_dma2 semaphore(%arg33 : memref<!tpu.dma_semaphore, #tpu.memory_space<semaphore_mem>>) src(%dma_wait3A_203 : memref<80xi32, #tpu.memory_space<hbm>>) dst(%arg12 : memref<80xi32, #tpu.memory_space<vmem>>)
    %dma_wait3A_204 = arith.constant 0 : i32
    %dma_wait3A_205 = tpu.memref_slice %arg4[%dma_wait3A_204] : memref<320000xi32, #tpu.memory_space<hbm>> -> memref<80xi32, #tpu.memory_space<hbm>>
    %dma_wait3A_206 = arith.constant 0 : i32
    %dma_wait3A_207 = tpu.memref_slice %arg4[%dma_wait3A_206] : memref<320000xi32, #tpu.memory_space<hbm>> -> memref<80xi32, #tpu.memory_space<hbm>>
    tpu.wait_dma2 semaphore(%arg33 : memref<!tpu.dma_semaphore, #tpu.memory_space<semaphore_mem>>) src(%dma_wait3A_207 : memref<80xi32, #tpu.memory_space<hbm>>) dst(%arg20 : memref<80xi32, #tpu.memory_space<vmem>>)
    %dma_start3A_208 = arith.constant 0 : i32
    %dma_start3A_209 = arith.constant 0 : i32
    %dma_start3A_210 = tpu.memref_slice %arg2[%dma_start3A_208, %dma_start3A_209] : memref<10000x128xf32, #tpu.memory_space<hbm>> -> memref<10000x128xf32, #tpu.memory_space<hbm>>
    tpu.enqueue_indirect_dma source(%dma_start3A_210 : memref<10000x128xf32, #tpu.memory_space<hbm>>) target(%arg8 : memref<80x128xf32, #tpu.memory_space<vmem>>) offsets(%arg12 : memref<80xi32, #tpu.memory_space<vmem>>) semaphore(%arg29 : memref<!tpu.dma_semaphore, #tpu.memory_space<semaphore_mem>>)
    %barrier3A = arith.constant 0 : index
    tpu.barrier barrier_id(%barrier3A)
    %scan3A_211 = arith.constant 0 : i32
    %scan3A_212 = arith.constant 0 : i32
    %scan3A_213 = arith.constant 15 : i32
    %scan3A_214 = arith.addi %scan3A_212, %scan3A_213 : i32
    %scan3A_215 = arith.constant 1 : i32
    scf.for %scan3A_326 = %scan3A_212 to %scan3A_214 step %scan3A_215  : i32 {
      %mul3A_327 = arith.constant 8 : i32
      %mul3A_328 = arith.muli %scan3A_326, %mul3A_327 : i32
      %add3A_329 = arith.constant 0 : i32
      %add3A_330 = arith.addi %mul3A_328, %add3A_329 : i32
      %ge3A = arith.constant 1 : i32
      %ge3A_331 = arith.cmpi sge, %add3A_330, %ge3A : i32
      %convert_element_type3A_332 = arith.extui %ge3A_331 : i1 to i32
      %cond3A_333 = arith.constant 0 : i32
      %cond3A_334 = arith.cmpi ne, %convert_element_type3A_332, %cond3A_333 : i32
      scf.if %cond3A_334 {
        %dma_wait3A_605 = arith.constant 0 : i32
        %dma_wait3A_606 = arith.constant 0 : i32
        %dma_wait3A_607 = tpu.memref_slice %arg26[%dma_wait3A_605, %dma_wait3A_606] : memref<10000x128xf32, #tpu.memory_space<vmem_shared>> -> memref<80x128xf32, #tpu.memory_space<vmem_shared>>
        %dma_wait3A_608 = arith.constant 0 : i32
        %dma_wait3A_609 = arith.constant 0 : i32
        %dma_wait3A_610 = tpu.memref_slice %arg26[%dma_wait3A_608, %dma_wait3A_609] : memref<10000x128xf32, #tpu.memory_space<vmem_shared>> -> memref<80x128xf32, #tpu.memory_space<vmem_shared>>
        tpu.wait_dma2 semaphore(%arg42 : memref<!tpu.dma_semaphore, #tpu.memory_space<semaphore_mem>>) src(%arg9 : memref<80x128xf32, #tpu.memory_space<vmem>>) dst(%dma_wait3A_610 : memref<80x128xf32, #tpu.memory_space<vmem_shared>>)
      } else {
      }
      %add3A_335 = arith.constant 3 : i32
      %add3A_336 = arith.addi %add3A_330, %add3A_335 : i32
      %lt3A = arith.constant 125 : i32
      %lt3A_337 = arith.cmpi slt, %add3A_336, %lt3A : i32
      %convert_element_type3A_338 = arith.extui %lt3A_337 : i1 to i32
      %cond3A_339 = arith.constant 0 : i32
      %cond3A_340 = arith.cmpi ne, %convert_element_type3A_338, %cond3A_339 : i32
      scf.if %cond3A_340 {
        %dma_wait3A_605 = arith.constant 0 : i32
        %dma_wait3A_606 = tpu.memref_slice %arg3[%dma_wait3A_605] : memref<320000xi32, #tpu.memory_space<hbm>> -> memref<80xi32, #tpu.memory_space<hbm>>
        %dma_wait3A_607 = arith.constant 0 : i32
        %dma_wait3A_608 = tpu.memref_slice %arg3[%dma_wait3A_607] : memref<320000xi32, #tpu.memory_space<hbm>> -> memref<80xi32, #tpu.memory_space<hbm>>
        tpu.wait_dma2 semaphore(%arg34 : memref<!tpu.dma_semaphore, #tpu.memory_space<semaphore_mem>>) src(%dma_wait3A_608 : memref<80xi32, #tpu.memory_space<hbm>>) dst(%arg13 : memref<80xi32, #tpu.memory_space<vmem>>)
        %dma_wait3A_609 = arith.constant 0 : i32
        %dma_wait3A_610 = tpu.memref_slice %arg4[%dma_wait3A_609] : memref<320000xi32, #tpu.memory_space<hbm>> -> memref<80xi32, #tpu.memory_space<hbm>>
        %dma_wait3A_611 = arith.constant 0 : i32
        %dma_wait3A_612 = tpu.memref_slice %arg4[%dma_wait3A_611] : memref<320000xi32, #tpu.memory_space<hbm>> -> memref<80xi32, #tpu.memory_space<hbm>>
        tpu.wait_dma2 semaphore(%arg34 : memref<!tpu.dma_semaphore, #tpu.memory_space<semaphore_mem>>) src(%dma_wait3A_612 : memref<80xi32, #tpu.memory_space<hbm>>) dst(%arg21 : memref<80xi32, #tpu.memory_space<vmem>>)
        %dma_start3A_613 = arith.constant 0 : i32
        %dma_start3A_614 = arith.constant 0 : i32
        %dma_start3A_615 = tpu.memref_slice %arg2[%dma_start3A_613, %dma_start3A_614] : memref<10000x128xf32, #tpu.memory_space<hbm>> -> memref<10000x128xf32, #tpu.memory_space<hbm>>
        tpu.enqueue_indirect_dma source(%dma_start3A_615 : memref<10000x128xf32, #tpu.memory_space<hbm>>) target(%arg9 : memref<80x128xf32, #tpu.memory_space<vmem>>) offsets(%arg13 : memref<80xi32, #tpu.memory_space<vmem>>) semaphore(%arg30 : memref<!tpu.dma_semaphore, #tpu.memory_space<semaphore_mem>>)
      } else {
      }
      %dma_wait3A_341 = arith.constant 0 : i32
      %dma_wait3A_342 = arith.constant 0 : i32
      %dma_wait3A_343 = tpu.memref_slice %arg2[%dma_wait3A_341, %dma_wait3A_342] : memref<10000x128xf32, #tpu.memory_space<hbm>> -> memref<80x128xf32, #tpu.memory_space<hbm>>
      %dma_wait3A_344 = arith.constant 0 : i32
      %dma_wait3A_345 = arith.constant 0 : i32
      %dma_wait3A_346 = tpu.memref_slice %arg2[%dma_wait3A_344, %dma_wait3A_345] : memref<10000x128xf32, #tpu.memory_space<hbm>> -> memref<80x128xf32, #tpu.memory_space<hbm>>
      tpu.wait_dma2 semaphore(%arg27 : memref<!tpu.dma_semaphore, #tpu.memory_space<semaphore_mem>>) src(%dma_wait3A_346 : memref<80x128xf32, #tpu.memory_space<hbm>>) dst(%arg6 : memref<80x128xf32, #tpu.memory_space<vmem>>)
      %dma_start3A_347 = arith.constant 0 : i32
      %dma_start3A_348 = arith.constant 0 : i32
      %dma_start3A_349 = tpu.memref_slice %arg26[%dma_start3A_347, %dma_start3A_348] : memref<10000x128xf32, #tpu.memory_space<vmem_shared>> -> memref<10000x128xf32, #tpu.memory_space<vmem_shared>>
      tpu.enqueue_indirect_dma source(%arg6 : memref<80x128xf32, #tpu.memory_space<vmem>>) target(%dma_start3A_349 : memref<10000x128xf32, #tpu.memory_space<vmem_shared>>) offsets(%arg18 : memref<80xi32, #tpu.memory_space<vmem>>) semaphore(%arg39 : memref<!tpu.dma_semaphore, #tpu.memory_space<semaphore_mem>>) {add = true}
      %ge3A_350 = arith.constant 1 : i32
      %ge3A_351 = arith.cmpi sge, %add3A_330, %ge3A_350 : i32
      %add3A_352 = arith.constant 8 : i32
      %add3A_353 = arith.addi %add3A_330, %add3A_352 : i32
      %sub3A = arith.constant 1 : i32
      %sub3A_354 = arith.subi %add3A_353, %sub3A : i32
      %lt3A_355 = arith.constant 125 : i32
      %lt3A_356 = arith.cmpi slt, %sub3A_354, %lt3A_355 : i32
      %and3A = arith.andi %ge3A_351, %lt3A_356 : i1
      %convert_element_type3A_357 = arith.extui %and3A : i1 to i32
      %cond3A_358 = arith.constant 0 : i32
      %cond3A_359 = arith.cmpi ne, %convert_element_type3A_357, %cond3A_358 : i32
      scf.if %cond3A_359 {
        %sub3A_605 = arith.constant 1 : i32
        %sub3A_606 = arith.subi %add3A_330, %sub3A_605 : i32
        %add3A_607 = arith.constant 8 : i32
        %add3A_608 = arith.addi %sub3A_606, %add3A_607 : i32
        %mul3A_609 = arith.constant 80 : i32
        %mul3A_610 = arith.muli %add3A_608, %mul3A_609 : i32
        %add3A_611 = arith.addi %mul3A_2, %mul3A_610 : i32
        %multiple_of3A_612 = tpu.assume_multiple %add3A_611, 8 : i32
        %dma_start3A_613 = tpu.memref_slice %arg3[%multiple_of3A_612] : memref<320000xi32, #tpu.memory_space<hbm>> -> memref<80xi32, #tpu.memory_space<hbm>>
        %dma_start3A_614 = tpu.memref_slice %arg3[%multiple_of3A_612] : memref<320000xi32, #tpu.memory_space<hbm>> -> memref<80xi32, #tpu.memory_space<hbm>>
        tpu.enqueue_dma source(%dma_start3A_614 : memref<80xi32, #tpu.memory_space<hbm>>) target(%arg17 : memref<80xi32, #tpu.memory_space<vmem>>) target_semaphore(%arg38 : memref<!tpu.dma_semaphore, #tpu.memory_space<semaphore_mem>>)
        %dma_start3A_615 = tpu.memref_slice %arg4[%multiple_of3A_612] : memref<320000xi32, #tpu.memory_space<hbm>> -> memref<80xi32, #tpu.memory_space<hbm>>
        %dma_start3A_616 = tpu.memref_slice %arg4[%multiple_of3A_612] : memref<320000xi32, #tpu.memory_space<hbm>> -> memref<80xi32, #tpu.memory_space<hbm>>
        tpu.enqueue_dma source(%dma_start3A_616 : memref<80xi32, #tpu.memory_space<hbm>>) target(%arg25 : memref<80xi32, #tpu.memory_space<vmem>>) target_semaphore(%arg38 : memref<!tpu.dma_semaphore, #tpu.memory_space<semaphore_mem>>)
      } else {
      }
      %add3A_360 = arith.constant 1 : i32
      %add3A_361 = arith.addi %mul3A_328, %add3A_360 : i32
      %ge3A_362 = arith.constant 1 : i32
      %ge3A_363 = arith.cmpi sge, %add3A_361, %ge3A_362 : i32
      %convert_element_type3A_364 = arith.extui %ge3A_363 : i1 to i32
      %cond3A_365 = arith.constant 0 : i32
      %cond3A_366 = arith.cmpi ne, %convert_element_type3A_364, %cond3A_365 : i32
      scf.if %cond3A_366 {
        %dma_wait3A_605 = arith.constant 0 : i32
        %dma_wait3A_606 = arith.constant 0 : i32
        %dma_wait3A_607 = tpu.memref_slice %arg26[%dma_wait3A_605, %dma_wait3A_606] : memref<10000x128xf32, #tpu.memory_space<vmem_shared>> -> memref<80x128xf32, #tpu.memory_space<vmem_shared>>
        %dma_wait3A_608 = arith.constant 0 : i32
        %dma_wait3A_609 = arith.constant 0 : i32
        %dma_wait3A_610 = tpu.memref_slice %arg26[%dma_wait3A_608, %dma_wait3A_609] : memref<10000x128xf32, #tpu.memory_space<vmem_shared>> -> memref<80x128xf32, #tpu.memory_space<vmem_shared>>
        tpu.wait_dma2 semaphore(%arg39 : memref<!tpu.dma_semaphore, #tpu.memory_space<semaphore_mem>>) src(%arg6 : memref<80x128xf32, #tpu.memory_space<vmem>>) dst(%dma_wait3A_610 : memref<80x128xf32, #tpu.memory_space<vmem_shared>>)
      } else {
      }
      %add3A_367 = arith.constant 3 : i32
      %add3A_368 = arith.addi %add3A_361, %add3A_367 : i32
      %lt3A_369 = arith.constant 125 : i32
      %lt3A_370 = arith.cmpi slt, %add3A_368, %lt3A_369 : i32
      %convert_element_type3A_371 = arith.extui %lt3A_370 : i1 to i32
      %cond3A_372 = arith.constant 0 : i32
      %cond3A_373 = arith.cmpi ne, %convert_element_type3A_371, %cond3A_372 : i32
      scf.if %cond3A_373 {
        %dma_wait3A_605 = arith.constant 0 : i32
        %dma_wait3A_606 = tpu.memref_slice %arg3[%dma_wait3A_605] : memref<320000xi32, #tpu.memory_space<hbm>> -> memref<80xi32, #tpu.memory_space<hbm>>
        %dma_wait3A_607 = arith.constant 0 : i32
        %dma_wait3A_608 = tpu.memref_slice %arg3[%dma_wait3A_607] : memref<320000xi32, #tpu.memory_space<hbm>> -> memref<80xi32, #tpu.memory_space<hbm>>
        tpu.wait_dma2 semaphore(%arg35 : memref<!tpu.dma_semaphore, #tpu.memory_space<semaphore_mem>>) src(%dma_wait3A_608 : memref<80xi32, #tpu.memory_space<hbm>>) dst(%arg14 : memref<80xi32, #tpu.memory_space<vmem>>)
        %dma_wait3A_609 = arith.constant 0 : i32
        %dma_wait3A_610 = tpu.memref_slice %arg4[%dma_wait3A_609] : memref<320000xi32, #tpu.memory_space<hbm>> -> memref<80xi32, #tpu.memory_space<hbm>>
        %dma_wait3A_611 = arith.constant 0 : i32
        %dma_wait3A_612 = tpu.memref_slice %arg4[%dma_wait3A_611] : memref<320000xi32, #tpu.memory_space<hbm>> -> memref<80xi32, #tpu.memory_space<hbm>>
        tpu.wait_dma2 semaphore(%arg35 : memref<!tpu.dma_semaphore, #tpu.memory_space<semaphore_mem>>) src(%dma_wait3A_612 : memref<80xi32, #tpu.memory_space<hbm>>) dst(%arg22 : memref<80xi32, #tpu.memory_space<vmem>>)
        %dma_start3A_613 = arith.constant 0 : i32
        %dma_start3A_614 = arith.constant 0 : i32
        %dma_start3A_615 = tpu.memref_slice %arg2[%dma_start3A_613, %dma_start3A_614] : memref<10000x128xf32, #tpu.memory_space<hbm>> -> memref<10000x128xf32, #tpu.memory_space<hbm>>
        tpu.enqueue_indirect_dma source(%dma_start3A_615 : memref<10000x128xf32, #tpu.memory_space<hbm>>) target(%arg6 : memref<80x128xf32, #tpu.memory_space<vmem>>) offsets(%arg14 : memref<80xi32, #tpu.memory_space<vmem>>) semaphore(%arg27 : memref<!tpu.dma_semaphore, #tpu.memory_space<semaphore_mem>>)
      } else {
      }
      %dma_wait3A_374 = arith.constant 0 : i32
      %dma_wait3A_375 = arith.constant 0 : i32
      %dma_wait3A_376 = tpu.memref_slice %arg2[%dma_wait3A_374, %dma_wait3A_375] : memref<10000x128xf32, #tpu.memory_space<hbm>> -> memref<80x128xf32, #tpu.memory_space<hbm>>
      %dma_wait3A_377 = arith.constant 0 : i32
      %dma_wait3A_378 = arith.constant 0 : i32
      %dma_wait3A_379 = tpu.memref_slice %arg2[%dma_wait3A_377, %dma_wait3A_378] : memref<10000x128xf32, #tpu.memory_space<hbm>> -> memref<80x128xf32, #tpu.memory_space<hbm>>
      tpu.wait_dma2 semaphore(%arg28 : memref<!tpu.dma_semaphore, #tpu.memory_space<semaphore_mem>>) src(%dma_wait3A_379 : memref<80x128xf32, #tpu.memory_space<hbm>>) dst(%arg7 : memref<80x128xf32, #tpu.memory_space<vmem>>)
      %dma_start3A_380 = arith.constant 0 : i32
      %dma_start3A_381 = arith.constant 0 : i32
      %dma_start3A_382 = tpu.memref_slice %arg26[%dma_start3A_380, %dma_start3A_381] : memref<10000x128xf32, #tpu.memory_space<vmem_shared>> -> memref<10000x128xf32, #tpu.memory_space<vmem_shared>>
      tpu.enqueue_indirect_dma source(%arg7 : memref<80x128xf32, #tpu.memory_space<vmem>>) target(%dma_start3A_382 : memref<10000x128xf32, #tpu.memory_space<vmem_shared>>) offsets(%arg19 : memref<80xi32, #tpu.memory_space<vmem>>) semaphore(%arg40 : memref<!tpu.dma_semaphore, #tpu.memory_space<semaphore_mem>>) {add = true}
      %ge3A_383 = arith.constant 1 : i32
      %ge3A_384 = arith.cmpi sge, %add3A_361, %ge3A_383 : i32
      %add3A_385 = arith.constant 8 : i32
      %add3A_386 = arith.addi %add3A_361, %add3A_385 : i32
      %sub3A_387 = arith.constant 1 : i32
      %sub3A_388 = arith.subi %add3A_386, %sub3A_387 : i32
      %lt3A_389 = arith.constant 125 : i32
      %lt3A_390 = arith.cmpi slt, %sub3A_388, %lt3A_389 : i32
      %and3A_391 = arith.andi %ge3A_384, %lt3A_390 : i1
      %convert_element_type3A_392 = arith.extui %and3A_391 : i1 to i32
      %cond3A_393 = arith.constant 0 : i32
      %cond3A_394 = arith.cmpi ne, %convert_element_type3A_392, %cond3A_393 : i32
      scf.if %cond3A_394 {
        %sub3A_605 = arith.constant 1 : i32
        %sub3A_606 = arith.subi %add3A_361, %sub3A_605 : i32
        %add3A_607 = arith.constant 8 : i32
        %add3A_608 = arith.addi %sub3A_606, %add3A_607 : i32
        %mul3A_609 = arith.constant 80 : i32
        %mul3A_610 = arith.muli %add3A_608, %mul3A_609 : i32
        %add3A_611 = arith.addi %mul3A_2, %mul3A_610 : i32
        %multiple_of3A_612 = tpu.assume_multiple %add3A_611, 8 : i32
        %dma_start3A_613 = tpu.memref_slice %arg3[%multiple_of3A_612] : memref<320000xi32, #tpu.memory_space<hbm>> -> memref<80xi32, #tpu.memory_space<hbm>>
        %dma_start3A_614 = tpu.memref_slice %arg3[%multiple_of3A_612] : memref<320000xi32, #tpu.memory_space<hbm>> -> memref<80xi32, #tpu.memory_space<hbm>>
        tpu.enqueue_dma source(%dma_start3A_614 : memref<80xi32, #tpu.memory_space<hbm>>) target(%arg10 : memref<80xi32, #tpu.memory_space<vmem>>) target_semaphore(%arg31 : memref<!tpu.dma_semaphore, #tpu.memory_space<semaphore_mem>>)
        %dma_start3A_615 = tpu.memref_slice %arg4[%multiple_of3A_612] : memref<320000xi32, #tpu.memory_space<hbm>> -> memref<80xi32, #tpu.memory_space<hbm>>
        %dma_start3A_616 = tpu.memref_slice %arg4[%multiple_of3A_612] : memref<320000xi32, #tpu.memory_space<hbm>> -> memref<80xi32, #tpu.memory_space<hbm>>
        tpu.enqueue_dma source(%dma_start3A_616 : memref<80xi32, #tpu.memory_space<hbm>>) target(%arg18 : memref<80xi32, #tpu.memory_space<vmem>>) target_semaphore(%arg31 : memref<!tpu.dma_semaphore, #tpu.memory_space<semaphore_mem>>)
      } else {
      }
      %add3A_395 = arith.constant 2 : i32
      %add3A_396 = arith.addi %mul3A_328, %add3A_395 : i32
      %ge3A_397 = arith.constant 1 : i32
      %ge3A_398 = arith.cmpi sge, %add3A_396, %ge3A_397 : i32
      %convert_element_type3A_399 = arith.extui %ge3A_398 : i1 to i32
      %cond3A_400 = arith.constant 0 : i32
      %cond3A_401 = arith.cmpi ne, %convert_element_type3A_399, %cond3A_400 : i32
      scf.if %cond3A_401 {
        %dma_wait3A_605 = arith.constant 0 : i32
        %dma_wait3A_606 = arith.constant 0 : i32
        %dma_wait3A_607 = tpu.memref_slice %arg26[%dma_wait3A_605, %dma_wait3A_606] : memref<10000x128xf32, #tpu.memory_space<vmem_shared>> -> memref<80x128xf32, #tpu.memory_space<vmem_shared>>
        %dma_wait3A_608 = arith.constant 0 : i32
        %dma_wait3A_609 = arith.constant 0 : i32
        %dma_wait3A_610 = tpu.memref_slice %arg26[%dma_wait3A_608, %dma_wait3A_609] : memref<10000x128xf32, #tpu.memory_space<vmem_shared>> -> memref<80x128xf32, #tpu.memory_space<vmem_shared>>
        tpu.wait_dma2 semaphore(%arg40 : memref<!tpu.dma_semaphore, #tpu.memory_space<semaphore_mem>>) src(%arg7 : memref<80x128xf32, #tpu.memory_space<vmem>>) dst(%dma_wait3A_610 : memref<80x128xf32, #tpu.memory_space<vmem_shared>>)
      } else {
      }
      %add3A_402 = arith.constant 3 : i32
      %add3A_403 = arith.addi %add3A_396, %add3A_402 : i32
      %lt3A_404 = arith.constant 125 : i32
      %lt3A_405 = arith.cmpi slt, %add3A_403, %lt3A_404 : i32
      %convert_element_type3A_406 = arith.extui %lt3A_405 : i1 to i32
      %cond3A_407 = arith.constant 0 : i32
      %cond3A_408 = arith.cmpi ne, %convert_element_type3A_406, %cond3A_407 : i32
      scf.if %cond3A_408 {
        %dma_wait3A_605 = arith.constant 0 : i32
        %dma_wait3A_606 = tpu.memref_slice %arg3[%dma_wait3A_605] : memref<320000xi32, #tpu.memory_space<hbm>> -> memref<80xi32, #tpu.memory_space<hbm>>
        %dma_wait3A_607 = arith.constant 0 : i32
        %dma_wait3A_608 = tpu.memref_slice %arg3[%dma_wait3A_607] : memref<320000xi32, #tpu.memory_space<hbm>> -> memref<80xi32, #tpu.memory_space<hbm>>
        tpu.wait_dma2 semaphore(%arg36 : memref<!tpu.dma_semaphore, #tpu.memory_space<semaphore_mem>>) src(%dma_wait3A_608 : memref<80xi32, #tpu.memory_space<hbm>>) dst(%arg15 : memref<80xi32, #tpu.memory_space<vmem>>)
        %dma_wait3A_609 = arith.constant 0 : i32
        %dma_wait3A_610 = tpu.memref_slice %arg4[%dma_wait3A_609] : memref<320000xi32, #tpu.memory_space<hbm>> -> memref<80xi32, #tpu.memory_space<hbm>>
        %dma_wait3A_611 = arith.constant 0 : i32
        %dma_wait3A_612 = tpu.memref_slice %arg4[%dma_wait3A_611] : memref<320000xi32, #tpu.memory_space<hbm>> -> memref<80xi32, #tpu.memory_space<hbm>>
        tpu.wait_dma2 semaphore(%arg36 : memref<!tpu.dma_semaphore, #tpu.memory_space<semaphore_mem>>) src(%dma_wait3A_612 : memref<80xi32, #tpu.memory_space<hbm>>) dst(%arg23 : memref<80xi32, #tpu.memory_space<vmem>>)
        %dma_start3A_613 = arith.constant 0 : i32
        %dma_start3A_614 = arith.constant 0 : i32
        %dma_start3A_615 = tpu.memref_slice %arg2[%dma_start3A_613, %dma_start3A_614] : memref<10000x128xf32, #tpu.memory_space<hbm>> -> memref<10000x128xf32, #tpu.memory_space<hbm>>
        tpu.enqueue_indirect_dma source(%dma_start3A_615 : memref<10000x128xf32, #tpu.memory_space<hbm>>) target(%arg7 : memref<80x128xf32, #tpu.memory_space<vmem>>) offsets(%arg15 : memref<80xi32, #tpu.memory_space<vmem>>) semaphore(%arg28 : memref<!tpu.dma_semaphore, #tpu.memory_space<semaphore_mem>>)
      } else {
      }
      %dma_wait3A_409 = arith.constant 0 : i32
      %dma_wait3A_410 = arith.constant 0 : i32
      %dma_wait3A_411 = tpu.memref_slice %arg2[%dma_wait3A_409, %dma_wait3A_410] : memref<10000x128xf32, #tpu.memory_space<hbm>> -> memref<80x128xf32, #tpu.memory_space<hbm>>
      %dma_wait3A_412 = arith.constant 0 : i32
      %dma_wait3A_413 = arith.constant 0 : i32
      %dma_wait3A_414 = tpu.memref_slice %arg2[%dma_wait3A_412, %dma_wait3A_413] : memref<10000x128xf32, #tpu.memory_space<hbm>> -> memref<80x128xf32, #tpu.memory_space<hbm>>
      tpu.wait_dma2 semaphore(%arg29 : memref<!tpu.dma_semaphore, #tpu.memory_space<semaphore_mem>>) src(%dma_wait3A_414 : memref<80x128xf32, #tpu.memory_space<hbm>>) dst(%arg8 : memref<80x128xf32, #tpu.memory_space<vmem>>)
      %dma_start3A_415 = arith.constant 0 : i32
      %dma_start3A_416 = arith.constant 0 : i32
      %dma_start3A_417 = tpu.memref_slice %arg26[%dma_start3A_415, %dma_start3A_416] : memref<10000x128xf32, #tpu.memory_space<vmem_shared>> -> memref<10000x128xf32, #tpu.memory_space<vmem_shared>>
      tpu.enqueue_indirect_dma source(%arg8 : memref<80x128xf32, #tpu.memory_space<vmem>>) target(%dma_start3A_417 : memref<10000x128xf32, #tpu.memory_space<vmem_shared>>) offsets(%arg20 : memref<80xi32, #tpu.memory_space<vmem>>) semaphore(%arg41 : memref<!tpu.dma_semaphore, #tpu.memory_space<semaphore_mem>>) {add = true}
      %ge3A_418 = arith.constant 1 : i32
      %ge3A_419 = arith.cmpi sge, %add3A_396, %ge3A_418 : i32
      %add3A_420 = arith.constant 8 : i32
      %add3A_421 = arith.addi %add3A_396, %add3A_420 : i32
      %sub3A_422 = arith.constant 1 : i32
      %sub3A_423 = arith.subi %add3A_421, %sub3A_422 : i32
      %lt3A_424 = arith.constant 125 : i32
      %lt3A_425 = arith.cmpi slt, %sub3A_423, %lt3A_424 : i32
      %and3A_426 = arith.andi %ge3A_419, %lt3A_425 : i1
      %convert_element_type3A_427 = arith.extui %and3A_426 : i1 to i32
      %cond3A_428 = arith.constant 0 : i32
      %cond3A_429 = arith.cmpi ne, %convert_element_type3A_427, %cond3A_428 : i32
      scf.if %cond3A_429 {
        %sub3A_605 = arith.constant 1 : i32
        %sub3A_606 = arith.subi %add3A_396, %sub3A_605 : i32
        %add3A_607 = arith.constant 8 : i32
        %add3A_608 = arith.addi %sub3A_606, %add3A_607 : i32
        %mul3A_609 = arith.constant 80 : i32
        %mul3A_610 = arith.muli %add3A_608, %mul3A_609 : i32
        %add3A_611 = arith.addi %mul3A_2, %mul3A_610 : i32
        %multiple_of3A_612 = tpu.assume_multiple %add3A_611, 8 : i32
        %dma_start3A_613 = tpu.memref_slice %arg3[%multiple_of3A_612] : memref<320000xi32, #tpu.memory_space<hbm>> -> memref<80xi32, #tpu.memory_space<hbm>>
        %dma_start3A_614 = tpu.memref_slice %arg3[%multiple_of3A_612] : memref<320000xi32, #tpu.memory_space<hbm>> -> memref<80xi32, #tpu.memory_space<hbm>>
        tpu.enqueue_dma source(%dma_start3A_614 : memref<80xi32, #tpu.memory_space<hbm>>) target(%arg11 : memref<80xi32, #tpu.memory_space<vmem>>) target_semaphore(%arg32 : memref<!tpu.dma_semaphore, #tpu.memory_space<semaphore_mem>>)
        %dma_start3A_615 = tpu.memref_slice %arg4[%multiple_of3A_612] : memref<320000xi32, #tpu.memory_space<hbm>> -> memref<80xi32, #tpu.memory_space<hbm>>
        %dma_start3A_616 = tpu.memref_slice %arg4[%multiple_of3A_612] : memref<320000xi32, #tpu.memory_space<hbm>> -> memref<80xi32, #tpu.memory_space<hbm>>
        tpu.enqueue_dma source(%dma_start3A_616 : memref<80xi32, #tpu.memory_space<hbm>>) target(%arg19 : memref<80xi32, #tpu.memory_space<vmem>>) target_semaphore(%arg32 : memref<!tpu.dma_semaphore, #tpu.memory_space<semaphore_mem>>)
      } else {
      }
      %add3A_430 = arith.constant 3 : i32
      %add3A_431 = arith.addi %mul3A_328, %add3A_430 : i32
      %ge3A_432 = arith.constant 1 : i32
      %ge3A_433 = arith.cmpi sge, %add3A_431, %ge3A_432 : i32
      %convert_element_type3A_434 = arith.extui %ge3A_433 : i1 to i32
      %cond3A_435 = arith.constant 0 : i32
      %cond3A_436 = arith.cmpi ne, %convert_element_type3A_434, %cond3A_435 : i32
      scf.if %cond3A_436 {
        %dma_wait3A_605 = arith.constant 0 : i32
        %dma_wait3A_606 = arith.constant 0 : i32
        %dma_wait3A_607 = tpu.memref_slice %arg26[%dma_wait3A_605, %dma_wait3A_606] : memref<10000x128xf32, #tpu.memory_space<vmem_shared>> -> memref<80x128xf32, #tpu.memory_space<vmem_shared>>
        %dma_wait3A_608 = arith.constant 0 : i32
        %dma_wait3A_609 = arith.constant 0 : i32
        %dma_wait3A_610 = tpu.memref_slice %arg26[%dma_wait3A_608, %dma_wait3A_609] : memref<10000x128xf32, #tpu.memory_space<vmem_shared>> -> memref<80x128xf32, #tpu.memory_space<vmem_shared>>
        tpu.wait_dma2 semaphore(%arg41 : memref<!tpu.dma_semaphore, #tpu.memory_space<semaphore_mem>>) src(%arg8 : memref<80x128xf32, #tpu.memory_space<vmem>>) dst(%dma_wait3A_610 : memref<80x128xf32, #tpu.memory_space<vmem_shared>>)
      } else {
      }
      %add3A_437 = arith.constant 3 : i32
      %add3A_438 = arith.addi %add3A_431, %add3A_437 : i32
      %lt3A_439 = arith.constant 125 : i32
      %lt3A_440 = arith.cmpi slt, %add3A_438, %lt3A_439 : i32
      %convert_element_type3A_441 = arith.extui %lt3A_440 : i1 to i32
      %cond3A_442 = arith.constant 0 : i32
      %cond3A_443 = arith.cmpi ne, %convert_element_type3A_441, %cond3A_442 : i32
      scf.if %cond3A_443 {
        %dma_wait3A_605 = arith.constant 0 : i32
        %dma_wait3A_606 = tpu.memref_slice %arg3[%dma_wait3A_605] : memref<320000xi32, #tpu.memory_space<hbm>> -> memref<80xi32, #tpu.memory_space<hbm>>
        %dma_wait3A_607 = arith.constant 0 : i32
        %dma_wait3A_608 = tpu.memref_slice %arg3[%dma_wait3A_607] : memref<320000xi32, #tpu.memory_space<hbm>> -> memref<80xi32, #tpu.memory_space<hbm>>
        tpu.wait_dma2 semaphore(%arg37 : memref<!tpu.dma_semaphore, #tpu.memory_space<semaphore_mem>>) src(%dma_wait3A_608 : memref<80xi32, #tpu.memory_space<hbm>>) dst(%arg16 : memref<80xi32, #tpu.memory_space<vmem>>)
        %dma_wait3A_609 = arith.constant 0 : i32
        %dma_wait3A_610 = tpu.memref_slice %arg4[%dma_wait3A_609] : memref<320000xi32, #tpu.memory_space<hbm>> -> memref<80xi32, #tpu.memory_space<hbm>>
        %dma_wait3A_611 = arith.constant 0 : i32
        %dma_wait3A_612 = tpu.memref_slice %arg4[%dma_wait3A_611] : memref<320000xi32, #tpu.memory_space<hbm>> -> memref<80xi32, #tpu.memory_space<hbm>>
        tpu.wait_dma2 semaphore(%arg37 : memref<!tpu.dma_semaphore, #tpu.memory_space<semaphore_mem>>) src(%dma_wait3A_612 : memref<80xi32, #tpu.memory_space<hbm>>) dst(%arg24 : memref<80xi32, #tpu.memory_space<vmem>>)
        %dma_start3A_613 = arith.constant 0 : i32
        %dma_start3A_614 = arith.constant 0 : i32
        %dma_start3A_615 = tpu.memref_slice %arg2[%dma_start3A_613, %dma_start3A_614] : memref<10000x128xf32, #tpu.memory_space<hbm>> -> memref<10000x128xf32, #tpu.memory_space<hbm>>
        tpu.enqueue_indirect_dma source(%dma_start3A_615 : memref<10000x128xf32, #tpu.memory_space<hbm>>) target(%arg8 : memref<80x128xf32, #tpu.memory_space<vmem>>) offsets(%arg16 : memref<80xi32, #tpu.memory_space<vmem>>) semaphore(%arg29 : memref<!tpu.dma_semaphore, #tpu.memory_space<semaphore_mem>>)
      } else {
      }
      %dma_wait3A_444 = arith.constant 0 : i32
      %dma_wait3A_445 = arith.constant 0 : i32
      %dma_wait3A_446 = tpu.memref_slice %arg2[%dma_wait3A_444, %dma_wait3A_445] : memref<10000x128xf32, #tpu.memory_space<hbm>> -> memref<80x128xf32, #tpu.memory_space<hbm>>
      %dma_wait3A_447 = arith.constant 0 : i32
      %dma_wait3A_448 = arith.constant 0 : i32
      %dma_wait3A_449 = tpu.memref_slice %arg2[%dma_wait3A_447, %dma_wait3A_448] : memref<10000x128xf32, #tpu.memory_space<hbm>> -> memref<80x128xf32, #tpu.memory_space<hbm>>
      tpu.wait_dma2 semaphore(%arg30 : memref<!tpu.dma_semaphore, #tpu.memory_space<semaphore_mem>>) src(%dma_wait3A_449 : memref<80x128xf32, #tpu.memory_space<hbm>>) dst(%arg9 : memref<80x128xf32, #tpu.memory_space<vmem>>)
      %dma_start3A_450 = arith.constant 0 : i32
      %dma_start3A_451 = arith.constant 0 : i32
      %dma_start3A_452 = tpu.memref_slice %arg26[%dma_start3A_450, %dma_start3A_451] : memref<10000x128xf32, #tpu.memory_space<vmem_shared>> -> memref<10000x128xf32, #tpu.memory_space<vmem_shared>>
      tpu.enqueue_indirect_dma source(%arg9 : memref<80x128xf32, #tpu.memory_space<vmem>>) target(%dma_start3A_452 : memref<10000x128xf32, #tpu.memory_space<vmem_shared>>) offsets(%arg21 : memref<80xi32, #tpu.memory_space<vmem>>) semaphore(%arg42 : memref<!tpu.dma_semaphore, #tpu.memory_space<semaphore_mem>>) {add = true}
      %ge3A_453 = arith.constant 1 : i32
      %ge3A_454 = arith.cmpi sge, %add3A_431, %ge3A_453 : i32
      %add3A_455 = arith.constant 8 : i32
      %add3A_456 = arith.addi %add3A_431, %add3A_455 : i32
      %sub3A_457 = arith.constant 1 : i32
      %sub3A_458 = arith.subi %add3A_456, %sub3A_457 : i32
      %lt3A_459 = arith.constant 125 : i32
      %lt3A_460 = arith.cmpi slt, %sub3A_458, %lt3A_459 : i32
      %and3A_461 = arith.andi %ge3A_454, %lt3A_460 : i1
      %convert_element_type3A_462 = arith.extui %and3A_461 : i1 to i32
      %cond3A_463 = arith.constant 0 : i32
      %cond3A_464 = arith.cmpi ne, %convert_element_type3A_462, %cond3A_463 : i32
      scf.if %cond3A_464 {
        %sub3A_605 = arith.constant 1 : i32
        %sub3A_606 = arith.subi %add3A_431, %sub3A_605 : i32
        %add3A_607 = arith.constant 8 : i32
        %add3A_608 = arith.addi %sub3A_606, %add3A_607 : i32
        %mul3A_609 = arith.constant 80 : i32
        %mul3A_610 = arith.muli %add3A_608, %mul3A_609 : i32
        %add3A_611 = arith.addi %mul3A_2, %mul3A_610 : i32
        %multiple_of3A_612 = tpu.assume_multiple %add3A_611, 8 : i32
        %dma_start3A_613 = tpu.memref_slice %arg3[%multiple_of3A_612] : memref<320000xi32, #tpu.memory_space<hbm>> -> memref<80xi32, #tpu.memory_space<hbm>>
        %dma_start3A_614 = tpu.memref_slice %arg3[%multiple_of3A_612] : memref<320000xi32, #tpu.memory_space<hbm>> -> memref<80xi32, #tpu.memory_space<hbm>>
        tpu.enqueue_dma source(%dma_start3A_614 : memref<80xi32, #tpu.memory_space<hbm>>) target(%arg12 : memref<80xi32, #tpu.memory_space<vmem>>) target_semaphore(%arg33 : memref<!tpu.dma_semaphore, #tpu.memory_space<semaphore_mem>>)
        %dma_start3A_615 = tpu.memref_slice %arg4[%multiple_of3A_612] : memref<320000xi32, #tpu.memory_space<hbm>> -> memref<80xi32, #tpu.memory_space<hbm>>
        %dma_start3A_616 = tpu.memref_slice %arg4[%multiple_of3A_612] : memref<320000xi32, #tpu.memory_space<hbm>> -> memref<80xi32, #tpu.memory_space<hbm>>
        tpu.enqueue_dma source(%dma_start3A_616 : memref<80xi32, #tpu.memory_space<hbm>>) target(%arg20 : memref<80xi32, #tpu.memory_space<vmem>>) target_semaphore(%arg33 : memref<!tpu.dma_semaphore, #tpu.memory_space<semaphore_mem>>)
      } else {
      }
      %add3A_465 = arith.constant 4 : i32
      %add3A_466 = arith.addi %mul3A_328, %add3A_465 : i32
      %ge3A_467 = arith.constant 1 : i32
      %ge3A_468 = arith.cmpi sge, %add3A_466, %ge3A_467 : i32
      %convert_element_type3A_469 = arith.extui %ge3A_468 : i1 to i32
      %cond3A_470 = arith.constant 0 : i32
      %cond3A_471 = arith.cmpi ne, %convert_element_type3A_469, %cond3A_470 : i32
      scf.if %cond3A_471 {
        %dma_wait3A_605 = arith.constant 0 : i32
        %dma_wait3A_606 = arith.constant 0 : i32
        %dma_wait3A_607 = tpu.memref_slice %arg26[%dma_wait3A_605, %dma_wait3A_606] : memref<10000x128xf32, #tpu.memory_space<vmem_shared>> -> memref<80x128xf32, #tpu.memory_space<vmem_shared>>
        %dma_wait3A_608 = arith.constant 0 : i32
        %dma_wait3A_609 = arith.constant 0 : i32
        %dma_wait3A_610 = tpu.memref_slice %arg26[%dma_wait3A_608, %dma_wait3A_609] : memref<10000x128xf32, #tpu.memory_space<vmem_shared>> -> memref<80x128xf32, #tpu.memory_space<vmem_shared>>
        tpu.wait_dma2 semaphore(%arg42 : memref<!tpu.dma_semaphore, #tpu.memory_space<semaphore_mem>>) src(%arg9 : memref<80x128xf32, #tpu.memory_space<vmem>>) dst(%dma_wait3A_610 : memref<80x128xf32, #tpu.memory_space<vmem_shared>>)
      } else {
      }
      %add3A_472 = arith.constant 3 : i32
      %add3A_473 = arith.addi %add3A_466, %add3A_472 : i32
      %lt3A_474 = arith.constant 125 : i32
      %lt3A_475 = arith.cmpi slt, %add3A_473, %lt3A_474 : i32
      %convert_element_type3A_476 = arith.extui %lt3A_475 : i1 to i32
      %cond3A_477 = arith.constant 0 : i32
      %cond3A_478 = arith.cmpi ne, %convert_element_type3A_476, %cond3A_477 : i32
      scf.if %cond3A_478 {
        %dma_wait3A_605 = arith.constant 0 : i32
        %dma_wait3A_606 = tpu.memref_slice %arg3[%dma_wait3A_605] : memref<320000xi32, #tpu.memory_space<hbm>> -> memref<80xi32, #tpu.memory_space<hbm>>
        %dma_wait3A_607 = arith.constant 0 : i32
        %dma_wait3A_608 = tpu.memref_slice %arg3[%dma_wait3A_607] : memref<320000xi32, #tpu.memory_space<hbm>> -> memref<80xi32, #tpu.memory_space<hbm>>
        tpu.wait_dma2 semaphore(%arg38 : memref<!tpu.dma_semaphore, #tpu.memory_space<semaphore_mem>>) src(%dma_wait3A_608 : memref<80xi32, #tpu.memory_space<hbm>>) dst(%arg17 : memref<80xi32, #tpu.memory_space<vmem>>)
        %dma_wait3A_609 = arith.constant 0 : i32
        %dma_wait3A_610 = tpu.memref_slice %arg4[%dma_wait3A_609] : memref<320000xi32, #tpu.memory_space<hbm>> -> memref<80xi32, #tpu.memory_space<hbm>>
        %dma_wait3A_611 = arith.constant 0 : i32
        %dma_wait3A_612 = tpu.memref_slice %arg4[%dma_wait3A_611] : memref<320000xi32, #tpu.memory_space<hbm>> -> memref<80xi32, #tpu.memory_space<hbm>>
        tpu.wait_dma2 semaphore(%arg38 : memref<!tpu.dma_semaphore, #tpu.memory_space<semaphore_mem>>) src(%dma_wait3A_612 : memref<80xi32, #tpu.memory_space<hbm>>) dst(%arg25 : memref<80xi32, #tpu.memory_space<vmem>>)
        %dma_start3A_613 = arith.constant 0 : i32
        %dma_start3A_614 = arith.constant 0 : i32
        %dma_start3A_615 = tpu.memref_slice %arg2[%dma_start3A_613, %dma_start3A_614] : memref<10000x128xf32, #tpu.memory_space<hbm>> -> memref<10000x128xf32, #tpu.memory_space<hbm>>
        tpu.enqueue_indirect_dma source(%dma_start3A_615 : memref<10000x128xf32, #tpu.memory_space<hbm>>) target(%arg9 : memref<80x128xf32, #tpu.memory_space<vmem>>) offsets(%arg17 : memref<80xi32, #tpu.memory_space<vmem>>) semaphore(%arg30 : memref<!tpu.dma_semaphore, #tpu.memory_space<semaphore_mem>>)
      } else {
      }
      %dma_wait3A_479 = arith.constant 0 : i32
      %dma_wait3A_480 = arith.constant 0 : i32
      %dma_wait3A_481 = tpu.memref_slice %arg2[%dma_wait3A_479, %dma_wait3A_480] : memref<10000x128xf32, #tpu.memory_space<hbm>> -> memref<80x128xf32, #tpu.memory_space<hbm>>
      %dma_wait3A_482 = arith.constant 0 : i32
      %dma_wait3A_483 = arith.constant 0 : i32
      %dma_wait3A_484 = tpu.memref_slice %arg2[%dma_wait3A_482, %dma_wait3A_483] : memref<10000x128xf32, #tpu.memory_space<hbm>> -> memref<80x128xf32, #tpu.memory_space<hbm>>
      tpu.wait_dma2 semaphore(%arg27 : memref<!tpu.dma_semaphore, #tpu.memory_space<semaphore_mem>>) src(%dma_wait3A_484 : memref<80x128xf32, #tpu.memory_space<hbm>>) dst(%arg6 : memref<80x128xf32, #tpu.memory_space<vmem>>)
      %dma_start3A_485 = arith.constant 0 : i32
      %dma_start3A_486 = arith.constant 0 : i32
      %dma_start3A_487 = tpu.memref_slice %arg26[%dma_start3A_485, %dma_start3A_486] : memref<10000x128xf32, #tpu.memory_space<vmem_shared>> -> memref<10000x128xf32, #tpu.memory_space<vmem_shared>>
      tpu.enqueue_indirect_dma source(%arg6 : memref<80x128xf32, #tpu.memory_space<vmem>>) target(%dma_start3A_487 : memref<10000x128xf32, #tpu.memory_space<vmem_shared>>) offsets(%arg22 : memref<80xi32, #tpu.memory_space<vmem>>) semaphore(%arg39 : memref<!tpu.dma_semaphore, #tpu.memory_space<semaphore_mem>>) {add = true}
      %ge3A_488 = arith.constant 1 : i32
      %ge3A_489 = arith.cmpi sge, %add3A_466, %ge3A_488 : i32
      %add3A_490 = arith.constant 8 : i32
      %add3A_491 = arith.addi %add3A_466, %add3A_490 : i32
      %sub3A_492 = arith.constant 1 : i32
      %sub3A_493 = arith.subi %add3A_491, %sub3A_492 : i32
      %lt3A_494 = arith.constant 125 : i32
      %lt3A_495 = arith.cmpi slt, %sub3A_493, %lt3A_494 : i32
      %and3A_496 = arith.andi %ge3A_489, %lt3A_495 : i1
      %convert_element_type3A_497 = arith.extui %and3A_496 : i1 to i32
      %cond3A_498 = arith.constant 0 : i32
      %cond3A_499 = arith.cmpi ne, %convert_element_type3A_497, %cond3A_498 : i32
      scf.if %cond3A_499 {
        %sub3A_605 = arith.constant 1 : i32
        %sub3A_606 = arith.subi %add3A_466, %sub3A_605 : i32
        %add3A_607 = arith.constant 8 : i32
        %add3A_608 = arith.addi %sub3A_606, %add3A_607 : i32
        %mul3A_609 = arith.constant 80 : i32
        %mul3A_610 = arith.muli %add3A_608, %mul3A_609 : i32
        %add3A_611 = arith.addi %mul3A_2, %mul3A_610 : i32
        %multiple_of3A_612 = tpu.assume_multiple %add3A_611, 8 : i32
        %dma_start3A_613 = tpu.memref_slice %arg3[%multiple_of3A_612] : memref<320000xi32, #tpu.memory_space<hbm>> -> memref<80xi32, #tpu.memory_space<hbm>>
        %dma_start3A_614 = tpu.memref_slice %arg3[%multiple_of3A_612] : memref<320000xi32, #tpu.memory_space<hbm>> -> memref<80xi32, #tpu.memory_space<hbm>>
        tpu.enqueue_dma source(%dma_start3A_614 : memref<80xi32, #tpu.memory_space<hbm>>) target(%arg13 : memref<80xi32, #tpu.memory_space<vmem>>) target_semaphore(%arg34 : memref<!tpu.dma_semaphore, #tpu.memory_space<semaphore_mem>>)
        %dma_start3A_615 = tpu.memref_slice %arg4[%multiple_of3A_612] : memref<320000xi32, #tpu.memory_space<hbm>> -> memref<80xi32, #tpu.memory_space<hbm>>
        %dma_start3A_616 = tpu.memref_slice %arg4[%multiple_of3A_612] : memref<320000xi32, #tpu.memory_space<hbm>> -> memref<80xi32, #tpu.memory_space<hbm>>
        tpu.enqueue_dma source(%dma_start3A_616 : memref<80xi32, #tpu.memory_space<hbm>>) target(%arg21 : memref<80xi32, #tpu.memory_space<vmem>>) target_semaphore(%arg34 : memref<!tpu.dma_semaphore, #tpu.memory_space<semaphore_mem>>)
      } else {
      }
      %add3A_500 = arith.constant 5 : i32
      %add3A_501 = arith.addi %mul3A_328, %add3A_500 : i32
      %ge3A_502 = arith.constant 1 : i32
      %ge3A_503 = arith.cmpi sge, %add3A_501, %ge3A_502 : i32
      %convert_element_type3A_504 = arith.extui %ge3A_503 : i1 to i32
      %cond3A_505 = arith.constant 0 : i32
      %cond3A_506 = arith.cmpi ne, %convert_element_type3A_504, %cond3A_505 : i32
      scf.if %cond3A_506 {
        %dma_wait3A_605 = arith.constant 0 : i32
        %dma_wait3A_606 = arith.constant 0 : i32
        %dma_wait3A_607 = tpu.memref_slice %arg26[%dma_wait3A_605, %dma_wait3A_606] : memref<10000x128xf32, #tpu.memory_space<vmem_shared>> -> memref<80x128xf32, #tpu.memory_space<vmem_shared>>
        %dma_wait3A_608 = arith.constant 0 : i32
        %dma_wait3A_609 = arith.constant 0 : i32
        %dma_wait3A_610 = tpu.memref_slice %arg26[%dma_wait3A_608, %dma_wait3A_609] : memref<10000x128xf32, #tpu.memory_space<vmem_shared>> -> memref<80x128xf32, #tpu.memory_space<vmem_shared>>
        tpu.wait_dma2 semaphore(%arg39 : memref<!tpu.dma_semaphore, #tpu.memory_space<semaphore_mem>>) src(%arg6 : memref<80x128xf32, #tpu.memory_space<vmem>>) dst(%dma_wait3A_610 : memref<80x128xf32, #tpu.memory_space<vmem_shared>>)
      } else {
      }
      %add3A_507 = arith.constant 3 : i32
      %add3A_508 = arith.addi %add3A_501, %add3A_507 : i32
      %lt3A_509 = arith.constant 125 : i32
      %lt3A_510 = arith.cmpi slt, %add3A_508, %lt3A_509 : i32
      %convert_element_type3A_511 = arith.extui %lt3A_510 : i1 to i32
      %cond3A_512 = arith.constant 0 : i32
      %cond3A_513 = arith.cmpi ne, %convert_element_type3A_511, %cond3A_512 : i32
      scf.if %cond3A_513 {
        %dma_wait3A_605 = arith.constant 0 : i32
        %dma_wait3A_606 = tpu.memref_slice %arg3[%dma_wait3A_605] : memref<320000xi32, #tpu.memory_space<hbm>> -> memref<80xi32, #tpu.memory_space<hbm>>
        %dma_wait3A_607 = arith.constant 0 : i32
        %dma_wait3A_608 = tpu.memref_slice %arg3[%dma_wait3A_607] : memref<320000xi32, #tpu.memory_space<hbm>> -> memref<80xi32, #tpu.memory_space<hbm>>
        tpu.wait_dma2 semaphore(%arg31 : memref<!tpu.dma_semaphore, #tpu.memory_space<semaphore_mem>>) src(%dma_wait3A_608 : memref<80xi32, #tpu.memory_space<hbm>>) dst(%arg10 : memref<80xi32, #tpu.memory_space<vmem>>)
        %dma_wait3A_609 = arith.constant 0 : i32
        %dma_wait3A_610 = tpu.memref_slice %arg4[%dma_wait3A_609] : memref<320000xi32, #tpu.memory_space<hbm>> -> memref<80xi32, #tpu.memory_space<hbm>>
        %dma_wait3A_611 = arith.constant 0 : i32
        %dma_wait3A_612 = tpu.memref_slice %arg4[%dma_wait3A_611] : memref<320000xi32, #tpu.memory_space<hbm>> -> memref<80xi32, #tpu.memory_space<hbm>>
        tpu.wait_dma2 semaphore(%arg31 : memref<!tpu.dma_semaphore, #tpu.memory_space<semaphore_mem>>) src(%dma_wait3A_612 : memref<80xi32, #tpu.memory_space<hbm>>) dst(%arg18 : memref<80xi32, #tpu.memory_space<vmem>>)
        %dma_start3A_613 = arith.constant 0 : i32
        %dma_start3A_614 = arith.constant 0 : i32
        %dma_start3A_615 = tpu.memref_slice %arg2[%dma_start3A_613, %dma_start3A_614] : memref<10000x128xf32, #tpu.memory_space<hbm>> -> memref<10000x128xf32, #tpu.memory_space<hbm>>
        tpu.enqueue_indirect_dma source(%dma_start3A_615 : memref<10000x128xf32, #tpu.memory_space<hbm>>) target(%arg6 : memref<80x128xf32, #tpu.memory_space<vmem>>) offsets(%arg10 : memref<80xi32, #tpu.memory_space<vmem>>) semaphore(%arg27 : memref<!tpu.dma_semaphore, #tpu.memory_space<semaphore_mem>>)
      } else {
      }
      %dma_wait3A_514 = arith.constant 0 : i32
      %dma_wait3A_515 = arith.constant 0 : i32
      %dma_wait3A_516 = tpu.memref_slice %arg2[%dma_wait3A_514, %dma_wait3A_515] : memref<10000x128xf32, #tpu.memory_space<hbm>> -> memref<80x128xf32, #tpu.memory_space<hbm>>
      %dma_wait3A_517 = arith.constant 0 : i32
      %dma_wait3A_518 = arith.constant 0 : i32
      %dma_wait3A_519 = tpu.memref_slice %arg2[%dma_wait3A_517, %dma_wait3A_518] : memref<10000x128xf32, #tpu.memory_space<hbm>> -> memref<80x128xf32, #tpu.memory_space<hbm>>
      tpu.wait_dma2 semaphore(%arg28 : memref<!tpu.dma_semaphore, #tpu.memory_space<semaphore_mem>>) src(%dma_wait3A_519 : memref<80x128xf32, #tpu.memory_space<hbm>>) dst(%arg7 : memref<80x128xf32, #tpu.memory_space<vmem>>)
      %dma_start3A_520 = arith.constant 0 : i32
      %dma_start3A_521 = arith.constant 0 : i32
      %dma_start3A_522 = tpu.memref_slice %arg26[%dma_start3A_520, %dma_start3A_521] : memref<10000x128xf32, #tpu.memory_space<vmem_shared>> -> memref<10000x128xf32, #tpu.memory_space<vmem_shared>>
      tpu.enqueue_indirect_dma source(%arg7 : memref<80x128xf32, #tpu.memory_space<vmem>>) target(%dma_start3A_522 : memref<10000x128xf32, #tpu.memory_space<vmem_shared>>) offsets(%arg23 : memref<80xi32, #tpu.memory_space<vmem>>) semaphore(%arg40 : memref<!tpu.dma_semaphore, #tpu.memory_space<semaphore_mem>>) {add = true}
      %ge3A_523 = arith.constant 1 : i32
      %ge3A_524 = arith.cmpi sge, %add3A_501, %ge3A_523 : i32
      %add3A_525 = arith.constant 8 : i32
      %add3A_526 = arith.addi %add3A_501, %add3A_525 : i32
      %sub3A_527 = arith.constant 1 : i32
      %sub3A_528 = arith.subi %add3A_526, %sub3A_527 : i32
      %lt3A_529 = arith.constant 125 : i32
      %lt3A_530 = arith.cmpi slt, %sub3A_528, %lt3A_529 : i32
      %and3A_531 = arith.andi %ge3A_524, %lt3A_530 : i1
      %convert_element_type3A_532 = arith.extui %and3A_531 : i1 to i32
      %cond3A_533 = arith.constant 0 : i32
      %cond3A_534 = arith.cmpi ne, %convert_element_type3A_532, %cond3A_533 : i32
      scf.if %cond3A_534 {
        %sub3A_605 = arith.constant 1 : i32
        %sub3A_606 = arith.subi %add3A_501, %sub3A_605 : i32
        %add3A_607 = arith.constant 8 : i32
        %add3A_608 = arith.addi %sub3A_606, %add3A_607 : i32
        %mul3A_609 = arith.constant 80 : i32
        %mul3A_610 = arith.muli %add3A_608, %mul3A_609 : i32
        %add3A_611 = arith.addi %mul3A_2, %mul3A_610 : i32
        %multiple_of3A_612 = tpu.assume_multiple %add3A_611, 8 : i32
        %dma_start3A_613 = tpu.memref_slice %arg3[%multiple_of3A_612] : memref<320000xi32, #tpu.memory_space<hbm>> -> memref<80xi32, #tpu.memory_space<hbm>>
        %dma_start3A_614 = tpu.memref_slice %arg3[%multiple_of3A_612] : memref<320000xi32, #tpu.memory_space<hbm>> -> memref<80xi32, #tpu.memory_space<hbm>>
        tpu.enqueue_dma source(%dma_start3A_614 : memref<80xi32, #tpu.memory_space<hbm>>) target(%arg14 : memref<80xi32, #tpu.memory_space<vmem>>) target_semaphore(%arg35 : memref<!tpu.dma_semaphore, #tpu.memory_space<semaphore_mem>>)
        %dma_start3A_615 = tpu.memref_slice %arg4[%multiple_of3A_612] : memref<320000xi32, #tpu.memory_space<hbm>> -> memref<80xi32, #tpu.memory_space<hbm>>
        %dma_start3A_616 = tpu.memref_slice %arg4[%multiple_of3A_612] : memref<320000xi32, #tpu.memory_space<hbm>> -> memref<80xi32, #tpu.memory_space<hbm>>
        tpu.enqueue_dma source(%dma_start3A_616 : memref<80xi32, #tpu.memory_space<hbm>>) target(%arg22 : memref<80xi32, #tpu.memory_space<vmem>>) target_semaphore(%arg35 : memref<!tpu.dma_semaphore, #tpu.memory_space<semaphore_mem>>)
      } else {
      }
      %add3A_535 = arith.constant 6 : i32
      %add3A_536 = arith.addi %mul3A_328, %add3A_535 : i32
      %ge3A_537 = arith.constant 1 : i32
      %ge3A_538 = arith.cmpi sge, %add3A_536, %ge3A_537 : i32
      %convert_element_type3A_539 = arith.extui %ge3A_538 : i1 to i32
      %cond3A_540 = arith.constant 0 : i32
      %cond3A_541 = arith.cmpi ne, %convert_element_type3A_539, %cond3A_540 : i32
      scf.if %cond3A_541 {
        %dma_wait3A_605 = arith.constant 0 : i32
        %dma_wait3A_606 = arith.constant 0 : i32
        %dma_wait3A_607 = tpu.memref_slice %arg26[%dma_wait3A_605, %dma_wait3A_606] : memref<10000x128xf32, #tpu.memory_space<vmem_shared>> -> memref<80x128xf32, #tpu.memory_space<vmem_shared>>
        %dma_wait3A_608 = arith.constant 0 : i32
        %dma_wait3A_609 = arith.constant 0 : i32
        %dma_wait3A_610 = tpu.memref_slice %arg26[%dma_wait3A_608, %dma_wait3A_609] : memref<10000x128xf32, #tpu.memory_space<vmem_shared>> -> memref<80x128xf32, #tpu.memory_space<vmem_shared>>
        tpu.wait_dma2 semaphore(%arg40 : memref<!tpu.dma_semaphore, #tpu.memory_space<semaphore_mem>>) src(%arg7 : memref<80x128xf32, #tpu.memory_space<vmem>>) dst(%dma_wait3A_610 : memref<80x128xf32, #tpu.memory_space<vmem_shared>>)
      } else {
      }
      %add3A_542 = arith.constant 3 : i32
      %add3A_543 = arith.addi %add3A_536, %add3A_542 : i32
      %lt3A_544 = arith.constant 125 : i32
      %lt3A_545 = arith.cmpi slt, %add3A_543, %lt3A_544 : i32
      %convert_element_type3A_546 = arith.extui %lt3A_545 : i1 to i32
      %cond3A_547 = arith.constant 0 : i32
      %cond3A_548 = arith.cmpi ne, %convert_element_type3A_546, %cond3A_547 : i32
      scf.if %cond3A_548 {
        %dma_wait3A_605 = arith.constant 0 : i32
        %dma_wait3A_606 = tpu.memref_slice %arg3[%dma_wait3A_605] : memref<320000xi32, #tpu.memory_space<hbm>> -> memref<80xi32, #tpu.memory_space<hbm>>
        %dma_wait3A_607 = arith.constant 0 : i32
        %dma_wait3A_608 = tpu.memref_slice %arg3[%dma_wait3A_607] : memref<320000xi32, #tpu.memory_space<hbm>> -> memref<80xi32, #tpu.memory_space<hbm>>
        tpu.wait_dma2 semaphore(%arg32 : memref<!tpu.dma_semaphore, #tpu.memory_space<semaphore_mem>>) src(%dma_wait3A_608 : memref<80xi32, #tpu.memory_space<hbm>>) dst(%arg11 : memref<80xi32, #tpu.memory_space<vmem>>)
        %dma_wait3A_609 = arith.constant 0 : i32
        %dma_wait3A_610 = tpu.memref_slice %arg4[%dma_wait3A_609] : memref<320000xi32, #tpu.memory_space<hbm>> -> memref<80xi32, #tpu.memory_space<hbm>>
        %dma_wait3A_611 = arith.constant 0 : i32
        %dma_wait3A_612 = tpu.memref_slice %arg4[%dma_wait3A_611] : memref<320000xi32, #tpu.memory_space<hbm>> -> memref<80xi32, #tpu.memory_space<hbm>>
        tpu.wait_dma2 semaphore(%arg32 : memref<!tpu.dma_semaphore, #tpu.memory_space<semaphore_mem>>) src(%dma_wait3A_612 : memref<80xi32, #tpu.memory_space<hbm>>) dst(%arg19 : memref<80xi32, #tpu.memory_space<vmem>>)
        %dma_start3A_613 = arith.constant 0 : i32
        %dma_start3A_614 = arith.constant 0 : i32
        %dma_start3A_615 = tpu.memref_slice %arg2[%dma_start3A_613, %dma_start3A_614] : memref<10000x128xf32, #tpu.memory_space<hbm>> -> memref<10000x128xf32, #tpu.memory_space<hbm>>
        tpu.enqueue_indirect_dma source(%dma_start3A_615 : memref<10000x128xf32, #tpu.memory_space<hbm>>) target(%arg7 : memref<80x128xf32, #tpu.memory_space<vmem>>) offsets(%arg11 : memref<80xi32, #tpu.memory_space<vmem>>) semaphore(%arg28 : memref<!tpu.dma_semaphore, #tpu.memory_space<semaphore_mem>>)
      } else {
      }
      %dma_wait3A_549 = arith.constant 0 : i32
      %dma_wait3A_550 = arith.constant 0 : i32
      %dma_wait3A_551 = tpu.memref_slice %arg2[%dma_wait3A_549, %dma_wait3A_550] : memref<10000x128xf32, #tpu.memory_space<hbm>> -> memref<80x128xf32, #tpu.memory_space<hbm>>
      %dma_wait3A_552 = arith.constant 0 : i32
      %dma_wait3A_553 = arith.constant 0 : i32
      %dma_wait3A_554 = tpu.memref_slice %arg2[%dma_wait3A_552, %dma_wait3A_553] : memref<10000x128xf32, #tpu.memory_space<hbm>> -> memref<80x128xf32, #tpu.memory_space<hbm>>
      tpu.wait_dma2 semaphore(%arg29 : memref<!tpu.dma_semaphore, #tpu.memory_space<semaphore_mem>>) src(%dma_wait3A_554 : memref<80x128xf32, #tpu.memory_space<hbm>>) dst(%arg8 : memref<80x128xf32, #tpu.memory_space<vmem>>)
      %dma_start3A_555 = arith.constant 0 : i32
      %dma_start3A_556 = arith.constant 0 : i32
      %dma_start3A_557 = tpu.memref_slice %arg26[%dma_start3A_555, %dma_start3A_556] : memref<10000x128xf32, #tpu.memory_space<vmem_shared>> -> memref<10000x128xf32, #tpu.memory_space<vmem_shared>>
      tpu.enqueue_indirect_dma source(%arg8 : memref<80x128xf32, #tpu.memory_space<vmem>>) target(%dma_start3A_557 : memref<10000x128xf32, #tpu.memory_space<vmem_shared>>) offsets(%arg24 : memref<80xi32, #tpu.memory_space<vmem>>) semaphore(%arg41 : memref<!tpu.dma_semaphore, #tpu.memory_space<semaphore_mem>>) {add = true}
      %ge3A_558 = arith.constant 1 : i32
      %ge3A_559 = arith.cmpi sge, %add3A_536, %ge3A_558 : i32
      %add3A_560 = arith.constant 8 : i32
      %add3A_561 = arith.addi %add3A_536, %add3A_560 : i32
      %sub3A_562 = arith.constant 1 : i32
      %sub3A_563 = arith.subi %add3A_561, %sub3A_562 : i32
      %lt3A_564 = arith.constant 125 : i32
      %lt3A_565 = arith.cmpi slt, %sub3A_563, %lt3A_564 : i32
      %and3A_566 = arith.andi %ge3A_559, %lt3A_565 : i1
      %convert_element_type3A_567 = arith.extui %and3A_566 : i1 to i32
      %cond3A_568 = arith.constant 0 : i32
      %cond3A_569 = arith.cmpi ne, %convert_element_type3A_567, %cond3A_568 : i32
      scf.if %cond3A_569 {
        %sub3A_605 = arith.constant 1 : i32
        %sub3A_606 = arith.subi %add3A_536, %sub3A_605 : i32
        %add3A_607 = arith.constant 8 : i32
        %add3A_608 = arith.addi %sub3A_606, %add3A_607 : i32
        %mul3A_609 = arith.constant 80 : i32
        %mul3A_610 = arith.muli %add3A_608, %mul3A_609 : i32
        %add3A_611 = arith.addi %mul3A_2, %mul3A_610 : i32
        %multiple_of3A_612 = tpu.assume_multiple %add3A_611, 8 : i32
        %dma_start3A_613 = tpu.memref_slice %arg3[%multiple_of3A_612] : memref<320000xi32, #tpu.memory_space<hbm>> -> memref<80xi32, #tpu.memory_space<hbm>>
        %dma_start3A_614 = tpu.memref_slice %arg3[%multiple_of3A_612] : memref<320000xi32, #tpu.memory_space<hbm>> -> memref<80xi32, #tpu.memory_space<hbm>>
        tpu.enqueue_dma source(%dma_start3A_614 : memref<80xi32, #tpu.memory_space<hbm>>) target(%arg15 : memref<80xi32, #tpu.memory_space<vmem>>) target_semaphore(%arg36 : memref<!tpu.dma_semaphore, #tpu.memory_space<semaphore_mem>>)
        %dma_start3A_615 = tpu.memref_slice %arg4[%multiple_of3A_612] : memref<320000xi32, #tpu.memory_space<hbm>> -> memref<80xi32, #tpu.memory_space<hbm>>
        %dma_start3A_616 = tpu.memref_slice %arg4[%multiple_of3A_612] : memref<320000xi32, #tpu.memory_space<hbm>> -> memref<80xi32, #tpu.memory_space<hbm>>
        tpu.enqueue_dma source(%dma_start3A_616 : memref<80xi32, #tpu.memory_space<hbm>>) target(%arg23 : memref<80xi32, #tpu.memory_space<vmem>>) target_semaphore(%arg36 : memref<!tpu.dma_semaphore, #tpu.memory_space<semaphore_mem>>)
      } else {
      }
      %add3A_570 = arith.constant 7 : i32
      %add3A_571 = arith.addi %mul3A_328, %add3A_570 : i32
      %ge3A_572 = arith.constant 1 : i32
      %ge3A_573 = arith.cmpi sge, %add3A_571, %ge3A_572 : i32
      %convert_element_type3A_574 = arith.extui %ge3A_573 : i1 to i32
      %cond3A_575 = arith.constant 0 : i32
      %cond3A_576 = arith.cmpi ne, %convert_element_type3A_574, %cond3A_575 : i32
      scf.if %cond3A_576 {
        %dma_wait3A_605 = arith.constant 0 : i32
        %dma_wait3A_606 = arith.constant 0 : i32
        %dma_wait3A_607 = tpu.memref_slice %arg26[%dma_wait3A_605, %dma_wait3A_606] : memref<10000x128xf32, #tpu.memory_space<vmem_shared>> -> memref<80x128xf32, #tpu.memory_space<vmem_shared>>
        %dma_wait3A_608 = arith.constant 0 : i32
        %dma_wait3A_609 = arith.constant 0 : i32
        %dma_wait3A_610 = tpu.memref_slice %arg26[%dma_wait3A_608, %dma_wait3A_609] : memref<10000x128xf32, #tpu.memory_space<vmem_shared>> -> memref<80x128xf32, #tpu.memory_space<vmem_shared>>
        tpu.wait_dma2 semaphore(%arg41 : memref<!tpu.dma_semaphore, #tpu.memory_space<semaphore_mem>>) src(%arg8 : memref<80x128xf32, #tpu.memory_space<vmem>>) dst(%dma_wait3A_610 : memref<80x128xf32, #tpu.memory_space<vmem_shared>>)
      } else {
      }
      %add3A_577 = arith.constant 3 : i32
      %add3A_578 = arith.addi %add3A_571, %add3A_577 : i32
      %lt3A_579 = arith.constant 125 : i32
      %lt3A_580 = arith.cmpi slt, %add3A_578, %lt3A_579 : i32
      %convert_element_type3A_581 = arith.extui %lt3A_580 : i1 to i32
      %cond3A_582 = arith.constant 0 : i32
      %cond3A_583 = arith.cmpi ne, %convert_element_type3A_581, %cond3A_582 : i32
      scf.if %cond3A_583 {
        %dma_wait3A_605 = arith.constant 0 : i32
        %dma_wait3A_606 = tpu.memref_slice %arg3[%dma_wait3A_605] : memref<320000xi32, #tpu.memory_space<hbm>> -> memref<80xi32, #tpu.memory_space<hbm>>
        %dma_wait3A_607 = arith.constant 0 : i32
        %dma_wait3A_608 = tpu.memref_slice %arg3[%dma_wait3A_607] : memref<320000xi32, #tpu.memory_space<hbm>> -> memref<80xi32, #tpu.memory_space<hbm>>
        tpu.wait_dma2 semaphore(%arg33 : memref<!tpu.dma_semaphore, #tpu.memory_space<semaphore_mem>>) src(%dma_wait3A_608 : memref<80xi32, #tpu.memory_space<hbm>>) dst(%arg12 : memref<80xi32, #tpu.memory_space<vmem>>)
        %dma_wait3A_609 = arith.constant 0 : i32
        %dma_wait3A_610 = tpu.memref_slice %arg4[%dma_wait3A_609] : memref<320000xi32, #tpu.memory_space<hbm>> -> memref<80xi32, #tpu.memory_space<hbm>>
        %dma_wait3A_611 = arith.constant 0 : i32
        %dma_wait3A_612 = tpu.memref_slice %arg4[%dma_wait3A_611] : memref<320000xi32, #tpu.memory_space<hbm>> -> memref<80xi32, #tpu.memory_space<hbm>>
        tpu.wait_dma2 semaphore(%arg33 : memref<!tpu.dma_semaphore, #tpu.memory_space<semaphore_mem>>) src(%dma_wait3A_612 : memref<80xi32, #tpu.memory_space<hbm>>) dst(%arg20 : memref<80xi32, #tpu.memory_space<vmem>>)
        %dma_start3A_613 = arith.constant 0 : i32
        %dma_start3A_614 = arith.constant 0 : i32
        %dma_start3A_615 = tpu.memref_slice %arg2[%dma_start3A_613, %dma_start3A_614] : memref<10000x128xf32, #tpu.memory_space<hbm>> -> memref<10000x128xf32, #tpu.memory_space<hbm>>
        tpu.enqueue_indirect_dma source(%dma_start3A_615 : memref<10000x128xf32, #tpu.memory_space<hbm>>) target(%arg8 : memref<80x128xf32, #tpu.memory_space<vmem>>) offsets(%arg12 : memref<80xi32, #tpu.memory_space<vmem>>) semaphore(%arg29 : memref<!tpu.dma_semaphore, #tpu.memory_space<semaphore_mem>>)
      } else {
      }
      %dma_wait3A_584 = arith.constant 0 : i32
      %dma_wait3A_585 = arith.constant 0 : i32
      %dma_wait3A_586 = tpu.memref_slice %arg2[%dma_wait3A_584, %dma_wait3A_585] : memref<10000x128xf32, #tpu.memory_space<hbm>> -> memref<80x128xf32, #tpu.memory_space<hbm>>
      %dma_wait3A_587 = arith.constant 0 : i32
      %dma_wait3A_588 = arith.constant 0 : i32
      %dma_wait3A_589 = tpu.memref_slice %arg2[%dma_wait3A_587, %dma_wait3A_588] : memref<10000x128xf32, #tpu.memory_space<hbm>> -> memref<80x128xf32, #tpu.memory_space<hbm>>
      tpu.wait_dma2 semaphore(%arg30 : memref<!tpu.dma_semaphore, #tpu.memory_space<semaphore_mem>>) src(%dma_wait3A_589 : memref<80x128xf32, #tpu.memory_space<hbm>>) dst(%arg9 : memref<80x128xf32, #tpu.memory_space<vmem>>)
      %dma_start3A_590 = arith.constant 0 : i32
      %dma_start3A_591 = arith.constant 0 : i32
      %dma_start3A_592 = tpu.memref_slice %arg26[%dma_start3A_590, %dma_start3A_591] : memref<10000x128xf32, #tpu.memory_space<vmem_shared>> -> memref<10000x128xf32, #tpu.memory_space<vmem_shared>>
      tpu.enqueue_indirect_dma source(%arg9 : memref<80x128xf32, #tpu.memory_space<vmem>>) target(%dma_start3A_592 : memref<10000x128xf32, #tpu.memory_space<vmem_shared>>) offsets(%arg25 : memref<80xi32, #tpu.memory_space<vmem>>) semaphore(%arg42 : memref<!tpu.dma_semaphore, #tpu.memory_space<semaphore_mem>>) {add = true}
      %ge3A_593 = arith.constant 1 : i32
      %ge3A_594 = arith.cmpi sge, %add3A_571, %ge3A_593 : i32
      %add3A_595 = arith.constant 8 : i32
      %add3A_596 = arith.addi %add3A_571, %add3A_595 : i32
      %sub3A_597 = arith.constant 1 : i32
      %sub3A_598 = arith.subi %add3A_596, %sub3A_597 : i32
      %lt3A_599 = arith.constant 125 : i32
      %lt3A_600 = arith.cmpi slt, %sub3A_598, %lt3A_599 : i32
      %and3A_601 = arith.andi %ge3A_594, %lt3A_600 : i1
      %convert_element_type3A_602 = arith.extui %and3A_601 : i1 to i32
      %cond3A_603 = arith.constant 0 : i32
      %cond3A_604 = arith.cmpi ne, %convert_element_type3A_602, %cond3A_603 : i32
      scf.if %cond3A_604 {
        %sub3A_605 = arith.constant 1 : i32
        %sub3A_606 = arith.subi %add3A_571, %sub3A_605 : i32
        %add3A_607 = arith.constant 8 : i32
        %add3A_608 = arith.addi %sub3A_606, %add3A_607 : i32
        %mul3A_609 = arith.constant 80 : i32
        %mul3A_610 = arith.muli %add3A_608, %mul3A_609 : i32
        %add3A_611 = arith.addi %mul3A_2, %mul3A_610 : i32
        %multiple_of3A_612 = tpu.assume_multiple %add3A_611, 8 : i32
        %dma_start3A_613 = tpu.memref_slice %arg3[%multiple_of3A_612] : memref<320000xi32, #tpu.memory_space<hbm>> -> memref<80xi32, #tpu.memory_space<hbm>>
        %dma_start3A_614 = tpu.memref_slice %arg3[%multiple_of3A_612] : memref<320000xi32, #tpu.memory_space<hbm>> -> memref<80xi32, #tpu.memory_space<hbm>>
        tpu.enqueue_dma source(%dma_start3A_614 : memref<80xi32, #tpu.memory_space<hbm>>) target(%arg16 : memref<80xi32, #tpu.memory_space<vmem>>) target_semaphore(%arg37 : memref<!tpu.dma_semaphore, #tpu.memory_space<semaphore_mem>>)
        %dma_start3A_615 = tpu.memref_slice %arg4[%multiple_of3A_612] : memref<320000xi32, #tpu.memory_space<hbm>> -> memref<80xi32, #tpu.memory_space<hbm>>
        %dma_start3A_616 = tpu.memref_slice %arg4[%multiple_of3A_612] : memref<320000xi32, #tpu.memory_space<hbm>> -> memref<80xi32, #tpu.memory_space<hbm>>
        tpu.enqueue_dma source(%dma_start3A_616 : memref<80xi32, #tpu.memory_space<hbm>>) target(%arg24 : memref<80xi32, #tpu.memory_space<vmem>>) target_semaphore(%arg37 : memref<!tpu.dma_semaphore, #tpu.memory_space<semaphore_mem>>)
      } else {
      }
    }
    %scan3A_216 = arith.constant 15 : i32
    %dma_wait3A_217 = arith.constant 0 : i32
    %dma_wait3A_218 = arith.constant 0 : i32
    %dma_wait3A_219 = tpu.memref_slice %arg26[%dma_wait3A_217, %dma_wait3A_218] : memref<10000x128xf32, #tpu.memory_space<vmem_shared>> -> memref<80x128xf32, #tpu.memory_space<vmem_shared>>
    %dma_wait3A_220 = arith.constant 0 : i32
    %dma_wait3A_221 = arith.constant 0 : i32
    %dma_wait3A_222 = tpu.memref_slice %arg26[%dma_wait3A_220, %dma_wait3A_221] : memref<10000x128xf32, #tpu.memory_space<vmem_shared>> -> memref<80x128xf32, #tpu.memory_space<vmem_shared>>
    tpu.wait_dma2 semaphore(%arg42 : memref<!tpu.dma_semaphore, #tpu.memory_space<semaphore_mem>>) src(%arg9 : memref<80x128xf32, #tpu.memory_space<vmem>>) dst(%dma_wait3A_222 : memref<80x128xf32, #tpu.memory_space<vmem_shared>>)
    %dma_wait3A_223 = arith.constant 0 : i32
    %dma_wait3A_224 = tpu.memref_slice %arg3[%dma_wait3A_223] : memref<320000xi32, #tpu.memory_space<hbm>> -> memref<80xi32, #tpu.memory_space<hbm>>
    %dma_wait3A_225 = arith.constant 0 : i32
    %dma_wait3A_226 = tpu.memref_slice %arg3[%dma_wait3A_225] : memref<320000xi32, #tpu.memory_space<hbm>> -> memref<80xi32, #tpu.memory_space<hbm>>
    tpu.wait_dma2 semaphore(%arg34 : memref<!tpu.dma_semaphore, #tpu.memory_space<semaphore_mem>>) src(%dma_wait3A_226 : memref<80xi32, #tpu.memory_space<hbm>>) dst(%arg13 : memref<80xi32, #tpu.memory_space<vmem>>)
    %dma_wait3A_227 = arith.constant 0 : i32
    %dma_wait3A_228 = tpu.memref_slice %arg4[%dma_wait3A_227] : memref<320000xi32, #tpu.memory_space<hbm>> -> memref<80xi32, #tpu.memory_space<hbm>>
    %dma_wait3A_229 = arith.constant 0 : i32
    %dma_wait3A_230 = tpu.memref_slice %arg4[%dma_wait3A_229] : memref<320000xi32, #tpu.memory_space<hbm>> -> memref<80xi32, #tpu.memory_space<hbm>>
    tpu.wait_dma2 semaphore(%arg34 : memref<!tpu.dma_semaphore, #tpu.memory_space<semaphore_mem>>) src(%dma_wait3A_230 : memref<80xi32, #tpu.memory_space<hbm>>) dst(%arg21 : memref<80xi32, #tpu.memory_space<vmem>>)
    %dma_start3A_231 = arith.constant 0 : i32
    %dma_start3A_232 = arith.constant 0 : i32
    %dma_start3A_233 = tpu.memref_slice %arg2[%dma_start3A_231, %dma_start3A_232] : memref<10000x128xf32, #tpu.memory_space<hbm>> -> memref<10000x128xf32, #tpu.memory_space<hbm>>
    tpu.enqueue_indirect_dma source(%dma_start3A_233 : memref<10000x128xf32, #tpu.memory_space<hbm>>) target(%arg9 : memref<80x128xf32, #tpu.memory_space<vmem>>) offsets(%arg13 : memref<80xi32, #tpu.memory_space<vmem>>) semaphore(%arg30 : memref<!tpu.dma_semaphore, #tpu.memory_space<semaphore_mem>>)
    %dma_wait3A_234 = arith.constant 0 : i32
    %dma_wait3A_235 = arith.constant 0 : i32
    %dma_wait3A_236 = tpu.memref_slice %arg2[%dma_wait3A_234, %dma_wait3A_235] : memref<10000x128xf32, #tpu.memory_space<hbm>> -> memref<80x128xf32, #tpu.memory_space<hbm>>
    %dma_wait3A_237 = arith.constant 0 : i32
    %dma_wait3A_238 = arith.constant 0 : i32
    %dma_wait3A_239 = tpu.memref_slice %arg2[%dma_wait3A_237, %dma_wait3A_238] : memref<10000x128xf32, #tpu.memory_space<hbm>> -> memref<80x128xf32, #tpu.memory_space<hbm>>
    tpu.wait_dma2 semaphore(%arg27 : memref<!tpu.dma_semaphore, #tpu.memory_space<semaphore_mem>>) src(%dma_wait3A_239 : memref<80x128xf32, #tpu.memory_space<hbm>>) dst(%arg6 : memref<80x128xf32, #tpu.memory_space<vmem>>)
    %dma_start3A_240 = arith.constant 0 : i32
    %dma_start3A_241 = arith.constant 0 : i32
    %dma_start3A_242 = tpu.memref_slice %arg26[%dma_start3A_240, %dma_start3A_241] : memref<10000x128xf32, #tpu.memory_space<vmem_shared>> -> memref<10000x128xf32, #tpu.memory_space<vmem_shared>>
    tpu.enqueue_indirect_dma source(%arg6 : memref<80x128xf32, #tpu.memory_space<vmem>>) target(%dma_start3A_242 : memref<10000x128xf32, #tpu.memory_space<vmem_shared>>) offsets(%arg18 : memref<80xi32, #tpu.memory_space<vmem>>) semaphore(%arg39 : memref<!tpu.dma_semaphore, #tpu.memory_space<semaphore_mem>>) {add = true}
    %dma_wait3A_243 = arith.constant 0 : i32
    %dma_wait3A_244 = arith.constant 0 : i32
    %dma_wait3A_245 = tpu.memref_slice %arg26[%dma_wait3A_243, %dma_wait3A_244] : memref<10000x128xf32, #tpu.memory_space<vmem_shared>> -> memref<80x128xf32, #tpu.memory_space<vmem_shared>>
    %dma_wait3A_246 = arith.constant 0 : i32
    %dma_wait3A_247 = arith.constant 0 : i32
    %dma_wait3A_248 = tpu.memref_slice %arg26[%dma_wait3A_246, %dma_wait3A_247] : memref<10000x128xf32, #tpu.memory_space<vmem_shared>> -> memref<80x128xf32, #tpu.memory_space<vmem_shared>>
    tpu.wait_dma2 semaphore(%arg39 : memref<!tpu.dma_semaphore, #tpu.memory_space<semaphore_mem>>) src(%arg6 : memref<80x128xf32, #tpu.memory_space<vmem>>) dst(%dma_wait3A_248 : memref<80x128xf32, #tpu.memory_space<vmem_shared>>)
    %dma_wait3A_249 = arith.constant 0 : i32
    %dma_wait3A_250 = tpu.memref_slice %arg3[%dma_wait3A_249] : memref<320000xi32, #tpu.memory_space<hbm>> -> memref<80xi32, #tpu.memory_space<hbm>>
    %dma_wait3A_251 = arith.constant 0 : i32
    %dma_wait3A_252 = tpu.memref_slice %arg3[%dma_wait3A_251] : memref<320000xi32, #tpu.memory_space<hbm>> -> memref<80xi32, #tpu.memory_space<hbm>>
    tpu.wait_dma2 semaphore(%arg35 : memref<!tpu.dma_semaphore, #tpu.memory_space<semaphore_mem>>) src(%dma_wait3A_252 : memref<80xi32, #tpu.memory_space<hbm>>) dst(%arg14 : memref<80xi32, #tpu.memory_space<vmem>>)
    %dma_wait3A_253 = arith.constant 0 : i32
    %dma_wait3A_254 = tpu.memref_slice %arg4[%dma_wait3A_253] : memref<320000xi32, #tpu.memory_space<hbm>> -> memref<80xi32, #tpu.memory_space<hbm>>
    %dma_wait3A_255 = arith.constant 0 : i32
    %dma_wait3A_256 = tpu.memref_slice %arg4[%dma_wait3A_255] : memref<320000xi32, #tpu.memory_space<hbm>> -> memref<80xi32, #tpu.memory_space<hbm>>
    tpu.wait_dma2 semaphore(%arg35 : memref<!tpu.dma_semaphore, #tpu.memory_space<semaphore_mem>>) src(%dma_wait3A_256 : memref<80xi32, #tpu.memory_space<hbm>>) dst(%arg22 : memref<80xi32, #tpu.memory_space<vmem>>)
    %dma_start3A_257 = arith.constant 0 : i32
    %dma_start3A_258 = arith.constant 0 : i32
    %dma_start3A_259 = tpu.memref_slice %arg2[%dma_start3A_257, %dma_start3A_258] : memref<10000x128xf32, #tpu.memory_space<hbm>> -> memref<10000x128xf32, #tpu.memory_space<hbm>>
    tpu.enqueue_indirect_dma source(%dma_start3A_259 : memref<10000x128xf32, #tpu.memory_space<hbm>>) target(%arg6 : memref<80x128xf32, #tpu.memory_space<vmem>>) offsets(%arg14 : memref<80xi32, #tpu.memory_space<vmem>>) semaphore(%arg27 : memref<!tpu.dma_semaphore, #tpu.memory_space<semaphore_mem>>)
    %dma_wait3A_260 = arith.constant 0 : i32
    %dma_wait3A_261 = arith.constant 0 : i32
    %dma_wait3A_262 = tpu.memref_slice %arg2[%dma_wait3A_260, %dma_wait3A_261] : memref<10000x128xf32, #tpu.memory_space<hbm>> -> memref<80x128xf32, #tpu.memory_space<hbm>>
    %dma_wait3A_263 = arith.constant 0 : i32
    %dma_wait3A_264 = arith.constant 0 : i32
    %dma_wait3A_265 = tpu.memref_slice %arg2[%dma_wait3A_263, %dma_wait3A_264] : memref<10000x128xf32, #tpu.memory_space<hbm>> -> memref<80x128xf32, #tpu.memory_space<hbm>>
    tpu.wait_dma2 semaphore(%arg28 : memref<!tpu.dma_semaphore, #tpu.memory_space<semaphore_mem>>) src(%dma_wait3A_265 : memref<80x128xf32, #tpu.memory_space<hbm>>) dst(%arg7 : memref<80x128xf32, #tpu.memory_space<vmem>>)
    %dma_start3A_266 = arith.constant 0 : i32
    %dma_start3A_267 = arith.constant 0 : i32
    %dma_start3A_268 = tpu.memref_slice %arg26[%dma_start3A_266, %dma_start3A_267] : memref<10000x128xf32, #tpu.memory_space<vmem_shared>> -> memref<10000x128xf32, #tpu.memory_space<vmem_shared>>
    tpu.enqueue_indirect_dma source(%arg7 : memref<80x128xf32, #tpu.memory_space<vmem>>) target(%dma_start3A_268 : memref<10000x128xf32, #tpu.memory_space<vmem_shared>>) offsets(%arg19 : memref<80xi32, #tpu.memory_space<vmem>>) semaphore(%arg40 : memref<!tpu.dma_semaphore, #tpu.memory_space<semaphore_mem>>) {add = true}
    %dma_wait3A_269 = arith.constant 0 : i32
    %dma_wait3A_270 = arith.constant 0 : i32
    %dma_wait3A_271 = tpu.memref_slice %arg26[%dma_wait3A_269, %dma_wait3A_270] : memref<10000x128xf32, #tpu.memory_space<vmem_shared>> -> memref<80x128xf32, #tpu.memory_space<vmem_shared>>
    %dma_wait3A_272 = arith.constant 0 : i32
    %dma_wait3A_273 = arith.constant 0 : i32
    %dma_wait3A_274 = tpu.memref_slice %arg26[%dma_wait3A_272, %dma_wait3A_273] : memref<10000x128xf32, #tpu.memory_space<vmem_shared>> -> memref<80x128xf32, #tpu.memory_space<vmem_shared>>
    tpu.wait_dma2 semaphore(%arg40 : memref<!tpu.dma_semaphore, #tpu.memory_space<semaphore_mem>>) src(%arg7 : memref<80x128xf32, #tpu.memory_space<vmem>>) dst(%dma_wait3A_274 : memref<80x128xf32, #tpu.memory_space<vmem_shared>>)
    %dma_wait3A_275 = arith.constant 0 : i32
    %dma_wait3A_276 = arith.constant 0 : i32
    %dma_wait3A_277 = tpu.memref_slice %arg2[%dma_wait3A_275, %dma_wait3A_276] : memref<10000x128xf32, #tpu.memory_space<hbm>> -> memref<80x128xf32, #tpu.memory_space<hbm>>
    %dma_wait3A_278 = arith.constant 0 : i32
    %dma_wait3A_279 = arith.constant 0 : i32
    %dma_wait3A_280 = tpu.memref_slice %arg2[%dma_wait3A_278, %dma_wait3A_279] : memref<10000x128xf32, #tpu.memory_space<hbm>> -> memref<80x128xf32, #tpu.memory_space<hbm>>
    tpu.wait_dma2 semaphore(%arg29 : memref<!tpu.dma_semaphore, #tpu.memory_space<semaphore_mem>>) src(%dma_wait3A_280 : memref<80x128xf32, #tpu.memory_space<hbm>>) dst(%arg8 : memref<80x128xf32, #tpu.memory_space<vmem>>)
    %dma_start3A_281 = arith.constant 0 : i32
    %dma_start3A_282 = arith.constant 0 : i32
    %dma_start3A_283 = tpu.memref_slice %arg26[%dma_start3A_281, %dma_start3A_282] : memref<10000x128xf32, #tpu.memory_space<vmem_shared>> -> memref<10000x128xf32, #tpu.memory_space<vmem_shared>>
    tpu.enqueue_indirect_dma source(%arg8 : memref<80x128xf32, #tpu.memory_space<vmem>>) target(%dma_start3A_283 : memref<10000x128xf32, #tpu.memory_space<vmem_shared>>) offsets(%arg20 : memref<80xi32, #tpu.memory_space<vmem>>) semaphore(%arg41 : memref<!tpu.dma_semaphore, #tpu.memory_space<semaphore_mem>>) {add = true}
    %dma_wait3A_284 = arith.constant 0 : i32
    %dma_wait3A_285 = arith.constant 0 : i32
    %dma_wait3A_286 = tpu.memref_slice %arg26[%dma_wait3A_284, %dma_wait3A_285] : memref<10000x128xf32, #tpu.memory_space<vmem_shared>> -> memref<80x128xf32, #tpu.memory_space<vmem_shared>>
    %dma_wait3A_287 = arith.constant 0 : i32
    %dma_wait3A_288 = arith.constant 0 : i32
    %dma_wait3A_289 = tpu.memref_slice %arg26[%dma_wait3A_287, %dma_wait3A_288] : memref<10000x128xf32, #tpu.memory_space<vmem_shared>> -> memref<80x128xf32, #tpu.memory_space<vmem_shared>>
    tpu.wait_dma2 semaphore(%arg41 : memref<!tpu.dma_semaphore, #tpu.memory_space<semaphore_mem>>) src(%arg8 : memref<80x128xf32, #tpu.memory_space<vmem>>) dst(%dma_wait3A_289 : memref<80x128xf32, #tpu.memory_space<vmem_shared>>)
    %dma_wait3A_290 = arith.constant 0 : i32
    %dma_wait3A_291 = arith.constant 0 : i32
    %dma_wait3A_292 = tpu.memref_slice %arg2[%dma_wait3A_290, %dma_wait3A_291] : memref<10000x128xf32, #tpu.memory_space<hbm>> -> memref<80x128xf32, #tpu.memory_space<hbm>>
    %dma_wait3A_293 = arith.constant 0 : i32
    %dma_wait3A_294 = arith.constant 0 : i32
    %dma_wait3A_295 = tpu.memref_slice %arg2[%dma_wait3A_293, %dma_wait3A_294] : memref<10000x128xf32, #tpu.memory_space<hbm>> -> memref<80x128xf32, #tpu.memory_space<hbm>>
    tpu.wait_dma2 semaphore(%arg30 : memref<!tpu.dma_semaphore, #tpu.memory_space<semaphore_mem>>) src(%dma_wait3A_295 : memref<80x128xf32, #tpu.memory_space<hbm>>) dst(%arg9 : memref<80x128xf32, #tpu.memory_space<vmem>>)
    %dma_start3A_296 = arith.constant 0 : i32
    %dma_start3A_297 = arith.constant 0 : i32
    %dma_start3A_298 = tpu.memref_slice %arg26[%dma_start3A_296, %dma_start3A_297] : memref<10000x128xf32, #tpu.memory_space<vmem_shared>> -> memref<10000x128xf32, #tpu.memory_space<vmem_shared>>
    tpu.enqueue_indirect_dma source(%arg9 : memref<80x128xf32, #tpu.memory_space<vmem>>) target(%dma_start3A_298 : memref<10000x128xf32, #tpu.memory_space<vmem_shared>>) offsets(%arg21 : memref<80xi32, #tpu.memory_space<vmem>>) semaphore(%arg42 : memref<!tpu.dma_semaphore, #tpu.memory_space<semaphore_mem>>) {add = true}
    %dma_wait3A_299 = arith.constant 0 : i32
    %dma_wait3A_300 = arith.constant 0 : i32
    %dma_wait3A_301 = tpu.memref_slice %arg26[%dma_wait3A_299, %dma_wait3A_300] : memref<10000x128xf32, #tpu.memory_space<vmem_shared>> -> memref<80x128xf32, #tpu.memory_space<vmem_shared>>
    %dma_wait3A_302 = arith.constant 0 : i32
    %dma_wait3A_303 = arith.constant 0 : i32
    %dma_wait3A_304 = tpu.memref_slice %arg26[%dma_wait3A_302, %dma_wait3A_303] : memref<10000x128xf32, #tpu.memory_space<vmem_shared>> -> memref<80x128xf32, #tpu.memory_space<vmem_shared>>
    tpu.wait_dma2 semaphore(%arg42 : memref<!tpu.dma_semaphore, #tpu.memory_space<semaphore_mem>>) src(%arg9 : memref<80x128xf32, #tpu.memory_space<vmem>>) dst(%dma_wait3A_304 : memref<80x128xf32, #tpu.memory_space<vmem_shared>>)
    %dma_wait3A_305 = arith.constant 0 : i32
    %dma_wait3A_306 = arith.constant 0 : i32
    %dma_wait3A_307 = tpu.memref_slice %arg2[%dma_wait3A_305, %dma_wait3A_306] : memref<10000x128xf32, #tpu.memory_space<hbm>> -> memref<80x128xf32, #tpu.memory_space<hbm>>
    %dma_wait3A_308 = arith.constant 0 : i32
    %dma_wait3A_309 = arith.constant 0 : i32
    %dma_wait3A_310 = tpu.memref_slice %arg2[%dma_wait3A_308, %dma_wait3A_309] : memref<10000x128xf32, #tpu.memory_space<hbm>> -> memref<80x128xf32, #tpu.memory_space<hbm>>
    tpu.wait_dma2 semaphore(%arg27 : memref<!tpu.dma_semaphore, #tpu.memory_space<semaphore_mem>>) src(%dma_wait3A_310 : memref<80x128xf32, #tpu.memory_space<hbm>>) dst(%arg6 : memref<80x128xf32, #tpu.memory_space<vmem>>)
    %dma_start3A_311 = arith.constant 0 : i32
    %dma_start3A_312 = arith.constant 0 : i32
    %dma_start3A_313 = tpu.memref_slice %arg26[%dma_start3A_311, %dma_start3A_312] : memref<10000x128xf32, #tpu.memory_space<vmem_shared>> -> memref<10000x128xf32, #tpu.memory_space<vmem_shared>>
    tpu.enqueue_indirect_dma source(%arg6 : memref<80x128xf32, #tpu.memory_space<vmem>>) target(%dma_start3A_313 : memref<10000x128xf32, #tpu.memory_space<vmem_shared>>) offsets(%arg22 : memref<80xi32, #tpu.memory_space<vmem>>) semaphore(%arg39 : memref<!tpu.dma_semaphore, #tpu.memory_space<semaphore_mem>>) {add = true}
    %dma_wait3A_314 = arith.constant 0 : i32
    %dma_wait3A_315 = arith.constant 0 : i32
    %dma_wait3A_316 = tpu.memref_slice %arg26[%dma_wait3A_314, %dma_wait3A_315] : memref<10000x128xf32, #tpu.memory_space<vmem_shared>> -> memref<80x128xf32, #tpu.memory_space<vmem_shared>>
    %dma_wait3A_317 = arith.constant 0 : i32
    %dma_wait3A_318 = arith.constant 0 : i32
    %dma_wait3A_319 = tpu.memref_slice %arg26[%dma_wait3A_317, %dma_wait3A_318] : memref<10000x128xf32, #tpu.memory_space<vmem_shared>> -> memref<80x128xf32, #tpu.memory_space<vmem_shared>>
    tpu.wait_dma2 semaphore(%arg39 : memref<!tpu.dma_semaphore, #tpu.memory_space<semaphore_mem>>) src(%arg6 : memref<80x128xf32, #tpu.memory_space<vmem>>) dst(%dma_wait3A_319 : memref<80x128xf32, #tpu.memory_space<vmem_shared>>)
    %barrier3A_320 = arith.constant 0 : index
    tpu.barrier barrier_id(%barrier3A_320)
    "tpu.region"() ({
      %run_scoped3A = tpu.sem_alloc : memref<!tpu.dma_semaphore, #tpu.memory_space<semaphore_mem>>
      %dma_start3A_326 = arith.constant 0 : i32
      %dma_start3A_327 = tpu.memref_slice %arg5[%arg0, %mul3A_63, %dma_start3A_326] : memref<2x10000x128xf32, #tpu.memory_space<hbm>> -> memref<1x624x128xf32, #tpu.memory_space<hbm>>
      %dma_start3A_328 = tpu.memref_squeeze %dma_start3A_327 : memref<1x624x128xf32, #tpu.memory_space<hbm>> -> memref<624x128xf32, #tpu.memory_space<hbm>>
      %dma_start3A_329 = arith.constant 0 : i32
      %dma_start3A_330 = tpu.memref_slice %arg26[%mul3A_63, %dma_start3A_329] : memref<10000x128xf32, #tpu.memory_space<vmem_shared>> -> memref<624x128xf32, #tpu.memory_space<vmem_shared>>
      tpu.enqueue_dma source(%dma_start3A_330 : memref<624x128xf32, #tpu.memory_space<vmem_shared>>) target(%dma_start3A_328 : memref<624x128xf32, #tpu.memory_space<hbm>>) target_semaphore(%run_scoped3A : memref<!tpu.dma_semaphore, #tpu.memory_space<semaphore_mem>>)
      %dma_wait3A_331 = arith.constant 0 : i32
      %dma_wait3A_332 = tpu.memref_slice %arg5[%arg0, %mul3A_63, %dma_wait3A_331] : memref<2x10000x128xf32, #tpu.memory_space<hbm>> -> memref<1x624x128xf32, #tpu.memory_space<hbm>>
      %dma_wait3A_333 = tpu.memref_squeeze %dma_wait3A_332 : memref<1x624x128xf32, #tpu.memory_space<hbm>> -> memref<624x128xf32, #tpu.memory_space<hbm>>
      %dma_wait3A_334 = arith.constant 0 : i32
      %dma_wait3A_335 = tpu.memref_slice %arg26[%mul3A_63, %dma_wait3A_334] : memref<10000x128xf32, #tpu.memory_space<vmem_shared>> -> memref<624x128xf32, #tpu.memory_space<vmem_shared>>
      tpu.wait_dma2 semaphore(%run_scoped3A : memref<!tpu.dma_semaphore, #tpu.memory_space<semaphore_mem>>) src(%dma_wait3A_335 : memref<624x128xf32, #tpu.memory_space<vmem_shared>>) dst(%dma_wait3A_333 : memref<624x128xf32, #tpu.memory_space<hbm>>)
      tpu.yield
    }) : () -> ()
    %eq3A_321 = arith.constant 15 : i32
    %eq3A_322 = arith.cmpi eq, %arg1, %eq3A_321 : i32
    %convert_element_type3A_323 = arith.extui %eq3A_322 : i1 to i32
    %cond3A_324 = arith.constant 0 : i32
    %cond3A_325 = arith.cmpi ne, %convert_element_type3A_323, %cond3A_324 : i32
    scf.if %cond3A_325 {
      "tpu.region"() ({
        %run_scoped3A = tpu.sem_alloc : memref<!tpu.dma_semaphore, #tpu.memory_space<semaphore_mem>>
        %dma_start3A_326 = arith.constant 9984 : i32
        %dma_start3A_327 = arith.constant 0 : i32
        %dma_start3A_328 = tpu.memref_slice %arg5[%arg0, %dma_start3A_326, %dma_start3A_327] : memref<2x10000x128xf32, #tpu.memory_space<hbm>> -> memref<1x16x128xf32, #tpu.memory_space<hbm>>
        %dma_start3A_329 = tpu.memref_squeeze %dma_start3A_328 : memref<1x16x128xf32, #tpu.memory_space<hbm>> -> memref<16x128xf32, #tpu.memory_space<hbm>>
        %dma_start3A_330 = arith.constant 9984 : i32
        %dma_start3A_331 = arith.constant 0 : i32
        %dma_start3A_332 = tpu.memref_slice %arg26[%dma_start3A_330, %dma_start3A_331] : memref<10000x128xf32, #tpu.memory_space<vmem_shared>> -> memref<16x128xf32, #tpu.memory_space<vmem_shared>>
        tpu.enqueue_dma source(%dma_start3A_332 : memref<16x128xf32, #tpu.memory_space<vmem_shared>>) target(%dma_start3A_329 : memref<16x128xf32, #tpu.memory_space<hbm>>) target_semaphore(%run_scoped3A : memref<!tpu.dma_semaphore, #tpu.memory_space<semaphore_mem>>)
        %dma_wait3A_333 = arith.constant 9984 : i32
        %dma_wait3A_334 = arith.constant 0 : i32
        %dma_wait3A_335 = tpu.memref_slice %arg5[%arg0, %dma_wait3A_333, %dma_wait3A_334] : memref<2x10000x128xf32, #tpu.memory_space<hbm>> -> memref<1x16x128xf32, #tpu.memory_space<hbm>>
        %dma_wait3A_336 = tpu.memref_squeeze %dma_wait3A_335 : memref<1x16x128xf32, #tpu.memory_space<hbm>> -> memref<16x128xf32, #tpu.memory_space<hbm>>
        %dma_wait3A_337 = arith.constant 9984 : i32
        %dma_wait3A_338 = arith.constant 0 : i32
        %dma_wait3A_339 = tpu.memref_slice %arg26[%dma_wait3A_337, %dma_wait3A_338] : memref<10000x128xf32, #tpu.memory_space<vmem_shared>> -> memref<16x128xf32, #tpu.memory_space<vmem_shared>>
        tpu.wait_dma2 semaphore(%run_scoped3A : memref<!tpu.dma_semaphore, #tpu.memory_space<semaphore_mem>>) src(%dma_wait3A_339 : memref<16x128xf32, #tpu.memory_space<vmem_shared>>) dst(%dma_wait3A_336 : memref<16x128xf32, #tpu.memory_space<hbm>>)
        tpu.yield
      }) : () -> ()
    } else {
    }
    return
  }
}

#map = affine_map<(d0, d1) -> (0, 0)>
#map1 = affine_map<(d0, d1) -> (0)>
#map2 = affine_map<(d0, d1) -> (0, 0, 0)>
module attributes {stable_mosaic.version = 14 : i64} {
  func.func @seg_sum(%arg0: i32, %arg1: i32, %arg2: memref<10000x128xf32, #tpu.memory_space<hbm>>, %arg3: memref<320000xi32, #tpu.memory_space<hbm>>, %arg4: memref<320000xi32, #tpu.memory_space<hbm>>, %arg5: memref<2x10000x128xf32, #tpu.memory_space<hbm>>, %arg6: memref<80x128xf32, #tpu.memory_space<vmem>>, %arg7: memref<80x128xf32, #tpu.memory_space<vmem>>, %arg8: memref<80x128xf32, #tpu.memory_space<vmem>>, %arg9: memref<80x128xf32, #tpu.memory_space<vmem>>, %arg10: memref<80xi32, #tpu.memory_space<vmem>>, %arg11: memref<80xi32, #tpu.memory_space<vmem>>, %arg12: memref<80xi32, #tpu.memory_space<vmem>>, %arg13: memref<80xi32, #tpu.memory_space<vmem>>, %arg14: memref<80xi32, #tpu.memory_space<vmem>>, %arg15: memref<80xi32, #tpu.memory_space<vmem>>, %arg16: memref<80xi32, #tpu.memory_space<vmem>>, %arg17: memref<80xi32, #tpu.memory_space<vmem>>, %arg18: memref<80xi32, #tpu.memory_space<vmem>>, %arg19: memref<80xi32, #tpu.memory_space<vmem>>, %arg20: memref<80xi32, #tpu.memory_space<vmem>>, %arg21: memref<80xi32, #tpu.memory_space<vmem>>, %arg22: memref<80xi32, #tpu.memory_space<vmem>>, %arg23: memref<80xi32, #tpu.memory_space<vmem>>, %arg24: memref<80xi32, #tpu.memory_space<vmem>>, %arg25: memref<80xi32, #tpu.memory_space<vmem>>, %arg26: memref<10000x128xf32, #tpu.memory_space<vmem_shared>>, %arg27: memref<!tpu.dma_semaphore, #tpu.memory_space<semaphore_mem>>, %arg28: memref<!tpu.dma_semaphore, #tpu.memory_space<semaphore_mem>>, %arg29: memref<!tpu.dma_semaphore, #tpu.memory_space<semaphore_mem>>, %arg30: memref<!tpu.dma_semaphore, #tpu.memory_space<semaphore_mem>>, %arg31: memref<!tpu.dma_semaphore, #tpu.memory_space<semaphore_mem>>, %arg32: memref<!tpu.dma_semaphore, #tpu.memory_space<semaphore_mem>>, %arg33: memref<!tpu.dma_semaphore, #tpu.memory_space<semaphore_mem>>, %arg34: memref<!tpu.dma_semaphore, #tpu.memory_space<semaphore_mem>>, %arg35: memref<!tpu.dma_semaphore, #tpu.memory_space<semaphore_mem>>, %arg36: memref<!tpu.dma_semaphore, #tpu.memory_space<semaphore_mem>>, %arg37: memref<!tpu.dma_semaphore, #tpu.memory_space<semaphore_mem>>, %arg38: memref<!tpu.dma_semaphore, #tpu.memory_space<semaphore_mem>>, %arg39: memref<!tpu.dma_semaphore, #tpu.memory_space<semaphore_mem>>, %arg40: memref<!tpu.dma_semaphore, #tpu.memory_space<semaphore_mem>>, %arg41: memref<!tpu.dma_semaphore, #tpu.memory_space<semaphore_mem>>, %arg42: memref<!tpu.dma_semaphore, #tpu.memory_space<semaphore_mem>>, %arg43: memref<!tpu.dma_semaphore, #tpu.memory_space<semaphore_mem>>) attributes {dimension_semantics = [#tpu.dimension_semantics<core_parallel>, #tpu.dimension_semantics<subcore_parallel>], iteration_bounds = array<i64: 2, 16>, scalar_prefetch = 0 : i64, scratch_operands = 38 : i64, tpu.core_type = #tpu.core_type<sc_vector_subcore>, window_params = [{transform_indices = #map}, {transform_indices = #map1}, {transform_indices = #map1}, {transform_indices = #map2}]} {
    %mul3A = arith.constant 16 : i32
    %mul3A_0 = arith.muli %arg0, %mul3A : i32
    %add3A = arith.addi %mul3A_0, %arg1 : i32
    %mul3A_1 = arith.constant 10000 : i32
    %mul3A_2 = arith.muli %add3A, %mul3A_1 : i32
    %add3A_3 = arith.constant 0 : i32
    %add3A_4 = arith.addi %mul3A_2, %add3A_3 : i32
    %multiple_of3A = tpu.assume_multiple %add3A_4, 8 : i32
    %dma_start3A = tpu.memref_slice %arg3[%multiple_of3A] : memref<320000xi32, #tpu.memory_space<hbm>> -> memref<80xi32, #tpu.memory_space<hbm>>
    %dma_start3A_5 = tpu.memref_slice %arg3[%multiple_of3A] : memref<320000xi32, #tpu.memory_space<hbm>> -> memref<80xi32, #tpu.memory_space<hbm>>
    tpu.enqueue_dma source(%dma_start3A_5 : memref<80xi32, #tpu.memory_space<hbm>>) target(%arg10 : memref<80xi32, #tpu.memory_space<vmem>>) target_semaphore(%arg31 : memref<!tpu.dma_semaphore, #tpu.memory_space<semaphore_mem>>)
    %dma_start3A_6 = tpu.memref_slice %arg4[%multiple_of3A] : memref<320000xi32, #tpu.memory_space<hbm>> -> memref<80xi32, #tpu.memory_space<hbm>>
    %dma_start3A_7 = tpu.memref_slice %arg4[%multiple_of3A] : memref<320000xi32, #tpu.memory_space<hbm>> -> memref<80xi32, #tpu.memory_space<hbm>>
    tpu.enqueue_dma source(%dma_start3A_7 : memref<80xi32, #tpu.memory_space<hbm>>) target(%arg18 : memref<80xi32, #tpu.memory_space<vmem>>) target_semaphore(%arg31 : memref<!tpu.dma_semaphore, #tpu.memory_space<semaphore_mem>>)
    %add3A_8 = arith.constant 80 : i32
    %add3A_9 = arith.addi %mul3A_2, %add3A_8 : i32
    %multiple_of3A_10 = tpu.assume_multiple %add3A_9, 8 : i32
    %dma_start3A_11 = tpu.memref_slice %arg3[%multiple_of3A_10] : memref<320000xi32, #tpu.memory_space<hbm>> -> memref<80xi32, #tpu.memory_space<hbm>>
    %dma_start3A_12 = tpu.memref_slice %arg3[%multiple_of3A_10] : memref<320000xi32, #tpu.memory_space<hbm>> -> memref<80xi32, #tpu.memory_space<hbm>>
    tpu.enqueue_dma source(%dma_start3A_12 : memref<80xi32, #tpu.memory_space<hbm>>) target(%arg11 : memref<80xi32, #tpu.memory_space<vmem>>) target_semaphore(%arg32 : memref<!tpu.dma_semaphore, #tpu.memory_space<semaphore_mem>>)
    %dma_start3A_13 = tpu.memref_slice %arg4[%multiple_of3A_10] : memref<320000xi32, #tpu.memory_space<hbm>> -> memref<80xi32, #tpu.memory_space<hbm>>
    %dma_start3A_14 = tpu.memref_slice %arg4[%multiple_of3A_10] : memref<320000xi32, #tpu.memory_space<hbm>> -> memref<80xi32, #tpu.memory_space<hbm>>
    tpu.enqueue_dma source(%dma_start3A_14 : memref<80xi32, #tpu.memory_space<hbm>>) target(%arg19 : memref<80xi32, #tpu.memory_space<vmem>>) target_semaphore(%arg32 : memref<!tpu.dma_semaphore, #tpu.memory_space<semaphore_mem>>)
    %add3A_15 = arith.constant 160 : i32
    %add3A_16 = arith.addi %mul3A_2, %add3A_15 : i32
    %multiple_of3A_17 = tpu.assume_multiple %add3A_16, 8 : i32
    %dma_start3A_18 = tpu.memref_slice %arg3[%multiple_of3A_17] : memref<320000xi32, #tpu.memory_space<hbm>> -> memref<80xi32, #tpu.memory_space<hbm>>
    %dma_start3A_19 = tpu.memref_slice %arg3[%multiple_of3A_17] : memref<320000xi32, #tpu.memory_space<hbm>> -> memref<80xi32, #tpu.memory_space<hbm>>
    tpu.enqueue_dma source(%dma_start3A_19 : memref<80xi32, #tpu.memory_space<hbm>>) target(%arg12 : memref<80xi32, #tpu.memory_space<vmem>>) target_semaphore(%arg33 : memref<!tpu.dma_semaphore, #tpu.memory_space<semaphore_mem>>)
    %dma_start3A_20 = tpu.memref_slice %arg4[%multiple_of3A_17] : memref<320000xi32, #tpu.memory_space<hbm>> -> memref<80xi32, #tpu.memory_space<hbm>>
    %dma_start3A_21 = tpu.memref_slice %arg4[%multiple_of3A_17] : memref<320000xi32, #tpu.memory_space<hbm>> -> memref<80xi32, #tpu.memory_space<hbm>>
    tpu.enqueue_dma source(%dma_start3A_21 : memref<80xi32, #tpu.memory_space<hbm>>) target(%arg20 : memref<80xi32, #tpu.memory_space<vmem>>) target_semaphore(%arg33 : memref<!tpu.dma_semaphore, #tpu.memory_space<semaphore_mem>>)
    %add3A_22 = arith.constant 240 : i32
    %add3A_23 = arith.addi %mul3A_2, %add3A_22 : i32
    %multiple_of3A_24 = tpu.assume_multiple %add3A_23, 8 : i32
    %dma_start3A_25 = tpu.memref_slice %arg3[%multiple_of3A_24] : memref<320000xi32, #tpu.memory_space<hbm>> -> memref<80xi32, #tpu.memory_space<hbm>>
    %dma_start3A_26 = tpu.memref_slice %arg3[%multiple_of3A_24] : memref<320000xi32, #tpu.memory_space<hbm>> -> memref<80xi32, #tpu.memory_space<hbm>>
    tpu.enqueue_dma source(%dma_start3A_26 : memref<80xi32, #tpu.memory_space<hbm>>) target(%arg13 : memref<80xi32, #tpu.memory_space<vmem>>) target_semaphore(%arg34 : memref<!tpu.dma_semaphore, #tpu.memory_space<semaphore_mem>>)
    %dma_start3A_27 = tpu.memref_slice %arg4[%multiple_of3A_24] : memref<320000xi32, #tpu.memory_space<hbm>> -> memref<80xi32, #tpu.memory_space<hbm>>
    %dma_start3A_28 = tpu.memref_slice %arg4[%multiple_of3A_24] : memref<320000xi32, #tpu.memory_space<hbm>> -> memref<80xi32, #tpu.memory_space<hbm>>
    tpu.enqueue_dma source(%dma_start3A_28 : memref<80xi32, #tpu.memory_space<hbm>>) target(%arg21 : memref<80xi32, #tpu.memory_space<vmem>>) target_semaphore(%arg34 : memref<!tpu.dma_semaphore, #tpu.memory_space<semaphore_mem>>)
    %add3A_29 = arith.constant 320 : i32
    %add3A_30 = arith.addi %mul3A_2, %add3A_29 : i32
    %multiple_of3A_31 = tpu.assume_multiple %add3A_30, 8 : i32
    %dma_start3A_32 = tpu.memref_slice %arg3[%multiple_of3A_31] : memref<320000xi32, #tpu.memory_space<hbm>> -> memref<80xi32, #tpu.memory_space<hbm>>
    %dma_start3A_33 = tpu.memref_slice %arg3[%multiple_of3A_31] : memref<320000xi32, #tpu.memory_space<hbm>> -> memref<80xi32, #tpu.memory_space<hbm>>
    tpu.enqueue_dma source(%dma_start3A_33 : memref<80xi32, #tpu.memory_space<hbm>>) target(%arg14 : memref<80xi32, #tpu.memory_space<vmem>>) target_semaphore(%arg35 : memref<!tpu.dma_semaphore, #tpu.memory_space<semaphore_mem>>)
    %dma_start3A_34 = tpu.memref_slice %arg4[%multiple_of3A_31] : memref<320000xi32, #tpu.memory_space<hbm>> -> memref<80xi32, #tpu.memory_space<hbm>>
    %dma_start3A_35 = tpu.memref_slice %arg4[%multiple_of3A_31] : memref<320000xi32, #tpu.memory_space<hbm>> -> memref<80xi32, #tpu.memory_space<hbm>>
    tpu.enqueue_dma source(%dma_start3A_35 : memref<80xi32, #tpu.memory_space<hbm>>) target(%arg22 : memref<80xi32, #tpu.memory_space<vmem>>) target_semaphore(%arg35 : memref<!tpu.dma_semaphore, #tpu.memory_space<semaphore_mem>>)
    %add3A_36 = arith.constant 400 : i32
    %add3A_37 = arith.addi %mul3A_2, %add3A_36 : i32
    %multiple_of3A_38 = tpu.assume_multiple %add3A_37, 8 : i32
    %dma_start3A_39 = tpu.memref_slice %arg3[%multiple_of3A_38] : memref<320000xi32, #tpu.memory_space<hbm>> -> memref<80xi32, #tpu.memory_space<hbm>>
    %dma_start3A_40 = tpu.memref_slice %arg3[%multiple_of3A_38] : memref<320000xi32, #tpu.memory_space<hbm>> -> memref<80xi32, #tpu.memory_space<hbm>>
    tpu.enqueue_dma source(%dma_start3A_40 : memref<80xi32, #tpu.memory_space<hbm>>) target(%arg15 : memref<80xi32, #tpu.memory_space<vmem>>) target_semaphore(%arg36 : memref<!tpu.dma_semaphore, #tpu.memory_space<semaphore_mem>>)
    %dma_start3A_41 = tpu.memref_slice %arg4[%multiple_of3A_38] : memref<320000xi32, #tpu.memory_space<hbm>> -> memref<80xi32, #tpu.memory_space<hbm>>
    %dma_start3A_42 = tpu.memref_slice %arg4[%multiple_of3A_38] : memref<320000xi32, #tpu.memory_space<hbm>> -> memref<80xi32, #tpu.memory_space<hbm>>
    tpu.enqueue_dma source(%dma_start3A_42 : memref<80xi32, #tpu.memory_space<hbm>>) target(%arg23 : memref<80xi32, #tpu.memory_space<vmem>>) target_semaphore(%arg36 : memref<!tpu.dma_semaphore, #tpu.memory_space<semaphore_mem>>)
    %add3A_43 = arith.constant 480 : i32
    %add3A_44 = arith.addi %mul3A_2, %add3A_43 : i32
    %multiple_of3A_45 = tpu.assume_multiple %add3A_44, 8 : i32
    %dma_start3A_46 = tpu.memref_slice %arg3[%multiple_of3A_45] : memref<320000xi32, #tpu.memory_space<hbm>> -> memref<80xi32, #tpu.memory_space<hbm>>
    %dma_start3A_47 = tpu.memref_slice %arg3[%multiple_of3A_45] : memref<320000xi32, #tpu.memory_space<hbm>> -> memref<80xi32, #tpu.memory_space<hbm>>
    tpu.enqueue_dma source(%dma_start3A_47 : memref<80xi32, #tpu.memory_space<hbm>>) target(%arg16 : memref<80xi32, #tpu.memory_space<vmem>>) target_semaphore(%arg37 : memref<!tpu.dma_semaphore, #tpu.memory_space<semaphore_mem>>)
    %dma_start3A_48 = tpu.memref_slice %arg4[%multiple_of3A_45] : memref<320000xi32, #tpu.memory_space<hbm>> -> memref<80xi32, #tpu.memory_space<hbm>>
    %dma_start3A_49 = tpu.memref_slice %arg4[%multiple_of3A_45] : memref<320000xi32, #tpu.memory_space<hbm>> -> memref<80xi32, #tpu.memory_space<hbm>>
    tpu.enqueue_dma source(%dma_start3A_49 : memref<80xi32, #tpu.memory_space<hbm>>) target(%arg24 : memref<80xi32, #tpu.memory_space<vmem>>) target_semaphore(%arg37 : memref<!tpu.dma_semaphore, #tpu.memory_space<semaphore_mem>>)
    %add3A_50 = arith.constant 560 : i32
    %add3A_51 = arith.addi %mul3A_2, %add3A_50 : i32
    %multiple_of3A_52 = tpu.assume_multiple %add3A_51, 8 : i32
    %dma_start3A_53 = tpu.memref_slice %arg3[%multiple_of3A_52] : memref<320000xi32, #tpu.memory_space<hbm>> -> memref<80xi32, #tpu.memory_space<hbm>>
    %dma_start3A_54 = tpu.memref_slice %arg3[%multiple_of3A_52] : memref<320000xi32, #tpu.memory_space<hbm>> -> memref<80xi32, #tpu.memory_space<hbm>>
    tpu.enqueue_dma source(%dma_start3A_54 : memref<80xi32, #tpu.memory_space<hbm>>) target(%arg17 : memref<80xi32, #tpu.memory_space<vmem>>) target_semaphore(%arg38 : memref<!tpu.dma_semaphore, #tpu.memory_space<semaphore_mem>>)
    %dma_start3A_55 = tpu.memref_slice %arg4[%multiple_of3A_52] : memref<320000xi32, #tpu.memory_space<hbm>> -> memref<80xi32, #tpu.memory_space<hbm>>
    %dma_start3A_56 = tpu.memref_slice %arg4[%multiple_of3A_52] : memref<320000xi32, #tpu.memory_space<hbm>> -> memref<80xi32, #tpu.memory_space<hbm>>
    tpu.enqueue_dma source(%dma_start3A_56 : memref<80xi32, #tpu.memory_space<hbm>>) target(%arg25 : memref<80xi32, #tpu.memory_space<vmem>>) target_semaphore(%arg38 : memref<!tpu.dma_semaphore, #tpu.memory_space<semaphore_mem>>)
    %scan3A = arith.constant 0 : i32
    %scan3A_57 = arith.constant 0 : i32
    %scan3A_58 = arith.constant 80 : i32
    %scan3A_59 = arith.addi %scan3A_57, %scan3A_58 : i32
    %scan3A_60 = arith.constant 1 : i32
    scf.for %scan3A_326 = %scan3A_57 to %scan3A_59 step %scan3A_60  : i32 {
      %broadcast_in_dim3A = arith.constant 0.000000e+00 : f32
      %broadcast_in_dim3A_327 = vector.broadcast %broadcast_in_dim3A : f32 to vector<16xf32>
      %swap3A = arith.index_cast %scan3A_326 : i32 to index
      %swap3A_328 = arith.constant 0 : index
      %swap3A_329 = tpu.vector_load %arg6[%swap3A, %swap3A_328] {strides = array<i32>} : memref<80x128xf32, #tpu.memory_space<vmem>>, vector<1x16xf32>,
      %swap3A_330 = vector.shape_cast %swap3A_329 : vector<1x16xf32> to vector<16xf32>
      %swap3A_331 = vector.shape_cast %broadcast_in_dim3A_327 : vector<16xf32> to vector<1x16xf32>
      tpu.vector_store %arg6[%swap3A, %swap3A_328], %swap3A_331 {strides = array<i32>} : memref<80x128xf32, #tpu.memory_space<vmem>>, vector<1x16xf32>,
      %broadcast_in_dim3A_332 = arith.constant 0.000000e+00 : f32
      %broadcast_in_dim3A_333 = vector.broadcast %broadcast_in_dim3A_332 : f32 to vector<16xf32>
      %swap3A_334 = arith.index_cast %scan3A_326 : i32 to index
      %swap3A_335 = arith.constant 16 : index
      %swap3A_336 = tpu.vector_load %arg6[%swap3A_334, %swap3A_335] {strides = array<i32>} : memref<80x128xf32, #tpu.memory_space<vmem>>, vector<1x16xf32>,
      %swap3A_337 = vector.shape_cast %swap3A_336 : vector<1x16xf32> to vector<16xf32>
      %swap3A_338 = vector.shape_cast %broadcast_in_dim3A_333 : vector<16xf32> to vector<1x16xf32>
      tpu.vector_store %arg6[%swap3A_334, %swap3A_335], %swap3A_338 {strides = array<i32>} : memref<80x128xf32, #tpu.memory_space<vmem>>, vector<1x16xf32>,
      %broadcast_in_dim3A_339 = arith.constant 0.000000e+00 : f32
      %broadcast_in_dim3A_340 = vector.broadcast %broadcast_in_dim3A_339 : f32 to vector<16xf32>
      %swap3A_341 = arith.index_cast %scan3A_326 : i32 to index
      %swap3A_342 = arith.constant 32 : index
      %swap3A_343 = tpu.vector_load %arg6[%swap3A_341, %swap3A_342] {strides = array<i32>} : memref<80x128xf32, #tpu.memory_space<vmem>>, vector<1x16xf32>,
      %swap3A_344 = vector.shape_cast %swap3A_343 : vector<1x16xf32> to vector<16xf32>
      %swap3A_345 = vector.shape_cast %broadcast_in_dim3A_340 : vector<16xf32> to vector<1x16xf32>
      tpu.vector_store %arg6[%swap3A_341, %swap3A_342], %swap3A_345 {strides = array<i32>} : memref<80x128xf32, #tpu.memory_space<vmem>>, vector<1x16xf32>,
      %broadcast_in_dim3A_346 = arith.constant 0.000000e+00 : f32
      %broadcast_in_dim3A_347 = vector.broadcast %broadcast_in_dim3A_346 : f32 to vector<16xf32>
      %swap3A_348 = arith.index_cast %scan3A_326 : i32 to index
      %swap3A_349 = arith.constant 48 : index
      %swap3A_350 = tpu.vector_load %arg6[%swap3A_348, %swap3A_349] {strides = array<i32>} : memref<80x128xf32, #tpu.memory_space<vmem>>, vector<1x16xf32>,
      %swap3A_351 = vector.shape_cast %swap3A_350 : vector<1x16xf32> to vector<16xf32>
      %swap3A_352 = vector.shape_cast %broadcast_in_dim3A_347 : vector<16xf32> to vector<1x16xf32>
      tpu.vector_store %arg6[%swap3A_348, %swap3A_349], %swap3A_352 {strides = array<i32>} : memref<80x128xf32, #tpu.memory_space<vmem>>, vector<1x16xf32>,
      %broadcast_in_dim3A_353 = arith.constant 0.000000e+00 : f32
      %broadcast_in_dim3A_354 = vector.broadcast %broadcast_in_dim3A_353 : f32 to vector<16xf32>
      %swap3A_355 = arith.index_cast %scan3A_326 : i32 to index
      %swap3A_356 = arith.constant 64 : index
      %swap3A_357 = tpu.vector_load %arg6[%swap3A_355, %swap3A_356] {strides = array<i32>} : memref<80x128xf32, #tpu.memory_space<vmem>>, vector<1x16xf32>,
      %swap3A_358 = vector.shape_cast %swap3A_357 : vector<1x16xf32> to vector<16xf32>
      %swap3A_359 = vector.shape_cast %broadcast_in_dim3A_354 : vector<16xf32> to vector<1x16xf32>
      tpu.vector_store %arg6[%swap3A_355, %swap3A_356], %swap3A_359 {strides = array<i32>} : memref<80x128xf32, #tpu.memory_space<vmem>>, vector<1x16xf32>,
      %broadcast_in_dim3A_360 = arith.constant 0.000000e+00 : f32
      %broadcast_in_dim3A_361 = vector.broadcast %broadcast_in_dim3A_360 : f32 to vector<16xf32>
      %swap3A_362 = arith.index_cast %scan3A_326 : i32 to index
      %swap3A_363 = arith.constant 80 : index
      %swap3A_364 = tpu.vector_load %arg6[%swap3A_362, %swap3A_363] {strides = array<i32>} : memref<80x128xf32, #tpu.memory_space<vmem>>, vector<1x16xf32>,
      %swap3A_365 = vector.shape_cast %swap3A_364 : vector<1x16xf32> to vector<16xf32>
      %swap3A_366 = vector.shape_cast %broadcast_in_dim3A_361 : vector<16xf32> to vector<1x16xf32>
      tpu.vector_store %arg6[%swap3A_362, %swap3A_363], %swap3A_366 {strides = array<i32>} : memref<80x128xf32, #tpu.memory_space<vmem>>, vector<1x16xf32>,
      %broadcast_in_dim3A_367 = arith.constant 0.000000e+00 : f32
      %broadcast_in_dim3A_368 = vector.broadcast %broadcast_in_dim3A_367 : f32 to vector<16xf32>
      %swap3A_369 = arith.index_cast %scan3A_326 : i32 to index
      %swap3A_370 = arith.constant 96 : index
      %swap3A_371 = tpu.vector_load %arg6[%swap3A_369, %swap3A_370] {strides = array<i32>} : memref<80x128xf32, #tpu.memory_space<vmem>>, vector<1x16xf32>,
      %swap3A_372 = vector.shape_cast %swap3A_371 : vector<1x16xf32> to vector<16xf32>
      %swap3A_373 = vector.shape_cast %broadcast_in_dim3A_368 : vector<16xf32> to vector<1x16xf32>
      tpu.vector_store %arg6[%swap3A_369, %swap3A_370], %swap3A_373 {strides = array<i32>} : memref<80x128xf32, #tpu.memory_space<vmem>>, vector<1x16xf32>,
      %broadcast_in_dim3A_374 = arith.constant 0.000000e+00 : f32
      %broadcast_in_dim3A_375 = vector.broadcast %broadcast_in_dim3A_374 : f32 to vector<16xf32>
      %swap3A_376 = arith.index_cast %scan3A_326 : i32 to index
      %swap3A_377 = arith.constant 112 : index
      %swap3A_378 = tpu.vector_load %arg6[%swap3A_376, %swap3A_377] {strides = array<i32>} : memref<80x128xf32, #tpu.memory_space<vmem>>, vector<1x16xf32>,
      %swap3A_379 = vector.shape_cast %swap3A_378 : vector<1x16xf32> to vector<16xf32>
      %swap3A_380 = vector.shape_cast %broadcast_in_dim3A_375 : vector<16xf32> to vector<1x16xf32>
      tpu.vector_store %arg6[%swap3A_376, %swap3A_377], %swap3A_380 {strides = array<i32>} : memref<80x128xf32, #tpu.memory_space<vmem>>, vector<1x16xf32>,
    }
    %scan3A_61 = arith.constant 80 : i32
    %mul3A_62 = arith.constant 624 : i32
    %mul3A_63 = arith.muli %arg1, %mul3A_62 : i32
    %add3A_64 = arith.constant 0 : i32
    %add3A_65 = arith.addi %mul3A_63, %add3A_64 : i32
    %dma_start3A_66 = arith.constant 0 : i32
    %dma_start3A_67 = tpu.memref_slice %arg26[%add3A_65, %dma_start3A_66] : memref<10000x128xf32, #tpu.memory_space<vmem_shared>> -> memref<80x128xf32, #tpu.memory_space<vmem_shared>>
    %dma_start3A_68 = arith.constant 0 : i32
    %dma_start3A_69 = tpu.memref_slice %arg26[%add3A_65, %dma_start3A_68] : memref<10000x128xf32, #tpu.memory_space<vmem_shared>> -> memref<80x128xf32, #tpu.memory_space<vmem_shared>>
    tpu.enqueue_dma source(%arg6 : memref<80x128xf32, #tpu.memory_space<vmem>>) target(%dma_start3A_69 : memref<80x128xf32, #tpu.memory_space<vmem_shared>>) target_semaphore(%arg43 : memref<!tpu.dma_semaphore, #tpu.memory_space<semaphore_mem>>)
    %add3A_70 = arith.constant 80 : i32
    %add3A_71 = arith.addi %mul3A_63, %add3A_70 : i32
    %dma_start3A_72 = arith.constant 0 : i32
    %dma_start3A_73 = tpu.memref_slice %arg26[%add3A_71, %dma_start3A_72] : memref<10000x128xf32, #tpu.memory_space<vmem_shared>> -> memref<80x128xf32, #tpu.memory_space<vmem_shared>>
    %dma_start3A_74 = arith.constant 0 : i32
    %dma_start3A_75 = tpu.memref_slice %arg26[%add3A_71, %dma_start3A_74] : memref<10000x128xf32, #tpu.memory_space<vmem_shared>> -> memref<80x128xf32, #tpu.memory_space<vmem_shared>>
    tpu.enqueue_dma source(%arg6 : memref<80x128xf32, #tpu.memory_space<vmem>>) target(%dma_start3A_75 : memref<80x128xf32, #tpu.memory_space<vmem_shared>>) target_semaphore(%arg43 : memref<!tpu.dma_semaphore, #tpu.memory_space<semaphore_mem>>)
    %add3A_76 = arith.constant 160 : i32
    %add3A_77 = arith.addi %mul3A_63, %add3A_76 : i32
    %dma_start3A_78 = arith.constant 0 : i32
    %dma_start3A_79 = tpu.memref_slice %arg26[%add3A_77, %dma_start3A_78] : memref<10000x128xf32, #tpu.memory_space<vmem_shared>> -> memref<80x128xf32, #tpu.memory_space<vmem_shared>>
    %dma_start3A_80 = arith.constant 0 : i32
    %dma_start3A_81 = tpu.memref_slice %arg26[%add3A_77, %dma_start3A_80] : memref<10000x128xf32, #tpu.memory_space<vmem_shared>> -> memref<80x128xf32, #tpu.memory_space<vmem_shared>>
    tpu.enqueue_dma source(%arg6 : memref<80x128xf32, #tpu.memory_space<vmem>>) target(%dma_start3A_81 : memref<80x128xf32, #tpu.memory_space<vmem_shared>>) target_semaphore(%arg43 : memref<!tpu.dma_semaphore, #tpu.memory_space<semaphore_mem>>)
    %add3A_82 = arith.constant 240 : i32
    %add3A_83 = arith.addi %mul3A_63, %add3A_82 : i32
    %dma_start3A_84 = arith.constant 0 : i32
    %dma_start3A_85 = tpu.memref_slice %arg26[%add3A_83, %dma_start3A_84] : memref<10000x128xf32, #tpu.memory_space<vmem_shared>> -> memref<80x128xf32, #tpu.memory_space<vmem_shared>>
    %dma_start3A_86 = arith.constant 0 : i32
    %dma_start3A_87 = tpu.memref_slice %arg26[%add3A_83, %dma_start3A_86] : memref<10000x128xf32, #tpu.memory_space<vmem_shared>> -> memref<80x128xf32, #tpu.memory_space<vmem_shared>>
    tpu.enqueue_dma source(%arg6 : memref<80x128xf32, #tpu.memory_space<vmem>>) target(%dma_start3A_87 : memref<80x128xf32, #tpu.memory_space<vmem_shared>>) target_semaphore(%arg43 : memref<!tpu.dma_semaphore, #tpu.memory_space<semaphore_mem>>)
    %add3A_88 = arith.constant 320 : i32
    %add3A_89 = arith.addi %mul3A_63, %add3A_88 : i32
    %dma_start3A_90 = arith.constant 0 : i32
    %dma_start3A_91 = tpu.memref_slice %arg26[%add3A_89, %dma_start3A_90] : memref<10000x128xf32, #tpu.memory_space<vmem_shared>> -> memref<80x128xf32, #tpu.memory_space<vmem_shared>>
    %dma_start3A_92 = arith.constant 0 : i32
    %dma_start3A_93 = tpu.memref_slice %arg26[%add3A_89, %dma_start3A_92] : memref<10000x128xf32, #tpu.memory_space<vmem_shared>> -> memref<80x128xf32, #tpu.memory_space<vmem_shared>>
    tpu.enqueue_dma source(%arg6 : memref<80x128xf32, #tpu.memory_space<vmem>>) target(%dma_start3A_93 : memref<80x128xf32, #tpu.memory_space<vmem_shared>>) target_semaphore(%arg43 : memref<!tpu.dma_semaphore, #tpu.memory_space<semaphore_mem>>)
    %add3A_94 = arith.constant 400 : i32
    %add3A_95 = arith.addi %mul3A_63, %add3A_94 : i32
    %dma_start3A_96 = arith.constant 0 : i32
    %dma_start3A_97 = tpu.memref_slice %arg26[%add3A_95, %dma_start3A_96] : memref<10000x128xf32, #tpu.memory_space<vmem_shared>> -> memref<80x128xf32, #tpu.memory_space<vmem_shared>>
    %dma_start3A_98 = arith.constant 0 : i32
    %dma_start3A_99 = tpu.memref_slice %arg26[%add3A_95, %dma_start3A_98] : memref<10000x128xf32, #tpu.memory_space<vmem_shared>> -> memref<80x128xf32, #tpu.memory_space<vmem_shared>>
    tpu.enqueue_dma source(%arg6 : memref<80x128xf32, #tpu.memory_space<vmem>>) target(%dma_start3A_99 : memref<80x128xf32, #tpu.memory_space<vmem_shared>>) target_semaphore(%arg43 : memref<!tpu.dma_semaphore, #tpu.memory_space<semaphore_mem>>)
    %add3A_100 = arith.constant 480 : i32
    %add3A_101 = arith.addi %mul3A_63, %add3A_100 : i32
    %dma_start3A_102 = arith.constant 0 : i32
    %dma_start3A_103 = tpu.memref_slice %arg26[%add3A_101, %dma_start3A_102] : memref<10000x128xf32, #tpu.memory_space<vmem_shared>> -> memref<80x128xf32, #tpu.memory_space<vmem_shared>>
    %dma_start3A_104 = arith.constant 0 : i32
    %dma_start3A_105 = tpu.memref_slice %arg26[%add3A_101, %dma_start3A_104] : memref<10000x128xf32, #tpu.memory_space<vmem_shared>> -> memref<80x128xf32, #tpu.memory_space<vmem_shared>>
    tpu.enqueue_dma source(%arg6 : memref<80x128xf32, #tpu.memory_space<vmem>>) target(%dma_start3A_105 : memref<80x128xf32, #tpu.memory_space<vmem_shared>>) target_semaphore(%arg43 : memref<!tpu.dma_semaphore, #tpu.memory_space<semaphore_mem>>)
    %add3A_106 = arith.constant 560 : i32
    %add3A_107 = arith.addi %mul3A_63, %add3A_106 : i32
    %dma_start3A_108 = arith.constant 0 : i32
    %dma_start3A_109 = arith.constant 0 : i32
    %dma_start3A_110 = tpu.memref_slice %arg6[%dma_start3A_108, %dma_start3A_109] : memref<80x128xf32, #tpu.memory_space<vmem>> -> memref<64x128xf32, #tpu.memory_space<vmem>>
    %dma_start3A_111 = arith.constant 0 : i32
    %dma_start3A_112 = tpu.memref_slice %arg26[%add3A_107, %dma_start3A_111] : memref<10000x128xf32, #tpu.memory_space<vmem_shared>> -> memref<64x128xf32, #tpu.memory_space<vmem_shared>>
    %dma_start3A_113 = arith.constant 0 : i32
    %dma_start3A_114 = tpu.memref_slice %arg26[%add3A_107, %dma_start3A_113] : memref<10000x128xf32, #tpu.memory_space<vmem_shared>> -> memref<64x128xf32, #tpu.memory_space<vmem_shared>>
    %dma_start3A_115 = arith.constant 0 : i32
    %dma_start3A_116 = arith.constant 0 : i32
    %dma_start3A_117 = tpu.memref_slice %arg6[%dma_start3A_115, %dma_start3A_116] : memref<80x128xf32, #tpu.memory_space<vmem>> -> memref<64x128xf32, #tpu.memory_space<vmem>>
    tpu.enqueue_dma source(%dma_start3A_117 : memref<64x128xf32, #tpu.memory_space<vmem>>) target(%dma_start3A_114 : memref<64x128xf32, #tpu.memory_space<vmem_shared>>) target_semaphore(%arg43 : memref<!tpu.dma_semaphore, #tpu.memory_space<semaphore_mem>>)
    %eq3A = arith.constant 15 : i32
    %eq3A_118 = arith.cmpi eq, %arg1, %eq3A : i32
    %convert_element_type3A = arith.extui %eq3A_118 : i1 to i32
    %cond3A = arith.constant 0 : i32
    %cond3A_119 = arith.cmpi ne, %convert_element_type3A, %cond3A : i32
    scf.if %cond3A_119 {
      %dma_start3A_326 = arith.constant 0 : i32
      %dma_start3A_327 = arith.constant 0 : i32
      %dma_start3A_328 = tpu.memref_slice %arg6[%dma_start3A_326, %dma_start3A_327] : memref<80x128xf32, #tpu.memory_space<vmem>> -> memref<16x128xf32, #tpu.memory_space<vmem>>
      %dma_start3A_329 = arith.constant 9984 : i32
      %dma_start3A_330 = arith.constant 0 : i32
      %dma_start3A_331 = tpu.memref_slice %arg26[%dma_start3A_329, %dma_start3A_330] : memref<10000x128xf32, #tpu.memory_space<vmem_shared>> -> memref<16x128xf32, #tpu.memory_space<vmem_shared>>
      %dma_start3A_332 = arith.constant 9984 : i32
      %dma_start3A_333 = arith.constant 0 : i32
      %dma_start3A_334 = tpu.memref_slice %arg26[%dma_start3A_332, %dma_start3A_333] : memref<10000x128xf32, #tpu.memory_space<vmem_shared>> -> memref<16x128xf32, #tpu.memory_space<vmem_shared>>
      %dma_start3A_335 = arith.constant 0 : i32
      %dma_start3A_336 = arith.constant 0 : i32
      %dma_start3A_337 = tpu.memref_slice %arg6[%dma_start3A_335, %dma_start3A_336] : memref<80x128xf32, #tpu.memory_space<vmem>> -> memref<16x128xf32, #tpu.memory_space<vmem>>
      tpu.enqueue_dma source(%dma_start3A_337 : memref<16x128xf32, #tpu.memory_space<vmem>>) target(%dma_start3A_334 : memref<16x128xf32, #tpu.memory_space<vmem_shared>>) target_semaphore(%arg43 : memref<!tpu.dma_semaphore, #tpu.memory_space<semaphore_mem>>)
    } else {
    }
    %dma_wait3A = arith.constant 0 : i32
    %dma_wait3A_120 = arith.constant 0 : i32
    %dma_wait3A_121 = tpu.memref_slice %arg26[%dma_wait3A, %dma_wait3A_120] : memref<10000x128xf32, #tpu.memory_space<vmem_shared>> -> memref<80x128xf32, #tpu.memory_space<vmem_shared>>
    %dma_wait3A_122 = arith.constant 0 : i32
    %dma_wait3A_123 = arith.constant 0 : i32
    %dma_wait3A_124 = tpu.memref_slice %arg26[%dma_wait3A_122, %dma_wait3A_123] : memref<10000x128xf32, #tpu.memory_space<vmem_shared>> -> memref<80x128xf32, #tpu.memory_space<vmem_shared>>
    tpu.wait_dma2 semaphore(%arg43 : memref<!tpu.dma_semaphore, #tpu.memory_space<semaphore_mem>>) src(%arg6 : memref<80x128xf32, #tpu.memory_space<vmem>>) dst(%dma_wait3A_124 : memref<80x128xf32, #tpu.memory_space<vmem_shared>>)
    %dma_wait3A_125 = arith.constant 0 : i32
    %dma_wait3A_126 = arith.constant 0 : i32
    %dma_wait3A_127 = tpu.memref_slice %arg26[%dma_wait3A_125, %dma_wait3A_126] : memref<10000x128xf32, #tpu.memory_space<vmem_shared>> -> memref<80x128xf32, #tpu.memory_space<vmem_shared>>
    %dma_wait3A_128 = arith.constant 0 : i32
    %dma_wait3A_129 = arith.constant 0 : i32
    %dma_wait3A_130 = tpu.memref_slice %arg26[%dma_wait3A_128, %dma_wait3A_129] : memref<10000x128xf32, #tpu.memory_space<vmem_shared>> -> memref<80x128xf32, #tpu.memory_space<vmem_shared>>
    tpu.wait_dma2 semaphore(%arg43 : memref<!tpu.dma_semaphore, #tpu.memory_space<semaphore_mem>>) src(%arg6 : memref<80x128xf32, #tpu.memory_space<vmem>>) dst(%dma_wait3A_130 : memref<80x128xf32, #tpu.memory_space<vmem_shared>>)
    %dma_wait3A_131 = arith.constant 0 : i32
    %dma_wait3A_132 = arith.constant 0 : i32
    %dma_wait3A_133 = tpu.memref_slice %arg26[%dma_wait3A_131, %dma_wait3A_132] : memref<10000x128xf32, #tpu.memory_space<vmem_shared>> -> memref<80x128xf32, #tpu.memory_space<vmem_shared>>
    %dma_wait3A_134 = arith.constant 0 : i32
    %dma_wait3A_135 = arith.constant 0 : i32
    %dma_wait3A_136 = tpu.memref_slice %arg26[%dma_wait3A_134, %dma_wait3A_135] : memref<10000x128xf32, #tpu.memory_space<vmem_shared>> -> memref<80x128xf32, #tpu.memory_space<vmem_shared>>
    tpu.wait_dma2 semaphore(%arg43 : memref<!tpu.dma_semaphore, #tpu.memory_space<semaphore_mem>>) src(%arg6 : memref<80x128xf32, #tpu.memory_space<vmem>>) dst(%dma_wait3A_136 : memref<80x128xf32, #tpu.memory_space<vmem_shared>>)
    %dma_wait3A_137 = arith.constant 0 : i32
    %dma_wait3A_138 = arith.constant 0 : i32
    %dma_wait3A_139 = tpu.memref_slice %arg26[%dma_wait3A_137, %dma_wait3A_138] : memref<10000x128xf32, #tpu.memory_space<vmem_shared>> -> memref<80x128xf32, #tpu.memory_space<vmem_shared>>
    %dma_wait3A_140 = arith.constant 0 : i32
    %dma_wait3A_141 = arith.constant 0 : i32
    %dma_wait3A_142 = tpu.memref_slice %arg26[%dma_wait3A_140, %dma_wait3A_141] : memref<10000x128xf32, #tpu.memory_space<vmem_shared>> -> memref<80x128xf32, #tpu.memory_space<vmem_shared>>
    tpu.wait_dma2 semaphore(%arg43 : memref<!tpu.dma_semaphore, #tpu.memory_space<semaphore_mem>>) src(%arg6 : memref<80x128xf32, #tpu.memory_space<vmem>>) dst(%dma_wait3A_142 : memref<80x128xf32, #tpu.memory_space<vmem_shared>>)
    %dma_wait3A_143 = arith.constant 0 : i32
    %dma_wait3A_144 = arith.constant 0 : i32
    %dma_wait3A_145 = tpu.memref_slice %arg26[%dma_wait3A_143, %dma_wait3A_144] : memref<10000x128xf32, #tpu.memory_space<vmem_shared>> -> memref<80x128xf32, #tpu.memory_space<vmem_shared>>
    %dma_wait3A_146 = arith.constant 0 : i32
    %dma_wait3A_147 = arith.constant 0 : i32
    %dma_wait3A_148 = tpu.memref_slice %arg26[%dma_wait3A_146, %dma_wait3A_147] : memref<10000x128xf32, #tpu.memory_space<vmem_shared>> -> memref<80x128xf32, #tpu.memory_space<vmem_shared>>
    tpu.wait_dma2 semaphore(%arg43 : memref<!tpu.dma_semaphore, #tpu.memory_space<semaphore_mem>>) src(%arg6 : memref<80x128xf32, #tpu.memory_space<vmem>>) dst(%dma_wait3A_148 : memref<80x128xf32, #tpu.memory_space<vmem_shared>>)
    %dma_wait3A_149 = arith.constant 0 : i32
    %dma_wait3A_150 = arith.constant 0 : i32
    %dma_wait3A_151 = tpu.memref_slice %arg26[%dma_wait3A_149, %dma_wait3A_150] : memref<10000x128xf32, #tpu.memory_space<vmem_shared>> -> memref<80x128xf32, #tpu.memory_space<vmem_shared>>
    %dma_wait3A_152 = arith.constant 0 : i32
    %dma_wait3A_153 = arith.constant 0 : i32
    %dma_wait3A_154 = tpu.memref_slice %arg26[%dma_wait3A_152, %dma_wait3A_153] : memref<10000x128xf32, #tpu.memory_space<vmem_shared>> -> memref<80x128xf32, #tpu.memory_space<vmem_shared>>
    tpu.wait_dma2 semaphore(%arg43 : memref<!tpu.dma_semaphore, #tpu.memory_space<semaphore_mem>>) src(%arg6 : memref<80x128xf32, #tpu.memory_space<vmem>>) dst(%dma_wait3A_154 : memref<80x128xf32, #tpu.memory_space<vmem_shared>>)
    %dma_wait3A_155 = arith.constant 0 : i32
    %dma_wait3A_156 = arith.constant 0 : i32
    %dma_wait3A_157 = tpu.memref_slice %arg26[%dma_wait3A_155, %dma_wait3A_156] : memref<10000x128xf32, #tpu.memory_space<vmem_shared>> -> memref<80x128xf32, #tpu.memory_space<vmem_shared>>
    %dma_wait3A_158 = arith.constant 0 : i32
    %dma_wait3A_159 = arith.constant 0 : i32
    %dma_wait3A_160 = tpu.memref_slice %arg26[%dma_wait3A_158, %dma_wait3A_159] : memref<10000x128xf32, #tpu.memory_space<vmem_shared>> -> memref<80x128xf32, #tpu.memory_space<vmem_shared>>
    tpu.wait_dma2 semaphore(%arg43 : memref<!tpu.dma_semaphore, #tpu.memory_space<semaphore_mem>>) src(%arg6 : memref<80x128xf32, #tpu.memory_space<vmem>>) dst(%dma_wait3A_160 : memref<80x128xf32, #tpu.memory_space<vmem_shared>>)
    %dma_wait3A_161 = arith.constant 0 : i32
    %dma_wait3A_162 = arith.constant 0 : i32
    %dma_wait3A_163 = tpu.memref_slice %arg6[%dma_wait3A_161, %dma_wait3A_162] : memref<80x128xf32, #tpu.memory_space<vmem>> -> memref<64x128xf32, #tpu.memory_space<vmem>>
    %dma_wait3A_164 = arith.constant 0 : i32
    %dma_wait3A_165 = arith.constant 0 : i32
    %dma_wait3A_166 = tpu.memref_slice %arg26[%dma_wait3A_164, %dma_wait3A_165] : memref<10000x128xf32, #tpu.memory_space<vmem_shared>> -> memref<64x128xf32, #tpu.memory_space<vmem_shared>>
    %dma_wait3A_167 = arith.constant 0 : i32
    %dma_wait3A_168 = arith.constant 0 : i32
    %dma_wait3A_169 = tpu.memref_slice %arg26[%dma_wait3A_167, %dma_wait3A_168] : memref<10000x128xf32, #tpu.memory_space<vmem_shared>> -> memref<64x128xf32, #tpu.memory_space<vmem_shared>>
    %dma_wait3A_170 = arith.constant 0 : i32
    %dma_wait3A_171 = arith.constant 0 : i32
    %dma_wait3A_172 = tpu.memref_slice %arg6[%dma_wait3A_170, %dma_wait3A_171] : memref<80x128xf32, #tpu.memory_space<vmem>> -> memref<64x128xf32, #tpu.memory_space<vmem>>
    tpu.wait_dma2 semaphore(%arg43 : memref<!tpu.dma_semaphore, #tpu.memory_space<semaphore_mem>>) src(%dma_wait3A_172 : memref<64x128xf32, #tpu.memory_space<vmem>>) dst(%dma_wait3A_169 : memref<64x128xf32, #tpu.memory_space<vmem_shared>>)
    %eq3A_173 = arith.constant 15 : i32
    %eq3A_174 = arith.cmpi eq, %arg1, %eq3A_173 : i32
    %convert_element_type3A_175 = arith.extui %eq3A_174 : i1 to i32
    %cond3A_176 = arith.constant 0 : i32
    %cond3A_177 = arith.cmpi ne, %convert_element_type3A_175, %cond3A_176 : i32
    scf.if %cond3A_177 {
      %dma_wait3A_326 = arith.constant 0 : i32
      %dma_wait3A_327 = arith.constant 0 : i32
      %dma_wait3A_328 = tpu.memref_slice %arg6[%dma_wait3A_326, %dma_wait3A_327] : memref<80x128xf32, #tpu.memory_space<vmem>> -> memref<16x128xf32, #tpu.memory_space<vmem>>
      %dma_wait3A_329 = arith.constant 0 : i32
      %dma_wait3A_330 = arith.constant 0 : i32
      %dma_wait3A_331 = tpu.memref_slice %arg26[%dma_wait3A_329, %dma_wait3A_330] : memref<10000x128xf32, #tpu.memory_space<vmem_shared>> -> memref<16x128xf32, #tpu.memory_space<vmem_shared>>
      %dma_wait3A_332 = arith.constant 0 : i32
      %dma_wait3A_333 = arith.constant 0 : i32
      %dma_wait3A_334 = tpu.memref_slice %arg26[%dma_wait3A_332, %dma_wait3A_333] : memref<10000x128xf32, #tpu.memory_space<vmem_shared>> -> memref<16x128xf32, #tpu.memory_space<vmem_shared>>
      %dma_wait3A_335 = arith.constant 0 : i32
      %dma_wait3A_336 = arith.constant 0 : i32
      %dma_wait3A_337 = tpu.memref_slice %arg6[%dma_wait3A_335, %dma_wait3A_336] : memref<80x128xf32, #tpu.memory_space<vmem>> -> memref<16x128xf32, #tpu.memory_space<vmem>>
      tpu.wait_dma2 semaphore(%arg43 : memref<!tpu.dma_semaphore, #tpu.memory_space<semaphore_mem>>) src(%dma_wait3A_337 : memref<16x128xf32, #tpu.memory_space<vmem>>) dst(%dma_wait3A_334 : memref<16x128xf32, #tpu.memory_space<vmem_shared>>)
    } else {
    }
    %dma_wait3A_178 = arith.constant 0 : i32
    %dma_wait3A_179 = tpu.memref_slice %arg3[%dma_wait3A_178] : memref<320000xi32, #tpu.memory_space<hbm>> -> memref<80xi32, #tpu.memory_space<hbm>>
    %dma_wait3A_180 = arith.constant 0 : i32
    %dma_wait3A_181 = tpu.memref_slice %arg3[%dma_wait3A_180] : memref<320000xi32, #tpu.memory_space<hbm>> -> memref<80xi32, #tpu.memory_space<hbm>>
    tpu.wait_dma2 semaphore(%arg31 : memref<!tpu.dma_semaphore, #tpu.memory_space<semaphore_mem>>) src(%dma_wait3A_181 : memref<80xi32, #tpu.memory_space<hbm>>) dst(%arg10 : memref<80xi32, #tpu.memory_space<vmem>>)
    %dma_wait3A_182 = arith.constant 0 : i32
    %dma_wait3A_183 = tpu.memref_slice %arg4[%dma_wait3A_182] : memref<320000xi32, #tpu.memory_space<hbm>> -> memref<80xi32, #tpu.memory_space<hbm>>
    %dma_wait3A_184 = arith.constant 0 : i32
    %dma_wait3A_185 = tpu.memref_slice %arg4[%dma_wait3A_184] : memref<320000xi32, #tpu.memory_space<hbm>> -> memref<80xi32, #tpu.memory_space<hbm>>
    tpu.wait_dma2 semaphore(%arg31 : memref<!tpu.dma_semaphore, #tpu.memory_space<semaphore_mem>>) src(%dma_wait3A_185 : memref<80xi32, #tpu.memory_space<hbm>>) dst(%arg18 : memref<80xi32, #tpu.memory_space<vmem>>)
    %dma_start3A_186 = arith.constant 0 : i32
    %dma_start3A_187 = arith.constant 0 : i32
    %dma_start3A_188 = tpu.memref_slice %arg2[%dma_start3A_186, %dma_start3A_187] : memref<10000x128xf32, #tpu.memory_space<hbm>> -> memref<10000x128xf32, #tpu.memory_space<hbm>>
    tpu.enqueue_indirect_dma source(%dma_start3A_188 : memref<10000x128xf32, #tpu.memory_space<hbm>>) target(%arg6 : memref<80x128xf32, #tpu.memory_space<vmem>>) offsets(%arg10 : memref<80xi32, #tpu.memory_space<vmem>>) semaphore(%arg27 : memref<!tpu.dma_semaphore, #tpu.memory_space<semaphore_mem>>)
    %dma_wait3A_189 = arith.constant 0 : i32
    %dma_wait3A_190 = tpu.memref_slice %arg3[%dma_wait3A_189] : memref<320000xi32, #tpu.memory_space<hbm>> -> memref<80xi32, #tpu.memory_space<hbm>>
    %dma_wait3A_191 = arith.constant 0 : i32
    %dma_wait3A_192 = tpu.memref_slice %arg3[%dma_wait3A_191] : memref<320000xi32, #tpu.memory_space<hbm>> -> memref<80xi32, #tpu.memory_space<hbm>>
    tpu.wait_dma2 semaphore(%arg32 : memref<!tpu.dma_semaphore, #tpu.memory_space<semaphore_mem>>) src(%dma_wait3A_192 : memref<80xi32, #tpu.memory_space<hbm>>) dst(%arg11 : memref<80xi32, #tpu.memory_space<vmem>>)
    %dma_wait3A_193 = arith.constant 0 : i32
    %dma_wait3A_194 = tpu.memref_slice %arg4[%dma_wait3A_193] : memref<320000xi32, #tpu.memory_space<hbm>> -> memref<80xi32, #tpu.memory_space<hbm>>
    %dma_wait3A_195 = arith.constant 0 : i32
    %dma_wait3A_196 = tpu.memref_slice %arg4[%dma_wait3A_195] : memref<320000xi32, #tpu.memory_space<hbm>> -> memref<80xi32, #tpu.memory_space<hbm>>
    tpu.wait_dma2 semaphore(%arg32 : memref<!tpu.dma_semaphore, #tpu.memory_space<semaphore_mem>>) src(%dma_wait3A_196 : memref<80xi32, #tpu.memory_space<hbm>>) dst(%arg19 : memref<80xi32, #tpu.memory_space<vmem>>)
    %dma_start3A_197 = arith.constant 0 : i32
    %dma_start3A_198 = arith.constant 0 : i32
    %dma_start3A_199 = tpu.memref_slice %arg2[%dma_start3A_197, %dma_start3A_198] : memref<10000x128xf32, #tpu.memory_space<hbm>> -> memref<10000x128xf32, #tpu.memory_space<hbm>>
    tpu.enqueue_indirect_dma source(%dma_start3A_199 : memref<10000x128xf32, #tpu.memory_space<hbm>>) target(%arg7 : memref<80x128xf32, #tpu.memory_space<vmem>>) offsets(%arg11 : memref<80xi32, #tpu.memory_space<vmem>>) semaphore(%arg28 : memref<!tpu.dma_semaphore, #tpu.memory_space<semaphore_mem>>)
    %dma_wait3A_200 = arith.constant 0 : i32
    %dma_wait3A_201 = tpu.memref_slice %arg3[%dma_wait3A_200] : memref<320000xi32, #tpu.memory_space<hbm>> -> memref<80xi32, #tpu.memory_space<hbm>>
    %dma_wait3A_202 = arith.constant 0 : i32
    %dma_wait3A_203 = tpu.memref_slice %arg3[%dma_wait3A_202] : memref<320000xi32, #tpu.memory_space<hbm>> -> memref<80xi32, #tpu.memory_space<hbm>>
    tpu.wait_dma2 semaphore(%arg33 : memref<!tpu.dma_semaphore, #tpu.memory_space<semaphore_mem>>) src(%dma_wait3A_203 : memref<80xi32, #tpu.memory_space<hbm>>) dst(%arg12 : memref<80xi32, #tpu.memory_space<vmem>>)
    %dma_wait3A_204 = arith.constant 0 : i32
    %dma_wait3A_205 = tpu.memref_slice %arg4[%dma_wait3A_204] : memref<320000xi32, #tpu.memory_space<hbm>> -> memref<80xi32, #tpu.memory_space<hbm>>
    %dma_wait3A_206 = arith.constant 0 : i32
    %dma_wait3A_207 = tpu.memref_slice %arg4[%dma_wait3A_206] : memref<320000xi32, #tpu.memory_space<hbm>> -> memref<80xi32, #tpu.memory_space<hbm>>
    tpu.wait_dma2 semaphore(%arg33 : memref<!tpu.dma_semaphore, #tpu.memory_space<semaphore_mem>>) src(%dma_wait3A_207 : memref<80xi32, #tpu.memory_space<hbm>>) dst(%arg20 : memref<80xi32, #tpu.memory_space<vmem>>)
    %dma_start3A_208 = arith.constant 0 : i32
    %dma_start3A_209 = arith.constant 0 : i32
    %dma_start3A_210 = tpu.memref_slice %arg2[%dma_start3A_208, %dma_start3A_209] : memref<10000x128xf32, #tpu.memory_space<hbm>> -> memref<10000x128xf32, #tpu.memory_space<hbm>>
    tpu.enqueue_indirect_dma source(%dma_start3A_210 : memref<10000x128xf32, #tpu.memory_space<hbm>>) target(%arg8 : memref<80x128xf32, #tpu.memory_space<vmem>>) offsets(%arg12 : memref<80xi32, #tpu.memory_space<vmem>>) semaphore(%arg29 : memref<!tpu.dma_semaphore, #tpu.memory_space<semaphore_mem>>)
    %barrier3A = arith.constant 0 : index
    tpu.barrier barrier_id(%barrier3A)
    %scan3A_211 = arith.constant 0 : i32
    %scan3A_212 = arith.constant 0 : i32
    %scan3A_213 = arith.constant 15 : i32
    %scan3A_214 = arith.addi %scan3A_212, %scan3A_213 : i32
    %scan3A_215 = arith.constant 1 : i32
    scf.for %scan3A_326 = %scan3A_212 to %scan3A_214 step %scan3A_215  : i32 {
      %mul3A_327 = arith.constant 8 : i32
      %mul3A_328 = arith.muli %scan3A_326, %mul3A_327 : i32
      %add3A_329 = arith.constant 0 : i32
      %add3A_330 = arith.addi %mul3A_328, %add3A_329 : i32
      %ge3A = arith.constant 1 : i32
      %ge3A_331 = arith.cmpi sge, %add3A_330, %ge3A : i32
      %convert_element_type3A_332 = arith.extui %ge3A_331 : i1 to i32
      %cond3A_333 = arith.constant 0 : i32
      %cond3A_334 = arith.cmpi ne, %convert_element_type3A_332, %cond3A_333 : i32
      scf.if %cond3A_334 {
        %dma_wait3A_605 = arith.constant 0 : i32
        %dma_wait3A_606 = arith.constant 0 : i32
        %dma_wait3A_607 = tpu.memref_slice %arg26[%dma_wait3A_605, %dma_wait3A_606] : memref<10000x128xf32, #tpu.memory_space<vmem_shared>> -> memref<80x128xf32, #tpu.memory_space<vmem_shared>>
        %dma_wait3A_608 = arith.constant 0 : i32
        %dma_wait3A_609 = arith.constant 0 : i32
        %dma_wait3A_610 = tpu.memref_slice %arg26[%dma_wait3A_608, %dma_wait3A_609] : memref<10000x128xf32, #tpu.memory_space<vmem_shared>> -> memref<80x128xf32, #tpu.memory_space<vmem_shared>>
        tpu.wait_dma2 semaphore(%arg42 : memref<!tpu.dma_semaphore, #tpu.memory_space<semaphore_mem>>) src(%arg9 : memref<80x128xf32, #tpu.memory_space<vmem>>) dst(%dma_wait3A_610 : memref<80x128xf32, #tpu.memory_space<vmem_shared>>)
      } else {
      }
      %add3A_335 = arith.constant 3 : i32
      %add3A_336 = arith.addi %add3A_330, %add3A_335 : i32
      %lt3A = arith.constant 125 : i32
      %lt3A_337 = arith.cmpi slt, %add3A_336, %lt3A : i32
      %convert_element_type3A_338 = arith.extui %lt3A_337 : i1 to i32
      %cond3A_339 = arith.constant 0 : i32
      %cond3A_340 = arith.cmpi ne, %convert_element_type3A_338, %cond3A_339 : i32
      scf.if %cond3A_340 {
        %dma_wait3A_605 = arith.constant 0 : i32
        %dma_wait3A_606 = tpu.memref_slice %arg3[%dma_wait3A_605] : memref<320000xi32, #tpu.memory_space<hbm>> -> memref<80xi32, #tpu.memory_space<hbm>>
        %dma_wait3A_607 = arith.constant 0 : i32
        %dma_wait3A_608 = tpu.memref_slice %arg3[%dma_wait3A_607] : memref<320000xi32, #tpu.memory_space<hbm>> -> memref<80xi32, #tpu.memory_space<hbm>>
        tpu.wait_dma2 semaphore(%arg34 : memref<!tpu.dma_semaphore, #tpu.memory_space<semaphore_mem>>) src(%dma_wait3A_608 : memref<80xi32, #tpu.memory_space<hbm>>) dst(%arg13 : memref<80xi32, #tpu.memory_space<vmem>>)
        %dma_wait3A_609 = arith.constant 0 : i32
        %dma_wait3A_610 = tpu.memref_slice %arg4[%dma_wait3A_609] : memref<320000xi32, #tpu.memory_space<hbm>> -> memref<80xi32, #tpu.memory_space<hbm>>
        %dma_wait3A_611 = arith.constant 0 : i32
        %dma_wait3A_612 = tpu.memref_slice %arg4[%dma_wait3A_611] : memref<320000xi32, #tpu.memory_space<hbm>> -> memref<80xi32, #tpu.memory_space<hbm>>
        tpu.wait_dma2 semaphore(%arg34 : memref<!tpu.dma_semaphore, #tpu.memory_space<semaphore_mem>>) src(%dma_wait3A_612 : memref<80xi32, #tpu.memory_space<hbm>>) dst(%arg21 : memref<80xi32, #tpu.memory_space<vmem>>)
        %dma_start3A_613 = arith.constant 0 : i32
        %dma_start3A_614 = arith.constant 0 : i32
        %dma_start3A_615 = tpu.memref_slice %arg2[%dma_start3A_613, %dma_start3A_614] : memref<10000x128xf32, #tpu.memory_space<hbm>> -> memref<10000x128xf32, #tpu.memory_space<hbm>>
        tpu.enqueue_indirect_dma source(%dma_start3A_615 : memref<10000x128xf32, #tpu.memory_space<hbm>>) target(%arg9 : memref<80x128xf32, #tpu.memory_space<vmem>>) offsets(%arg13 : memref<80xi32, #tpu.memory_space<vmem>>) semaphore(%arg30 : memref<!tpu.dma_semaphore, #tpu.memory_space<semaphore_mem>>)
      } else {
      }
      %dma_wait3A_341 = arith.constant 0 : i32
      %dma_wait3A_342 = arith.constant 0 : i32
      %dma_wait3A_343 = tpu.memref_slice %arg2[%dma_wait3A_341, %dma_wait3A_342] : memref<10000x128xf32, #tpu.memory_space<hbm>> -> memref<80x128xf32, #tpu.memory_space<hbm>>
      %dma_wait3A_344 = arith.constant 0 : i32
      %dma_wait3A_345 = arith.constant 0 : i32
      %dma_wait3A_346 = tpu.memref_slice %arg2[%dma_wait3A_344, %dma_wait3A_345] : memref<10000x128xf32, #tpu.memory_space<hbm>> -> memref<80x128xf32, #tpu.memory_space<hbm>>
      tpu.wait_dma2 semaphore(%arg27 : memref<!tpu.dma_semaphore, #tpu.memory_space<semaphore_mem>>) src(%dma_wait3A_346 : memref<80x128xf32, #tpu.memory_space<hbm>>) dst(%arg6 : memref<80x128xf32, #tpu.memory_space<vmem>>)
      %dma_start3A_347 = arith.constant 0 : i32
      %dma_start3A_348 = arith.constant 0 : i32
      %dma_start3A_349 = tpu.memref_slice %arg26[%dma_start3A_347, %dma_start3A_348] : memref<10000x128xf32, #tpu.memory_space<vmem_shared>> -> memref<10000x128xf32, #tpu.memory_space<vmem_shared>>
      tpu.enqueue_indirect_dma source(%arg6 : memref<80x128xf32, #tpu.memory_space<vmem>>) target(%dma_start3A_349 : memref<10000x128xf32, #tpu.memory_space<vmem_shared>>) offsets(%arg18 : memref<80xi32, #tpu.memory_space<vmem>>) semaphore(%arg39 : memref<!tpu.dma_semaphore, #tpu.memory_space<semaphore_mem>>) {add = true}
      %ge3A_350 = arith.constant 1 : i32
      %ge3A_351 = arith.cmpi sge, %add3A_330, %ge3A_350 : i32
      %add3A_352 = arith.constant 8 : i32
      %add3A_353 = arith.addi %add3A_330, %add3A_352 : i32
      %sub3A = arith.constant 1 : i32
      %sub3A_354 = arith.subi %add3A_353, %sub3A : i32
      %lt3A_355 = arith.constant 125 : i32
      %lt3A_356 = arith.cmpi slt, %sub3A_354, %lt3A_355 : i32
      %and3A = arith.andi %ge3A_351, %lt3A_356 : i1
      %convert_element_type3A_357 = arith.extui %and3A : i1 to i32
      %cond3A_358 = arith.constant 0 : i32
      %cond3A_359 = arith.cmpi ne, %convert_element_type3A_357, %cond3A_358 : i32
      scf.if %cond3A_359 {
        %sub3A_605 = arith.constant 1 : i32
        %sub3A_606 = arith.subi %add3A_330, %sub3A_605 : i32
        %add3A_607 = arith.constant 8 : i32
        %add3A_608 = arith.addi %sub3A_606, %add3A_607 : i32
        %mul3A_609 = arith.constant 80 : i32
        %mul3A_610 = arith.muli %add3A_608, %mul3A_609 : i32
        %add3A_611 = arith.addi %mul3A_2, %mul3A_610 : i32
        %multiple_of3A_612 = tpu.assume_multiple %add3A_611, 8 : i32
        %dma_start3A_613 = tpu.memref_slice %arg3[%multiple_of3A_612] : memref<320000xi32, #tpu.memory_space<hbm>> -> memref<80xi32, #tpu.memory_space<hbm>>
        %dma_start3A_614 = tpu.memref_slice %arg3[%multiple_of3A_612] : memref<320000xi32, #tpu.memory_space<hbm>> -> memref<80xi32, #tpu.memory_space<hbm>>
        tpu.enqueue_dma source(%dma_start3A_614 : memref<80xi32, #tpu.memory_space<hbm>>) target(%arg17 : memref<80xi32, #tpu.memory_space<vmem>>) target_semaphore(%arg38 : memref<!tpu.dma_semaphore, #tpu.memory_space<semaphore_mem>>)
        %dma_start3A_615 = tpu.memref_slice %arg4[%multiple_of3A_612] : memref<320000xi32, #tpu.memory_space<hbm>> -> memref<80xi32, #tpu.memory_space<hbm>>
        %dma_start3A_616 = tpu.memref_slice %arg4[%multiple_of3A_612] : memref<320000xi32, #tpu.memory_space<hbm>> -> memref<80xi32, #tpu.memory_space<hbm>>
        tpu.enqueue_dma source(%dma_start3A_616 : memref<80xi32, #tpu.memory_space<hbm>>) target(%arg25 : memref<80xi32, #tpu.memory_space<vmem>>) target_semaphore(%arg38 : memref<!tpu.dma_semaphore, #tpu.memory_space<semaphore_mem>>)
      } else {
      }
      %add3A_360 = arith.constant 1 : i32
      %add3A_361 = arith.addi %mul3A_328, %add3A_360 : i32
      %ge3A_362 = arith.constant 1 : i32
      %ge3A_363 = arith.cmpi sge, %add3A_361, %ge3A_362 : i32
      %convert_element_type3A_364 = arith.extui %ge3A_363 : i1 to i32
      %cond3A_365 = arith.constant 0 : i32
      %cond3A_366 = arith.cmpi ne, %convert_element_type3A_364, %cond3A_365 : i32
      scf.if %cond3A_366 {
        %dma_wait3A_605 = arith.constant 0 : i32
        %dma_wait3A_606 = arith.constant 0 : i32
        %dma_wait3A_607 = tpu.memref_slice %arg26[%dma_wait3A_605, %dma_wait3A_606] : memref<10000x128xf32, #tpu.memory_space<vmem_shared>> -> memref<80x128xf32, #tpu.memory_space<vmem_shared>>
        %dma_wait3A_608 = arith.constant 0 : i32
        %dma_wait3A_609 = arith.constant 0 : i32
        %dma_wait3A_610 = tpu.memref_slice %arg26[%dma_wait3A_608, %dma_wait3A_609] : memref<10000x128xf32, #tpu.memory_space<vmem_shared>> -> memref<80x128xf32, #tpu.memory_space<vmem_shared>>
        tpu.wait_dma2 semaphore(%arg39 : memref<!tpu.dma_semaphore, #tpu.memory_space<semaphore_mem>>) src(%arg6 : memref<80x128xf32, #tpu.memory_space<vmem>>) dst(%dma_wait3A_610 : memref<80x128xf32, #tpu.memory_space<vmem_shared>>)
      } else {
      }
      %add3A_367 = arith.constant 3 : i32
      %add3A_368 = arith.addi %add3A_361, %add3A_367 : i32
      %lt3A_369 = arith.constant 125 : i32
      %lt3A_370 = arith.cmpi slt, %add3A_368, %lt3A_369 : i32
      %convert_element_type3A_371 = arith.extui %lt3A_370 : i1 to i32
      %cond3A_372 = arith.constant 0 : i32
      %cond3A_373 = arith.cmpi ne, %convert_element_type3A_371, %cond3A_372 : i32
      scf.if %cond3A_373 {
        %dma_wait3A_605 = arith.constant 0 : i32
        %dma_wait3A_606 = tpu.memref_slice %arg3[%dma_wait3A_605] : memref<320000xi32, #tpu.memory_space<hbm>> -> memref<80xi32, #tpu.memory_space<hbm>>
        %dma_wait3A_607 = arith.constant 0 : i32
        %dma_wait3A_608 = tpu.memref_slice %arg3[%dma_wait3A_607] : memref<320000xi32, #tpu.memory_space<hbm>> -> memref<80xi32, #tpu.memory_space<hbm>>
        tpu.wait_dma2 semaphore(%arg35 : memref<!tpu.dma_semaphore, #tpu.memory_space<semaphore_mem>>) src(%dma_wait3A_608 : memref<80xi32, #tpu.memory_space<hbm>>) dst(%arg14 : memref<80xi32, #tpu.memory_space<vmem>>)
        %dma_wait3A_609 = arith.constant 0 : i32
        %dma_wait3A_610 = tpu.memref_slice %arg4[%dma_wait3A_609] : memref<320000xi32, #tpu.memory_space<hbm>> -> memref<80xi32, #tpu.memory_space<hbm>>
        %dma_wait3A_611 = arith.constant 0 : i32
        %dma_wait3A_612 = tpu.memref_slice %arg4[%dma_wait3A_611] : memref<320000xi32, #tpu.memory_space<hbm>> -> memref<80xi32, #tpu.memory_space<hbm>>
        tpu.wait_dma2 semaphore(%arg35 : memref<!tpu.dma_semaphore, #tpu.memory_space<semaphore_mem>>) src(%dma_wait3A_612 : memref<80xi32, #tpu.memory_space<hbm>>) dst(%arg22 : memref<80xi32, #tpu.memory_space<vmem>>)
        %dma_start3A_613 = arith.constant 0 : i32
        %dma_start3A_614 = arith.constant 0 : i32
        %dma_start3A_615 = tpu.memref_slice %arg2[%dma_start3A_613, %dma_start3A_614] : memref<10000x128xf32, #tpu.memory_space<hbm>> -> memref<10000x128xf32, #tpu.memory_space<hbm>>
        tpu.enqueue_indirect_dma source(%dma_start3A_615 : memref<10000x128xf32, #tpu.memory_space<hbm>>) target(%arg6 : memref<80x128xf32, #tpu.memory_space<vmem>>) offsets(%arg14 : memref<80xi32, #tpu.memory_space<vmem>>) semaphore(%arg27 : memref<!tpu.dma_semaphore, #tpu.memory_space<semaphore_mem>>)
      } else {
      }
      %dma_wait3A_374 = arith.constant 0 : i32
      %dma_wait3A_375 = arith.constant 0 : i32
      %dma_wait3A_376 = tpu.memref_slice %arg2[%dma_wait3A_374, %dma_wait3A_375] : memref<10000x128xf32, #tpu.memory_space<hbm>> -> memref<80x128xf32, #tpu.memory_space<hbm>>
      %dma_wait3A_377 = arith.constant 0 : i32
      %dma_wait3A_378 = arith.constant 0 : i32
      %dma_wait3A_379 = tpu.memref_slice %arg2[%dma_wait3A_377, %dma_wait3A_378] : memref<10000x128xf32, #tpu.memory_space<hbm>> -> memref<80x128xf32, #tpu.memory_space<hbm>>
      tpu.wait_dma2 semaphore(%arg28 : memref<!tpu.dma_semaphore, #tpu.memory_space<semaphore_mem>>) src(%dma_wait3A_379 : memref<80x128xf32, #tpu.memory_space<hbm>>) dst(%arg7 : memref<80x128xf32, #tpu.memory_space<vmem>>)
      %dma_start3A_380 = arith.constant 0 : i32
      %dma_start3A_381 = arith.constant 0 : i32
      %dma_start3A_382 = tpu.memref_slice %arg26[%dma_start3A_380, %dma_start3A_381] : memref<10000x128xf32, #tpu.memory_space<vmem_shared>> -> memref<10000x128xf32, #tpu.memory_space<vmem_shared>>
      tpu.enqueue_indirect_dma source(%arg7 : memref<80x128xf32, #tpu.memory_space<vmem>>) target(%dma_start3A_382 : memref<10000x128xf32, #tpu.memory_space<vmem_shared>>) offsets(%arg19 : memref<80xi32, #tpu.memory_space<vmem>>) semaphore(%arg40 : memref<!tpu.dma_semaphore, #tpu.memory_space<semaphore_mem>>) {add = true}
      %ge3A_383 = arith.constant 1 : i32
      %ge3A_384 = arith.cmpi sge, %add3A_361, %ge3A_383 : i32
      %add3A_385 = arith.constant 8 : i32
      %add3A_386 = arith.addi %add3A_361, %add3A_385 : i32
      %sub3A_387 = arith.constant 1 : i32
      %sub3A_388 = arith.subi %add3A_386, %sub3A_387 : i32
      %lt3A_389 = arith.constant 125 : i32
      %lt3A_390 = arith.cmpi slt, %sub3A_388, %lt3A_389 : i32
      %and3A_391 = arith.andi %ge3A_384, %lt3A_390 : i1
      %convert_element_type3A_392 = arith.extui %and3A_391 : i1 to i32
      %cond3A_393 = arith.constant 0 : i32
      %cond3A_394 = arith.cmpi ne, %convert_element_type3A_392, %cond3A_393 : i32
      scf.if %cond3A_394 {
        %sub3A_605 = arith.constant 1 : i32
        %sub3A_606 = arith.subi %add3A_361, %sub3A_605 : i32
        %add3A_607 = arith.constant 8 : i32
        %add3A_608 = arith.addi %sub3A_606, %add3A_607 : i32
        %mul3A_609 = arith.constant 80 : i32
        %mul3A_610 = arith.muli %add3A_608, %mul3A_609 : i32
        %add3A_611 = arith.addi %mul3A_2, %mul3A_610 : i32
        %multiple_of3A_612 = tpu.assume_multiple %add3A_611, 8 : i32
        %dma_start3A_613 = tpu.memref_slice %arg3[%multiple_of3A_612] : memref<320000xi32, #tpu.memory_space<hbm>> -> memref<80xi32, #tpu.memory_space<hbm>>
        %dma_start3A_614 = tpu.memref_slice %arg3[%multiple_of3A_612] : memref<320000xi32, #tpu.memory_space<hbm>> -> memref<80xi32, #tpu.memory_space<hbm>>
        tpu.enqueue_dma source(%dma_start3A_614 : memref<80xi32, #tpu.memory_space<hbm>>) target(%arg10 : memref<80xi32, #tpu.memory_space<vmem>>) target_semaphore(%arg31 : memref<!tpu.dma_semaphore, #tpu.memory_space<semaphore_mem>>)
        %dma_start3A_615 = tpu.memref_slice %arg4[%multiple_of3A_612] : memref<320000xi32, #tpu.memory_space<hbm>> -> memref<80xi32, #tpu.memory_space<hbm>>
        %dma_start3A_616 = tpu.memref_slice %arg4[%multiple_of3A_612] : memref<320000xi32, #tpu.memory_space<hbm>> -> memref<80xi32, #tpu.memory_space<hbm>>
        tpu.enqueue_dma source(%dma_start3A_616 : memref<80xi32, #tpu.memory_space<hbm>>) target(%arg18 : memref<80xi32, #tpu.memory_space<vmem>>) target_semaphore(%arg31 : memref<!tpu.dma_semaphore, #tpu.memory_space<semaphore_mem>>)
      } else {
      }
      %add3A_395 = arith.constant 2 : i32
      %add3A_396 = arith.addi %mul3A_328, %add3A_395 : i32
      %ge3A_397 = arith.constant 1 : i32
      %ge3A_398 = arith.cmpi sge, %add3A_396, %ge3A_397 : i32
      %convert_element_type3A_399 = arith.extui %ge3A_398 : i1 to i32
      %cond3A_400 = arith.constant 0 : i32
      %cond3A_401 = arith.cmpi ne, %convert_element_type3A_399, %cond3A_400 : i32
      scf.if %cond3A_401 {
        %dma_wait3A_605 = arith.constant 0 : i32
        %dma_wait3A_606 = arith.constant 0 : i32
        %dma_wait3A_607 = tpu.memref_slice %arg26[%dma_wait3A_605, %dma_wait3A_606] : memref<10000x128xf32, #tpu.memory_space<vmem_shared>> -> memref<80x128xf32, #tpu.memory_space<vmem_shared>>
        %dma_wait3A_608 = arith.constant 0 : i32
        %dma_wait3A_609 = arith.constant 0 : i32
        %dma_wait3A_610 = tpu.memref_slice %arg26[%dma_wait3A_608, %dma_wait3A_609] : memref<10000x128xf32, #tpu.memory_space<vmem_shared>> -> memref<80x128xf32, #tpu.memory_space<vmem_shared>>
        tpu.wait_dma2 semaphore(%arg40 : memref<!tpu.dma_semaphore, #tpu.memory_space<semaphore_mem>>) src(%arg7 : memref<80x128xf32, #tpu.memory_space<vmem>>) dst(%dma_wait3A_610 : memref<80x128xf32, #tpu.memory_space<vmem_shared>>)
      } else {
      }
      %add3A_402 = arith.constant 3 : i32
      %add3A_403 = arith.addi %add3A_396, %add3A_402 : i32
      %lt3A_404 = arith.constant 125 : i32
      %lt3A_405 = arith.cmpi slt, %add3A_403, %lt3A_404 : i32
      %convert_element_type3A_406 = arith.extui %lt3A_405 : i1 to i32
      %cond3A_407 = arith.constant 0 : i32
      %cond3A_408 = arith.cmpi ne, %convert_element_type3A_406, %cond3A_407 : i32
      scf.if %cond3A_408 {
        %dma_wait3A_605 = arith.constant 0 : i32
        %dma_wait3A_606 = tpu.memref_slice %arg3[%dma_wait3A_605] : memref<320000xi32, #tpu.memory_space<hbm>> -> memref<80xi32, #tpu.memory_space<hbm>>
        %dma_wait3A_607 = arith.constant 0 : i32
        %dma_wait3A_608 = tpu.memref_slice %arg3[%dma_wait3A_607] : memref<320000xi32, #tpu.memory_space<hbm>> -> memref<80xi32, #tpu.memory_space<hbm>>
        tpu.wait_dma2 semaphore(%arg36 : memref<!tpu.dma_semaphore, #tpu.memory_space<semaphore_mem>>) src(%dma_wait3A_608 : memref<80xi32, #tpu.memory_space<hbm>>) dst(%arg15 : memref<80xi32, #tpu.memory_space<vmem>>)
        %dma_wait3A_609 = arith.constant 0 : i32
        %dma_wait3A_610 = tpu.memref_slice %arg4[%dma_wait3A_609] : memref<320000xi32, #tpu.memory_space<hbm>> -> memref<80xi32, #tpu.memory_space<hbm>>
        %dma_wait3A_611 = arith.constant 0 : i32
        %dma_wait3A_612 = tpu.memref_slice %arg4[%dma_wait3A_611] : memref<320000xi32, #tpu.memory_space<hbm>> -> memref<80xi32, #tpu.memory_space<hbm>>
        tpu.wait_dma2 semaphore(%arg36 : memref<!tpu.dma_semaphore, #tpu.memory_space<semaphore_mem>>) src(%dma_wait3A_612 : memref<80xi32, #tpu.memory_space<hbm>>) dst(%arg23 : memref<80xi32, #tpu.memory_space<vmem>>)
        %dma_start3A_613 = arith.constant 0 : i32
        %dma_start3A_614 = arith.constant 0 : i32
        %dma_start3A_615 = tpu.memref_slice %arg2[%dma_start3A_613, %dma_start3A_614] : memref<10000x128xf32, #tpu.memory_space<hbm>> -> memref<10000x128xf32, #tpu.memory_space<hbm>>
        tpu.enqueue_indirect_dma source(%dma_start3A_615 : memref<10000x128xf32, #tpu.memory_space<hbm>>) target(%arg7 : memref<80x128xf32, #tpu.memory_space<vmem>>) offsets(%arg15 : memref<80xi32, #tpu.memory_space<vmem>>) semaphore(%arg28 : memref<!tpu.dma_semaphore, #tpu.memory_space<semaphore_mem>>)
      } else {
      }
      %dma_wait3A_409 = arith.constant 0 : i32
      %dma_wait3A_410 = arith.constant 0 : i32
      %dma_wait3A_411 = tpu.memref_slice %arg2[%dma_wait3A_409, %dma_wait3A_410] : memref<10000x128xf32, #tpu.memory_space<hbm>> -> memref<80x128xf32, #tpu.memory_space<hbm>>
      %dma_wait3A_412 = arith.constant 0 : i32
      %dma_wait3A_413 = arith.constant 0 : i32
      %dma_wait3A_414 = tpu.memref_slice %arg2[%dma_wait3A_412, %dma_wait3A_413] : memref<10000x128xf32, #tpu.memory_space<hbm>> -> memref<80x128xf32, #tpu.memory_space<hbm>>
      tpu.wait_dma2 semaphore(%arg29 : memref<!tpu.dma_semaphore, #tpu.memory_space<semaphore_mem>>) src(%dma_wait3A_414 : memref<80x128xf32, #tpu.memory_space<hbm>>) dst(%arg8 : memref<80x128xf32, #tpu.memory_space<vmem>>)
      %dma_start3A_415 = arith.constant 0 : i32
      %dma_start3A_416 = arith.constant 0 : i32
      %dma_start3A_417 = tpu.memref_slice %arg26[%dma_start3A_415, %dma_start3A_416] : memref<10000x128xf32, #tpu.memory_space<vmem_shared>> -> memref<10000x128xf32, #tpu.memory_space<vmem_shared>>
      tpu.enqueue_indirect_dma source(%arg8 : memref<80x128xf32, #tpu.memory_space<vmem>>) target(%dma_start3A_417 : memref<10000x128xf32, #tpu.memory_space<vmem_shared>>) offsets(%arg20 : memref<80xi32, #tpu.memory_space<vmem>>) semaphore(%arg41 : memref<!tpu.dma_semaphore, #tpu.memory_space<semaphore_mem>>) {add = true}
      %ge3A_418 = arith.constant 1 : i32
      %ge3A_419 = arith.cmpi sge, %add3A_396, %ge3A_418 : i32
      %add3A_420 = arith.constant 8 : i32
      %add3A_421 = arith.addi %add3A_396, %add3A_420 : i32
      %sub3A_422 = arith.constant 1 : i32
      %sub3A_423 = arith.subi %add3A_421, %sub3A_422 : i32
      %lt3A_424 = arith.constant 125 : i32
      %lt3A_425 = arith.cmpi slt, %sub3A_423, %lt3A_424 : i32
      %and3A_426 = arith.andi %ge3A_419, %lt3A_425 : i1
      %convert_element_type3A_427 = arith.extui %and3A_426 : i1 to i32
      %cond3A_428 = arith.constant 0 : i32
      %cond3A_429 = arith.cmpi ne, %convert_element_type3A_427, %cond3A_428 : i32
      scf.if %cond3A_429 {
        %sub3A_605 = arith.constant 1 : i32
        %sub3A_606 = arith.subi %add3A_396, %sub3A_605 : i32
        %add3A_607 = arith.constant 8 : i32
        %add3A_608 = arith.addi %sub3A_606, %add3A_607 : i32
        %mul3A_609 = arith.constant 80 : i32
        %mul3A_610 = arith.muli %add3A_608, %mul3A_609 : i32
        %add3A_611 = arith.addi %mul3A_2, %mul3A_610 : i32
        %multiple_of3A_612 = tpu.assume_multiple %add3A_611, 8 : i32
        %dma_start3A_613 = tpu.memref_slice %arg3[%multiple_of3A_612] : memref<320000xi32, #tpu.memory_space<hbm>> -> memref<80xi32, #tpu.memory_space<hbm>>
        %dma_start3A_614 = tpu.memref_slice %arg3[%multiple_of3A_612] : memref<320000xi32, #tpu.memory_space<hbm>> -> memref<80xi32, #tpu.memory_space<hbm>>
        tpu.enqueue_dma source(%dma_start3A_614 : memref<80xi32, #tpu.memory_space<hbm>>) target(%arg11 : memref<80xi32, #tpu.memory_space<vmem>>) target_semaphore(%arg32 : memref<!tpu.dma_semaphore, #tpu.memory_space<semaphore_mem>>)
        %dma_start3A_615 = tpu.memref_slice %arg4[%multiple_of3A_612] : memref<320000xi32, #tpu.memory_space<hbm>> -> memref<80xi32, #tpu.memory_space<hbm>>
        %dma_start3A_616 = tpu.memref_slice %arg4[%multiple_of3A_612] : memref<320000xi32, #tpu.memory_space<hbm>> -> memref<80xi32, #tpu.memory_space<hbm>>
        tpu.enqueue_dma source(%dma_start3A_616 : memref<80xi32, #tpu.memory_space<hbm>>) target(%arg19 : memref<80xi32, #tpu.memory_space<vmem>>) target_semaphore(%arg32 : memref<!tpu.dma_semaphore, #tpu.memory_space<semaphore_mem>>)
      } else {
      }
      %add3A_430 = arith.constant 3 : i32
      %add3A_431 = arith.addi %mul3A_328, %add3A_430 : i32
      %ge3A_432 = arith.constant 1 : i32
      %ge3A_433 = arith.cmpi sge, %add3A_431, %ge3A_432 : i32
      %convert_element_type3A_434 = arith.extui %ge3A_433 : i1 to i32
      %cond3A_435 = arith.constant 0 : i32
      %cond3A_436 = arith.cmpi ne, %convert_element_type3A_434, %cond3A_435 : i32
      scf.if %cond3A_436 {
        %dma_wait3A_605 = arith.constant 0 : i32
        %dma_wait3A_606 = arith.constant 0 : i32
        %dma_wait3A_607 = tpu.memref_slice %arg26[%dma_wait3A_605, %dma_wait3A_606] : memref<10000x128xf32, #tpu.memory_space<vmem_shared>> -> memref<80x128xf32, #tpu.memory_space<vmem_shared>>
        %dma_wait3A_608 = arith.constant 0 : i32
        %dma_wait3A_609 = arith.constant 0 : i32
        %dma_wait3A_610 = tpu.memref_slice %arg26[%dma_wait3A_608, %dma_wait3A_609] : memref<10000x128xf32, #tpu.memory_space<vmem_shared>> -> memref<80x128xf32, #tpu.memory_space<vmem_shared>>
        tpu.wait_dma2 semaphore(%arg41 : memref<!tpu.dma_semaphore, #tpu.memory_space<semaphore_mem>>) src(%arg8 : memref<80x128xf32, #tpu.memory_space<vmem>>) dst(%dma_wait3A_610 : memref<80x128xf32, #tpu.memory_space<vmem_shared>>)
      } else {
      }
      %add3A_437 = arith.constant 3 : i32
      %add3A_438 = arith.addi %add3A_431, %add3A_437 : i32
      %lt3A_439 = arith.constant 125 : i32
      %lt3A_440 = arith.cmpi slt, %add3A_438, %lt3A_439 : i32
      %convert_element_type3A_441 = arith.extui %lt3A_440 : i1 to i32
      %cond3A_442 = arith.constant 0 : i32
      %cond3A_443 = arith.cmpi ne, %convert_element_type3A_441, %cond3A_442 : i32
      scf.if %cond3A_443 {
        %dma_wait3A_605 = arith.constant 0 : i32
        %dma_wait3A_606 = tpu.memref_slice %arg3[%dma_wait3A_605] : memref<320000xi32, #tpu.memory_space<hbm>> -> memref<80xi32, #tpu.memory_space<hbm>>
        %dma_wait3A_607 = arith.constant 0 : i32
        %dma_wait3A_608 = tpu.memref_slice %arg3[%dma_wait3A_607] : memref<320000xi32, #tpu.memory_space<hbm>> -> memref<80xi32, #tpu.memory_space<hbm>>
        tpu.wait_dma2 semaphore(%arg37 : memref<!tpu.dma_semaphore, #tpu.memory_space<semaphore_mem>>) src(%dma_wait3A_608 : memref<80xi32, #tpu.memory_space<hbm>>) dst(%arg16 : memref<80xi32, #tpu.memory_space<vmem>>)
        %dma_wait3A_609 = arith.constant 0 : i32
        %dma_wait3A_610 = tpu.memref_slice %arg4[%dma_wait3A_609] : memref<320000xi32, #tpu.memory_space<hbm>> -> memref<80xi32, #tpu.memory_space<hbm>>
        %dma_wait3A_611 = arith.constant 0 : i32
        %dma_wait3A_612 = tpu.memref_slice %arg4[%dma_wait3A_611] : memref<320000xi32, #tpu.memory_space<hbm>> -> memref<80xi32, #tpu.memory_space<hbm>>
        tpu.wait_dma2 semaphore(%arg37 : memref<!tpu.dma_semaphore, #tpu.memory_space<semaphore_mem>>) src(%dma_wait3A_612 : memref<80xi32, #tpu.memory_space<hbm>>) dst(%arg24 : memref<80xi32, #tpu.memory_space<vmem>>)
        %dma_start3A_613 = arith.constant 0 : i32
        %dma_start3A_614 = arith.constant 0 : i32
        %dma_start3A_615 = tpu.memref_slice %arg2[%dma_start3A_613, %dma_start3A_614] : memref<10000x128xf32, #tpu.memory_space<hbm>> -> memref<10000x128xf32, #tpu.memory_space<hbm>>
        tpu.enqueue_indirect_dma source(%dma_start3A_615 : memref<10000x128xf32, #tpu.memory_space<hbm>>) target(%arg8 : memref<80x128xf32, #tpu.memory_space<vmem>>) offsets(%arg16 : memref<80xi32, #tpu.memory_space<vmem>>) semaphore(%arg29 : memref<!tpu.dma_semaphore, #tpu.memory_space<semaphore_mem>>)
      } else {
      }
      %dma_wait3A_444 = arith.constant 0 : i32
      %dma_wait3A_445 = arith.constant 0 : i32
      %dma_wait3A_446 = tpu.memref_slice %arg2[%dma_wait3A_444, %dma_wait3A_445] : memref<10000x128xf32, #tpu.memory_space<hbm>> -> memref<80x128xf32, #tpu.memory_space<hbm>>
      %dma_wait3A_447 = arith.constant 0 : i32
      %dma_wait3A_448 = arith.constant 0 : i32
      %dma_wait3A_449 = tpu.memref_slice %arg2[%dma_wait3A_447, %dma_wait3A_448] : memref<10000x128xf32, #tpu.memory_space<hbm>> -> memref<80x128xf32, #tpu.memory_space<hbm>>
      tpu.wait_dma2 semaphore(%arg30 : memref<!tpu.dma_semaphore, #tpu.memory_space<semaphore_mem>>) src(%dma_wait3A_449 : memref<80x128xf32, #tpu.memory_space<hbm>>) dst(%arg9 : memref<80x128xf32, #tpu.memory_space<vmem>>)
      %dma_start3A_450 = arith.constant 0 : i32
      %dma_start3A_451 = arith.constant 0 : i32
      %dma_start3A_452 = tpu.memref_slice %arg26[%dma_start3A_450, %dma_start3A_451] : memref<10000x128xf32, #tpu.memory_space<vmem_shared>> -> memref<10000x128xf32, #tpu.memory_space<vmem_shared>>
      tpu.enqueue_indirect_dma source(%arg9 : memref<80x128xf32, #tpu.memory_space<vmem>>) target(%dma_start3A_452 : memref<10000x128xf32, #tpu.memory_space<vmem_shared>>) offsets(%arg21 : memref<80xi32, #tpu.memory_space<vmem>>) semaphore(%arg42 : memref<!tpu.dma_semaphore, #tpu.memory_space<semaphore_mem>>) {add = true}
      %ge3A_453 = arith.constant 1 : i32
      %ge3A_454 = arith.cmpi sge, %add3A_431, %ge3A_453 : i32
      %add3A_455 = arith.constant 8 : i32
      %add3A_456 = arith.addi %add3A_431, %add3A_455 : i32
      %sub3A_457 = arith.constant 1 : i32
      %sub3A_458 = arith.subi %add3A_456, %sub3A_457 : i32
      %lt3A_459 = arith.constant 125 : i32
      %lt3A_460 = arith.cmpi slt, %sub3A_458, %lt3A_459 : i32
      %and3A_461 = arith.andi %ge3A_454, %lt3A_460 : i1
      %convert_element_type3A_462 = arith.extui %and3A_461 : i1 to i32
      %cond3A_463 = arith.constant 0 : i32
      %cond3A_464 = arith.cmpi ne, %convert_element_type3A_462, %cond3A_463 : i32
      scf.if %cond3A_464 {
        %sub3A_605 = arith.constant 1 : i32
        %sub3A_606 = arith.subi %add3A_431, %sub3A_605 : i32
        %add3A_607 = arith.constant 8 : i32
        %add3A_608 = arith.addi %sub3A_606, %add3A_607 : i32
        %mul3A_609 = arith.constant 80 : i32
        %mul3A_610 = arith.muli %add3A_608, %mul3A_609 : i32
        %add3A_611 = arith.addi %mul3A_2, %mul3A_610 : i32
        %multiple_of3A_612 = tpu.assume_multiple %add3A_611, 8 : i32
        %dma_start3A_613 = tpu.memref_slice %arg3[%multiple_of3A_612] : memref<320000xi32, #tpu.memory_space<hbm>> -> memref<80xi32, #tpu.memory_space<hbm>>
        %dma_start3A_614 = tpu.memref_slice %arg3[%multiple_of3A_612] : memref<320000xi32, #tpu.memory_space<hbm>> -> memref<80xi32, #tpu.memory_space<hbm>>
        tpu.enqueue_dma source(%dma_start3A_614 : memref<80xi32, #tpu.memory_space<hbm>>) target(%arg12 : memref<80xi32, #tpu.memory_space<vmem>>) target_semaphore(%arg33 : memref<!tpu.dma_semaphore, #tpu.memory_space<semaphore_mem>>)
        %dma_start3A_615 = tpu.memref_slice %arg4[%multiple_of3A_612] : memref<320000xi32, #tpu.memory_space<hbm>> -> memref<80xi32, #tpu.memory_space<hbm>>
        %dma_start3A_616 = tpu.memref_slice %arg4[%multiple_of3A_612] : memref<320000xi32, #tpu.memory_space<hbm>> -> memref<80xi32, #tpu.memory_space<hbm>>
        tpu.enqueue_dma source(%dma_start3A_616 : memref<80xi32, #tpu.memory_space<hbm>>) target(%arg20 : memref<80xi32, #tpu.memory_space<vmem>>) target_semaphore(%arg33 : memref<!tpu.dma_semaphore, #tpu.memory_space<semaphore_mem>>)
      } else {
      }
      %add3A_465 = arith.constant 4 : i32
      %add3A_466 = arith.addi %mul3A_328, %add3A_465 : i32
      %ge3A_467 = arith.constant 1 : i32
      %ge3A_468 = arith.cmpi sge, %add3A_466, %ge3A_467 : i32
      %convert_element_type3A_469 = arith.extui %ge3A_468 : i1 to i32
      %cond3A_470 = arith.constant 0 : i32
      %cond3A_471 = arith.cmpi ne, %convert_element_type3A_469, %cond3A_470 : i32
      scf.if %cond3A_471 {
        %dma_wait3A_605 = arith.constant 0 : i32
        %dma_wait3A_606 = arith.constant 0 : i32
        %dma_wait3A_607 = tpu.memref_slice %arg26[%dma_wait3A_605, %dma_wait3A_606] : memref<10000x128xf32, #tpu.memory_space<vmem_shared>> -> memref<80x128xf32, #tpu.memory_space<vmem_shared>>
        %dma_wait3A_608 = arith.constant 0 : i32
        %dma_wait3A_609 = arith.constant 0 : i32
        %dma_wait3A_610 = tpu.memref_slice %arg26[%dma_wait3A_608, %dma_wait3A_609] : memref<10000x128xf32, #tpu.memory_space<vmem_shared>> -> memref<80x128xf32, #tpu.memory_space<vmem_shared>>
        tpu.wait_dma2 semaphore(%arg42 : memref<!tpu.dma_semaphore, #tpu.memory_space<semaphore_mem>>) src(%arg9 : memref<80x128xf32, #tpu.memory_space<vmem>>) dst(%dma_wait3A_610 : memref<80x128xf32, #tpu.memory_space<vmem_shared>>)
      } else {
      }
      %add3A_472 = arith.constant 3 : i32
      %add3A_473 = arith.addi %add3A_466, %add3A_472 : i32
      %lt3A_474 = arith.constant 125 : i32
      %lt3A_475 = arith.cmpi slt, %add3A_473, %lt3A_474 : i32
      %convert_element_type3A_476 = arith.extui %lt3A_475 : i1 to i32
      %cond3A_477 = arith.constant 0 : i32
      %cond3A_478 = arith.cmpi ne, %convert_element_type3A_476, %cond3A_477 : i32
      scf.if %cond3A_478 {
        %dma_wait3A_605 = arith.constant 0 : i32
        %dma_wait3A_606 = tpu.memref_slice %arg3[%dma_wait3A_605] : memref<320000xi32, #tpu.memory_space<hbm>> -> memref<80xi32, #tpu.memory_space<hbm>>
        %dma_wait3A_607 = arith.constant 0 : i32
        %dma_wait3A_608 = tpu.memref_slice %arg3[%dma_wait3A_607] : memref<320000xi32, #tpu.memory_space<hbm>> -> memref<80xi32, #tpu.memory_space<hbm>>
        tpu.wait_dma2 semaphore(%arg38 : memref<!tpu.dma_semaphore, #tpu.memory_space<semaphore_mem>>) src(%dma_wait3A_608 : memref<80xi32, #tpu.memory_space<hbm>>) dst(%arg17 : memref<80xi32, #tpu.memory_space<vmem>>)
        %dma_wait3A_609 = arith.constant 0 : i32
        %dma_wait3A_610 = tpu.memref_slice %arg4[%dma_wait3A_609] : memref<320000xi32, #tpu.memory_space<hbm>> -> memref<80xi32, #tpu.memory_space<hbm>>
        %dma_wait3A_611 = arith.constant 0 : i32
        %dma_wait3A_612 = tpu.memref_slice %arg4[%dma_wait3A_611] : memref<320000xi32, #tpu.memory_space<hbm>> -> memref<80xi32, #tpu.memory_space<hbm>>
        tpu.wait_dma2 semaphore(%arg38 : memref<!tpu.dma_semaphore, #tpu.memory_space<semaphore_mem>>) src(%dma_wait3A_612 : memref<80xi32, #tpu.memory_space<hbm>>) dst(%arg25 : memref<80xi32, #tpu.memory_space<vmem>>)
        %dma_start3A_613 = arith.constant 0 : i32
        %dma_start3A_614 = arith.constant 0 : i32
        %dma_start3A_615 = tpu.memref_slice %arg2[%dma_start3A_613, %dma_start3A_614] : memref<10000x128xf32, #tpu.memory_space<hbm>> -> memref<10000x128xf32, #tpu.memory_space<hbm>>
        tpu.enqueue_indirect_dma source(%dma_start3A_615 : memref<10000x128xf32, #tpu.memory_space<hbm>>) target(%arg9 : memref<80x128xf32, #tpu.memory_space<vmem>>) offsets(%arg17 : memref<80xi32, #tpu.memory_space<vmem>>) semaphore(%arg30 : memref<!tpu.dma_semaphore, #tpu.memory_space<semaphore_mem>>)
      } else {
      }
      %dma_wait3A_479 = arith.constant 0 : i32
      %dma_wait3A_480 = arith.constant 0 : i32
      %dma_wait3A_481 = tpu.memref_slice %arg2[%dma_wait3A_479, %dma_wait3A_480] : memref<10000x128xf32, #tpu.memory_space<hbm>> -> memref<80x128xf32, #tpu.memory_space<hbm>>
      %dma_wait3A_482 = arith.constant 0 : i32
      %dma_wait3A_483 = arith.constant 0 : i32
      %dma_wait3A_484 = tpu.memref_slice %arg2[%dma_wait3A_482, %dma_wait3A_483] : memref<10000x128xf32, #tpu.memory_space<hbm>> -> memref<80x128xf32, #tpu.memory_space<hbm>>
      tpu.wait_dma2 semaphore(%arg27 : memref<!tpu.dma_semaphore, #tpu.memory_space<semaphore_mem>>) src(%dma_wait3A_484 : memref<80x128xf32, #tpu.memory_space<hbm>>) dst(%arg6 : memref<80x128xf32, #tpu.memory_space<vmem>>)
      %dma_start3A_485 = arith.constant 0 : i32
      %dma_start3A_486 = arith.constant 0 : i32
      %dma_start3A_487 = tpu.memref_slice %arg26[%dma_start3A_485, %dma_start3A_486] : memref<10000x128xf32, #tpu.memory_space<vmem_shared>> -> memref<10000x128xf32, #tpu.memory_space<vmem_shared>>
      tpu.enqueue_indirect_dma source(%arg6 : memref<80x128xf32, #tpu.memory_space<vmem>>) target(%dma_start3A_487 : memref<10000x128xf32, #tpu.memory_space<vmem_shared>>) offsets(%arg22 : memref<80xi32, #tpu.memory_space<vmem>>) semaphore(%arg39 : memref<!tpu.dma_semaphore, #tpu.memory_space<semaphore_mem>>) {add = true}
      %ge3A_488 = arith.constant 1 : i32
      %ge3A_489 = arith.cmpi sge, %add3A_466, %ge3A_488 : i32
      %add3A_490 = arith.constant 8 : i32
      %add3A_491 = arith.addi %add3A_466, %add3A_490 : i32
      %sub3A_492 = arith.constant 1 : i32
      %sub3A_493 = arith.subi %add3A_491, %sub3A_492 : i32
      %lt3A_494 = arith.constant 125 : i32
      %lt3A_495 = arith.cmpi slt, %sub3A_493, %lt3A_494 : i32
      %and3A_496 = arith.andi %ge3A_489, %lt3A_495 : i1
      %convert_element_type3A_497 = arith.extui %and3A_496 : i1 to i32
      %cond3A_498 = arith.constant 0 : i32
      %cond3A_499 = arith.cmpi ne, %convert_element_type3A_497, %cond3A_498 : i32
      scf.if %cond3A_499 {
        %sub3A_605 = arith.constant 1 : i32
        %sub3A_606 = arith.subi %add3A_466, %sub3A_605 : i32
        %add3A_607 = arith.constant 8 : i32
        %add3A_608 = arith.addi %sub3A_606, %add3A_607 : i32
        %mul3A_609 = arith.constant 80 : i32
        %mul3A_610 = arith.muli %add3A_608, %mul3A_609 : i32
        %add3A_611 = arith.addi %mul3A_2, %mul3A_610 : i32
        %multiple_of3A_612 = tpu.assume_multiple %add3A_611, 8 : i32
        %dma_start3A_613 = tpu.memref_slice %arg3[%multiple_of3A_612] : memref<320000xi32, #tpu.memory_space<hbm>> -> memref<80xi32, #tpu.memory_space<hbm>>
        %dma_start3A_614 = tpu.memref_slice %arg3[%multiple_of3A_612] : memref<320000xi32, #tpu.memory_space<hbm>> -> memref<80xi32, #tpu.memory_space<hbm>>
        tpu.enqueue_dma source(%dma_start3A_614 : memref<80xi32, #tpu.memory_space<hbm>>) target(%arg13 : memref<80xi32, #tpu.memory_space<vmem>>) target_semaphore(%arg34 : memref<!tpu.dma_semaphore, #tpu.memory_space<semaphore_mem>>)
        %dma_start3A_615 = tpu.memref_slice %arg4[%multiple_of3A_612] : memref<320000xi32, #tpu.memory_space<hbm>> -> memref<80xi32, #tpu.memory_space<hbm>>
        %dma_start3A_616 = tpu.memref_slice %arg4[%multiple_of3A_612] : memref<320000xi32, #tpu.memory_space<hbm>> -> memref<80xi32, #tpu.memory_space<hbm>>
        tpu.enqueue_dma source(%dma_start3A_616 : memref<80xi32, #tpu.memory_space<hbm>>) target(%arg21 : memref<80xi32, #tpu.memory_space<vmem>>) target_semaphore(%arg34 : memref<!tpu.dma_semaphore, #tpu.memory_space<semaphore_mem>>)
      } else {
      }
      %add3A_500 = arith.constant 5 : i32
      %add3A_501 = arith.addi %mul3A_328, %add3A_500 : i32
      %ge3A_502 = arith.constant 1 : i32
      %ge3A_503 = arith.cmpi sge, %add3A_501, %ge3A_502 : i32
      %convert_element_type3A_504 = arith.extui %ge3A_503 : i1 to i32
      %cond3A_505 = arith.constant 0 : i32
      %cond3A_506 = arith.cmpi ne, %convert_element_type3A_504, %cond3A_505 : i32
      scf.if %cond3A_506 {
        %dma_wait3A_605 = arith.constant 0 : i32
        %dma_wait3A_606 = arith.constant 0 : i32
        %dma_wait3A_607 = tpu.memref_slice %arg26[%dma_wait3A_605, %dma_wait3A_606] : memref<10000x128xf32, #tpu.memory_space<vmem_shared>> -> memref<80x128xf32, #tpu.memory_space<vmem_shared>>
        %dma_wait3A_608 = arith.constant 0 : i32
        %dma_wait3A_609 = arith.constant 0 : i32
        %dma_wait3A_610 = tpu.memref_slice %arg26[%dma_wait3A_608, %dma_wait3A_609] : memref<10000x128xf32, #tpu.memory_space<vmem_shared>> -> memref<80x128xf32, #tpu.memory_space<vmem_shared>>
        tpu.wait_dma2 semaphore(%arg39 : memref<!tpu.dma_semaphore, #tpu.memory_space<semaphore_mem>>) src(%arg6 : memref<80x128xf32, #tpu.memory_space<vmem>>) dst(%dma_wait3A_610 : memref<80x128xf32, #tpu.memory_space<vmem_shared>>)
      } else {
      }
      %add3A_507 = arith.constant 3 : i32
      %add3A_508 = arith.addi %add3A_501, %add3A_507 : i32
      %lt3A_509 = arith.constant 125 : i32
      %lt3A_510 = arith.cmpi slt, %add3A_508, %lt3A_509 : i32
      %convert_element_type3A_511 = arith.extui %lt3A_510 : i1 to i32
      %cond3A_512 = arith.constant 0 : i32
      %cond3A_513 = arith.cmpi ne, %convert_element_type3A_511, %cond3A_512 : i32
      scf.if %cond3A_513 {
        %dma_wait3A_605 = arith.constant 0 : i32
        %dma_wait3A_606 = tpu.memref_slice %arg3[%dma_wait3A_605] : memref<320000xi32, #tpu.memory_space<hbm>> -> memref<80xi32, #tpu.memory_space<hbm>>
        %dma_wait3A_607 = arith.constant 0 : i32
        %dma_wait3A_608 = tpu.memref_slice %arg3[%dma_wait3A_607] : memref<320000xi32, #tpu.memory_space<hbm>> -> memref<80xi32, #tpu.memory_space<hbm>>
        tpu.wait_dma2 semaphore(%arg31 : memref<!tpu.dma_semaphore, #tpu.memory_space<semaphore_mem>>) src(%dma_wait3A_608 : memref<80xi32, #tpu.memory_space<hbm>>) dst(%arg10 : memref<80xi32, #tpu.memory_space<vmem>>)
        %dma_wait3A_609 = arith.constant 0 : i32
        %dma_wait3A_610 = tpu.memref_slice %arg4[%dma_wait3A_609] : memref<320000xi32, #tpu.memory_space<hbm>> -> memref<80xi32, #tpu.memory_space<hbm>>
        %dma_wait3A_611 = arith.constant 0 : i32
        %dma_wait3A_612 = tpu.memref_slice %arg4[%dma_wait3A_611] : memref<320000xi32, #tpu.memory_space<hbm>> -> memref<80xi32, #tpu.memory_space<hbm>>
        tpu.wait_dma2 semaphore(%arg31 : memref<!tpu.dma_semaphore, #tpu.memory_space<semaphore_mem>>) src(%dma_wait3A_612 : memref<80xi32, #tpu.memory_space<hbm>>) dst(%arg18 : memref<80xi32, #tpu.memory_space<vmem>>)
        %dma_start3A_613 = arith.constant 0 : i32
        %dma_start3A_614 = arith.constant 0 : i32
        %dma_start3A_615 = tpu.memref_slice %arg2[%dma_start3A_613, %dma_start3A_614] : memref<10000x128xf32, #tpu.memory_space<hbm>> -> memref<10000x128xf32, #tpu.memory_space<hbm>>
        tpu.enqueue_indirect_dma source(%dma_start3A_615 : memref<10000x128xf32, #tpu.memory_space<hbm>>) target(%arg6 : memref<80x128xf32, #tpu.memory_space<vmem>>) offsets(%arg10 : memref<80xi32, #tpu.memory_space<vmem>>) semaphore(%arg27 : memref<!tpu.dma_semaphore, #tpu.memory_space<semaphore_mem>>)
      } else {
      }
      %dma_wait3A_514 = arith.constant 0 : i32
      %dma_wait3A_515 = arith.constant 0 : i32
      %dma_wait3A_516 = tpu.memref_slice %arg2[%dma_wait3A_514, %dma_wait3A_515] : memref<10000x128xf32, #tpu.memory_space<hbm>> -> memref<80x128xf32, #tpu.memory_space<hbm>>
      %dma_wait3A_517 = arith.constant 0 : i32
      %dma_wait3A_518 = arith.constant 0 : i32
      %dma_wait3A_519 = tpu.memref_slice %arg2[%dma_wait3A_517, %dma_wait3A_518] : memref<10000x128xf32, #tpu.memory_space<hbm>> -> memref<80x128xf32, #tpu.memory_space<hbm>>
      tpu.wait_dma2 semaphore(%arg28 : memref<!tpu.dma_semaphore, #tpu.memory_space<semaphore_mem>>) src(%dma_wait3A_519 : memref<80x128xf32, #tpu.memory_space<hbm>>) dst(%arg7 : memref<80x128xf32, #tpu.memory_space<vmem>>)
      %dma_start3A_520 = arith.constant 0 : i32
      %dma_start3A_521 = arith.constant 0 : i32
      %dma_start3A_522 = tpu.memref_slice %arg26[%dma_start3A_520, %dma_start3A_521] : memref<10000x128xf32, #tpu.memory_space<vmem_shared>> -> memref<10000x128xf32, #tpu.memory_space<vmem_shared>>
      tpu.enqueue_indirect_dma source(%arg7 : memref<80x128xf32, #tpu.memory_space<vmem>>) target(%dma_start3A_522 : memref<10000x128xf32, #tpu.memory_space<vmem_shared>>) offsets(%arg23 : memref<80xi32, #tpu.memory_space<vmem>>) semaphore(%arg40 : memref<!tpu.dma_semaphore, #tpu.memory_space<semaphore_mem>>) {add = true}
      %ge3A_523 = arith.constant 1 : i32
      %ge3A_524 = arith.cmpi sge, %add3A_501, %ge3A_523 : i32
      %add3A_525 = arith.constant 8 : i32
      %add3A_526 = arith.addi %add3A_501, %add3A_525 : i32
      %sub3A_527 = arith.constant 1 : i32
      %sub3A_528 = arith.subi %add3A_526, %sub3A_527 : i32
      %lt3A_529 = arith.constant 125 : i32
      %lt3A_530 = arith.cmpi slt, %sub3A_528, %lt3A_529 : i32
      %and3A_531 = arith.andi %ge3A_524, %lt3A_530 : i1
      %convert_element_type3A_532 = arith.extui %and3A_531 : i1 to i32
      %cond3A_533 = arith.constant 0 : i32
      %cond3A_534 = arith.cmpi ne, %convert_element_type3A_532, %cond3A_533 : i32
      scf.if %cond3A_534 {
        %sub3A_605 = arith.constant 1 : i32
        %sub3A_606 = arith.subi %add3A_501, %sub3A_605 : i32
        %add3A_607 = arith.constant 8 : i32
        %add3A_608 = arith.addi %sub3A_606, %add3A_607 : i32
        %mul3A_609 = arith.constant 80 : i32
        %mul3A_610 = arith.muli %add3A_608, %mul3A_609 : i32
        %add3A_611 = arith.addi %mul3A_2, %mul3A_610 : i32
        %multiple_of3A_612 = tpu.assume_multiple %add3A_611, 8 : i32
        %dma_start3A_613 = tpu.memref_slice %arg3[%multiple_of3A_612] : memref<320000xi32, #tpu.memory_space<hbm>> -> memref<80xi32, #tpu.memory_space<hbm>>
        %dma_start3A_614 = tpu.memref_slice %arg3[%multiple_of3A_612] : memref<320000xi32, #tpu.memory_space<hbm>> -> memref<80xi32, #tpu.memory_space<hbm>>
        tpu.enqueue_dma source(%dma_start3A_614 : memref<80xi32, #tpu.memory_space<hbm>>) target(%arg14 : memref<80xi32, #tpu.memory_space<vmem>>) target_semaphore(%arg35 : memref<!tpu.dma_semaphore, #tpu.memory_space<semaphore_mem>>)
        %dma_start3A_615 = tpu.memref_slice %arg4[%multiple_of3A_612] : memref<320000xi32, #tpu.memory_space<hbm>> -> memref<80xi32, #tpu.memory_space<hbm>>
        %dma_start3A_616 = tpu.memref_slice %arg4[%multiple_of3A_612] : memref<320000xi32, #tpu.memory_space<hbm>> -> memref<80xi32, #tpu.memory_space<hbm>>
        tpu.enqueue_dma source(%dma_start3A_616 : memref<80xi32, #tpu.memory_space<hbm>>) target(%arg22 : memref<80xi32, #tpu.memory_space<vmem>>) target_semaphore(%arg35 : memref<!tpu.dma_semaphore, #tpu.memory_space<semaphore_mem>>)
      } else {
      }
      %add3A_535 = arith.constant 6 : i32
      %add3A_536 = arith.addi %mul3A_328, %add3A_535 : i32
      %ge3A_537 = arith.constant 1 : i32
      %ge3A_538 = arith.cmpi sge, %add3A_536, %ge3A_537 : i32
      %convert_element_type3A_539 = arith.extui %ge3A_538 : i1 to i32
      %cond3A_540 = arith.constant 0 : i32
      %cond3A_541 = arith.cmpi ne, %convert_element_type3A_539, %cond3A_540 : i32
      scf.if %cond3A_541 {
        %dma_wait3A_605 = arith.constant 0 : i32
        %dma_wait3A_606 = arith.constant 0 : i32
        %dma_wait3A_607 = tpu.memref_slice %arg26[%dma_wait3A_605, %dma_wait3A_606] : memref<10000x128xf32, #tpu.memory_space<vmem_shared>> -> memref<80x128xf32, #tpu.memory_space<vmem_shared>>
        %dma_wait3A_608 = arith.constant 0 : i32
        %dma_wait3A_609 = arith.constant 0 : i32
        %dma_wait3A_610 = tpu.memref_slice %arg26[%dma_wait3A_608, %dma_wait3A_609] : memref<10000x128xf32, #tpu.memory_space<vmem_shared>> -> memref<80x128xf32, #tpu.memory_space<vmem_shared>>
        tpu.wait_dma2 semaphore(%arg40 : memref<!tpu.dma_semaphore, #tpu.memory_space<semaphore_mem>>) src(%arg7 : memref<80x128xf32, #tpu.memory_space<vmem>>) dst(%dma_wait3A_610 : memref<80x128xf32, #tpu.memory_space<vmem_shared>>)
      } else {
      }
      %add3A_542 = arith.constant 3 : i32
      %add3A_543 = arith.addi %add3A_536, %add3A_542 : i32
      %lt3A_544 = arith.constant 125 : i32
      %lt3A_545 = arith.cmpi slt, %add3A_543, %lt3A_544 : i32
      %convert_element_type3A_546 = arith.extui %lt3A_545 : i1 to i32
      %cond3A_547 = arith.constant 0 : i32
      %cond3A_548 = arith.cmpi ne, %convert_element_type3A_546, %cond3A_547 : i32
      scf.if %cond3A_548 {
        %dma_wait3A_605 = arith.constant 0 : i32
        %dma_wait3A_606 = tpu.memref_slice %arg3[%dma_wait3A_605] : memref<320000xi32, #tpu.memory_space<hbm>> -> memref<80xi32, #tpu.memory_space<hbm>>
        %dma_wait3A_607 = arith.constant 0 : i32
        %dma_wait3A_608 = tpu.memref_slice %arg3[%dma_wait3A_607] : memref<320000xi32, #tpu.memory_space<hbm>> -> memref<80xi32, #tpu.memory_space<hbm>>
        tpu.wait_dma2 semaphore(%arg32 : memref<!tpu.dma_semaphore, #tpu.memory_space<semaphore_mem>>) src(%dma_wait3A_608 : memref<80xi32, #tpu.memory_space<hbm>>) dst(%arg11 : memref<80xi32, #tpu.memory_space<vmem>>)
        %dma_wait3A_609 = arith.constant 0 : i32
        %dma_wait3A_610 = tpu.memref_slice %arg4[%dma_wait3A_609] : memref<320000xi32, #tpu.memory_space<hbm>> -> memref<80xi32, #tpu.memory_space<hbm>>
        %dma_wait3A_611 = arith.constant 0 : i32
        %dma_wait3A_612 = tpu.memref_slice %arg4[%dma_wait3A_611] : memref<320000xi32, #tpu.memory_space<hbm>> -> memref<80xi32, #tpu.memory_space<hbm>>
        tpu.wait_dma2 semaphore(%arg32 : memref<!tpu.dma_semaphore, #tpu.memory_space<semaphore_mem>>) src(%dma_wait3A_612 : memref<80xi32, #tpu.memory_space<hbm>>) dst(%arg19 : memref<80xi32, #tpu.memory_space<vmem>>)
        %dma_start3A_613 = arith.constant 0 : i32
        %dma_start3A_614 = arith.constant 0 : i32
        %dma_start3A_615 = tpu.memref_slice %arg2[%dma_start3A_613, %dma_start3A_614] : memref<10000x128xf32, #tpu.memory_space<hbm>> -> memref<10000x128xf32, #tpu.memory_space<hbm>>
        tpu.enqueue_indirect_dma source(%dma_start3A_615 : memref<10000x128xf32, #tpu.memory_space<hbm>>) target(%arg7 : memref<80x128xf32, #tpu.memory_space<vmem>>) offsets(%arg11 : memref<80xi32, #tpu.memory_space<vmem>>) semaphore(%arg28 : memref<!tpu.dma_semaphore, #tpu.memory_space<semaphore_mem>>)
      } else {
      }
      %dma_wait3A_549 = arith.constant 0 : i32
      %dma_wait3A_550 = arith.constant 0 : i32
      %dma_wait3A_551 = tpu.memref_slice %arg2[%dma_wait3A_549, %dma_wait3A_550] : memref<10000x128xf32, #tpu.memory_space<hbm>> -> memref<80x128xf32, #tpu.memory_space<hbm>>
      %dma_wait3A_552 = arith.constant 0 : i32
      %dma_wait3A_553 = arith.constant 0 : i32
      %dma_wait3A_554 = tpu.memref_slice %arg2[%dma_wait3A_552, %dma_wait3A_553] : memref<10000x128xf32, #tpu.memory_space<hbm>> -> memref<80x128xf32, #tpu.memory_space<hbm>>
      tpu.wait_dma2 semaphore(%arg29 : memref<!tpu.dma_semaphore, #tpu.memory_space<semaphore_mem>>) src(%dma_wait3A_554 : memref<80x128xf32, #tpu.memory_space<hbm>>) dst(%arg8 : memref<80x128xf32, #tpu.memory_space<vmem>>)
      %dma_start3A_555 = arith.constant 0 : i32
      %dma_start3A_556 = arith.constant 0 : i32
      %dma_start3A_557 = tpu.memref_slice %arg26[%dma_start3A_555, %dma_start3A_556] : memref<10000x128xf32, #tpu.memory_space<vmem_shared>> -> memref<10000x128xf32, #tpu.memory_space<vmem_shared>>
      tpu.enqueue_indirect_dma source(%arg8 : memref<80x128xf32, #tpu.memory_space<vmem>>) target(%dma_start3A_557 : memref<10000x128xf32, #tpu.memory_space<vmem_shared>>) offsets(%arg24 : memref<80xi32, #tpu.memory_space<vmem>>) semaphore(%arg41 : memref<!tpu.dma_semaphore, #tpu.memory_space<semaphore_mem>>) {add = true}
      %ge3A_558 = arith.constant 1 : i32
      %ge3A_559 = arith.cmpi sge, %add3A_536, %ge3A_558 : i32
      %add3A_560 = arith.constant 8 : i32
      %add3A_561 = arith.addi %add3A_536, %add3A_560 : i32
      %sub3A_562 = arith.constant 1 : i32
      %sub3A_563 = arith.subi %add3A_561, %sub3A_562 : i32
      %lt3A_564 = arith.constant 125 : i32
      %lt3A_565 = arith.cmpi slt, %sub3A_563, %lt3A_564 : i32
      %and3A_566 = arith.andi %ge3A_559, %lt3A_565 : i1
      %convert_element_type3A_567 = arith.extui %and3A_566 : i1 to i32
      %cond3A_568 = arith.constant 0 : i32
      %cond3A_569 = arith.cmpi ne, %convert_element_type3A_567, %cond3A_568 : i32
      scf.if %cond3A_569 {
        %sub3A_605 = arith.constant 1 : i32
        %sub3A_606 = arith.subi %add3A_536, %sub3A_605 : i32
        %add3A_607 = arith.constant 8 : i32
        %add3A_608 = arith.addi %sub3A_606, %add3A_607 : i32
        %mul3A_609 = arith.constant 80 : i32
        %mul3A_610 = arith.muli %add3A_608, %mul3A_609 : i32
        %add3A_611 = arith.addi %mul3A_2, %mul3A_610 : i32
        %multiple_of3A_612 = tpu.assume_multiple %add3A_611, 8 : i32
        %dma_start3A_613 = tpu.memref_slice %arg3[%multiple_of3A_612] : memref<320000xi32, #tpu.memory_space<hbm>> -> memref<80xi32, #tpu.memory_space<hbm>>
        %dma_start3A_614 = tpu.memref_slice %arg3[%multiple_of3A_612] : memref<320000xi32, #tpu.memory_space<hbm>> -> memref<80xi32, #tpu.memory_space<hbm>>
        tpu.enqueue_dma source(%dma_start3A_614 : memref<80xi32, #tpu.memory_space<hbm>>) target(%arg15 : memref<80xi32, #tpu.memory_space<vmem>>) target_semaphore(%arg36 : memref<!tpu.dma_semaphore, #tpu.memory_space<semaphore_mem>>)
        %dma_start3A_615 = tpu.memref_slice %arg4[%multiple_of3A_612] : memref<320000xi32, #tpu.memory_space<hbm>> -> memref<80xi32, #tpu.memory_space<hbm>>
        %dma_start3A_616 = tpu.memref_slice %arg4[%multiple_of3A_612] : memref<320000xi32, #tpu.memory_space<hbm>> -> memref<80xi32, #tpu.memory_space<hbm>>
        tpu.enqueue_dma source(%dma_start3A_616 : memref<80xi32, #tpu.memory_space<hbm>>) target(%arg23 : memref<80xi32, #tpu.memory_space<vmem>>) target_semaphore(%arg36 : memref<!tpu.dma_semaphore, #tpu.memory_space<semaphore_mem>>)
      } else {
      }
      %add3A_570 = arith.constant 7 : i32
      %add3A_571 = arith.addi %mul3A_328, %add3A_570 : i32
      %ge3A_572 = arith.constant 1 : i32
      %ge3A_573 = arith.cmpi sge, %add3A_571, %ge3A_572 : i32
      %convert_element_type3A_574 = arith.extui %ge3A_573 : i1 to i32
      %cond3A_575 = arith.constant 0 : i32
      %cond3A_576 = arith.cmpi ne, %convert_element_type3A_574, %cond3A_575 : i32
      scf.if %cond3A_576 {
        %dma_wait3A_605 = arith.constant 0 : i32
        %dma_wait3A_606 = arith.constant 0 : i32
        %dma_wait3A_607 = tpu.memref_slice %arg26[%dma_wait3A_605, %dma_wait3A_606] : memref<10000x128xf32, #tpu.memory_space<vmem_shared>> -> memref<80x128xf32, #tpu.memory_space<vmem_shared>>
        %dma_wait3A_608 = arith.constant 0 : i32
        %dma_wait3A_609 = arith.constant 0 : i32
        %dma_wait3A_610 = tpu.memref_slice %arg26[%dma_wait3A_608, %dma_wait3A_609] : memref<10000x128xf32, #tpu.memory_space<vmem_shared>> -> memref<80x128xf32, #tpu.memory_space<vmem_shared>>
        tpu.wait_dma2 semaphore(%arg41 : memref<!tpu.dma_semaphore, #tpu.memory_space<semaphore_mem>>) src(%arg8 : memref<80x128xf32, #tpu.memory_space<vmem>>) dst(%dma_wait3A_610 : memref<80x128xf32, #tpu.memory_space<vmem_shared>>)
      } else {
      }
      %add3A_577 = arith.constant 3 : i32
      %add3A_578 = arith.addi %add3A_571, %add3A_577 : i32
      %lt3A_579 = arith.constant 125 : i32
      %lt3A_580 = arith.cmpi slt, %add3A_578, %lt3A_579 : i32
      %convert_element_type3A_581 = arith.extui %lt3A_580 : i1 to i32
      %cond3A_582 = arith.constant 0 : i32
      %cond3A_583 = arith.cmpi ne, %convert_element_type3A_581, %cond3A_582 : i32
      scf.if %cond3A_583 {
        %dma_wait3A_605 = arith.constant 0 : i32
        %dma_wait3A_606 = tpu.memref_slice %arg3[%dma_wait3A_605] : memref<320000xi32, #tpu.memory_space<hbm>> -> memref<80xi32, #tpu.memory_space<hbm>>
        %dma_wait3A_607 = arith.constant 0 : i32
        %dma_wait3A_608 = tpu.memref_slice %arg3[%dma_wait3A_607] : memref<320000xi32, #tpu.memory_space<hbm>> -> memref<80xi32, #tpu.memory_space<hbm>>
        tpu.wait_dma2 semaphore(%arg33 : memref<!tpu.dma_semaphore, #tpu.memory_space<semaphore_mem>>) src(%dma_wait3A_608 : memref<80xi32, #tpu.memory_space<hbm>>) dst(%arg12 : memref<80xi32, #tpu.memory_space<vmem>>)
        %dma_wait3A_609 = arith.constant 0 : i32
        %dma_wait3A_610 = tpu.memref_slice %arg4[%dma_wait3A_609] : memref<320000xi32, #tpu.memory_space<hbm>> -> memref<80xi32, #tpu.memory_space<hbm>>
        %dma_wait3A_611 = arith.constant 0 : i32
        %dma_wait3A_612 = tpu.memref_slice %arg4[%dma_wait3A_611] : memref<320000xi32, #tpu.memory_space<hbm>> -> memref<80xi32, #tpu.memory_space<hbm>>
        tpu.wait_dma2 semaphore(%arg33 : memref<!tpu.dma_semaphore, #tpu.memory_space<semaphore_mem>>) src(%dma_wait3A_612 : memref<80xi32, #tpu.memory_space<hbm>>) dst(%arg20 : memref<80xi32, #tpu.memory_space<vmem>>)
        %dma_start3A_613 = arith.constant 0 : i32
        %dma_start3A_614 = arith.constant 0 : i32
        %dma_start3A_615 = tpu.memref_slice %arg2[%dma_start3A_613, %dma_start3A_614] : memref<10000x128xf32, #tpu.memory_space<hbm>> -> memref<10000x128xf32, #tpu.memory_space<hbm>>
        tpu.enqueue_indirect_dma source(%dma_start3A_615 : memref<10000x128xf32, #tpu.memory_space<hbm>>) target(%arg8 : memref<80x128xf32, #tpu.memory_space<vmem>>) offsets(%arg12 : memref<80xi32, #tpu.memory_space<vmem>>) semaphore(%arg29 : memref<!tpu.dma_semaphore, #tpu.memory_space<semaphore_mem>>)
      } else {
      }
      %dma_wait3A_584 = arith.constant 0 : i32
      %dma_wait3A_585 = arith.constant 0 : i32
      %dma_wait3A_586 = tpu.memref_slice %arg2[%dma_wait3A_584, %dma_wait3A_585] : memref<10000x128xf32, #tpu.memory_space<hbm>> -> memref<80x128xf32, #tpu.memory_space<hbm>>
      %dma_wait3A_587 = arith.constant 0 : i32
      %dma_wait3A_588 = arith.constant 0 : i32
      %dma_wait3A_589 = tpu.memref_slice %arg2[%dma_wait3A_587, %dma_wait3A_588] : memref<10000x128xf32, #tpu.memory_space<hbm>> -> memref<80x128xf32, #tpu.memory_space<hbm>>
      tpu.wait_dma2 semaphore(%arg30 : memref<!tpu.dma_semaphore, #tpu.memory_space<semaphore_mem>>) src(%dma_wait3A_589 : memref<80x128xf32, #tpu.memory_space<hbm>>) dst(%arg9 : memref<80x128xf32, #tpu.memory_space<vmem>>)
      %dma_start3A_590 = arith.constant 0 : i32
      %dma_start3A_591 = arith.constant 0 : i32
      %dma_start3A_592 = tpu.memref_slice %arg26[%dma_start3A_590, %dma_start3A_591] : memref<10000x128xf32, #tpu.memory_space<vmem_shared>> -> memref<10000x128xf32, #tpu.memory_space<vmem_shared>>
      tpu.enqueue_indirect_dma source(%arg9 : memref<80x128xf32, #tpu.memory_space<vmem>>) target(%dma_start3A_592 : memref<10000x128xf32, #tpu.memory_space<vmem_shared>>) offsets(%arg25 : memref<80xi32, #tpu.memory_space<vmem>>) semaphore(%arg42 : memref<!tpu.dma_semaphore, #tpu.memory_space<semaphore_mem>>) {add = true}
      %ge3A_593 = arith.constant 1 : i32
      %ge3A_594 = arith.cmpi sge, %add3A_571, %ge3A_593 : i32
      %add3A_595 = arith.constant 8 : i32
      %add3A_596 = arith.addi %add3A_571, %add3A_595 : i32
      %sub3A_597 = arith.constant 1 : i32
      %sub3A_598 = arith.subi %add3A_596, %sub3A_597 : i32
      %lt3A_599 = arith.constant 125 : i32
      %lt3A_600 = arith.cmpi slt, %sub3A_598, %lt3A_599 : i32
      %and3A_601 = arith.andi %ge3A_594, %lt3A_600 : i1
      %convert_element_type3A_602 = arith.extui %and3A_601 : i1 to i32
      %cond3A_603 = arith.constant 0 : i32
      %cond3A_604 = arith.cmpi ne, %convert_element_type3A_602, %cond3A_603 : i32
      scf.if %cond3A_604 {
        %sub3A_605 = arith.constant 1 : i32
        %sub3A_606 = arith.subi %add3A_571, %sub3A_605 : i32
        %add3A_607 = arith.constant 8 : i32
        %add3A_608 = arith.addi %sub3A_606, %add3A_607 : i32
        %mul3A_609 = arith.constant 80 : i32
        %mul3A_610 = arith.muli %add3A_608, %mul3A_609 : i32
        %add3A_611 = arith.addi %mul3A_2, %mul3A_610 : i32
        %multiple_of3A_612 = tpu.assume_multiple %add3A_611, 8 : i32
        %dma_start3A_613 = tpu.memref_slice %arg3[%multiple_of3A_612] : memref<320000xi32, #tpu.memory_space<hbm>> -> memref<80xi32, #tpu.memory_space<hbm>>
        %dma_start3A_614 = tpu.memref_slice %arg3[%multiple_of3A_612] : memref<320000xi32, #tpu.memory_space<hbm>> -> memref<80xi32, #tpu.memory_space<hbm>>
        tpu.enqueue_dma source(%dma_start3A_614 : memref<80xi32, #tpu.memory_space<hbm>>) target(%arg16 : memref<80xi32, #tpu.memory_space<vmem>>) target_semaphore(%arg37 : memref<!tpu.dma_semaphore, #tpu.memory_space<semaphore_mem>>)
        %dma_start3A_615 = tpu.memref_slice %arg4[%multiple_of3A_612] : memref<320000xi32, #tpu.memory_space<hbm>> -> memref<80xi32, #tpu.memory_space<hbm>>
        %dma_start3A_616 = tpu.memref_slice %arg4[%multiple_of3A_612] : memref<320000xi32, #tpu.memory_space<hbm>> -> memref<80xi32, #tpu.memory_space<hbm>>
        tpu.enqueue_dma source(%dma_start3A_616 : memref<80xi32, #tpu.memory_space<hbm>>) target(%arg24 : memref<80xi32, #tpu.memory_space<vmem>>) target_semaphore(%arg37 : memref<!tpu.dma_semaphore, #tpu.memory_space<semaphore_mem>>)
      } else {
      }
    }
    %scan3A_216 = arith.constant 15 : i32
    %dma_wait3A_217 = arith.constant 0 : i32
    %dma_wait3A_218 = arith.constant 0 : i32
    %dma_wait3A_219 = tpu.memref_slice %arg26[%dma_wait3A_217, %dma_wait3A_218] : memref<10000x128xf32, #tpu.memory_space<vmem_shared>> -> memref<80x128xf32, #tpu.memory_space<vmem_shared>>
    %dma_wait3A_220 = arith.constant 0 : i32
    %dma_wait3A_221 = arith.constant 0 : i32
    %dma_wait3A_222 = tpu.memref_slice %arg26[%dma_wait3A_220, %dma_wait3A_221] : memref<10000x128xf32, #tpu.memory_space<vmem_shared>> -> memref<80x128xf32, #tpu.memory_space<vmem_shared>>
    tpu.wait_dma2 semaphore(%arg42 : memref<!tpu.dma_semaphore, #tpu.memory_space<semaphore_mem>>) src(%arg9 : memref<80x128xf32, #tpu.memory_space<vmem>>) dst(%dma_wait3A_222 : memref<80x128xf32, #tpu.memory_space<vmem_shared>>)
    %dma_wait3A_223 = arith.constant 0 : i32
    %dma_wait3A_224 = tpu.memref_slice %arg3[%dma_wait3A_223] : memref<320000xi32, #tpu.memory_space<hbm>> -> memref<80xi32, #tpu.memory_space<hbm>>
    %dma_wait3A_225 = arith.constant 0 : i32
    %dma_wait3A_226 = tpu.memref_slice %arg3[%dma_wait3A_225] : memref<320000xi32, #tpu.memory_space<hbm>> -> memref<80xi32, #tpu.memory_space<hbm>>
    tpu.wait_dma2 semaphore(%arg34 : memref<!tpu.dma_semaphore, #tpu.memory_space<semaphore_mem>>) src(%dma_wait3A_226 : memref<80xi32, #tpu.memory_space<hbm>>) dst(%arg13 : memref<80xi32, #tpu.memory_space<vmem>>)
    %dma_wait3A_227 = arith.constant 0 : i32
    %dma_wait3A_228 = tpu.memref_slice %arg4[%dma_wait3A_227] : memref<320000xi32, #tpu.memory_space<hbm>> -> memref<80xi32, #tpu.memory_space<hbm>>
    %dma_wait3A_229 = arith.constant 0 : i32
    %dma_wait3A_230 = tpu.memref_slice %arg4[%dma_wait3A_229] : memref<320000xi32, #tpu.memory_space<hbm>> -> memref<80xi32, #tpu.memory_space<hbm>>
    tpu.wait_dma2 semaphore(%arg34 : memref<!tpu.dma_semaphore, #tpu.memory_space<semaphore_mem>>) src(%dma_wait3A_230 : memref<80xi32, #tpu.memory_space<hbm>>) dst(%arg21 : memref<80xi32, #tpu.memory_space<vmem>>)
    %dma_start3A_231 = arith.constant 0 : i32
    %dma_start3A_232 = arith.constant 0 : i32
    %dma_start3A_233 = tpu.memref_slice %arg2[%dma_start3A_231, %dma_start3A_232] : memref<10000x128xf32, #tpu.memory_space<hbm>> -> memref<10000x128xf32, #tpu.memory_space<hbm>>
    tpu.enqueue_indirect_dma source(%dma_start3A_233 : memref<10000x128xf32, #tpu.memory_space<hbm>>) target(%arg9 : memref<80x128xf32, #tpu.memory_space<vmem>>) offsets(%arg13 : memref<80xi32, #tpu.memory_space<vmem>>) semaphore(%arg30 : memref<!tpu.dma_semaphore, #tpu.memory_space<semaphore_mem>>)
    %dma_wait3A_234 = arith.constant 0 : i32
    %dma_wait3A_235 = arith.constant 0 : i32
    %dma_wait3A_236 = tpu.memref_slice %arg2[%dma_wait3A_234, %dma_wait3A_235] : memref<10000x128xf32, #tpu.memory_space<hbm>> -> memref<80x128xf32, #tpu.memory_space<hbm>>
    %dma_wait3A_237 = arith.constant 0 : i32
    %dma_wait3A_238 = arith.constant 0 : i32
    %dma_wait3A_239 = tpu.memref_slice %arg2[%dma_wait3A_237, %dma_wait3A_238] : memref<10000x128xf32, #tpu.memory_space<hbm>> -> memref<80x128xf32, #tpu.memory_space<hbm>>
    tpu.wait_dma2 semaphore(%arg27 : memref<!tpu.dma_semaphore, #tpu.memory_space<semaphore_mem>>) src(%dma_wait3A_239 : memref<80x128xf32, #tpu.memory_space<hbm>>) dst(%arg6 : memref<80x128xf32, #tpu.memory_space<vmem>>)
    %dma_start3A_240 = arith.constant 0 : i32
    %dma_start3A_241 = arith.constant 0 : i32
    %dma_start3A_242 = tpu.memref_slice %arg26[%dma_start3A_240, %dma_start3A_241] : memref<10000x128xf32, #tpu.memory_space<vmem_shared>> -> memref<10000x128xf32, #tpu.memory_space<vmem_shared>>
    tpu.enqueue_indirect_dma source(%arg6 : memref<80x128xf32, #tpu.memory_space<vmem>>) target(%dma_start3A_242 : memref<10000x128xf32, #tpu.memory_space<vmem_shared>>) offsets(%arg18 : memref<80xi32, #tpu.memory_space<vmem>>) semaphore(%arg39 : memref<!tpu.dma_semaphore, #tpu.memory_space<semaphore_mem>>) {add = true}
    %dma_wait3A_243 = arith.constant 0 : i32
    %dma_wait3A_244 = arith.constant 0 : i32
    %dma_wait3A_245 = tpu.memref_slice %arg26[%dma_wait3A_243, %dma_wait3A_244] : memref<10000x128xf32, #tpu.memory_space<vmem_shared>> -> memref<80x128xf32, #tpu.memory_space<vmem_shared>>
    %dma_wait3A_246 = arith.constant 0 : i32
    %dma_wait3A_247 = arith.constant 0 : i32
    %dma_wait3A_248 = tpu.memref_slice %arg26[%dma_wait3A_246, %dma_wait3A_247] : memref<10000x128xf32, #tpu.memory_space<vmem_shared>> -> memref<80x128xf32, #tpu.memory_space<vmem_shared>>
    tpu.wait_dma2 semaphore(%arg39 : memref<!tpu.dma_semaphore, #tpu.memory_space<semaphore_mem>>) src(%arg6 : memref<80x128xf32, #tpu.memory_space<vmem>>) dst(%dma_wait3A_248 : memref<80x128xf32, #tpu.memory_space<vmem_shared>>)
    %dma_wait3A_249 = arith.constant 0 : i32
    %dma_wait3A_250 = tpu.memref_slice %arg3[%dma_wait3A_249] : memref<320000xi32, #tpu.memory_space<hbm>> -> memref<80xi32, #tpu.memory_space<hbm>>
    %dma_wait3A_251 = arith.constant 0 : i32
    %dma_wait3A_252 = tpu.memref_slice %arg3[%dma_wait3A_251] : memref<320000xi32, #tpu.memory_space<hbm>> -> memref<80xi32, #tpu.memory_space<hbm>>
    tpu.wait_dma2 semaphore(%arg35 : memref<!tpu.dma_semaphore, #tpu.memory_space<semaphore_mem>>) src(%dma_wait3A_252 : memref<80xi32, #tpu.memory_space<hbm>>) dst(%arg14 : memref<80xi32, #tpu.memory_space<vmem>>)
    %dma_wait3A_253 = arith.constant 0 : i32
    %dma_wait3A_254 = tpu.memref_slice %arg4[%dma_wait3A_253] : memref<320000xi32, #tpu.memory_space<hbm>> -> memref<80xi32, #tpu.memory_space<hbm>>
    %dma_wait3A_255 = arith.constant 0 : i32
    %dma_wait3A_256 = tpu.memref_slice %arg4[%dma_wait3A_255] : memref<320000xi32, #tpu.memory_space<hbm>> -> memref<80xi32, #tpu.memory_space<hbm>>
    tpu.wait_dma2 semaphore(%arg35 : memref<!tpu.dma_semaphore, #tpu.memory_space<semaphore_mem>>) src(%dma_wait3A_256 : memref<80xi32, #tpu.memory_space<hbm>>) dst(%arg22 : memref<80xi32, #tpu.memory_space<vmem>>)
    %dma_start3A_257 = arith.constant 0 : i32
    %dma_start3A_258 = arith.constant 0 : i32
    %dma_start3A_259 = tpu.memref_slice %arg2[%dma_start3A_257, %dma_start3A_258] : memref<10000x128xf32, #tpu.memory_space<hbm>> -> memref<10000x128xf32, #tpu.memory_space<hbm>>
    tpu.enqueue_indirect_dma source(%dma_start3A_259 : memref<10000x128xf32, #tpu.memory_space<hbm>>) target(%arg6 : memref<80x128xf32, #tpu.memory_space<vmem>>) offsets(%arg14 : memref<80xi32, #tpu.memory_space<vmem>>) semaphore(%arg27 : memref<!tpu.dma_semaphore, #tpu.memory_space<semaphore_mem>>)
    %dma_wait3A_260 = arith.constant 0 : i32
    %dma_wait3A_261 = arith.constant 0 : i32
    %dma_wait3A_262 = tpu.memref_slice %arg2[%dma_wait3A_260, %dma_wait3A_261] : memref<10000x128xf32, #tpu.memory_space<hbm>> -> memref<80x128xf32, #tpu.memory_space<hbm>>
    %dma_wait3A_263 = arith.constant 0 : i32
    %dma_wait3A_264 = arith.constant 0 : i32
    %dma_wait3A_265 = tpu.memref_slice %arg2[%dma_wait3A_263, %dma_wait3A_264] : memref<10000x128xf32, #tpu.memory_space<hbm>> -> memref<80x128xf32, #tpu.memory_space<hbm>>
    tpu.wait_dma2 semaphore(%arg28 : memref<!tpu.dma_semaphore, #tpu.memory_space<semaphore_mem>>) src(%dma_wait3A_265 : memref<80x128xf32, #tpu.memory_space<hbm>>) dst(%arg7 : memref<80x128xf32, #tpu.memory_space<vmem>>)
    %dma_start3A_266 = arith.constant 0 : i32
    %dma_start3A_267 = arith.constant 0 : i32
    %dma_start3A_268 = tpu.memref_slice %arg26[%dma_start3A_266, %dma_start3A_267] : memref<10000x128xf32, #tpu.memory_space<vmem_shared>> -> memref<10000x128xf32, #tpu.memory_space<vmem_shared>>
    tpu.enqueue_indirect_dma source(%arg7 : memref<80x128xf32, #tpu.memory_space<vmem>>) target(%dma_start3A_268 : memref<10000x128xf32, #tpu.memory_space<vmem_shared>>) offsets(%arg19 : memref<80xi32, #tpu.memory_space<vmem>>) semaphore(%arg40 : memref<!tpu.dma_semaphore, #tpu.memory_space<semaphore_mem>>) {add = true}
    %dma_wait3A_269 = arith.constant 0 : i32
    %dma_wait3A_270 = arith.constant 0 : i32
    %dma_wait3A_271 = tpu.memref_slice %arg26[%dma_wait3A_269, %dma_wait3A_270] : memref<10000x128xf32, #tpu.memory_space<vmem_shared>> -> memref<80x128xf32, #tpu.memory_space<vmem_shared>>
    %dma_wait3A_272 = arith.constant 0 : i32
    %dma_wait3A_273 = arith.constant 0 : i32
    %dma_wait3A_274 = tpu.memref_slice %arg26[%dma_wait3A_272, %dma_wait3A_273] : memref<10000x128xf32, #tpu.memory_space<vmem_shared>> -> memref<80x128xf32, #tpu.memory_space<vmem_shared>>
    tpu.wait_dma2 semaphore(%arg40 : memref<!tpu.dma_semaphore, #tpu.memory_space<semaphore_mem>>) src(%arg7 : memref<80x128xf32, #tpu.memory_space<vmem>>) dst(%dma_wait3A_274 : memref<80x128xf32, #tpu.memory_space<vmem_shared>>)
    %dma_wait3A_275 = arith.constant 0 : i32
    %dma_wait3A_276 = arith.constant 0 : i32
    %dma_wait3A_277 = tpu.memref_slice %arg2[%dma_wait3A_275, %dma_wait3A_276] : memref<10000x128xf32, #tpu.memory_space<hbm>> -> memref<80x128xf32, #tpu.memory_space<hbm>>
    %dma_wait3A_278 = arith.constant 0 : i32
    %dma_wait3A_279 = arith.constant 0 : i32
    %dma_wait3A_280 = tpu.memref_slice %arg2[%dma_wait3A_278, %dma_wait3A_279] : memref<10000x128xf32, #tpu.memory_space<hbm>> -> memref<80x128xf32, #tpu.memory_space<hbm>>
    tpu.wait_dma2 semaphore(%arg29 : memref<!tpu.dma_semaphore, #tpu.memory_space<semaphore_mem>>) src(%dma_wait3A_280 : memref<80x128xf32, #tpu.memory_space<hbm>>) dst(%arg8 : memref<80x128xf32, #tpu.memory_space<vmem>>)
    %dma_start3A_281 = arith.constant 0 : i32
    %dma_start3A_282 = arith.constant 0 : i32
    %dma_start3A_283 = tpu.memref_slice %arg26[%dma_start3A_281, %dma_start3A_282] : memref<10000x128xf32, #tpu.memory_space<vmem_shared>> -> memref<10000x128xf32, #tpu.memory_space<vmem_shared>>
    tpu.enqueue_indirect_dma source(%arg8 : memref<80x128xf32, #tpu.memory_space<vmem>>) target(%dma_start3A_283 : memref<10000x128xf32, #tpu.memory_space<vmem_shared>>) offsets(%arg20 : memref<80xi32, #tpu.memory_space<vmem>>) semaphore(%arg41 : memref<!tpu.dma_semaphore, #tpu.memory_space<semaphore_mem>>) {add = true}
    %dma_wait3A_284 = arith.constant 0 : i32
    %dma_wait3A_285 = arith.constant 0 : i32
    %dma_wait3A_286 = tpu.memref_slice %arg26[%dma_wait3A_284, %dma_wait3A_285] : memref<10000x128xf32, #tpu.memory_space<vmem_shared>> -> memref<80x128xf32, #tpu.memory_space<vmem_shared>>
    %dma_wait3A_287 = arith.constant 0 : i32
    %dma_wait3A_288 = arith.constant 0 : i32
    %dma_wait3A_289 = tpu.memref_slice %arg26[%dma_wait3A_287, %dma_wait3A_288] : memref<10000x128xf32, #tpu.memory_space<vmem_shared>> -> memref<80x128xf32, #tpu.memory_space<vmem_shared>>
    tpu.wait_dma2 semaphore(%arg41 : memref<!tpu.dma_semaphore, #tpu.memory_space<semaphore_mem>>) src(%arg8 : memref<80x128xf32, #tpu.memory_space<vmem>>) dst(%dma_wait3A_289 : memref<80x128xf32, #tpu.memory_space<vmem_shared>>)
    %dma_wait3A_290 = arith.constant 0 : i32
    %dma_wait3A_291 = arith.constant 0 : i32
    %dma_wait3A_292 = tpu.memref_slice %arg2[%dma_wait3A_290, %dma_wait3A_291] : memref<10000x128xf32, #tpu.memory_space<hbm>> -> memref<80x128xf32, #tpu.memory_space<hbm>>
    %dma_wait3A_293 = arith.constant 0 : i32
    %dma_wait3A_294 = arith.constant 0 : i32
    %dma_wait3A_295 = tpu.memref_slice %arg2[%dma_wait3A_293, %dma_wait3A_294] : memref<10000x128xf32, #tpu.memory_space<hbm>> -> memref<80x128xf32, #tpu.memory_space<hbm>>
    tpu.wait_dma2 semaphore(%arg30 : memref<!tpu.dma_semaphore, #tpu.memory_space<semaphore_mem>>) src(%dma_wait3A_295 : memref<80x128xf32, #tpu.memory_space<hbm>>) dst(%arg9 : memref<80x128xf32, #tpu.memory_space<vmem>>)
    %dma_start3A_296 = arith.constant 0 : i32
    %dma_start3A_297 = arith.constant 0 : i32
    %dma_start3A_298 = tpu.memref_slice %arg26[%dma_start3A_296, %dma_start3A_297] : memref<10000x128xf32, #tpu.memory_space<vmem_shared>> -> memref<10000x128xf32, #tpu.memory_space<vmem_shared>>
    tpu.enqueue_indirect_dma source(%arg9 : memref<80x128xf32, #tpu.memory_space<vmem>>) target(%dma_start3A_298 : memref<10000x128xf32, #tpu.memory_space<vmem_shared>>) offsets(%arg21 : memref<80xi32, #tpu.memory_space<vmem>>) semaphore(%arg42 : memref<!tpu.dma_semaphore, #tpu.memory_space<semaphore_mem>>) {add = true}
    %dma_wait3A_299 = arith.constant 0 : i32
    %dma_wait3A_300 = arith.constant 0 : i32
    %dma_wait3A_301 = tpu.memref_slice %arg26[%dma_wait3A_299, %dma_wait3A_300] : memref<10000x128xf32, #tpu.memory_space<vmem_shared>> -> memref<80x128xf32, #tpu.memory_space<vmem_shared>>
    %dma_wait3A_302 = arith.constant 0 : i32
    %dma_wait3A_303 = arith.constant 0 : i32
    %dma_wait3A_304 = tpu.memref_slice %arg26[%dma_wait3A_302, %dma_wait3A_303] : memref<10000x128xf32, #tpu.memory_space<vmem_shared>> -> memref<80x128xf32, #tpu.memory_space<vmem_shared>>
    tpu.wait_dma2 semaphore(%arg42 : memref<!tpu.dma_semaphore, #tpu.memory_space<semaphore_mem>>) src(%arg9 : memref<80x128xf32, #tpu.memory_space<vmem>>) dst(%dma_wait3A_304 : memref<80x128xf32, #tpu.memory_space<vmem_shared>>)
    %dma_wait3A_305 = arith.constant 0 : i32
    %dma_wait3A_306 = arith.constant 0 : i32
    %dma_wait3A_307 = tpu.memref_slice %arg2[%dma_wait3A_305, %dma_wait3A_306] : memref<10000x128xf32, #tpu.memory_space<hbm>> -> memref<80x128xf32, #tpu.memory_space<hbm>>
    %dma_wait3A_308 = arith.constant 0 : i32
    %dma_wait3A_309 = arith.constant 0 : i32
    %dma_wait3A_310 = tpu.memref_slice %arg2[%dma_wait3A_308, %dma_wait3A_309] : memref<10000x128xf32, #tpu.memory_space<hbm>> -> memref<80x128xf32, #tpu.memory_space<hbm>>
    tpu.wait_dma2 semaphore(%arg27 : memref<!tpu.dma_semaphore, #tpu.memory_space<semaphore_mem>>) src(%dma_wait3A_310 : memref<80x128xf32, #tpu.memory_space<hbm>>) dst(%arg6 : memref<80x128xf32, #tpu.memory_space<vmem>>)
    %dma_start3A_311 = arith.constant 0 : i32
    %dma_start3A_312 = arith.constant 0 : i32
    %dma_start3A_313 = tpu.memref_slice %arg26[%dma_start3A_311, %dma_start3A_312] : memref<10000x128xf32, #tpu.memory_space<vmem_shared>> -> memref<10000x128xf32, #tpu.memory_space<vmem_shared>>
    tpu.enqueue_indirect_dma source(%arg6 : memref<80x128xf32, #tpu.memory_space<vmem>>) target(%dma_start3A_313 : memref<10000x128xf32, #tpu.memory_space<vmem_shared>>) offsets(%arg22 : memref<80xi32, #tpu.memory_space<vmem>>) semaphore(%arg39 : memref<!tpu.dma_semaphore, #tpu.memory_space<semaphore_mem>>) {add = true}
    %dma_wait3A_314 = arith.constant 0 : i32
    %dma_wait3A_315 = arith.constant 0 : i32
    %dma_wait3A_316 = tpu.memref_slice %arg26[%dma_wait3A_314, %dma_wait3A_315] : memref<10000x128xf32, #tpu.memory_space<vmem_shared>> -> memref<80x128xf32, #tpu.memory_space<vmem_shared>>
    %dma_wait3A_317 = arith.constant 0 : i32
    %dma_wait3A_318 = arith.constant 0 : i32
    %dma_wait3A_319 = tpu.memref_slice %arg26[%dma_wait3A_317, %dma_wait3A_318] : memref<10000x128xf32, #tpu.memory_space<vmem_shared>> -> memref<80x128xf32, #tpu.memory_space<vmem_shared>>
    tpu.wait_dma2 semaphore(%arg39 : memref<!tpu.dma_semaphore, #tpu.memory_space<semaphore_mem>>) src(%arg6 : memref<80x128xf32, #tpu.memory_space<vmem>>) dst(%dma_wait3A_319 : memref<80x128xf32, #tpu.memory_space<vmem_shared>>)
    %barrier3A_320 = arith.constant 0 : index
    tpu.barrier barrier_id(%barrier3A_320)
    "tpu.region"() ({
      %run_scoped3A = tpu.sem_alloc : memref<!tpu.dma_semaphore, #tpu.memory_space<semaphore_mem>>
      %dma_start3A_326 = arith.constant 0 : i32
      %dma_start3A_327 = tpu.memref_slice %arg5[%arg0, %mul3A_63, %dma_start3A_326] : memref<2x10000x128xf32, #tpu.memory_space<hbm>> -> memref<1x624x128xf32, #tpu.memory_space<hbm>>
      %dma_start3A_328 = tpu.memref_squeeze %dma_start3A_327 : memref<1x624x128xf32, #tpu.memory_space<hbm>> -> memref<624x128xf32, #tpu.memory_space<hbm>>
      %dma_start3A_329 = arith.constant 0 : i32
      %dma_start3A_330 = tpu.memref_slice %arg26[%mul3A_63, %dma_start3A_329] : memref<10000x128xf32, #tpu.memory_space<vmem_shared>> -> memref<624x128xf32, #tpu.memory_space<vmem_shared>>
      tpu.enqueue_dma source(%dma_start3A_330 : memref<624x128xf32, #tpu.memory_space<vmem_shared>>) target(%dma_start3A_328 : memref<624x128xf32, #tpu.memory_space<hbm>>) target_semaphore(%run_scoped3A : memref<!tpu.dma_semaphore, #tpu.memory_space<semaphore_mem>>)
      %dma_wait3A_331 = arith.constant 0 : i32
      %dma_wait3A_332 = tpu.memref_slice %arg5[%arg0, %mul3A_63, %dma_wait3A_331] : memref<2x10000x128xf32, #tpu.memory_space<hbm>> -> memref<1x624x128xf32, #tpu.memory_space<hbm>>
      %dma_wait3A_333 = tpu.memref_squeeze %dma_wait3A_332 : memref<1x624x128xf32, #tpu.memory_space<hbm>> -> memref<624x128xf32, #tpu.memory_space<hbm>>
      %dma_wait3A_334 = arith.constant 0 : i32
      %dma_wait3A_335 = tpu.memref_slice %arg26[%mul3A_63, %dma_wait3A_334] : memref<10000x128xf32, #tpu.memory_space<vmem_shared>> -> memref<624x128xf32, #tpu.memory_space<vmem_shared>>
      tpu.wait_dma2 semaphore(%run_scoped3A : memref<!tpu.dma_semaphore, #tpu.memory_space<semaphore_mem>>) src(%dma_wait3A_335 : memref<624x128xf32, #tpu.memory_space<vmem_shared>>) dst(%dma_wait3A_333 : memref<624x128xf32, #tpu.memory_space<hbm>>)
      tpu.yield
    }) : () -> ()
    %eq3A_321 = arith.constant 15 : i32
    %eq3A_322 = arith.cmpi eq, %arg1, %eq3A_321 : i32
    %convert_element_type3A_323 = arith.extui %eq3A_322 : i1 to i32
    %cond3A_324 = arith.constant 0 : i32
    %cond3A_325 = arith.cmpi ne, %convert_element_type3A_323, %cond3A_324 : i32
    scf.if %cond3A_325 {
      "tpu.region"() ({
        %run_scoped3A = tpu.sem_alloc : memref<!tpu.dma_semaphore, #tpu.memory_space<semaphore_mem>>
        %dma_start3A_326 = arith.constant 9984 : i32
        %dma_start3A_327 = arith.constant 0 : i32
        %dma_start3A_328 = tpu.memref_slice %arg5[%arg0, %dma_start3A_326, %dma_start3A_327] : memref<2x10000x128xf32, #tpu.memory_space<hbm>> -> memref<1x16x128xf32, #tpu.memory_space<hbm>>
        %dma_start3A_329 = tpu.memref_squeeze %dma_start3A_328 : memref<1x16x128xf32, #tpu.memory_space<hbm>> -> memref<16x128xf32, #tpu.memory_space<hbm>>
        %dma_start3A_330 = arith.constant 9984 : i32
        %dma_start3A_331 = arith.constant 0 : i32
        %dma_start3A_332 = tpu.memref_slice %arg26[%dma_start3A_330, %dma_start3A_331] : memref<10000x128xf32, #tpu.memory_space<vmem_shared>> -> memref<16x128xf32, #tpu.memory_space<vmem_shared>>
        tpu.enqueue_dma source(%dma_start3A_332 : memref<16x128xf32, #tpu.memory_space<vmem_shared>>) target(%dma_start3A_329 : memref<16x128xf32, #tpu.memory_space<hbm>>) target_semaphore(%run_scoped3A : memref<!tpu.dma_semaphore, #tpu.memory_space<semaphore_mem>>)
        %dma_wait3A_333 = arith.constant 9984 : i32
        %dma_wait3A_334 = arith.constant 0 : i32
        %dma_wait3A_335 = tpu.memref_slice %arg5[%arg0, %dma_wait3A_333, %dma_wait3A_334] : memref<2x10000x128xf32, #tpu.memory_space<hbm>> -> memref<1x16x128xf32, #tpu.memory_space<hbm>>
        %dma_wait3A_336 = tpu.memref_squeeze %dma_wait3A_335 : memref<1x16x128xf32, #tpu.memory_space<hbm>> -> memref<16x128xf32, #tpu.memory_space<hbm>>
        %dma_wait3A_337 = arith.constant 9984 : i32
        %dma_wait3A_338 = arith.constant 0 : i32
        %dma_wait3A_339 = tpu.memref_slice %arg26[%dma_wait3A_337, %dma_wait3A_338] : memref<10000x128xf32, #tpu.memory_space<vmem_shared>> -> memref<16x128xf32, #tpu.memory_space<vmem_shared>>
        tpu.wait_dma2 semaphore(%run_scoped3A : memref<!tpu.dma_semaphore, #tpu.memory_space<semaphore_mem>>) src(%dma_wait3A_339 : memref<16x128xf32, #tpu.memory_space<vmem_shared>>) dst(%dma_wait3A_336 : memref<16x128xf32, #tpu.memory_space<hbm>>)
        tpu.yield
      }) : () -> ()
    } else {
    }
    return
  }
}

module attributes {stable_mosaic.version = 14 : i64} {
  func.func @_gin_layer_body(%arg0: i32, %arg1: i32, %arg2: memref<1x1xf32, #tpu.memory_space<smem>>, %arg3: memref<2000x128xf32, #tpu.memory_space<vmem>>, %arg4: memref<2x2000x128xf32, #tpu.memory_space<vmem>>, %arg5: memref<128x128xf32, #tpu.memory_space<vmem>>, %arg6: memref<1x128xf32, #tpu.memory_space<vmem>>, %arg7: memref<1x128xf32, #tpu.memory_space<vmem>>, %arg8: memref<1x128xf32, #tpu.memory_space<vmem>>, %arg9: memref<2000x128xf32, #tpu.memory_space<vmem>>, %arg10: memref<10000x128xf32, #tpu.memory_space<vmem>>, %arg11: memref<8x128xf32, #tpu.memory_space<vmem>>, %arg12: memref<8x128xf32, #tpu.memory_space<vmem>>) attributes {dimension_semantics = [#tpu.dimension_semantics<arbitrary>, #tpu.dimension_semantics<arbitrary>], iteration_bounds = array<i64: 2, 5>, scalar_prefetch = 0 : i64, scratch_operands = 3 : i64, tpu.core_type = #tpu.core_type<tc>, window_params = [{transform_indices = @transform_0, window_bounds = array<i64: 1, 1>}, {transform_indices = @transform_1, window_bounds = array<i64: 2000, 128>}, {transform_indices = @transform_2, window_bounds = array<i64: 2, 2000, 128>}, {pipeline_mode = #tpu.pipeline_mode<synchronous>, transform_indices = @transform_3, window_bounds = array<i64: 128, 128>}, {pipeline_mode = #tpu.pipeline_mode<synchronous>, transform_indices = @transform_4, window_bounds = array<i64: 1, 128>}, {pipeline_mode = #tpu.pipeline_mode<synchronous>, transform_indices = @transform_5, window_bounds = array<i64: 1, 128>}, {pipeline_mode = #tpu.pipeline_mode<synchronous>, transform_indices = @transform_6, window_bounds = array<i64: 1, 128>}, {transform_indices = @transform_7, window_bounds = array<i64: 2000, 128>}]} {
    %eq3A = arith.constant 0 : i32
    %eq3A_0 = arith.cmpi eq, %arg0, %eq3A : i32
    %convert_element_type3A = arith.extui %eq3A_0 : i1 to i32
    %cond3A = arith.constant 0 : i32
    %cond3A_1 = arith.cmpi ne, %convert_element_type3A, %cond3A : i32
    scf.if %cond3A_1 {
      %get3A = arith.constant 0 : index
      %get3A_7 = arith.constant 0 : index
      %get3A_8 = vector.load %arg3[%get3A, %get3A_7] : memref<2000x128xf32, #tpu.memory_space<vmem>>, vector<2000x128xf32>
      %get3A_9 = arith.constant 0 : index
      %get3A_10 = arith.constant 0 : index
      %get3A_11 = memref.load %arg2[%get3A_9, %get3A_10] : memref<1x1xf32, #tpu.memory_space<smem>>
      %add3A = arith.constant 1.000000e+00 : f32
      %add3A_12 = arith.addf %add3A, %get3A_11 : f32
      %mul3A = vector.broadcast %add3A_12 : f32 to vector<2000x128xf32>
      %mul3A_13 = arith.mulf %get3A_8, %mul3A : vector<2000x128xf32>
      %get3A_14 = arith.constant 0 : index
      %get3A_15 = arith.constant 0 : index
      %get3A_16 = arith.constant 0 : index
      %get3A_17 = vector.load %arg4[%get3A_14, %get3A_15, %get3A_16] : memref<2x2000x128xf32, #tpu.memory_space<vmem>>, vector<1x2000x128xf32>
      %get3A_18 = vector.shape_cast %get3A_17 : vector<1x2000x128xf32> to vector<2000x128xf32>
      %add3A_19 = arith.addf %mul3A_13, %get3A_18 : vector<2000x128xf32>
      %get3A_20 = arith.constant 1 : index
      %get3A_21 = arith.constant 0 : index
      %get3A_22 = arith.constant 0 : index
      %get3A_23 = vector.load %arg4[%get3A_20, %get3A_21, %get3A_22] : memref<2x2000x128xf32, #tpu.memory_space<vmem>>, vector<1x2000x128xf32>
      %get3A_24 = vector.shape_cast %get3A_23 : vector<1x2000x128xf32> to vector<2000x128xf32>
      %add3A_25 = arith.addf %add3A_19, %get3A_24 : vector<2000x128xf32>
      %get3A_26 = arith.constant 0 : index
      %get3A_27 = arith.constant 0 : index
      %get3A_28 = vector.load %arg5[%get3A_26, %get3A_27] : memref<128x128xf32, #tpu.memory_space<vmem>>, vector<128x128xf32>
      %dot_general3A = arith.constant dense<0.000000e+00> : vector<2000x128xf32>
      %dot_general3A_29 = tpu.matmul %add3A_25, %get3A_28, %dot_general3A {dimension_numbers = #tpu.dot_dimension_numbers<[1], [0], [0], [1], [0, 0, 1, 1], [], []>, transpose_lhs_hint = false} : vector<2000x128xf32>, vector<128x128xf32>, vector<2000x128xf32> -> vector<2000x128xf32>
      %get3A_30 = arith.constant 0 : index
      %get3A_31 = arith.constant 0 : index
      %get3A_32 = vector.load %arg6[%get3A_30, %get3A_31] : memref<1x128xf32, #tpu.memory_space<vmem>>, vector<1x128xf32>
      %add3A_33 = vector.broadcast %get3A_32 : vector<1x128xf32> to vector<2000x128xf32>
      %add3A_34 = arith.addf %dot_general3A_29, %add3A_33 : vector<2000x128xf32>
      %mul3A_35 = arith.constant 2000 : i32
      %mul3A_36 = arith.muli %arg1, %mul3A_35 : i32
      %swap3A = arith.index_cast %mul3A_36 : i32 to index
      %swap3A_37 = arith.constant 0 : index
      %swap3A_38 = vector.load %arg10[%swap3A, %swap3A_37] : memref<10000x128xf32, #tpu.memory_space<vmem>>, vector<2000x128xf32>
      tpu.vector_store %arg10[%swap3A, %swap3A_37], %add3A_34 {strides = array<i32>} : memref<10000x128xf32, #tpu.memory_space<vmem>>, vector<2000x128xf32>,
      %eq3A_39 = arith.constant 0 : i32
      %eq3A_40 = arith.cmpi eq, %arg1, %eq3A_39 : i32
      %convert_element_type3A_41 = arith.extui %eq3A_40 : i1 to i32
      %cond3A_42 = arith.constant 0 : i32
      %cond3A_43 = arith.cmpi ne, %convert_element_type3A_41, %cond3A_42 : i32
      scf.if %cond3A_43 {
        %broadcast_in_dim3A_67 = arith.constant 0.000000e+00 : f32
        %broadcast_in_dim3A_68 = vector.broadcast %broadcast_in_dim3A_67 : f32 to vector<8x128xf32>
        %swap3A_69 = arith.constant 0 : index
        %swap3A_70 = arith.constant 0 : index
        %swap3A_71 = vector.load %arg11[%swap3A_69, %swap3A_70] : memref<8x128xf32, #tpu.memory_space<vmem>>, vector<8x128xf32>
        tpu.vector_store %arg11[%swap3A_69, %swap3A_70], %broadcast_in_dim3A_68 {strides = array<i32>} : memref<8x128xf32, #tpu.memory_space<vmem>>, vector<8x128xf32>,
        %broadcast_in_dim3A_72 = arith.constant 0.000000e+00 : f32
        %broadcast_in_dim3A_73 = vector.broadcast %broadcast_in_dim3A_72 : f32 to vector<8x128xf32>
        %swap3A_74 = arith.constant 0 : index
        %swap3A_75 = arith.constant 0 : index
        %swap3A_76 = vector.load %arg12[%swap3A_74, %swap3A_75] : memref<8x128xf32, #tpu.memory_space<vmem>>, vector<8x128xf32>
        tpu.vector_store %arg12[%swap3A_74, %swap3A_75], %broadcast_in_dim3A_73 {strides = array<i32>} : memref<8x128xf32, #tpu.memory_space<vmem>>, vector<8x128xf32>,
      } else {
      }
      %get3A_44 = arith.constant 0 : index
      %get3A_45 = arith.constant 0 : index
      %get3A_46 = vector.load %arg11[%get3A_44, %get3A_45] : memref<8x128xf32, #tpu.memory_space<vmem>>, vector<8x128xf32>
      %reduce_sum3A = arith.constant dense<0.000000e+00> : vector<128xf32>
      %reduce_sum3A_47 = vector.multi_reduction <add>, %add3A_34, %reduce_sum3A [0] : vector<2000x128xf32> to vector<128xf32>
      %broadcast_in_dim3A = vector.shape_cast %reduce_sum3A_47 : vector<128xf32> to vector<1x128xf32>
      %broadcast_in_dim3A_48 = vector.shape_cast %broadcast_in_dim3A : vector<1x128xf32> to vector<1x128xf32>
      %broadcast_in_dim3A_49 = vector.broadcast %broadcast_in_dim3A_48 : vector<1x128xf32> to vector<8x128xf32>
      %add3A_50 = arith.addf %get3A_46, %broadcast_in_dim3A_49 : vector<8x128xf32>
      %swap3A_51 = arith.constant 0 : index
      %swap3A_52 = arith.constant 0 : index
      %swap3A_53 = vector.load %arg11[%swap3A_51, %swap3A_52] : memref<8x128xf32, #tpu.memory_space<vmem>>, vector<8x128xf32>
      tpu.vector_store %arg11[%swap3A_51, %swap3A_52], %add3A_50 {strides = array<i32>} : memref<8x128xf32, #tpu.memory_space<vmem>>, vector<8x128xf32>,
      %get3A_54 = arith.constant 0 : index
      %get3A_55 = arith.constant 0 : index
      %get3A_56 = vector.load %arg12[%get3A_54, %get3A_55] : memref<8x128xf32, #tpu.memory_space<vmem>>, vector<8x128xf32>
      %mul3A_57 = arith.mulf %add3A_34, %add3A_34 : vector<2000x128xf32>
      %reduce_sum3A_58 = arith.constant dense<0.000000e+00> : vector<128xf32>
      %reduce_sum3A_59 = vector.multi_reduction <add>, %mul3A_57, %reduce_sum3A_58 [0] : vector<2000x128xf32> to vector<128xf32>
      %broadcast_in_dim3A_60 = vector.shape_cast %reduce_sum3A_59 : vector<128xf32> to vector<1x128xf32>
      %broadcast_in_dim3A_61 = vector.shape_cast %broadcast_in_dim3A_60 : vector<1x128xf32> to vector<1x128xf32>
      %broadcast_in_dim3A_62 = vector.broadcast %broadcast_in_dim3A_61 : vector<1x128xf32> to vector<8x128xf32>
      %add3A_63 = arith.addf %get3A_56, %broadcast_in_dim3A_62 : vector<8x128xf32>
      %swap3A_64 = arith.constant 0 : index
      %swap3A_65 = arith.constant 0 : index
      %swap3A_66 = vector.load %arg12[%swap3A_64, %swap3A_65] : memref<8x128xf32, #tpu.memory_space<vmem>>, vector<8x128xf32>
      tpu.vector_store %arg12[%swap3A_64, %swap3A_65], %add3A_63 {strides = array<i32>} : memref<8x128xf32, #tpu.memory_space<vmem>>, vector<8x128xf32>,
    } else {
    }
    %eq3A_2 = arith.constant 1 : i32
    %eq3A_3 = arith.cmpi eq, %arg0, %eq3A_2 : i32
    %convert_element_type3A_4 = arith.extui %eq3A_3 : i1 to i32
    %cond3A_5 = arith.constant 0 : i32
    %cond3A_6 = arith.cmpi ne, %convert_element_type3A_4, %cond3A_5 : i32
    scf.if %cond3A_6 {
      %get3A = arith.constant 0 : index
      %get3A_7 = arith.constant 0 : index
      %get3A_8 = vector.load %arg11[%get3A, %get3A_7] : memref<8x128xf32, #tpu.memory_space<vmem>>, vector<1x128xf32>
      %div3A = arith.constant 1.000000e+04 : f32
      %div3A_9 = vector.broadcast %div3A : f32 to vector<1x128xf32>
      %div3A_10 = arith.divf %get3A_8, %div3A_9 : vector<1x128xf32>
      %get3A_11 = arith.constant 0 : index
      %get3A_12 = arith.constant 0 : index
      %get3A_13 = vector.load %arg12[%get3A_11, %get3A_12] : memref<8x128xf32, #tpu.memory_space<vmem>>, vector<1x128xf32>
      %div3A_14 = arith.constant 1.000000e+04 : f32
      %div3A_15 = vector.broadcast %div3A_14 : f32 to vector<1x128xf32>
      %div3A_16 = arith.divf %get3A_13, %div3A_15 : vector<1x128xf32>
      %mul3A = arith.mulf %div3A_10, %div3A_10 : vector<1x128xf32>
      %sub3A = arith.subf %div3A_16, %mul3A : vector<1x128xf32>
      %add3A = arith.constant 9.99999974E-6 : f32
      %add3A_17 = vector.broadcast %add3A : f32 to vector<1x128xf32>
      %add3A_18 = arith.addf %sub3A, %add3A_17 : vector<1x128xf32>
      %rsqrt3A = math.rsqrt %add3A_18 : vector<1x128xf32>
      %get3A_19 = arith.constant 0 : index
      %get3A_20 = arith.constant 0 : index
      %get3A_21 = vector.load %arg7[%get3A_19, %get3A_20] : memref<1x128xf32, #tpu.memory_space<vmem>>, vector<1x128xf32>
      %mul3A_22 = arith.mulf %get3A_21, %rsqrt3A : vector<1x128xf32>
      %get3A_23 = arith.constant 0 : index
      %get3A_24 = arith.constant 0 : index
      %get3A_25 = vector.load %arg8[%get3A_23, %get3A_24] : memref<1x128xf32, #tpu.memory_space<vmem>>, vector<1x128xf32>
      %mul3A_26 = arith.mulf %div3A_10, %mul3A_22 : vector<1x128xf32>
      %sub3A_27 = arith.subf %get3A_25, %mul3A_26 : vector<1x128xf32>
      %mul3A_28 = arith.constant 2000 : i32
      %mul3A_29 = arith.muli %arg1, %mul3A_28 : i32
      %get3A_30 = arith.index_cast %mul3A_29 : i32 to index
      %get3A_31 = arith.constant 0 : index
      %get3A_32 = vector.load %arg10[%get3A_30, %get3A_31] : memref<10000x128xf32, #tpu.memory_space<vmem>>, vector<2000x128xf32>
      %mul3A_33 = vector.broadcast %mul3A_22 : vector<1x128xf32> to vector<2000x128xf32>
      %mul3A_34 = arith.mulf %get3A_32, %mul3A_33 : vector<2000x128xf32>
      %add3A_35 = vector.broadcast %sub3A_27 : vector<1x128xf32> to vector<2000x128xf32>
      %add3A_36 = arith.addf %mul3A_34, %add3A_35 : vector<2000x128xf32>
      %ge3A = arith.constant 0.000000e+00 : f32
      %ge3A_37 = vector.broadcast %ge3A : f32 to vector<2000x128xf32>
      %ge3A_38 = arith.cmpf oge, %add3A_36, %ge3A_37 : vector<2000x128xf32>
      %mul3A_39 = arith.constant 9.99999974E-5 : f32
      %mul3A_40 = vector.broadcast %mul3A_39 : f32 to vector<2000x128xf32>
      %mul3A_41 = arith.mulf %mul3A_40, %add3A_36 : vector<2000x128xf32>
      %select_n3A = arith.select %ge3A_38, %add3A_36, %mul3A_41 : vector<2000x128xi1>, vector<2000x128xf32>
      %swap3A = arith.constant 0 : index
      %swap3A_42 = arith.constant 0 : index
      %swap3A_43 = vector.load %arg9[%swap3A, %swap3A_42] : memref<2000x128xf32, #tpu.memory_space<vmem>>, vector<2000x128xf32>
      tpu.vector_store %arg9[%swap3A, %swap3A_42], %select_n3A {strides = array<i32>} : memref<2000x128xf32, #tpu.memory_space<vmem>>, vector<2000x128xf32>,
    } else {
    }
    return
  }
  func.func @transform_0(%arg0: i32, %arg1: i32) -> (i32, i32) {
    %c0_i32 = arith.constant 0 : i32
    %c0_i32_0 = arith.constant 0 : i32
    %c0_i32_1 = arith.constant 0 : i32
    return %c0_i32, %c0_i32_0 : i32, i32
  }
  func.func @transform_1(%arg0: i32, %arg1: i32) -> (i32, i32) {
    %sub3A = arith.constant 1 : i32
    %sub3A_0 = arith.subi %sub3A, %arg0 : i32
    %mul3A = arith.muli %arg1, %sub3A_0 : i32
    %c0_i32 = arith.constant 0 : i32
    %c0_i32_1 = arith.constant 0 : i32
    return %mul3A, %c0_i32 : i32, i32
  }
  func.func @transform_2(%arg0: i32, %arg1: i32) -> (i32, i32, i32) {
    %sub3A = arith.constant 1 : i32
    %sub3A_0 = arith.subi %sub3A, %arg0 : i32
    %mul3A = arith.muli %arg1, %sub3A_0 : i32
    %c0_i32 = arith.constant 0 : i32
    %c0_i32_1 = arith.constant 0 : i32
    %c0_i32_2 = arith.constant 0 : i32
    return %c0_i32, %mul3A, %c0_i32_1 : i32, i32, i32
  }
  func.func @transform_3(%arg0: i32, %arg1: i32) -> (i32, i32) {
    %c0_i32 = arith.constant 0 : i32
    %c0_i32_0 = arith.constant 0 : i32
    %c0_i32_1 = arith.constant 0 : i32
    return %c0_i32, %c0_i32_0 : i32, i32
  }
  func.func @transform_4(%arg0: i32, %arg1: i32) -> (i32, i32) {
    %c0_i32 = arith.constant 0 : i32
    %c0_i32_0 = arith.constant 0 : i32
    %c0_i32_1 = arith.constant 0 : i32
    return %c0_i32, %c0_i32_0 : i32, i32
  }
  func.func @transform_5(%arg0: i32, %arg1: i32) -> (i32, i32) {
    %c0_i32 = arith.constant 0 : i32
    %c0_i32_0 = arith.constant 0 : i32
    %c0_i32_1 = arith.constant 0 : i32
    return %c0_i32, %c0_i32_0 : i32, i32
  }
  func.func @transform_6(%arg0: i32, %arg1: i32) -> (i32, i32) {
    %c0_i32 = arith.constant 0 : i32
    %c0_i32_0 = arith.constant 0 : i32
    %c0_i32_1 = arith.constant 0 : i32
    return %c0_i32, %c0_i32_0 : i32, i32
  }
  func.func @transform_7(%arg0: i32, %arg1: i32) -> (i32, i32) {
    %c0_i32 = arith.constant 0 : i32
    %c0_i32_0 = arith.constant 0 : i32
    return %arg1, %c0_i32 : i32, i32
  }
}

module attributes {stable_mosaic.version = 14 : i64} {
  func.func @_gin3_head_body(%arg0: i32, %arg1: i32, %arg2: memref<1x1xf32, #tpu.memory_space<smem>>, %arg3: memref<2000x128xf32, #tpu.memory_space<vmem>>, %arg4: memref<2x2000x128xf32, #tpu.memory_space<vmem>>, %arg5: memref<128x128xf32, #tpu.memory_space<vmem>>, %arg6: memref<1x128xf32, #tpu.memory_space<vmem>>, %arg7: memref<1x128xf32, #tpu.memory_space<vmem>>, %arg8: memref<1x128xf32, #tpu.memory_space<vmem>>, %arg9: memref<128x128xf32, #tpu.memory_space<vmem>>, %arg10: memref<1x128xf32, #tpu.memory_space<vmem>>, %arg11: memref<128x128xf32, #tpu.memory_space<vmem>>, %arg12: memref<1x128xf32, #tpu.memory_space<vmem>>, %arg13: memref<128x128xf32, #tpu.memory_space<vmem>>, %arg14: memref<1x128xf32, #tpu.memory_space<vmem>>, %arg15: memref<1x128xf32, #tpu.memory_space<vmem>>, %arg16: memref<1x1xf32, #tpu.memory_space<smem>>, %arg17: memref<2000x128xf32, #tpu.memory_space<vmem>>, %arg18: memref<10000x128xf32, #tpu.memory_space<vmem>>, %arg19: memref<8x128xf32, #tpu.memory_space<vmem>>, %arg20: memref<8x128xf32, #tpu.memory_space<vmem>>) attributes {dimension_semantics = [#tpu.dimension_semantics<arbitrary>, #tpu.dimension_semantics<arbitrary>], iteration_bounds = array<i64: 2, 5>, scalar_prefetch = 0 : i64, scratch_operands = 3 : i64, tpu.core_type = #tpu.core_type<tc>, window_params = [{transform_indices = @transform_0, window_bounds = array<i64: 1, 1>}, {transform_indices = @transform_1, window_bounds = array<i64: 2000, 128>}, {transform_indices = @transform_2, window_bounds = array<i64: 2, 2000, 128>}, {pipeline_mode = #tpu.pipeline_mode<synchronous>, transform_indices = @transform_3, window_bounds = array<i64: 128, 128>}, {pipeline_mode = #tpu.pipeline_mode<synchronous>, transform_indices = @transform_4, window_bounds = array<i64: 1, 128>}, {pipeline_mode = #tpu.pipeline_mode<synchronous>, transform_indices = @transform_5, window_bounds = array<i64: 1, 128>}, {pipeline_mode = #tpu.pipeline_mode<synchronous>, transform_indices = @transform_6, window_bounds = array<i64: 1, 128>}, {pipeline_mode = #tpu.pipeline_mode<synchronous>, transform_indices = @transform_7, window_bounds = array<i64: 128, 128>}, {pipeline_mode = #tpu.pipeline_mode<synchronous>, transform_indices = @transform_8, window_bounds = array<i64: 1, 128>}, {pipeline_mode = #tpu.pipeline_mode<synchronous>, transform_indices = @transform_9, window_bounds = array<i64: 128, 128>}, {pipeline_mode = #tpu.pipeline_mode<synchronous>, transform_indices = @transform_10, window_bounds = array<i64: 1, 128>}, {pipeline_mode = #tpu.pipeline_mode<synchronous>, transform_indices = @transform_11, window_bounds = array<i64: 128, 128>}, {pipeline_mode = #tpu.pipeline_mode<synchronous>, transform_indices = @transform_12, window_bounds = array<i64: 1, 128>}, {pipeline_mode = #tpu.pipeline_mode<synchronous>, transform_indices = @transform_13, window_bounds = array<i64: 1, 128>}, {transform_indices = @transform_14, window_bounds = array<i64: 1, 1>}, {transform_indices = @transform_15, window_bounds = array<i64: 2000, 128>}]} {
    %eq3A = arith.constant 0 : i32
    %eq3A_0 = arith.cmpi eq, %arg0, %eq3A : i32
    %convert_element_type3A = arith.extui %eq3A_0 : i1 to i32
    %cond3A = arith.constant 0 : i32
    %cond3A_1 = arith.cmpi ne, %convert_element_type3A, %cond3A : i32
    scf.if %cond3A_1 {
      %get3A = arith.constant 0 : index
      %get3A_7 = arith.constant 0 : index
      %get3A_8 = vector.load %arg3[%get3A, %get3A_7] : memref<2000x128xf32, #tpu.memory_space<vmem>>, vector<2000x128xf32>
      %get3A_9 = arith.constant 0 : index
      %get3A_10 = arith.constant 0 : index
      %get3A_11 = memref.load %arg2[%get3A_9, %get3A_10] : memref<1x1xf32, #tpu.memory_space<smem>>
      %add3A = arith.constant 1.000000e+00 : f32
      %add3A_12 = arith.addf %add3A, %get3A_11 : f32
      %mul3A = vector.broadcast %add3A_12 : f32 to vector<2000x128xf32>
      %mul3A_13 = arith.mulf %get3A_8, %mul3A : vector<2000x128xf32>
      %get3A_14 = arith.constant 0 : index
      %get3A_15 = arith.constant 0 : index
      %get3A_16 = arith.constant 0 : index
      %get3A_17 = vector.load %arg4[%get3A_14, %get3A_15, %get3A_16] : memref<2x2000x128xf32, #tpu.memory_space<vmem>>, vector<1x2000x128xf32>
      %get3A_18 = vector.shape_cast %get3A_17 : vector<1x2000x128xf32> to vector<2000x128xf32>
      %add3A_19 = arith.addf %mul3A_13, %get3A_18 : vector<2000x128xf32>
      %get3A_20 = arith.constant 1 : index
      %get3A_21 = arith.constant 0 : index
      %get3A_22 = arith.constant 0 : index
      %get3A_23 = vector.load %arg4[%get3A_20, %get3A_21, %get3A_22] : memref<2x2000x128xf32, #tpu.memory_space<vmem>>, vector<1x2000x128xf32>
      %get3A_24 = vector.shape_cast %get3A_23 : vector<1x2000x128xf32> to vector<2000x128xf32>
      %add3A_25 = arith.addf %add3A_19, %get3A_24 : vector<2000x128xf32>
      %get3A_26 = arith.constant 0 : index
      %get3A_27 = arith.constant 0 : index
      %get3A_28 = vector.load %arg5[%get3A_26, %get3A_27] : memref<128x128xf32, #tpu.memory_space<vmem>>, vector<128x128xf32>
      %dot_general3A = arith.constant dense<0.000000e+00> : vector<2000x128xf32>
      %dot_general3A_29 = tpu.matmul %add3A_25, %get3A_28, %dot_general3A {dimension_numbers = #tpu.dot_dimension_numbers<[1], [0], [0], [1], [0, 0, 1, 1], [], []>, transpose_lhs_hint = false} : vector<2000x128xf32>, vector<128x128xf32>, vector<2000x128xf32> -> vector<2000x128xf32>
      %get3A_30 = arith.constant 0 : index
      %get3A_31 = arith.constant 0 : index
      %get3A_32 = vector.load %arg6[%get3A_30, %get3A_31] : memref<1x128xf32, #tpu.memory_space<vmem>>, vector<1x128xf32>
      %add3A_33 = vector.broadcast %get3A_32 : vector<1x128xf32> to vector<2000x128xf32>
      %add3A_34 = arith.addf %dot_general3A_29, %add3A_33 : vector<2000x128xf32>
      %mul3A_35 = arith.constant 2000 : i32
      %mul3A_36 = arith.muli %arg1, %mul3A_35 : i32
      %swap3A = arith.index_cast %mul3A_36 : i32 to index
      %swap3A_37 = arith.constant 0 : index
      %swap3A_38 = vector.load %arg18[%swap3A, %swap3A_37] : memref<10000x128xf32, #tpu.memory_space<vmem>>, vector<2000x128xf32>
      tpu.vector_store %arg18[%swap3A, %swap3A_37], %add3A_34 {strides = array<i32>} : memref<10000x128xf32, #tpu.memory_space<vmem>>, vector<2000x128xf32>,
      %eq3A_39 = arith.constant 0 : i32
      %eq3A_40 = arith.cmpi eq, %arg1, %eq3A_39 : i32
      %convert_element_type3A_41 = arith.extui %eq3A_40 : i1 to i32
      %cond3A_42 = arith.constant 0 : i32
      %cond3A_43 = arith.cmpi ne, %convert_element_type3A_41, %cond3A_42 : i32
      scf.if %cond3A_43 {
        %broadcast_in_dim3A_67 = arith.constant 0.000000e+00 : f32
        %broadcast_in_dim3A_68 = vector.broadcast %broadcast_in_dim3A_67 : f32 to vector<8x128xf32>
        %swap3A_69 = arith.constant 0 : index
        %swap3A_70 = arith.constant 0 : index
        %swap3A_71 = vector.load %arg19[%swap3A_69, %swap3A_70] : memref<8x128xf32, #tpu.memory_space<vmem>>, vector<8x128xf32>
        tpu.vector_store %arg19[%swap3A_69, %swap3A_70], %broadcast_in_dim3A_68 {strides = array<i32>} : memref<8x128xf32, #tpu.memory_space<vmem>>, vector<8x128xf32>,
        %broadcast_in_dim3A_72 = arith.constant 0.000000e+00 : f32
        %broadcast_in_dim3A_73 = vector.broadcast %broadcast_in_dim3A_72 : f32 to vector<8x128xf32>
        %swap3A_74 = arith.constant 0 : index
        %swap3A_75 = arith.constant 0 : index
        %swap3A_76 = vector.load %arg20[%swap3A_74, %swap3A_75] : memref<8x128xf32, #tpu.memory_space<vmem>>, vector<8x128xf32>
        tpu.vector_store %arg20[%swap3A_74, %swap3A_75], %broadcast_in_dim3A_73 {strides = array<i32>} : memref<8x128xf32, #tpu.memory_space<vmem>>, vector<8x128xf32>,
      } else {
      }
      %get3A_44 = arith.constant 0 : index
      %get3A_45 = arith.constant 0 : index
      %get3A_46 = vector.load %arg19[%get3A_44, %get3A_45] : memref<8x128xf32, #tpu.memory_space<vmem>>, vector<8x128xf32>
      %reduce_sum3A = arith.constant dense<0.000000e+00> : vector<128xf32>
      %reduce_sum3A_47 = vector.multi_reduction <add>, %add3A_34, %reduce_sum3A [0] : vector<2000x128xf32> to vector<128xf32>
      %broadcast_in_dim3A = vector.shape_cast %reduce_sum3A_47 : vector<128xf32> to vector<1x128xf32>
      %broadcast_in_dim3A_48 = vector.shape_cast %broadcast_in_dim3A : vector<1x128xf32> to vector<1x128xf32>
      %broadcast_in_dim3A_49 = vector.broadcast %broadcast_in_dim3A_48 : vector<1x128xf32> to vector<8x128xf32>
      %add3A_50 = arith.addf %get3A_46, %broadcast_in_dim3A_49 : vector<8x128xf32>
      %swap3A_51 = arith.constant 0 : index
      %swap3A_52 = arith.constant 0 : index
      %swap3A_53 = vector.load %arg19[%swap3A_51, %swap3A_52] : memref<8x128xf32, #tpu.memory_space<vmem>>, vector<8x128xf32>
      tpu.vector_store %arg19[%swap3A_51, %swap3A_52], %add3A_50 {strides = array<i32>} : memref<8x128xf32, #tpu.memory_space<vmem>>, vector<8x128xf32>,
      %get3A_54 = arith.constant 0 : index
      %get3A_55 = arith.constant 0 : index
      %get3A_56 = vector.load %arg20[%get3A_54, %get3A_55] : memref<8x128xf32, #tpu.memory_space<vmem>>, vector<8x128xf32>
      %mul3A_57 = arith.mulf %add3A_34, %add3A_34 : vector<2000x128xf32>
      %reduce_sum3A_58 = arith.constant dense<0.000000e+00> : vector<128xf32>
      %reduce_sum3A_59 = vector.multi_reduction <add>, %mul3A_57, %reduce_sum3A_58 [0] : vector<2000x128xf32> to vector<128xf32>
      %broadcast_in_dim3A_60 = vector.shape_cast %reduce_sum3A_59 : vector<128xf32> to vector<1x128xf32>
      %broadcast_in_dim3A_61 = vector.shape_cast %broadcast_in_dim3A_60 : vector<1x128xf32> to vector<1x128xf32>
      %broadcast_in_dim3A_62 = vector.broadcast %broadcast_in_dim3A_61 : vector<1x128xf32> to vector<8x128xf32>
      %add3A_63 = arith.addf %get3A_56, %broadcast_in_dim3A_62 : vector<8x128xf32>
      %swap3A_64 = arith.constant 0 : index
      %swap3A_65 = arith.constant 0 : index
      %swap3A_66 = vector.load %arg20[%swap3A_64, %swap3A_65] : memref<8x128xf32, #tpu.memory_space<vmem>>, vector<8x128xf32>
      tpu.vector_store %arg20[%swap3A_64, %swap3A_65], %add3A_63 {strides = array<i32>} : memref<8x128xf32, #tpu.memory_space<vmem>>, vector<8x128xf32>,
    } else {
    }
    %eq3A_2 = arith.constant 1 : i32
    %eq3A_3 = arith.cmpi eq, %arg0, %eq3A_2 : i32
    %convert_element_type3A_4 = arith.extui %eq3A_3 : i1 to i32
    %cond3A_5 = arith.constant 0 : i32
    %cond3A_6 = arith.cmpi ne, %convert_element_type3A_4, %cond3A_5 : i32
    scf.if %cond3A_6 {
      %get3A = arith.constant 0 : index
      %get3A_7 = arith.constant 0 : index
      %get3A_8 = vector.load %arg19[%get3A, %get3A_7] : memref<8x128xf32, #tpu.memory_space<vmem>>, vector<1x128xf32>
      %div3A = arith.constant 1.000000e+04 : f32
      %div3A_9 = vector.broadcast %div3A : f32 to vector<1x128xf32>
      %div3A_10 = arith.divf %get3A_8, %div3A_9 : vector<1x128xf32>
      %get3A_11 = arith.constant 0 : index
      %get3A_12 = arith.constant 0 : index
      %get3A_13 = vector.load %arg20[%get3A_11, %get3A_12] : memref<8x128xf32, #tpu.memory_space<vmem>>, vector<1x128xf32>
      %div3A_14 = arith.constant 1.000000e+04 : f32
      %div3A_15 = vector.broadcast %div3A_14 : f32 to vector<1x128xf32>
      %div3A_16 = arith.divf %get3A_13, %div3A_15 : vector<1x128xf32>
      %mul3A = arith.mulf %div3A_10, %div3A_10 : vector<1x128xf32>
      %sub3A = arith.subf %div3A_16, %mul3A : vector<1x128xf32>
      %add3A = arith.constant 9.99999974E-6 : f32
      %add3A_17 = vector.broadcast %add3A : f32 to vector<1x128xf32>
      %add3A_18 = arith.addf %sub3A, %add3A_17 : vector<1x128xf32>
      %rsqrt3A = math.rsqrt %add3A_18 : vector<1x128xf32>
      %get3A_19 = arith.constant 0 : index
      %get3A_20 = arith.constant 0 : index
      %get3A_21 = vector.load %arg7[%get3A_19, %get3A_20] : memref<1x128xf32, #tpu.memory_space<vmem>>, vector<1x128xf32>
      %mul3A_22 = arith.mulf %get3A_21, %rsqrt3A : vector<1x128xf32>
      %get3A_23 = arith.constant 0 : index
      %get3A_24 = arith.constant 0 : index
      %get3A_25 = vector.load %arg8[%get3A_23, %get3A_24] : memref<1x128xf32, #tpu.memory_space<vmem>>, vector<1x128xf32>
      %mul3A_26 = arith.mulf %div3A_10, %mul3A_22 : vector<1x128xf32>
      %sub3A_27 = arith.subf %get3A_25, %mul3A_26 : vector<1x128xf32>
      %mul3A_28 = arith.constant 2000 : i32
      %mul3A_29 = arith.muli %arg1, %mul3A_28 : i32
      %get3A_30 = arith.index_cast %mul3A_29 : i32 to index
      %get3A_31 = arith.constant 0 : index
      %get3A_32 = vector.load %arg18[%get3A_30, %get3A_31] : memref<10000x128xf32, #tpu.memory_space<vmem>>, vector<2000x128xf32>
      %mul3A_33 = vector.broadcast %mul3A_22 : vector<1x128xf32> to vector<2000x128xf32>
      %mul3A_34 = arith.mulf %get3A_32, %mul3A_33 : vector<2000x128xf32>
      %add3A_35 = vector.broadcast %sub3A_27 : vector<1x128xf32> to vector<2000x128xf32>
      %add3A_36 = arith.addf %mul3A_34, %add3A_35 : vector<2000x128xf32>
      %ge3A = arith.constant 0.000000e+00 : f32
      %ge3A_37 = vector.broadcast %ge3A : f32 to vector<2000x128xf32>
      %ge3A_38 = arith.cmpf oge, %add3A_36, %ge3A_37 : vector<2000x128xf32>
      %mul3A_39 = arith.constant 9.99999974E-5 : f32
      %mul3A_40 = vector.broadcast %mul3A_39 : f32 to vector<2000x128xf32>
      %mul3A_41 = arith.mulf %mul3A_40, %add3A_36 : vector<2000x128xf32>
      %select_n3A = arith.select %ge3A_38, %add3A_36, %mul3A_41 : vector<2000x128xi1>, vector<2000x128xf32>
      %get3A_42 = arith.constant 0 : index
      %get3A_43 = arith.constant 0 : index
      %get3A_44 = vector.load %arg9[%get3A_42, %get3A_43] : memref<128x128xf32, #tpu.memory_space<vmem>>, vector<128x128xf32>
      %dot_general3A = arith.constant dense<0.000000e+00> : vector<2000x128xf32>
      %dot_general3A_45 = tpu.matmul %select_n3A, %get3A_44, %dot_general3A {dimension_numbers = #tpu.dot_dimension_numbers<[1], [0], [0], [1], [0, 0, 1, 1], [], []>, transpose_lhs_hint = false} : vector<2000x128xf32>, vector<128x128xf32>, vector<2000x128xf32> -> vector<2000x128xf32>
      %get3A_46 = arith.constant 0 : index
      %get3A_47 = arith.constant 0 : index
      %get3A_48 = vector.load %arg10[%get3A_46, %get3A_47] : memref<1x128xf32, #tpu.memory_space<vmem>>, vector<1x128xf32>
      %add3A_49 = vector.broadcast %get3A_48 : vector<1x128xf32> to vector<2000x128xf32>
      %add3A_50 = arith.addf %dot_general3A_45, %add3A_49 : vector<2000x128xf32>
      %get3A_51 = arith.constant 0 : index
      %get3A_52 = arith.constant 0 : index
      %get3A_53 = vector.load %arg11[%get3A_51, %get3A_52] : memref<128x128xf32, #tpu.memory_space<vmem>>, vector<128x128xf32>
      %dot_general3A_54 = arith.constant dense<0.000000e+00> : vector<2000x128xf32>
      %dot_general3A_55 = tpu.matmul %add3A_50, %get3A_53, %dot_general3A_54 {dimension_numbers = #tpu.dot_dimension_numbers<[1], [0], [0], [1], [0, 0, 1, 1], [], []>, transpose_lhs_hint = false} : vector<2000x128xf32>, vector<128x128xf32>, vector<2000x128xf32> -> vector<2000x128xf32>
      %get3A_56 = arith.constant 0 : index
      %get3A_57 = arith.constant 0 : index
      %get3A_58 = vector.load %arg12[%get3A_56, %get3A_57] : memref<1x128xf32, #tpu.memory_space<vmem>>, vector<1x128xf32>
      %add3A_59 = vector.broadcast %get3A_58 : vector<1x128xf32> to vector<2000x128xf32>
      %add3A_60 = arith.addf %dot_general3A_55, %add3A_59 : vector<2000x128xf32>
      %jit3A = arith.constant 0.00999999977 : f32
      %ge3A_61 = arith.constant 0.000000e+00 : f32
      %ge3A_62 = vector.broadcast %ge3A_61 : f32 to vector<2000x128xf32>
      %ge3A_63 = arith.cmpf oge, %add3A_60, %ge3A_62 : vector<2000x128xf32>
      %mul3A_64 = vector.broadcast %jit3A : f32 to vector<2000x128xf32>
      %mul3A_65 = arith.mulf %mul3A_64, %add3A_60 : vector<2000x128xf32>
      %select_n3A_66 = arith.select %ge3A_63, %add3A_60, %mul3A_65 : vector<2000x128xi1>, vector<2000x128xf32>
      %get3A_67 = arith.constant 0 : index
      %get3A_68 = arith.constant 0 : index
      %get3A_69 = vector.load %arg13[%get3A_67, %get3A_68] : memref<128x128xf32, #tpu.memory_space<vmem>>, vector<128x128xf32>
      %dot_general3A_70 = arith.constant dense<0.000000e+00> : vector<2000x128xf32>
      %dot_general3A_71 = tpu.matmul %select_n3A_66, %get3A_69, %dot_general3A_70 {dimension_numbers = #tpu.dot_dimension_numbers<[1], [0], [0], [1], [0, 0, 1, 1], [], []>, transpose_lhs_hint = false} : vector<2000x128xf32>, vector<128x128xf32>, vector<2000x128xf32> -> vector<2000x128xf32>
      %get3A_72 = arith.constant 0 : index
      %get3A_73 = arith.constant 0 : index
      %get3A_74 = vector.load %arg14[%get3A_72, %get3A_73] : memref<1x128xf32, #tpu.memory_space<vmem>>, vector<1x128xf32>
      %add3A_75 = vector.broadcast %get3A_74 : vector<1x128xf32> to vector<2000x128xf32>
      %add3A_76 = arith.addf %dot_general3A_71, %add3A_75 : vector<2000x128xf32>
      %jit3A_77 = arith.constant 0.00999999977 : f32
      %ge3A_78 = arith.constant 0.000000e+00 : f32
      %ge3A_79 = vector.broadcast %ge3A_78 : f32 to vector<2000x128xf32>
      %ge3A_80 = arith.cmpf oge, %add3A_76, %ge3A_79 : vector<2000x128xf32>
      %mul3A_81 = vector.broadcast %jit3A_77 : f32 to vector<2000x128xf32>
      %mul3A_82 = arith.mulf %mul3A_81, %add3A_76 : vector<2000x128xf32>
      %select_n3A_83 = arith.select %ge3A_80, %add3A_76, %mul3A_82 : vector<2000x128xi1>, vector<2000x128xf32>
      %get3A_84 = arith.constant 0 : index
      %get3A_85 = arith.constant 0 : index
      %get3A_86 = vector.load %arg15[%get3A_84, %get3A_85] : memref<1x128xf32, #tpu.memory_space<vmem>>, vector<1x128xf32>
      %mul3A_87 = vector.broadcast %get3A_86 : vector<1x128xf32> to vector<2000x128xf32>
      %mul3A_88 = arith.mulf %select_n3A_83, %mul3A_87 : vector<2000x128xf32>
      %reduce_sum3A = arith.constant dense<0.000000e+00> : vector<2000xf32>
      %reduce_sum3A_89 = vector.multi_reduction <add>, %mul3A_88, %reduce_sum3A [1] : vector<2000x128xf32> to vector<2000xf32>
      %broadcast_in_dim3A = vector.shape_cast %reduce_sum3A_89 : vector<2000xf32> to vector<2000x1xf32>
      %get3A_90 = arith.constant 0 : index
      %get3A_91 = arith.constant 0 : index
      %get3A_92 = memref.load %arg16[%get3A_90, %get3A_91] : memref<1x1xf32, #tpu.memory_space<smem>>
      %add3A_93 = vector.broadcast %get3A_92 : f32 to vector<2000x1xf32>
      %add3A_94 = arith.addf %broadcast_in_dim3A, %add3A_93 : vector<2000x1xf32>
      %logistic3A = arith.negf %add3A_94 : vector<2000x1xf32>
      %logistic3A_95 = math.exp %logistic3A : vector<2000x1xf32>
      %logistic3A_96 = arith.constant 1.000000e+00 : f32
      %logistic3A_97 = vector.broadcast %logistic3A_96 : f32 to vector<2000x1xf32>
      %logistic3A_98 = arith.addf %logistic3A_97, %logistic3A_95 : vector<2000x1xf32>
      %logistic3A_99 = arith.divf %logistic3A_97, %logistic3A_98 : vector<2000x1xf32>
      %broadcast_in_dim3A_100 = vector.shape_cast %logistic3A_99 : vector<2000x1xf32> to vector<2000x1xf32>
      %broadcast_in_dim3A_101 = vector.broadcast %broadcast_in_dim3A_100 : vector<2000x1xf32> to vector<2000x128xf32>
      %swap3A = arith.constant 0 : index
      %swap3A_102 = arith.constant 0 : index
      %swap3A_103 = vector.load %arg17[%swap3A, %swap3A_102] : memref<2000x128xf32, #tpu.memory_space<vmem>>, vector<2000x128xf32>
      tpu.vector_store %arg17[%swap3A, %swap3A_102], %broadcast_in_dim3A_101 {strides = array<i32>} : memref<2000x128xf32, #tpu.memory_space<vmem>>, vector<2000x128xf32>,
    } else {
    }
    return
  }
  func.func @transform_0(%arg0: i32, %arg1: i32) -> (i32, i32) {
    %c0_i32 = arith.constant 0 : i32
    %c0_i32_0 = arith.constant 0 : i32
    %c0_i32_1 = arith.constant 0 : i32
    return %c0_i32, %c0_i32_0 : i32, i32
  }
  func.func @transform_1(%arg0: i32, %arg1: i32) -> (i32, i32) {
    %sub3A = arith.constant 1 : i32
    %sub3A_0 = arith.subi %sub3A, %arg0 : i32
    %mul3A = arith.muli %arg1, %sub3A_0 : i32
    %c0_i32 = arith.constant 0 : i32
    %c0_i32_1 = arith.constant 0 : i32
    return %mul3A, %c0_i32 : i32, i32
  }
  func.func @transform_2(%arg0: i32, %arg1: i32) -> (i32, i32, i32) {
    %sub3A = arith.constant 1 : i32
    %sub3A_0 = arith.subi %sub3A, %arg0 : i32
    %mul3A = arith.muli %arg1, %sub3A_0 : i32
    %c0_i32 = arith.constant 0 : i32
    %c0_i32_1 = arith.constant 0 : i32
    %c0_i32_2 = arith.constant 0 : i32
    return %c0_i32, %mul3A, %c0_i32_1 : i32, i32, i32
  }
  func.func @transform_3(%arg0: i32, %arg1: i32) -> (i32, i32) {
    %c0_i32 = arith.constant 0 : i32
    %c0_i32_0 = arith.constant 0 : i32
    %c0_i32_1 = arith.constant 0 : i32
    return %c0_i32, %c0_i32_0 : i32, i32
  }
  func.func @transform_4(%arg0: i32, %arg1: i32) -> (i32, i32) {
    %c0_i32 = arith.constant 0 : i32
    %c0_i32_0 = arith.constant 0 : i32
    %c0_i32_1 = arith.constant 0 : i32
    return %c0_i32, %c0_i32_0 : i32, i32
  }
  func.func @transform_5(%arg0: i32, %arg1: i32) -> (i32, i32) {
    %c0_i32 = arith.constant 0 : i32
    %c0_i32_0 = arith.constant 0 : i32
    %c0_i32_1 = arith.constant 0 : i32
    return %c0_i32, %c0_i32_0 : i32, i32
  }
  func.func @transform_6(%arg0: i32, %arg1: i32) -> (i32, i32) {
    %c0_i32 = arith.constant 0 : i32
    %c0_i32_0 = arith.constant 0 : i32
    %c0_i32_1 = arith.constant 0 : i32
    return %c0_i32, %c0_i32_0 : i32, i32
  }
  func.func @transform_7(%arg0: i32, %arg1: i32) -> (i32, i32) {
    %c0_i32 = arith.constant 0 : i32
    %c0_i32_0 = arith.constant 0 : i32
    %c0_i32_1 = arith.constant 0 : i32
    return %c0_i32, %c0_i32_0 : i32, i32
  }
  func.func @transform_8(%arg0: i32, %arg1: i32) -> (i32, i32) {
    %c0_i32 = arith.constant 0 : i32
    %c0_i32_0 = arith.constant 0 : i32
    %c0_i32_1 = arith.constant 0 : i32
    return %c0_i32, %c0_i32_0 : i32, i32
  }
  func.func @transform_9(%arg0: i32, %arg1: i32) -> (i32, i32) {
    %c0_i32 = arith.constant 0 : i32
    %c0_i32_0 = arith.constant 0 : i32
    %c0_i32_1 = arith.constant 0 : i32
    return %c0_i32, %c0_i32_0 : i32, i32
  }
  func.func @transform_10(%arg0: i32, %arg1: i32) -> (i32, i32) {
    %c0_i32 = arith.constant 0 : i32
    %c0_i32_0 = arith.constant 0 : i32
    %c0_i32_1 = arith.constant 0 : i32
    return %c0_i32, %c0_i32_0 : i32, i32
  }
  func.func @transform_11(%arg0: i32, %arg1: i32) -> (i32, i32) {
    %c0_i32 = arith.constant 0 : i32
    %c0_i32_0 = arith.constant 0 : i32
    %c0_i32_1 = arith.constant 0 : i32
    return %c0_i32, %c0_i32_0 : i32, i32
  }
  func.func @transform_12(%arg0: i32, %arg1: i32) -> (i32, i32) {
    %c0_i32 = arith.constant 0 : i32
    %c0_i32_0 = arith.constant 0 : i32
    %c0_i32_1 = arith.constant 0 : i32
    return %c0_i32, %c0_i32_0 : i32, i32
  }
  func.func @transform_13(%arg0: i32, %arg1: i32) -> (i32, i32) {
    %c0_i32 = arith.constant 0 : i32
    %c0_i32_0 = arith.constant 0 : i32
    %c0_i32_1 = arith.constant 0 : i32
    return %c0_i32, %c0_i32_0 : i32, i32
  }
  func.func @transform_14(%arg0: i32, %arg1: i32) -> (i32, i32) {
    %c0_i32 = arith.constant 0 : i32
    %c0_i32_0 = arith.constant 0 : i32
    %c0_i32_1 = arith.constant 0 : i32
    return %c0_i32, %c0_i32_0 : i32, i32
  }
  func.func @transform_15(%arg0: i32, %arg1: i32) -> (i32, i32) {
    %c0_i32 = arith.constant 0 : i32
    %c0_i32_0 = arith.constant 0 : i32
    return %arg1, %c0_i32 : i32, i32
  }
}

</mosaic_0001>

<sc_bundles>
// kernel: kernel.11.cloned.1.call-start
scs
__scs_entry_jumppad:
0x0: {  	(pc) =	sbr.rel $0x88, $3  }
0x1: {  	(tag) =	ssettag $0x0;
	lr =	simm.s32 $0x1  }
0x2: {  	[smem:$0x3F88] =	sst lr;
	_ =	strace $0xD0000000  }
0x3: {  	_ = 	snop  }
0x4: {  	_ = 	snop  }
0x5: {  	_ = 	snop  }
0x6: {  	_ = 	snop  }
0x7: {  	_ = 	snop  }
__scs_overlays_trampoline_lowered:
0x8: {  	[smem:$0x3F97] =	sst s0  }
0x9: {  	[smem:$0x3F98] =	sst s1  }
0xa: {  	[smem:$0x3F99] =	sst s2  }
0xb: {  	[smem:$0x3F9A] =	sst s3  }
0xc: {  	[smem:$0x3F9B] =	sst s4  }
0xd: {  	[smem:$0x3F9C] =	sst s5  }
0xe: {  	[smem:$0x3F9D] =	sst s6  }
0xf: {  	[smem:$0x3F9E] =	sst s7  }
0x10: {  	[smem:$0x3F9F] =	sst s8  }
0x11: {  	[smem:$0x3FA0] =	sst s9;
	s0 =	simm.s32 @!p0 $0x0  }
0x12: {  	s1 =	sld [smem:$0x3F86];
	s0 =	simm.s32 @p0 $0x1  }
0x13: {  	[smem:$0x3FA1] =	sst s0;
	s0 =	simm.s32 @!p1 $0x0  }
0x14: {  	s2 =	sld [smem:$0x3F85];
	s0 =	simm.s32 @p1 $0x1  }
0x15: {  	[smem:$0x3FA2] =	sst s0;
	s0 =	simm.s32 @!p2 $0x0  }
0x16: {  	s3 =	sld [smem:$0x3FDB];
	s0 =	simm.s32 @p2 $0x1  }
0x17: {  	s4 =	simm.s32 $0x1BF5;
	[smem:$0x3FA4] =	sst s0  }
0x18: {  	s0 =	sld [smem:$0x3F87];
	_ =	swait.ge [sflag:s4], $0x0  }
0x19: {  	s7 =	sld [smem:$0x3F88]  }
0x1a: {  	s8 =	sadd.s32 $0xFFFFE003, lr  }
0x1b: {  	s9 =	sadd.s32 $0xFFFFFEF7, lr;
	s5 =	simm.s32 $0xFFFFFFFF;
	p2 =	slt.u32 s8, $0xFFFFF086  }
0x1c: {  	p1 =	slt.u32 s9, $0xF7A;
	s5 =	simm.s32 @!p2 $0x0  }
0x1d: {  	s5 =	simm.s32 @p1 $0x1;
	p0 =	seq.s32 s7, s2  }
0x1e: {  	s7 =	smul.u32 @!p0 $0xF7A, s2;
	p2 =	seq.s32 @!p0 s5, $0x0  }
0x1f: {  	s9 =	smul.u32 $0xF7A, s1;
	s8 =	simm.s32 @!p0 $0x1BF5;
	p2 =	por !p2, p0  }
0x20: {  	[sflag:s8] =	ssyncset.s32 @!p0 $0xFFFFF086;
	s6 =	sadd.s32 @!p0 s3, s7;
	s7 =	simm.s32 @!p0 $0x108  }
0x21: {  	s3 =	sadd.s32 s3, s9;
	s6 =	sadd.s32 @!p0 $0x88, s6;
	s7 =	simm.s32 @p2 $0x1082  }
0x22: {  	[simem:s7], [sflag:s8] =	dma.local @!p0 [hbm:s6], $0xF7A  }
0x23: {  	s9 =	sor.u32 $0xD0000000, s2;
	s6 =	simm.s32 $0x108;
	_ =	swait.ge @!p0 [sflag:s8], $0x0  }
0x24: {  	s3 =	sadd.s32 $0x88, s3;
	s6 =	simm.s32 @!p1 $0x1082;
	[sflag:s4] =	ssyncset.s32 $0xFFFFF086  }
0x25: {  	[simem:s6], [sflag:s4] =	dma.local [hbm:s3], $0xF7A  }
0x26: {  	[smem:$0x3F88] =	sst s1;
	(tag) =	ssettag s2;
	_ =	strace s9  }
0x27: {  	s1 =	sld [smem:$0x3F98]  }
0x28: {  	s2 =	sld [smem:$0x3F99]  }
0x29: {  	s4 =	sld [smem:$0x3F9B]  }
0x2a: {  	p0 =	seq.s32 s5, $0x0;
	s5 =	sld [smem:$0x3F9C]  }
0x2b: {  	s6 =	sld [smem:$0x3F9D]  }
0x2c: {  	s7 =	sld [smem:$0x3F9E]  }
0x2d: {  	s3 =	simm.s32 $0x108;
	s8 =	sld [smem:$0x3F9F]  }
0x2e: {  	s3 =	simm.s32 @!p0 $0x1082;
	s9 =	sld [smem:$0x3FA0]  }
0x2f: {  	lr =	sadd.s32 s0, s3;
	s0 =	sld [smem:$0x3F97]  }
0x30: {  	s3 =	sld [smem:$0x3F9A]  }
0x31: {  	[smem:$0x3FA3] =	sst s10  }
0x32: {  	s10 =	sld [smem:$0x3FA1];
	_ =	sdelay $0x3  }
0x33: {  	p0 =	seq.s32 s10, $0x1;
	s10 =	sld [smem:$0x3FA3];
	_ =	sdelay $0x3  }
0x34: {  	[smem:$0x3FA3] =	sst s10  }
0x35: {  	s10 =	sld [smem:$0x3FA2];
	_ =	sdelay $0x3  }
0x36: {  	p1 =	seq.s32 s10, $0x1;
	s10 =	sld [smem:$0x3FA3];
	_ =	sdelay $0x3  }
0x37: {  	[smem:$0x3FA3] =	sst s10  }
0x38: {  	s10 =	sld [smem:$0x3FA4]  }
0x39: {  	_ = 	snop;
	(pc) =	sbr.ind lr, $3  }
0x3a: {  	_ = 	snop  }
0x3b: {  	_ = 	snop  }
0x3c: {  	p2 =	seq.s32 s10, $0x1;
	s10 =	sld [smem:$0x3FA3]  }
0x3d: {  	_ =	shalt  }
0x3e: {  	_ =	shalt  }
0x3f: {  	_ =	shalt  }
0x40: {  	_ =	shalt  }
0x41: {  	_ =	shalt  }
0x42: {  	_ =	shalt  }
0x43: {  	_ =	shalt  }
0x44: {  	_ =	shalt  }
0x45: {  	_ =	shalt  }
0x46: {  	_ =	shalt  }
0x47: {  	_ =	shalt  }
0x48: {  	_ =	shalt  }
0x49: {  	_ =	shalt  }
0x4a: {  	_ =	shalt  }
0x4b: {  	_ =	shalt  }
0x4c: {  	_ =	shalt  }
0x4d: {  	_ =	shalt  }
0x4e: {  	_ =	shalt  }
0x4f: {  	_ =	shalt  }
0x50: {  	_ =	shalt  }
0x51: {  	_ =	shalt  }
0x52: {  	_ =	shalt  }
0x53: {  	_ =	shalt  }
0x54: {  	_ =	shalt  }
0x55: {  	_ =	shalt  }
0x56: {  	_ =	shalt  }
0x57: {  	_ =	shalt  }
0x58: {  	_ =	shalt  }
0x59: {  	_ =	shalt  }
0x5a: {  	_ =	shalt  }
0x5b: {  	_ =	shalt  }
0x5c: {  	_ =	shalt  }
0x5d: {  	_ =	shalt  }
0x5e: {  	_ =	shalt  }
0x5f: {  	_ =	shalt  }
0x60: {  	_ =	shalt  }
0x61: {  	_ =	shalt  }
0x62: {  	_ =	shalt  }
0x63: {  	_ =	shalt  }
0x64: {  	_ =	shalt  }
0x65: {  	_ =	shalt  }
0x66: {  	_ =	shalt  }
0x67: {  	_ =	shalt  }
0x68: {  	_ =	shalt  }
0x69: {  	_ =	shalt  }
0x6a: {  	_ =	shalt  }
0x6b: {  	_ =	shalt  }
0x6c: {  	_ =	shalt  }
0x6d: {  	_ =	shalt  }
0x6e: {  	_ =	shalt  }
0x6f: {  	_ =	shalt  }
0x70: {  	_ =	shalt  }
0x71: {  	_ =	shalt  }
0x72: {  	_ =	shalt  }
0x73: {  	_ =	shalt  }
0x74: {  	_ =	shalt  }
0x75: {  	_ =	shalt  }
0x76: {  	_ =	shalt  }
0x77: {  	_ =	shalt  }
0x78: {  	_ =	shalt  }
0x79: {  	_ =	shalt  }
0x7a: {  	_ =	shalt  }
0x7b: {  	_ =	shalt  }
0x7c: {  	_ =	shalt  }
0x7d: {  	_ =	shalt  }
0x7e: {  	_ =	shalt  }
0x7f: {  	_ =	shalt  }
0x80: {  	_ =	shalt  }
0x81: {  	_ =	shalt  }
0x82: {  	_ =	shalt  }
0x83: {  	_ =	shalt  }
0x84: {  	_ =	shalt  }
0x85: {  	_ =	shalt  }
0x86: {  	_ =	shalt  }
0x87: {  	_ =	shalt  }
.Lfunc_end0:
.L_simem_size_0:
called_computation.1_lowered:
.L_overlay_start_0:
0x88: {  	s2 =	sld [smem:$0x3FD9]  }
0x89: {  	s3 =	sld [smem:$0x3FFE];
	_ =	sdelay $0x1  }
0x8a: {  	s1 =	srdreg.scid  }
0x8b: {  	s0 =	sand.u32 $0x1, s1  }
0x8c: {  	s16 =	sshll.u32 s0, $0xA;
	s2 =	sadd.s32 s3, s2  }
0x8d: {  	s2 =	sadd.s32 s2, s16  }
0x8e: {  	[smem:$0x3FAF] =	sst s2  }
0x8f: {  	_ = 	snop  }
0x90: {  	(tm) =	ssettm $0x1  }
0x91: {  	s17 =	sld [smem:$0x3FFB];
	_ =	sdelay $0x3  }
0x92: {  	_ =	strace s17  }
0x93: {  	s2 =	sld [smem:$0x3FFC];
	_ =	sdelay $0x3  }
0x94: {  	_ =	strace s2  }
0x95: {  	s2 =	sld [smem:$0x3FFD];
	_ =	sdelay $0x3  }
0x96: {  	_ =	strace s2  }
0x97: {  	_ =	strace $0x8FFFFFFF  }
0x98: {  	s18 =	sld [smem:$0x3FDB];
	_ =	sdelay $0x1  }
0x99: {  	s19 =	simm.s32 $_scs_section_size  }
0x9a: {  	s4 =	simm.s32 $_size__tile_overlayer_lowered;
	s5 =	simm.s32 $_tile_overlayer_lowered  }
0x9b: {  	s22 =	simm.s32 $0x1BFF;
	s21 =	sshll.u32 s5, $0x1;
	s2 =	sadd.s32 s19, s18  }
0x9c: {  	s6 =	simm.s32 $0x0;
	s20 =	sshll.u32 s4, $0x1;
	s4 =	sadd.s32 s21, s2  }
0x9d: {  	[timem:s6], [sflag:s22] =	dma.local [hbm:s4], s20  }
0x9e: {  	_ =	swait.ge [sflag:s22], s20  }
0x9f: {  	s3 =	ssub.s32 $0x0, s20;
	[sflag:s22] =	ssyncset.done $0x0  }
0xa0: {  	[sflag:s22] =	ssyncadd.s32 s3;
	_ =	sdelay $0x1  }
0xa1: {  	s23 =	simm.s32 $0x1B8B  }
0xa2: {  	_ =	swait.ge [sflag:s23], $0x1  }
0xa3: {  	[sflag:s23] =	ssyncset.done $0x0  }
0xa4: {  	s25 =	simm.s32 $0x1B8E;
	s24 =	sld [smem:$0x3FFE];
	[sflag:s23] =	ssyncadd.s32 $0xFFFFFFFF  }
0xa5: {  	s26 =	simm.s32 $execute0_lowered;
	[smem:$0x3FD2] =	sst s25  }
0xa6: {  	s4 =	sshll.u32 s26, $0x1;
	_ =	strace $0x80000049;
	[dreg:$0x1] =	wrdreg $0xFFFFFFFF  }
0xa7: {  	s28 =	simm.s32 $_size_execute0_lowered;
	s2 =	sadd.s32 s2, s4;
	[dreg:$0x0] =	wrdreg $0x0  }
0xa8: {  	s4 =	sshll.u32 s28, $0x1;
	[dreg:$0x2] =	wrdreg s2  }
0xa9: {  	[dreg:$0x3] =	wrdreg s4  }
0xaa: {  	[dreg:$0x4] =	wrdreg $0xC0  }
0xab: {  	_ =	task [dreg:s6], $0x5FFFF  }
0xac: {  	[dreg:$0x1] =	wrdreg $0xFFFFFFFF  }
0xad: {  	[dreg:$0x0] =	wrdreg $0x60  }
0xae: {  	[dreg:$0x2] =	wrdreg s24  }
0xaf: {  	[dreg:$0x3] =	wrdreg $0xA8000  }
0xb0: {  	[dreg:$0x4] =	wrdreg $0x9  }
0xb1: {  	_ =	task.clear_ibuf [dreg:s6], $0x5FFFF;
	_ =	strace $0x90000049  }
0xb2: {  	s29 =	simm.s32 $0x9;
	_ =	strace $0x8000004B  }
0xb3: {  	_ =	swait.ge [sflag:s29], $0x1  }
0xb4: {  	[sflag:s29] =	ssyncadd.s32 $0xFFFFFFFF  }
0xb5: {  	_ =	strace $0x9000004B  }
0xb6: {  	_ =	sfence  }
0xb7: {  	s30 =	sld [smem:$0x0];
	_ =	sdelay $0x2  }
0xb8: {  	s31 =	sshll.u32 s1, $0xD;
	s1 =	sshrl.u32 s1, $0x2  }
0xb9: {  	s3 =	sand.u32 $0x4000, s31;
	s1 =	sadd.s32 s1, s30  }
0xba: {  	s0 =	sor.u32 s3, s0;
	s1 =	sshll.u32 s1, $0x11  }
0xbb: {  	s0 =	sor.u32 s1, s0  }
0xbc: {  	s0 =	sadd.s32 $0x8F2B, s0  }
0xbd: {  	[sflag:s0] =	ssyncadd.remote.s32 $0x1  }
0xbe: {  	_ =	sfence.sel $0xFFFF  }
0xbf: {  	[dreg:$0x0] =	wrdreg $0xFFFFFFFF;
	(pc) =	sbr.abs _section_cstart, $3  }
0xc0: {  	[dreg:$0x1] =	wrdreg $0xFFFFFFFF  }
0xc1: {  	_ =	task.clear_ibuf [dreg:s6], $0x2FFFF;
	_ =	strace $0x9FFFFFFF  }
0xc2: {  	(tm) =	ssettm $0x7FFFFFFF  }
0xc3: {  	_ =	shalt  }
tec
execute0_lowered:
.L_overlay_start_1:
0x0: {  	(tag) =	ssettag $0x1  }
0x1: {  	s0 =	rddreg [dreg:$0x0];
	s2 =	srdreg.scid  }
0x2: {  	s3 =	simm.s32 $0x0;
	s14 =	stileid.u32;
	s31 =	simm.s32 $0xA600  }
0x3: {  	s30 =	simm.s32 $0x2800;
	s28 =	simm.s32 $0xD;
	s2 =	sand.u32 $0x1, s2  }
0x4: {  	[smem:$0x7FF] =	sst s3;
	s20 =	smul.u32 $0x2710, s14;
	s4 =	sshll.u32 s2, $0x4  }
0x5: {  	s5 =	sadd.s32 $0xDE00, s0;
	s23 =	smul.u32 $0x4E000, s14;
	s4 =	sor.u32 s14, s4  }
0x6: {  	s6 =	sadd.s32 $0x4000, s0;
	p0 =	sne.s32 s14, $0xF;
	s7 =	smul.u32 $0x2710, s4  }
0x7: {  	s1 =	rddreg [dreg:$0x1];
	_ =	strace $0x8000004A;
	s16 =	smul.u32 $0x138800, s2  }
0x8: {  	s8 =	ssub.s32 $0x2, s2;
	s2 =	smul.u32 $0x27100, s2;
	s10 =	sshrl.u32 s7, $0x3  }
0x9: {  	s9 =	sshrl.u32 s8, $0x1;
	s4 =	sadd.s32 $0x17C00, s0;
	s11 =	sadd.s32 s5, s10  }
0xa: {  	s25 =	sadd.s32 $0xA, s10;
	s24 =	sadd.s32 s6, s10;
	[dreg:$0x3] =	wrdreg s11  }
0xb: {  	s8 =	ssub.s32 s8, s9;
	s26 =	sadd.s32 s5, s25;
	[dreg:$0xf] =	wrdreg s24  }
0xc: {  	s29 =	sadd.s32 $0x14, s10;
	s9 =	sadd.s32 s6, s25;
	[dreg:$0x4] =	wrdreg s26  }
0xd: {  	s13 =	sadd.s32 $0x1E, s10;
	s12 =	sadd.s32 s5, s29;
	[dreg:$0x5] =	wrdreg s9  }
0xe: {  	s17 =	sadd.s32 $0x28, s10;
	s11 =	sadd.s32 s6, s29;
	[dreg:$0x6] =	wrdreg s12  }
0xf: {  	s18 =	sadd.s32 $0x32, s10;
	s15 =	sadd.s32 s5, s13;
	[dreg:$0x7] =	wrdreg s11  }
0x10: {  	s22 =	sadd.s32 $0x3C, s10;
	s19 =	sadd.s32 s5, s18;
	[dreg:$0x8] =	wrdreg s15  }
0x11: {  	s10 =	sadd.s32 $0x46, s10;
	s25 =	sadd.s32 s5, s22;
	[dreg:$0xc] =	wrdreg s19  }
0x12: {  	s0 =	sadd.s32 $0x3EE00, s0;
	s29 =	sadd.s32 s5, s10;
	[dreg:$0x10] =	wrdreg s25  }
0x13: {  	s2 =	sadd.s32 s20, s2;
	s10 =	sadd.s32 s6, s10;
	[dreg:$0x12] =	wrdreg s29  }
0x14: {  	s2 =	sadd.s32 $0x230, s2;
	s9 =	sadd.s32 s6, s13;
	[dreg:$0x13] =	wrdreg s10  }
0x15: {  	s12 =	smul.u32 $0x13800, s14;
	s13 =	sadd.s32 s5, s17;
	[dreg:$0x9] =	wrdreg s9  }
0x16: {  	s11 =	sshrl.u32 s16, $0x3;
	s15 =	sadd.s32 $0x370, s7;
	[dreg:$0xa] =	wrdreg s13  }
0x17: {  	s26 =	sshrl.u32 s23, $0x2;
	s19 =	smax.u32 s8, $0x1;
	[dreg:$0x18] =	wrdreg s15  }
0x18: {  	s14 =	simm.s32 $0xA000;
	s9 =	sadd.s32 s6, s17;
	[dreg:$0x1d] =	wrdreg s19  }
0x19: {  	s8 =	simm.s32 $0xA580;
	s13 =	sadd.s32 $0x320, s7;
	[dreg:$0xb] =	wrdreg s9  }
0x1a: {  	s10 =	sadd.s32 s26, s1;
	s17 =	sadd.s32 $0x410, s7;
	[dreg:$0x17] =	wrdreg s13  }
0x1b: {  	s15 =	simm.s32 $0x5000;
	s19 =	simm.s32 $0x4;
	[dreg:$0x1a] =	wrdreg s17  }
0x1c: {  	s12 =	sadd.s32 s12, s16;
	s9 =	sadd.s32 s6, s18;
	[dreg:$0x14] =	wrdreg s10  }
0x1d: {  	s16 =	sadd.s32 $0x3C0, s7;
	s18 =	sshrl.u32 s2, $0x3;
	[dreg:$0xd] =	wrdreg s9  }
0x1e: {  	s23 =	sadd.s32 $0x7800, s10;
	s24 =	sadd.s32 $0xA000, s10;
	[dreg:$0x19] =	wrdreg s16  }
0x1f: {  	s25 =	sadd.s32 $0xC800, s10;
	s26 =	sadd.s32 $0xF000, s10;
	[smem:$0x7F8] =	sst s23  }
0x20: {  	s29 =	sadd.s32 $0x11800, s10;
	s17 =	simm.s32 $0xA480;
	[smem:$0x7F9] =	sst s24  }
0x21: {  	s13 =	simm.s32 $0xA300;
	s12 =	sshrl.u32 s12, $0x3;
	[smem:$0x7FA] =	sst s25  }
0x22: {  	s9 =	sadd.s32 s6, s22;
	s20 =	sadd.s32 s18, s6;
	[smem:$0x7FB] =	sst s26  }
0x23: {  	s22 =	sadd.s32 $0x5000, s10;
	[smem:$0x7FC] =	sst s29;
	s23 =	simm.s32 $0xA500  }
0x24: {  	s16 =	simm.s32 $0xA200;
	s24 =	simm.s32 $0x50;
	[dreg:$0x11] =	wrdreg s9  }
0x25: {  	s25 =	simm.s32 $0xE;
	s26 =	simm.s32 $0xF;
	[dreg:$0x1e] =	wrdreg s20  }
0x26: {  	s21 =	sadd.s32 s0, s12;
	s0 =	sadd.s32 s0, s11;
	[smem:$0x7F7] =	sst s22  }
0x27: {  	s11 =	sadd.s32 $0x280, s7;
	s12 =	sadd.s32 $0x2D0, s7;
	[dreg:$0xe] =	wrdreg s21  }
0x28: {  	s7 =	sadd.s32 $0x460, s7;
	s22 =	simm.s32 $0xA400;
	[dreg:$0x15] =	wrdreg s11  }
0x29: {  	s20 =	simm.s32 $0xA100;
	s9 =	simm.s32 $0x0;
	[dreg:$0x16] =	wrdreg s12  }
.Ltmp0:
0x2a: {  	[dreg:$0x1b] =	wrdreg s7;
	s0 =	sadd.s32 $0x27000, s0;
	(pc) =	sbr.rel .LBB2_1-.Ltmp0, $4  }
0x2b: {  	s21 =	sadd.s32 $0x2800, s10;
	s11 =	sadd.s32 $0x138000, s1;
	[dreg:$0x1c] =	wrdreg s0  }
0x2c: {  	s7 =	simm.s32 $0xA180;
	s12 =	simm.s32 $0xA700;
	[smem:$0x7F6] =	sst s21  }
0x2d: {  	s0 =	sadd.s32 s18, s5;
	[smem:$0x7FD] =	sst s11;
	s18 =	simm.s32 $0x3  }
0x2e: {  	v0 =	vimm.f32 $0.0e+00;
	s21 =	simm.s32 $0x5000;
	[dreg:$0x1f] =	wrdreg s0;
	s0 =	simm.s32 $0xA080  }
.LBB2_6:
0x2f: {  	s10 =	simm.s32 $0x10  }
0x30: {  	_ =	swait.ge [sflag:s10], $0x2800  }
0x31: {  	[sflag:s10] =	ssyncset.done $0x0  }
0x32: {  	s2 =	simm.s32 $0x8;
	[sflag:s10] =	ssyncadd.s32 $0xFFFFD800  }
0x33: {  	_ =	swait.ge [sflag:s2], $0x50  }
0x34: {  	[sflag:s2] =	ssyncset.done $0x0  }
0x35: {  	[sflag:s2] =	ssyncadd.s32 $0xFFFFFFB0  }
0x36: {  	_ =	swait.ge [sflag:s2], $0x50  }
0x37: {  	s13 =	simm.s32 $0xA180;
	[sflag:s2] =	ssyncset.done $0x0  }
0x38: {  	s7 =	simm.s32 $0x7800;
	s8 =	simm.s32 $0x1;
	[sflag:s2] =	ssyncadd.s32 $0xFFFFFFB0  }
0x39: {  	[tilespmem:s7], [sflag:$0x4] =	stream.indirect.gather [hbm4b:s4+s24], $0x80, s13, s24, $0xb8;
	[tilespmem:$0x1E080] =	vst v63  }
0x3a: {  	_ =	swait.ge [sflag:s8], $0x2800  }
0x3b: {  	[sflag:s8] =	ssyncset.done $0x0  }
0x3c: {  	s22 =	simm.s32 $0xA400;
	s9 =	simm.s32 $0xD;
	[sflag:s8] =	ssyncadd.s32 $0xFFFFD800  }
0x3d: {  	[spmem:s1] =	stream.indirect.scatter.add.f32 [tilespmem:s3], [sflag:$0xD], $0x80, s22, s24, $0xb8;
	[tilespmem:$0x1E080] =	vst v63  }
0x3e: {  	_ =	swait.ge [sflag:s9], $0x2800  }
0x3f: {  	[sflag:s9] =	ssyncset.done $0x0  }
0x40: {  	s17 =	simm.s32 $0x9;
	[sflag:s9] =	ssyncadd.s32 $0xFFFFD800  }
0x41: {  	_ =	swait.ge [sflag:s17], $0x50  }
0x42: {  	[sflag:s17] =	ssyncset.done $0x0  }
0x43: {  	[sflag:s17] =	ssyncadd.s32 $0xFFFFFFB0  }
0x44: {  	_ =	swait.ge [sflag:s17], $0x50  }
0x45: {  	[sflag:s17] =	ssyncset.done $0x0  }
0x46: {  	s23 =	simm.s32 $0x2;
	[sflag:s17] =	ssyncadd.s32 $0xFFFFFFB0  }
0x47: {  	[tilespmem:s3], [sflag:$0x1] =	stream.indirect.gather [hbm4b:s4+s24], $0x80, s16, s24, $0xb8;
	[tilespmem:$0x1E080] =	vst v63  }
0x48: {  	_ =	swait.ge [sflag:s23], $0x2800  }
0x49: {  	[sflag:s23] =	ssyncset.done $0x0  }
0x4a: {  	s29 =	simm.s32 $0xE;
	s17 =	simm.s32 $0xA480;
	[sflag:s23] =	ssyncadd.s32 $0xFFFFD800  }
0x4b: {  	[spmem:s1] =	stream.indirect.scatter.add.f32 [tilespmem:s30], [sflag:$0xE], $0x80, s17, s24, $0xb8;
	[tilespmem:$0x1E080] =	vst v63  }
0x4c: {  	_ =	swait.ge [sflag:s29], $0x2800  }
0x4d: {  	[sflag:s29] =	ssyncset.done $0x0  }
0x4e: {  	s11 =	simm.s32 $0x3;
	[sflag:s29] =	ssyncadd.s32 $0xFFFFD800  }
0x4f: {  	_ =	swait.ge [sflag:s11], $0x2800  }
0x50: {  	[sflag:s11] =	ssyncset.done $0x0  }
0x51: {  	s13 =	simm.s32 $0xF;
	s23 =	simm.s32 $0xA500;
	[sflag:s11] =	ssyncadd.s32 $0xFFFFD800  }
0x52: {  	[spmem:s1] =	stream.indirect.scatter.add.f32 [tilespmem:s15], [sflag:$0xF], $0x80, s23, s24, $0xb8;
	[tilespmem:$0x1E080] =	vst v63  }
0x53: {  	_ =	swait.ge [sflag:s13], $0x2800  }
0x54: {  	[sflag:s13] =	ssyncset.done $0x0  }
0x55: {  	[sflag:s13] =	ssyncadd.s32 $0xFFFFD800  }
0x56: {  	_ =	swait.ge [sflag:s19], $0x2800  }
0x57: {  	[sflag:s19] =	ssyncset.done $0x0  }
0x58: {  	s29 =	simm.s32 $0xA580;
	[sflag:s19] =	ssyncadd.s32 $0xFFFFD800  }
0x59: {  	[spmem:s1] =	stream.indirect.scatter.add.f32 [tilespmem:s7], [sflag:$0x10], $0x80, s29, s24, $0xb8;
	[tilespmem:$0x1E080] =	vst v63  }
0x5a: {  	_ =	swait.ge [sflag:s10], $0x2800  }
0x5b: {  	[sflag:s10] =	ssyncset.done $0x0  }
0x5c: {  	[sflag:s10] =	ssyncadd.s32 $0xFFFFD800  }
0x5d: {  	_ =	swait.ge [sflag:s8], $0x2800  }
0x5e: {  	[sflag:s8] =	ssyncset.done $0x0  }
0x5f: {  	s31 =	simm.s32 $0xA600;
	[sflag:s8] =	ssyncadd.s32 $0xFFFFD800  }
0x60: {  	[spmem:s1] =	stream.indirect.scatter.add.f32 [tilespmem:s3], [sflag:$0xD], $0x80, s31, s24, $0xb8;
	[tilespmem:$0x1E080] =	vst v63  }
0x61: {  	_ =	swait.ge [sflag:s9], $0x2800  }
0x62: {  	[sflag:s9] =	ssyncset.done $0x0  }
0x63: {  	[sflag:s9] =	ssyncadd.s32 $0xFFFFD800  }
0x64: {  	s7 =	stileid.u32;
	[bflag:$0x0] =	sbarrier.arrive $0xFFFF  }
0x65: {  	s11 =	simm.s32 $0x12;
	s2 =	sshll.u32 s7, $0x6;
	s10 =	rddreg [dreg:$0x14]  }
0x66: {  	s2 =	sor.u32 $0x1C12, s2;
	s9 =	rddreg [dreg:$0xe];
	s8 =	sshrl.u32 s10, $0x3  }
0x67: {  	[hbm:s9], [sflag:s2] =	dma.local [spmem:s8], $0x2700  }
0x68: {  	_ =	swait.ge [sflag:s11], $0x2700  }
0x69: {  	[sflag:s11] =	ssyncset.done $0x0  }
0x6a: {  	[sflag:s11] =	ssyncadd.s32 $0xFFFFD900;
	s11 =	sld [smem:$0x7FD];
	_ =	sdelay $0x2  }
0x6b: {  	s8 =	rddreg [dreg:$0x1c];
	s7 =	sshrl.u32 @!p0 s11, $0x3  }
0x6c: {  	[hbm:s8], [sflag:s2] =	dma.local @!p0 [spmem:s7], $0x100  }
0x6d: {  	s2 =	simm.s32 @!p0 $0x12  }
0x6e: {  	_ =	swait.ge @!p0 [sflag:s2], $0x100  }
0x6f: {  	s13 =	sld [smem:$0x7F5];
	_ =	sdelay $0x2  }
0x70: {  	s29 =	rddreg [dreg:$0x1d];
	s9 =	sadd.s32 $0x1, s13  }
0x71: {  	p1 =	sne.s32 s9, s29  }
.Ltmp1:
0x72: {  	_ = 	snop;
	(pc) =	sbr.rel @!p1 .LBB2_7-.Ltmp1, $3  }
0x73: {  	_ =	sdelay $0x1  }
0x74: {  	s12 =	simm.s32 $0xA700;
	s8 =	simm.s32 $0xA580;
	[sflag:s2] =	ssyncset.done @!p0 $0x0  }
0x75: {  	s7 =	simm.s32 $0xA180;
	[sflag:s2] =	ssyncadd.s32 @!p0 $0xFFFFFF00;
	s13 =	simm.s32 $0xA300  }
.LBB2_1:
0x76: {  	[smem:$0x7F5] =	sst s9  }
0x77: {  	s2 =	rddreg [dreg:$0x3]  }
0x78: {  	[tilespmem:s14], [sflag:$0x5] =	stream.linear.gather [hbm4b:s2+s3], $0x50, $0x38;
	[tilespmem:$0x1E080] =	vst v63  }
0x79: {  	s9 =	rddreg [dreg:$0xf]  }
0x7a: {  	[tilespmem:s22], [sflag:$0x5] =	stream.linear.gather [hbm4b:s9+s3], $0x50, $0x38;
	[tilespmem:$0x1E080] =	vst v63  }
0x7b: {  	s29 =	rddreg [dreg:$0x4]  }
0x7c: {  	[tilespmem:s0], [sflag:$0x6] =	stream.linear.gather [hbm4b:s29+s3], $0x50, $0x38;
	[tilespmem:$0x1E080] =	vst v63  }
0x7d: {  	s9 =	rddreg [dreg:$0x5]  }
0x7e: {  	[tilespmem:s17], [sflag:$0x6] =	stream.linear.gather [hbm4b:s9+s3], $0x50, $0x38;
	[tilespmem:$0x1E080] =	vst v63  }
0x7f: {  	s22 =	rddreg [dreg:$0x6]  }
0x80: {  	[tilespmem:s20], [sflag:$0x7] =	stream.linear.gather [hbm4b:s22+s3], $0x50, $0x38;
	[tilespmem:$0x1E080] =	vst v63  }
0x81: {  	s29 =	rddreg [dreg:$0x7]  }
0x82: {  	[tilespmem:s23], [sflag:$0x7] =	stream.linear.gather [hbm4b:s29+s3], $0x50, $0x38;
	[tilespmem:$0x1E080] =	vst v63  }
0x83: {  	s9 =	rddreg [dreg:$0x8]  }
0x84: {  	[tilespmem:s7], [sflag:$0x8] =	stream.linear.gather [hbm4b:s9+s3], $0x50, $0x38;
	[tilespmem:$0x1E080] =	vst v63  }
0x85: {  	s17 =	rddreg [dreg:$0x9]  }
0x86: {  	[tilespmem:s8], [sflag:$0x8] =	stream.linear.gather [hbm4b:s17+s3], $0x50, $0x38;
	[tilespmem:$0x1E080] =	vst v63  }
0x87: {  	s22 =	rddreg [dreg:$0xa]  }
0x88: {  	[tilespmem:s16], [sflag:$0x9] =	stream.linear.gather [hbm4b:s22+s3], $0x50, $0x38;
	[tilespmem:$0x1E080] =	vst v63  }
0x89: {  	s23 =	rddreg [dreg:$0xb]  }
0x8a: {  	[tilespmem:s31], [sflag:$0x9] =	stream.linear.gather [hbm4b:s23+s3], $0x50, $0x38;
	[tilespmem:$0x1E080] =	vst v63  }
0x8b: {  	s29 =	rddreg [dreg:$0xc];
	s31 =	simm.s32 $0xA280  }
0x8c: {  	[tilespmem:s31], [sflag:$0xA] =	stream.linear.gather [hbm4b:s29+s3], $0x50, $0x38;
	[tilespmem:$0x1E080] =	vst v63  }
0x8d: {  	s9 =	simm.s32 $0xA680;
	s8 =	rddreg [dreg:$0xd]  }
0x8e: {  	[tilespmem:s9], [sflag:$0xA] =	stream.linear.gather [hbm4b:s8+s3], $0x50, $0x38;
	[tilespmem:$0x1E080] =	vst v63  }
0x8f: {  	s16 =	rddreg [dreg:$0x10]  }
0x90: {  	[tilespmem:s13], [sflag:$0xB] =	stream.linear.gather [hbm4b:s16+s3], $0x50, $0x38;
	[tilespmem:$0x1E080] =	vst v63  }
0x91: {  	s17 =	rddreg [dreg:$0x11]  }
0x92: {  	[tilespmem:s12], [sflag:$0xB] =	stream.linear.gather [hbm4b:s17+s3], $0x50, $0x38;
	[tilespmem:$0x1E080] =	vst v63  }
0x93: {  	s2 =	simm.s32 $0x0;
	s22 =	rddreg [dreg:$0x12];
	s23 =	simm.s32 $0xA380  }
0x94: {  	[tilespmem:s23], [sflag:$0xC] =	stream.linear.gather [hbm4b:s22+s3], $0x50, $0x38;
	[tilespmem:$0x1E080] =	vst v63  }
0x95: {  	s7 =	simm.s32 $0x200;
	s29 =	rddreg [dreg:$0x13];
	s31 =	simm.s32 $0xA780  }
0x96: {  	[tilespmem:s31], [sflag:$0xC] =	stream.linear.gather [hbm4b:s29+s3], $0x50, $0x38;
	[tilespmem:$0x1E080] =	vst v63  }
.LBB2_2:
0x97: {  	p1 =	sne.s32 s7, $0x9E00;
	[tilespmem:s2+$0x70] =	vst v0  }
0x98: {  	[tilespmem:s2+$0x0] =	vst v0  }
0x99: {  	[tilespmem:s2+$0x10] =	vst v0  }
.Ltmp2:
0x9a: {  	[tilespmem:s2+$0x20] =	vst v0;
	(pc) =	sbr.rel @p1 .LBB2_2-.Ltmp2, $4  }
0x9b: {  	[tilespmem:s2+$0x30] =	vst v0  }
0x9c: {  	[tilespmem:s2+$0x40] =	vst v0  }
0x9d: {  	[tilespmem:s2+$0x50] =	vst v0  }
0x9e: {  	[tilespmem:s2+$0x60] =	vst v0;
	s2 =	sshra.s32 s7, $0x2;
	s7 =	sadd.s32 $0x200, s7  }
0x9f: {  	[tilespmem:s2+$0x70] =	vst v0  }
0xa0: {  	[tilespmem:s2+$0x0] =	vst v0  }
0xa1: {  	[tilespmem:s2+$0x10] =	vst v0  }
0xa2: {  	[tilespmem:s2+$0x20] =	vst v0  }
0xa3: {  	[tilespmem:s2+$0x30] =	vst v0  }
0xa4: {  	[tilespmem:s2+$0x40] =	vst v0  }
0xa5: {  	[tilespmem:s2+$0x50] =	vst v0  }
0xa6: {  	[tilespmem:s2+$0x60] =	vst v0;
	s31 =	sld [smem:$0x7F6]  }
0xa7: {  	[spmem:s10] =	stream.linear.scatter [tilespmem:s3], [sflag:$0x11], $0x2800, $0x38;
	[tilespmem:$0x1E080] =	vst v63  }
0xa8: {  	s7 =	sld [smem:$0x7F7]  }
0xa9: {  	[spmem:s31] =	stream.linear.scatter [tilespmem:s3], [sflag:$0x11], $0x2800, $0x38;
	[tilespmem:$0x1E080] =	vst v63  }
0xaa: {  	s8 =	sld [smem:$0x7F8]  }
0xab: {  	[spmem:s7] =	stream.linear.scatter [tilespmem:s3], [sflag:$0x11], $0x2800, $0x38;
	[tilespmem:$0x1E080] =	vst v63  }
0xac: {  	s9 =	sld [smem:$0x7F9]  }
0xad: {  	[spmem:s8] =	stream.linear.scatter [tilespmem:s3], [sflag:$0x11], $0x2800, $0x38;
	[tilespmem:$0x1E080] =	vst v63  }
0xae: {  	s10 =	sld [smem:$0x7FA]  }
0xaf: {  	[spmem:s9] =	stream.linear.scatter [tilespmem:s3], [sflag:$0x11], $0x2800, $0x38;
	[tilespmem:$0x1E080] =	vst v63  }
0xb0: {  	s12 =	sld [smem:$0x7FB]  }
0xb1: {  	[spmem:s10] =	stream.linear.scatter [tilespmem:s3], [sflag:$0x11], $0x2800, $0x38;
	[tilespmem:$0x1E080] =	vst v63  }
0xb2: {  	s16 =	sld [smem:$0x7FC]  }
0xb3: {  	[spmem:s12] =	stream.linear.scatter [tilespmem:s3], [sflag:$0x11], $0x2800, $0x38;
	[tilespmem:$0x1E080] =	vst v63  }
0xb4: {  	_ = 	snop  }
0xb5: {  	[spmem:s16] =	stream.linear.scatter [tilespmem:s3], [sflag:$0x11], $0x2000, $0x38;
	[tilespmem:$0x1E080] =	vst v63  }
0xb6: {  	s2 =	simm.s32 @!p0 $0x0;
	s17 =	simm.s32 $0x11  }
0xb7: {  	[spmem:s11] =	stream.linear.scatter @!p0 [tilespmem:s2], [sflag:$0x11], $0x800, $0x38;
	[tilespmem:$0x1E080] =	vst v63  }
0xb8: {  	_ =	swait.ge [sflag:s17], $0x2800  }
0xb9: {  	[sflag:s17] =	ssyncset.done $0x0  }
0xba: {  	[sflag:s17] =	ssyncadd.s32 $0xFFFFD800  }
0xbb: {  	_ =	swait.ge [sflag:s17], $0x2800  }
0xbc: {  	[sflag:s17] =	ssyncset.done $0x0  }
0xbd: {  	[sflag:s17] =	ssyncadd.s32 $0xFFFFD800  }
0xbe: {  	_ =	swait.ge [sflag:s17], $0x2800  }
0xbf: {  	[sflag:s17] =	ssyncset.done $0x0  }
0xc0: {  	[sflag:s17] =	ssyncadd.s32 $0xFFFFD800  }
0xc1: {  	_ =	swait.ge [sflag:s17], $0x2800  }
0xc2: {  	[sflag:s17] =	ssyncset.done $0x0  }
0xc3: {  	[sflag:s17] =	ssyncadd.s32 $0xFFFFD800  }
0xc4: {  	_ =	swait.ge [sflag:s17], $0x2800  }
0xc5: {  	[sflag:s17] =	ssyncset.done $0x0  }
0xc6: {  	[sflag:s17] =	ssyncadd.s32 $0xFFFFD800  }
0xc7: {  	_ =	swait.ge [sflag:s17], $0x2800  }
0xc8: {  	[sflag:s17] =	ssyncset.done $0x0  }
0xc9: {  	[sflag:s17] =	ssyncadd.s32 $0xFFFFD800  }
0xca: {  	_ =	swait.ge [sflag:s17], $0x2800  }
0xcb: {  	[sflag:s17] =	ssyncset.done $0x0  }
0xcc: {  	[sflag:s17] =	ssyncadd.s32 $0xFFFFD800  }
0xcd: {  	_ =	swait.ge [sflag:s17], $0x2000  }
0xce: {  	[sflag:s17] =	ssyncset.done $0x0  }
0xcf: {  	s2 =	simm.s32 @!p0 $0x11;
	[sflag:s17] =	ssyncadd.s32 $0xFFFFE000  }
0xd0: {  	_ =	swait.ge @!p0 [sflag:s2], $0x800  }
0xd1: {  	[sflag:s2] =	ssyncset.done @!p0 $0x0  }
0xd2: {  	s22 =	simm.s32 $0x5;
	[sflag:s2] =	ssyncadd.s32 @!p0 $0xFFFFF800  }
0xd3: {  	_ =	swait.ge [sflag:s22], $0x50  }
0xd4: {  	[sflag:s22] =	ssyncset.done $0x0  }
0xd5: {  	[sflag:s22] =	ssyncadd.s32 $0xFFFFFFB0  }
0xd6: {  	_ =	swait.ge [sflag:s22], $0x50  }
0xd7: {  	[sflag:s22] =	ssyncset.done $0x0  }
0xd8: {  	s23 =	simm.s32 $0x6;
	s7 =	simm.s32 $0x0;
	[sflag:s22] =	ssyncadd.s32 $0xFFFFFFB0  }
0xd9: {  	[tilespmem:s7], [sflag:$0x1] =	stream.indirect.gather [hbm4b:s4+s24], $0x80, s14, s24, $0xb8;
	[tilespmem:$0x1E080] =	vst v63  }
0xda: {  	_ =	swait.ge [sflag:s23], $0x50  }
0xdb: {  	[sflag:s23] =	ssyncset.done $0x0  }
0xdc: {  	[sflag:s23] =	ssyncadd.s32 $0xFFFFFFB0  }
0xdd: {  	_ =	swait.ge [sflag:s23], $0x50  }
0xde: {  	[sflag:s23] =	ssyncset.done $0x0  }
0xdf: {  	s31 =	simm.s32 $0x7;
	[sflag:s23] =	ssyncadd.s32 $0xFFFFFFB0  }
0xe0: {  	[tilespmem:s30], [sflag:$0x2] =	stream.indirect.gather [hbm4b:s4+s24], $0x80, s0, s24, $0xb8;
	[tilespmem:$0x1E080] =	vst v63  }
0xe1: {  	_ =	swait.ge [sflag:s31], $0x50  }
0xe2: {  	[sflag:s31] =	ssyncset.done $0x0  }
0xe3: {  	[sflag:s31] =	ssyncadd.s32 $0xFFFFFFB0  }
0xe4: {  	_ =	swait.ge [sflag:s31], $0x50  }
0xe5: {  	[sflag:s31] =	ssyncset.done $0x0  }
0xe6: {  	[sflag:s31] =	ssyncadd.s32 $0xFFFFFFB0  }
0xe7: {  	[tilespmem:s15], [sflag:$0x3] =	stream.indirect.gather [hbm4b:s4+s24], $0x80, s20, s24, $0xb8;
	[tilespmem:$0x1E080] =	vst v63  }
0xe8: {  	[bflag:$0x0] =	sbarrier.arrive $0xFFFF  }
0xe9: {  	s23 =	rddreg [dreg:$0x1f]  }
0xea: {  	s29 =	simm.s32 $0xA700;
	s2 =	rddreg [dreg:$0x1e]  }
.LBB2_4:
0xeb: {  	p1 =	seq.s32 s7, $0x0  }
0xec: {  	s22 =	simm.s32 @!p1 $0x10  }
0xed: {  	_ =	swait.ge @!p1 [sflag:s22], $0x2800  }
0xee: {  	[sflag:s22] =	ssyncset.done @!p1 $0x0  }
0xef: {  	s0 =	simm.s32 $0x8;
	[sflag:s22] =	ssyncadd.s32 @!p1 $0xFFFFD800  }
0xf0: {  	_ =	swait.ge [sflag:s0], $0x50  }
0xf1: {  	[sflag:s0] =	ssyncset.done $0x0  }
0xf2: {  	[sflag:s0] =	ssyncadd.s32 $0xFFFFFFB0  }
0xf3: {  	_ =	swait.ge [sflag:s0], $0x50  }
0xf4: {  	s16 =	simm.s32 $0xA180;
	[sflag:s0] =	ssyncset.done $0x0  }
0xf5: {  	s9 =	simm.s32 $0x7800;
	s12 =	simm.s32 $0x1;
	[sflag:s0] =	ssyncadd.s32 $0xFFFFFFB0  }
0xf6: {  	[tilespmem:s9], [sflag:$0x4] =	stream.indirect.gather [hbm4b:s4+s24], $0x80, s16, s24, $0xb8;
	[tilespmem:$0x1E080] =	vst v63  }
0xf7: {  	_ =	swait.ge [sflag:s12], $0x2800  }
0xf8: {  	[sflag:s12] =	ssyncset.done $0x0  }
0xf9: {  	s14 =	simm.s32 $0xA400;
	[sflag:s12] =	ssyncadd.s32 $0xFFFFD800  }
0xfa: {  	[spmem:s1] =	stream.indirect.scatter.add.f32 [tilespmem:s3], [sflag:$0xD], $0x80, s14, s24, $0xb8;
	[tilespmem:$0x1E080] =	vst v63  }
0xfb: {  	s10 =	simm.s32 @!p1 $0xA380;
	s22 =	simm.s32 @!p1 $0x0  }
0xfc: {  	[tilespmem:s10], [sflag:$0xC] =	stream.linear.gather @!p1 [hbm4b:s23+s22], $0x50, $0x38;
	[tilespmem:$0x1E080] =	vst v63  }
0xfd: {  	s10 =	simm.s32 @!p1 $0xA780  }
0xfe: {  	[tilespmem:s10], [sflag:$0xC] =	stream.linear.gather @!p1 [hbm4b:s2+s22], $0x50, $0x38;
	[tilespmem:$0x1E080] =	vst v63  }
0xff: {  	_ =	swait.ge [sflag:s28], $0x2800  }
0x100: {  	[sflag:s28] =	ssyncset.done $0x0  }
0x101: {  	s22 =	simm.s32 $0x9;
	[sflag:s28] =	ssyncadd.s32 $0xFFFFD800  }
0x102: {  	_ =	swait.ge [sflag:s22], $0x50  }
0x103: {  	[sflag:s22] =	ssyncset.done $0x0  }
0x104: {  	[sflag:s22] =	ssyncadd.s32 $0xFFFFFFB0  }
0x105: {  	_ =	swait.ge [sflag:s22], $0x50  }
0x106: {  	[sflag:s22] =	ssyncset.done $0x0  }
0x107: {  	s31 =	simm.s32 $0xA200;
	s30 =	simm.s32 $0x2;
	[sflag:s22] =	ssyncadd.s32 $0xFFFFFFB0  }
0x108: {  	[tilespmem:s3], [sflag:$0x1] =	stream.indirect.gather [hbm4b:s4+s24], $0x80, s31, s24, $0xb8;
	[tilespmem:$0x1E080] =	vst v63  }
0x109: {  	s15 =	simm.s32 $0x2800;
	s22 =	smov.u32 s7;
	_ =	swait.ge [sflag:s30], $0x2800  }
0x10a: {  	s22 =	simm.s32 @p1 $0x0;
	[sflag:s30] =	ssyncset.done $0x0;
	s8 =	rddreg [dreg:$0x15]  }
0x10b: {  	s0 =	simm.s32 $0xA480;
	[sflag:s30] =	ssyncadd.s32 $0xFFFFD800;
	s8 =	sadd.s32 s22, s8  }
0x10c: {  	[spmem:s1] =	stream.indirect.scatter.add.f32 [tilespmem:s15], [sflag:$0xE], $0x80, s0, s24, $0xb8;
	[tilespmem:$0x1E080] =	vst v63  }
0x10d: {  	s10 =	sshrl.u32 s8, $0x3  }
0x10e: {  	s20 =	simm.s32 $0xA000;
	s11 =	sadd.s32 s5, s10  }
0x10f: {  	[tilespmem:s20], [sflag:$0x5] =	stream.linear.gather [hbm4b:s11+s3], $0x50, $0x38;
	[tilespmem:$0x1E080] =	vst v63  }
0x110: {  	s10 =	sadd.s32 s6, s10  }
0x111: {  	[tilespmem:s14], [sflag:$0x5] =	stream.linear.gather [hbm4b:s10+s3], $0x50, $0x38;
	[tilespmem:$0x1E080] =	vst v63  }
0x112: {  	_ =	swait.ge [sflag:s25], $0x2800  }
0x113: {  	[sflag:s25] =	ssyncset.done $0x0  }
0x114: {  	s11 =	simm.s32 $0xA;
	[sflag:s25] =	ssyncadd.s32 $0xFFFFD800  }
0x115: {  	_ =	swait.ge [sflag:s11], $0x50  }
0x116: {  	[sflag:s11] =	ssyncset.done $0x0  }
0x117: {  	[sflag:s11] =	ssyncadd.s32 $0xFFFFFFB0  }
0x118: {  	_ =	swait.ge [sflag:s11], $0x50  }
0x119: {  	[sflag:s11] =	ssyncset.done $0x0  }
0x11a: {  	s14 =	simm.s32 $0xA280;
	[sflag:s11] =	ssyncadd.s32 $0xFFFFFFB0  }
0x11b: {  	[tilespmem:s15], [sflag:$0x2] =	stream.indirect.gather [hbm4b:s4+s24], $0x80, s14, s24, $0xb8;
	[tilespmem:$0x1E080] =	vst v63  }
0x11c: {  	_ =	swait.ge [sflag:s18], $0x2800  }
0x11d: {  	[sflag:s18] =	ssyncset.done $0x0;
	s17 =	rddreg [dreg:$0x16]  }
0x11e: {  	s14 =	simm.s32 $0xA500;
	[sflag:s18] =	ssyncadd.s32 $0xFFFFD800;
	s31 =	sadd.s32 s22, s17  }
0x11f: {  	[spmem:s1] =	stream.indirect.scatter.add.f32 [tilespmem:s21], [sflag:$0xF], $0x80, s14, s24, $0xb8;
	[tilespmem:$0x1E080] =	vst v63  }
0x120: {  	s10 =	sshrl.u32 s31, $0x3  }
0x121: {  	s17 =	simm.s32 $0xA080;
	s8 =	sadd.s32 s5, s10  }
0x122: {  	[tilespmem:s17], [sflag:$0x6] =	stream.linear.gather [hbm4b:s8+s3], $0x50, $0x38;
	[tilespmem:$0x1E080] =	vst v63  }
0x123: {  	s10 =	sadd.s32 s6, s10  }
0x124: {  	[tilespmem:s0], [sflag:$0x6] =	stream.linear.gather [hbm4b:s10+s3], $0x50, $0x38;
	[tilespmem:$0x1E080] =	vst v63  }
0x125: {  	_ =	swait.ge [sflag:s26], $0x2800  }
0x126: {  	[sflag:s26] =	ssyncset.done $0x0  }
0x127: {  	s11 =	simm.s32 $0xB;
	[sflag:s26] =	ssyncadd.s32 $0xFFFFD800  }
0x128: {  	_ =	swait.ge [sflag:s11], $0x50  }
0x129: {  	[sflag:s11] =	ssyncset.done $0x0  }
0x12a: {  	[sflag:s11] =	ssyncadd.s32 $0xFFFFFFB0  }
0x12b: {  	_ =	swait.ge [sflag:s11], $0x50  }
0x12c: {  	[sflag:s11] =	ssyncset.done $0x0  }
0x12d: {  	[sflag:s11] =	ssyncadd.s32 $0xFFFFFFB0  }
0x12e: {  	[tilespmem:s21], [sflag:$0x3] =	stream.indirect.gather [hbm4b:s4+s24], $0x80, s13, s24, $0xb8;
	[tilespmem:$0x1E080] =	vst v63  }
0x12f: {  	_ =	swait.ge [sflag:s19], $0x2800  }
0x130: {  	[sflag:s19] =	ssyncset.done $0x0;
	s13 =	rddreg [dreg:$0x17]  }
0x131: {  	s0 =	simm.s32 $0xA580;
	[sflag:s19] =	ssyncadd.s32 $0xFFFFD800;
	s31 =	sadd.s32 s22, s13  }
0x132: {  	[spmem:s1] =	stream.indirect.scatter.add.f32 [tilespmem:s9], [sflag:$0x10], $0x80, s0, s24, $0xb8;
	[tilespmem:$0x1E080] =	vst v63  }
0x133: {  	s10 =	sshrl.u32 s31, $0x3  }
0x134: {  	s31 =	simm.s32 $0xA100;
	s8 =	sadd.s32 s5, s10  }
0x135: {  	[tilespmem:s31], [sflag:$0x7] =	stream.linear.gather [hbm4b:s8+s3], $0x50, $0x38;
	[tilespmem:$0x1E080] =	vst v63  }
0x136: {  	s13 =	simm.s32 $0x10;
	s10 =	sadd.s32 s6, s10  }
0x137: {  	[tilespmem:s14], [sflag:$0x7] =	stream.linear.gather [hbm4b:s10+s3], $0x50, $0x38;
	[tilespmem:$0x1E080] =	vst v63  }
0x138: {  	_ =	swait.ge [sflag:s13], $0x2800  }
0x139: {  	[sflag:s13] =	ssyncset.done $0x0  }
0x13a: {  	s14 =	simm.s32 $0xC;
	[sflag:s13] =	ssyncadd.s32 $0xFFFFD800  }
0x13b: {  	_ =	swait.ge [sflag:s14], $0x50  }
0x13c: {  	[sflag:s14] =	ssyncset.done $0x0  }
0x13d: {  	[sflag:s14] =	ssyncadd.s32 $0xFFFFFFB0  }
0x13e: {  	_ =	swait.ge [sflag:s14], $0x50  }
0x13f: {  	[sflag:s14] =	ssyncset.done $0x0  }
0x140: {  	s10 =	simm.s32 $0xA380;
	[sflag:s14] =	ssyncadd.s32 $0xFFFFFFB0  }
0x141: {  	[tilespmem:s9], [sflag:$0x4] =	stream.indirect.gather [hbm4b:s4+s24], $0x80, s10, s24, $0xb8;
	[tilespmem:$0x1E080] =	vst v63  }
0x142: {  	_ =	swait.ge [sflag:s12], $0x2800  }
0x143: {  	[sflag:s12] =	ssyncset.done $0x0;
	s11 =	rddreg [dreg:$0x18]  }
0x144: {  	s13 =	simm.s32 $0xA600;
	[sflag:s12] =	ssyncadd.s32 $0xFFFFD800;
	s14 =	sadd.s32 s22, s11  }
0x145: {  	[spmem:s1] =	stream.indirect.scatter.add.f32 [tilespmem:s3], [sflag:$0xD], $0x80, s13, s24, $0xb8;
	[tilespmem:$0x1E080] =	vst v63  }
0x146: {  	s10 =	sshrl.u32 s14, $0x3  }
0x147: {  	s8 =	sadd.s32 s5, s10  }
0x148: {  	[tilespmem:s16], [sflag:$0x8] =	stream.linear.gather [hbm4b:s8+s3], $0x50, $0x38;
	[tilespmem:$0x1E080] =	vst v63  }
0x149: {  	s10 =	sadd.s32 s6, s10  }
0x14a: {  	[tilespmem:s0], [sflag:$0x8] =	stream.linear.gather [hbm4b:s10+s3], $0x50, $0x38;
	[tilespmem:$0x1E080] =	vst v63  }
0x14b: {  	_ =	swait.ge [sflag:s28], $0x2800  }
0x14c: {  	[sflag:s28] =	ssyncset.done $0x0  }
0x14d: {  	s10 =	simm.s32 $0x5;
	[sflag:s28] =	ssyncadd.s32 $0xFFFFD800  }
0x14e: {  	_ =	swait.ge [sflag:s10], $0x50  }
0x14f: {  	[sflag:s10] =	ssyncset.done $0x0  }
0x150: {  	[sflag:s10] =	ssyncadd.s32 $0xFFFFFFB0  }
0x151: {  	_ =	swait.ge [sflag:s10], $0x50  }
0x152: {  	[sflag:s10] =	ssyncset.done $0x0  }
0x153: {  	[sflag:s10] =	ssyncadd.s32 $0xFFFFFFB0  }
0x154: {  	[tilespmem:s3], [sflag:$0x1] =	stream.indirect.gather [hbm4b:s4+s24], $0x80, s20, s24, $0xb8;
	[tilespmem:$0x1E080] =	vst v63  }
0x155: {  	_ =	swait.ge [sflag:s30], $0x2800  }
0x156: {  	[sflag:s30] =	ssyncset.done $0x0;
	s20 =	rddreg [dreg:$0x19]  }
0x157: {  	s11 =	simm.s32 $0xA680;
	[sflag:s30] =	ssyncadd.s32 $0xFFFFD800;
	s0 =	sadd.s32 s22, s20  }
0x158: {  	[spmem:s1] =	stream.indirect.scatter.add.f32 [tilespmem:s15], [sflag:$0xE], $0x80, s11, s24, $0xb8;
	[tilespmem:$0x1E080] =	vst v63  }
0x159: {  	s10 =	sshrl.u32 s0, $0x3  }
0x15a: {  	s16 =	simm.s32 $0xA200;
	s8 =	sadd.s32 s5, s10  }
0x15b: {  	[tilespmem:s16], [sflag:$0x9] =	stream.linear.gather [hbm4b:s8+s3], $0x50, $0x38;
	[tilespmem:$0x1E080] =	vst v63  }
0x15c: {  	s10 =	sadd.s32 s6, s10  }
0x15d: {  	[tilespmem:s13], [sflag:$0x9] =	stream.linear.gather [hbm4b:s10+s3], $0x50, $0x38;
	[tilespmem:$0x1E080] =	vst v63  }
0x15e: {  	_ =	swait.ge [sflag:s25], $0x2800  }
0x15f: {  	[sflag:s25] =	ssyncset.done $0x0  }
0x160: {  	s20 =	simm.s32 $0x6;
	[sflag:s25] =	ssyncadd.s32 $0xFFFFD800  }
0x161: {  	_ =	swait.ge [sflag:s20], $0x50  }
0x162: {  	[sflag:s20] =	ssyncset.done $0x0  }
0x163: {  	[sflag:s20] =	ssyncadd.s32 $0xFFFFFFB0  }
0x164: {  	_ =	swait.ge [sflag:s20], $0x50  }
0x165: {  	[sflag:s20] =	ssyncset.done $0x0  }
0x166: {  	[sflag:s20] =	ssyncadd.s32 $0xFFFFFFB0  }
0x167: {  	[tilespmem:s15], [sflag:$0x2] =	stream.indirect.gather [hbm4b:s4+s24], $0x80, s17, s24, $0xb8;
	[tilespmem:$0x1E080] =	vst v63  }
0x168: {  	_ =	swait.ge [sflag:s18], $0x2800  }
0x169: {  	p1 =	seq.s32 s7, $0x2300;
	[sflag:s18] =	ssyncset.done $0x0;
	s8 =	rddreg [dreg:$0x1a]  }
0x16a: {  	[sflag:s18] =	ssyncadd.s32 $0xFFFFD800;
	s10 =	sadd.s32 @!p1 s22, s8  }
0x16b: {  	[spmem:s1] =	stream.indirect.scatter.add.f32 [tilespmem:s21], [sflag:$0xF], $0x80, s29, s24, $0xb8;
	[tilespmem:$0x1E080] =	vst v63  }
0x16c: {  	s10 =	sshrl.u32 @!p1 s10, $0x3  }
0x16d: {  	s20 =	simm.s32 @!p1 $0x0;
	s8 =	simm.s32 @!p1 $0xA280;
	s11 =	sadd.s32 @!p1 s5, s10  }
0x16e: {  	[tilespmem:s8], [sflag:$0xA] =	stream.linear.gather @!p1 [hbm4b:s11+s20], $0x50, $0x38;
	[tilespmem:$0x1E080] =	vst v63  }
0x16f: {  	s8 =	sadd.s32 @!p1 s6, s10;
	s10 =	simm.s32 @!p1 $0xA680  }
0x170: {  	[tilespmem:s10], [sflag:$0xA] =	stream.linear.gather @!p1 [hbm4b:s8+s20], $0x50, $0x38;
	[tilespmem:$0x1E080] =	vst v63  }
0x171: {  	_ =	swait.ge [sflag:s26], $0x2800  }
0x172: {  	[sflag:s26] =	ssyncset.done $0x0  }
0x173: {  	s29 =	simm.s32 $0x7;
	[sflag:s26] =	ssyncadd.s32 $0xFFFFD800  }
0x174: {  	_ =	swait.ge [sflag:s29], $0x50  }
0x175: {  	[sflag:s29] =	ssyncset.done $0x0  }
0x176: {  	[sflag:s29] =	ssyncadd.s32 $0xFFFFFFB0  }
0x177: {  	_ =	swait.ge [sflag:s29], $0x50  }
0x178: {  	[sflag:s29] =	ssyncset.done $0x0  }
0x179: {  	[sflag:s29] =	ssyncadd.s32 $0xFFFFFFB0  }
0x17a: {  	[tilespmem:s21], [sflag:$0x3] =	stream.indirect.gather [hbm4b:s4+s24], $0x80, s31, s24, $0xb8;
	[tilespmem:$0x1E080] =	vst v63  }
.Ltmp3:
0x17b: {  	s12 =	simm.s32 $0xA300;
	s14 =	simm.s32 $0xA000;
	(pc) =	sbr.rel @p1 .LBB2_6-.Ltmp3, $4  }
0x17c: {  	s30 =	simm.s32 $0x2800;
	s0 =	simm.s32 $0xA080;
	_ =	swait.ge [sflag:s19], $0x2800  }
0x17d: {  	s15 =	simm.s32 $0x5000;
	s11 =	simm.s32 $0xA700;
	[sflag:s19] =	ssyncset.done $0x0  }
0x17e: {  	s20 =	simm.s32 $0xA100;
	s31 =	simm.s32 $0xA780;
	[sflag:s19] =	ssyncadd.s32 $0xFFFFD800  }
0x17f: {  	[spmem:s1] =	stream.indirect.scatter.add.f32 [tilespmem:s9], [sflag:$0x10], $0x80, s31, s24, $0xb8;
	[tilespmem:$0x1E080] =	vst v63  }
0x180: {  	s8 =	rddreg [dreg:$0x1b]  }
0x181: {  	s8 =	sadd.s32 s22, s8  }
.Ltmp4:
0x182: {  	s7 =	sadd.s32 $0x280, s7;
	s8 =	sshrl.u32 s8, $0x3;
	(pc) =	sbr.rel .LBB2_4-.Ltmp4, $4  }
0x183: {  	s2 =	sadd.s32 $0x50, s2;
	s23 =	sadd.s32 $0x50, s23;
	s10 =	sadd.s32 s5, s8  }
0x184: {  	[tilespmem:s12], [sflag:$0xB] =	stream.linear.gather [hbm4b:s10+s3], $0x50, $0x38;
	[tilespmem:$0x1E080] =	vst v63  }
0x185: {  	s29 =	simm.s32 $0xA700;
	s13 =	simm.s32 $0xA300;
	s8 =	sadd.s32 s6, s8  }
0x186: {  	[tilespmem:s11], [sflag:$0xB] =	stream.linear.gather [hbm4b:s8+s3], $0x50, $0x38;
	[tilespmem:$0x1E080] =	vst v63  }
.LBB2_7:
0x187: {  	_ =	sfence.sel $0x180000  }
0x188: {  	[bflag:$0x0] =	sbarrier.arrive $0xFFFF  }
0x189: {  	_ =	strace $0x9000004A  }
0x18a: {  	s0 =	stileid.u32;
	[bflag:$0x2] =	sbarrier.arrive $0xFFFF  }
0x18b: {  	p0 =	sne.s32 s0, $0x0;
	s0 =	rddreg [dreg:$0x2]  }
0x18c: {  	s0 =	sadd.s32 @!p0 $0x100000, s0  }
0x18d: {  	[sflag:s0] =	ssyncadd.tile.s32 @!p0 $0x1;
	_ =	shalt  }
.Lfunc_end2:
_tile_overlayer_lowered:
.L_overlay_start_2:
0x18e: {  	(tag) =	ssettag $0x2  }
0x18f: {  	s0 =	rddreg [dreg:$0x0];
	s2 =	stileid.u32  }
0x190: {  	s1 =	rddreg [dreg:$0x1];
	p0 =	sne.s32 s2, $0x0  }
0x191: {  	s3 =	rddreg [dreg:$0x2];
	[bflag:$0x3] =	sbarrier.arrive $0xFFFF;
	s2 =	simm.s32 @!p0 $0x1C12  }
0x192: {  	[timem:s3], [sflag:s2] =	dma.local @!p0 [hbm:s0], s1  }
0x193: {  	s0 =	simm.s32 @!p0 $0x12  }
0x194: {  	_ =	swait.ge @!p0 [sflag:s0], s1  }
0x195: {  	s1 =	ssub.s32 @!p0 $0x0, s1;
	[sflag:s0] =	ssyncset.done @!p0 $0x0  }
0x196: {  	[sflag:s0] =	ssyncadd.s32 @!p0 s1  }
0x197: {  	[bflag:$0x3] =	sbarrier.arrive $0xFFFF  }
0x198: {  	_ =	shalt  }

// kernel: kernel.14.cloned.1.call-start
scs
__scs_entry_jumppad:
0x0: {  	(pc) =	sbr.rel $0x88, $3  }
0x1: {  	(tag) =	ssettag $0x0;
	lr =	simm.s32 $0x1  }
0x2: {  	[smem:$0x3F88] =	sst lr;
	_ =	strace $0xD0000000  }
0x3: {  	_ = 	snop  }
0x4: {  	_ = 	snop  }
0x5: {  	_ = 	snop  }
0x6: {  	_ = 	snop  }
0x7: {  	_ = 	snop  }
__scs_overlays_trampoline_lowered:
0x8: {  	[smem:$0x3F97] =	sst s0  }
0x9: {  	[smem:$0x3F98] =	sst s1  }
0xa: {  	[smem:$0x3F99] =	sst s2  }
0xb: {  	[smem:$0x3F9A] =	sst s3  }
0xc: {  	[smem:$0x3F9B] =	sst s4  }
0xd: {  	[smem:$0x3F9C] =	sst s5  }
0xe: {  	[smem:$0x3F9D] =	sst s6  }
0xf: {  	[smem:$0x3F9E] =	sst s7  }
0x10: {  	[smem:$0x3F9F] =	sst s8  }
0x11: {  	[smem:$0x3FA0] =	sst s9;
	s0 =	simm.s32 @!p0 $0x0  }
0x12: {  	s1 =	sld [smem:$0x3F86];
	s0 =	simm.s32 @p0 $0x1  }
0x13: {  	[smem:$0x3FA1] =	sst s0;
	s0 =	simm.s32 @!p1 $0x0  }
0x14: {  	s2 =	sld [smem:$0x3F85];
	s0 =	simm.s32 @p1 $0x1  }
0x15: {  	[smem:$0x3FA2] =	sst s0;
	s0 =	simm.s32 @!p2 $0x0  }
0x16: {  	s3 =	sld [smem:$0x3FDB];
	s0 =	simm.s32 @p2 $0x1  }
0x17: {  	s4 =	simm.s32 $0x1BF5;
	[smem:$0x3FA4] =	sst s0  }
0x18: {  	s0 =	sld [smem:$0x3F87];
	_ =	swait.ge [sflag:s4], $0x0  }
0x19: {  	s7 =	sld [smem:$0x3F88]  }
0x1a: {  	s8 =	sadd.s32 $0xFFFFE003, lr  }
0x1b: {  	s9 =	sadd.s32 $0xFFFFFEF7, lr;
	s5 =	simm.s32 $0xFFFFFFFF;
	p2 =	slt.u32 s8, $0xFFFFF086  }
0x1c: {  	p1 =	slt.u32 s9, $0xF7A;
	s5 =	simm.s32 @!p2 $0x0  }
0x1d: {  	s5 =	simm.s32 @p1 $0x1;
	p0 =	seq.s32 s7, s2  }
0x1e: {  	s7 =	smul.u32 @!p0 $0xF7A, s2;
	p2 =	seq.s32 @!p0 s5, $0x0  }
0x1f: {  	s9 =	smul.u32 $0xF7A, s1;
	s8 =	simm.s32 @!p0 $0x1BF5;
	p2 =	por !p2, p0  }
0x20: {  	[sflag:s8] =	ssyncset.s32 @!p0 $0xFFFFF086;
	s6 =	sadd.s32 @!p0 s3, s7;
	s7 =	simm.s32 @!p0 $0x108  }
0x21: {  	s3 =	sadd.s32 s3, s9;
	s6 =	sadd.s32 @!p0 $0x88, s6;
	s7 =	simm.s32 @p2 $0x1082  }
0x22: {  	[simem:s7], [sflag:s8] =	dma.local @!p0 [hbm:s6], $0xF7A  }
0x23: {  	s9 =	sor.u32 $0xD0000000, s2;
	s6 =	simm.s32 $0x108;
	_ =	swait.ge @!p0 [sflag:s8], $0x0  }
0x24: {  	s3 =	sadd.s32 $0x88, s3;
	s6 =	simm.s32 @!p1 $0x1082;
	[sflag:s4] =	ssyncset.s32 $0xFFFFF086  }
0x25: {  	[simem:s6], [sflag:s4] =	dma.local [hbm:s3], $0xF7A  }
0x26: {  	[smem:$0x3F88] =	sst s1;
	(tag) =	ssettag s2;
	_ =	strace s9  }
0x27: {  	s1 =	sld [smem:$0x3F98]  }
0x28: {  	s2 =	sld [smem:$0x3F99]  }
0x29: {  	s4 =	sld [smem:$0x3F9B]  }
0x2a: {  	p0 =	seq.s32 s5, $0x0;
	s5 =	sld [smem:$0x3F9C]  }
0x2b: {  	s6 =	sld [smem:$0x3F9D]  }
0x2c: {  	s7 =	sld [smem:$0x3F9E]  }
0x2d: {  	s3 =	simm.s32 $0x108;
	s8 =	sld [smem:$0x3F9F]  }
0x2e: {  	s3 =	simm.s32 @!p0 $0x1082;
	s9 =	sld [smem:$0x3FA0]  }
0x2f: {  	lr =	sadd.s32 s0, s3;
	s0 =	sld [smem:$0x3F97]  }
0x30: {  	s3 =	sld [smem:$0x3F9A]  }
0x31: {  	[smem:$0x3FA3] =	sst s10  }
0x32: {  	s10 =	sld [smem:$0x3FA1];
	_ =	sdelay $0x3  }
0x33: {  	p0 =	seq.s32 s10, $0x1;
	s10 =	sld [smem:$0x3FA3];
	_ =	sdelay $0x3  }
0x34: {  	[smem:$0x3FA3] =	sst s10  }
0x35: {  	s10 =	sld [smem:$0x3FA2];
	_ =	sdelay $0x3  }
0x36: {  	p1 =	seq.s32 s10, $0x1;
	s10 =	sld [smem:$0x3FA3];
	_ =	sdelay $0x3  }
0x37: {  	[smem:$0x3FA3] =	sst s10  }
0x38: {  	s10 =	sld [smem:$0x3FA4]  }
0x39: {  	_ = 	snop;
	(pc) =	sbr.ind lr, $3  }
0x3a: {  	_ = 	snop  }
0x3b: {  	_ = 	snop  }
0x3c: {  	p2 =	seq.s32 s10, $0x1;
	s10 =	sld [smem:$0x3FA3]  }
0x3d: {  	_ =	shalt  }
0x3e: {  	_ =	shalt  }
0x3f: {  	_ =	shalt  }
0x40: {  	_ =	shalt  }
0x41: {  	_ =	shalt  }
0x42: {  	_ =	shalt  }
0x43: {  	_ =	shalt  }
0x44: {  	_ =	shalt  }
0x45: {  	_ =	shalt  }
0x46: {  	_ =	shalt  }
0x47: {  	_ =	shalt  }
0x48: {  	_ =	shalt  }
0x49: {  	_ =	shalt  }
0x4a: {  	_ =	shalt  }
0x4b: {  	_ =	shalt  }
0x4c: {  	_ =	shalt  }
0x4d: {  	_ =	shalt  }
0x4e: {  	_ =	shalt  }
0x4f: {  	_ =	shalt  }
0x50: {  	_ =	shalt  }
0x51: {  	_ =	shalt  }
0x52: {  	_ =	shalt  }
0x53: {  	_ =	shalt  }
0x54: {  	_ =	shalt  }
0x55: {  	_ =	shalt  }
0x56: {  	_ =	shalt  }
0x57: {  	_ =	shalt  }
0x58: {  	_ =	shalt  }
0x59: {  	_ =	shalt  }
0x5a: {  	_ =	shalt  }
0x5b: {  	_ =	shalt  }
0x5c: {  	_ =	shalt  }
0x5d: {  	_ =	shalt  }
0x5e: {  	_ =	shalt  }
0x5f: {  	_ =	shalt  }
0x60: {  	_ =	shalt  }
0x61: {  	_ =	shalt  }
0x62: {  	_ =	shalt  }
0x63: {  	_ =	shalt  }
0x64: {  	_ =	shalt  }
0x65: {  	_ =	shalt  }
0x66: {  	_ =	shalt  }
0x67: {  	_ =	shalt  }
0x68: {  	_ =	shalt  }
0x69: {  	_ =	shalt  }
0x6a: {  	_ =	shalt  }
0x6b: {  	_ =	shalt  }
0x6c: {  	_ =	shalt  }
0x6d: {  	_ =	shalt  }
0x6e: {  	_ =	shalt  }
0x6f: {  	_ =	shalt  }
0x70: {  	_ =	shalt  }
0x71: {  	_ =	shalt  }
0x72: {  	_ =	shalt  }
0x73: {  	_ =	shalt  }
0x74: {  	_ =	shalt  }
0x75: {  	_ =	shalt  }
0x76: {  	_ =	shalt  }
0x77: {  	_ =	shalt  }
0x78: {  	_ =	shalt  }
0x79: {  	_ =	shalt  }
0x7a: {  	_ =	shalt  }
0x7b: {  	_ =	shalt  }
0x7c: {  	_ =	shalt  }
0x7d: {  	_ =	shalt  }
0x7e: {  	_ =	shalt  }
0x7f: {  	_ =	shalt  }
0x80: {  	_ =	shalt  }
0x81: {  	_ =	shalt  }
0x82: {  	_ =	shalt  }
0x83: {  	_ =	shalt  }
0x84: {  	_ =	shalt  }
0x85: {  	_ =	shalt  }
0x86: {  	_ =	shalt  }
0x87: {  	_ =	shalt  }
.Lfunc_end0:
.L_simem_size_0:
called_computation.2_lowered:
.L_overlay_start_0:
0x88: {  	s2 =	sld [smem:$0x3FD9]  }
0x89: {  	s3 =	sld [smem:$0x3FFE];
	_ =	sdelay $0x1  }
0x8a: {  	s1 =	srdreg.scid  }
0x8b: {  	s0 =	sand.u32 $0x1, s1  }
0x8c: {  	s16 =	sshll.u32 s0, $0xA;
	s2 =	sadd.s32 s3, s2  }
0x8d: {  	s2 =	sadd.s32 s2, s16  }
0x8e: {  	[smem:$0x3FAF] =	sst s2  }
0x8f: {  	_ = 	snop  }
0x90: {  	(tm) =	ssettm $0x1  }
0x91: {  	s17 =	sld [smem:$0x3FFB];
	_ =	sdelay $0x3  }
0x92: {  	_ =	strace s17  }
0x93: {  	s2 =	sld [smem:$0x3FFC];
	_ =	sdelay $0x3  }
0x94: {  	_ =	strace s2  }
0x95: {  	s2 =	sld [smem:$0x3FFD];
	_ =	sdelay $0x3  }
0x96: {  	_ =	strace s2  }
0x97: {  	_ =	strace $0x8FFFFFFF  }
0x98: {  	s18 =	sld [smem:$0x3FDB];
	_ =	sdelay $0x1  }
0x99: {  	s19 =	simm.s32 $_scs_section_size  }
0x9a: {  	s4 =	simm.s32 $_size__tile_overlayer_lowered;
	s5 =	simm.s32 $_tile_overlayer_lowered  }
0x9b: {  	s22 =	simm.s32 $0x1BFF;
	s21 =	sshll.u32 s5, $0x1;
	s2 =	sadd.s32 s19, s18  }
0x9c: {  	s6 =	simm.s32 $0x0;
	s20 =	sshll.u32 s4, $0x1;
	s4 =	sadd.s32 s21, s2  }
0x9d: {  	[timem:s6], [sflag:s22] =	dma.local [hbm:s4], s20  }
0x9e: {  	_ =	swait.ge [sflag:s22], s20  }
0x9f: {  	s3 =	ssub.s32 $0x0, s20;
	[sflag:s22] =	ssyncset.done $0x0  }
0xa0: {  	[sflag:s22] =	ssyncadd.s32 s3;
	_ =	sdelay $0x1  }
0xa1: {  	s23 =	simm.s32 $0x1B8B  }
0xa2: {  	_ =	swait.ge [sflag:s23], $0x1  }
0xa3: {  	[sflag:s23] =	ssyncset.done $0x0  }
0xa4: {  	s25 =	simm.s32 $0x1B8E;
	s24 =	sld [smem:$0x3FFE];
	[sflag:s23] =	ssyncadd.s32 $0xFFFFFFFF  }
0xa5: {  	s26 =	simm.s32 $execute0_lowered;
	[smem:$0x3FD2] =	sst s25  }
0xa6: {  	s4 =	sshll.u32 s26, $0x1;
	_ =	strace $0x8000004C;
	[dreg:$0x1] =	wrdreg $0xFFFFFFFF  }
0xa7: {  	s28 =	simm.s32 $_size_execute0_lowered;
	s2 =	sadd.s32 s2, s4;
	[dreg:$0x0] =	wrdreg $0x0  }
0xa8: {  	s4 =	sshll.u32 s28, $0x1;
	[dreg:$0x2] =	wrdreg s2  }
0xa9: {  	[dreg:$0x3] =	wrdreg s4  }
0xaa: {  	[dreg:$0x4] =	wrdreg $0xC0  }
0xab: {  	_ =	task [dreg:s6], $0x5FFFF  }
0xac: {  	[dreg:$0x1] =	wrdreg $0xFFFFFFFF  }
0xad: {  	[dreg:$0x0] =	wrdreg $0x60  }
0xae: {  	[dreg:$0x2] =	wrdreg s24  }
0xaf: {  	[dreg:$0x3] =	wrdreg $0xA8000  }
0xb0: {  	[dreg:$0x4] =	wrdreg $0x9  }
0xb1: {  	_ =	task.clear_ibuf [dreg:s6], $0x5FFFF;
	_ =	strace $0x9000004C  }
0xb2: {  	s29 =	simm.s32 $0x9;
	_ =	strace $0x8000004E  }
0xb3: {  	_ =	swait.ge [sflag:s29], $0x1  }
0xb4: {  	[sflag:s29] =	ssyncadd.s32 $0xFFFFFFFF  }
0xb5: {  	_ =	strace $0x9000004E  }
0xb6: {  	_ =	sfence  }
0xb7: {  	s30 =	sld [smem:$0x0];
	_ =	sdelay $0x2  }
0xb8: {  	s31 =	sshll.u32 s1, $0xD;
	s1 =	sshrl.u32 s1, $0x2  }
0xb9: {  	s3 =	sand.u32 $0x4000, s31;
	s1 =	sadd.s32 s1, s30  }
0xba: {  	s0 =	sor.u32 s3, s0;
	s1 =	sshll.u32 s1, $0x11  }
0xbb: {  	s0 =	sor.u32 s1, s0  }
0xbc: {  	s0 =	sadd.s32 $0x8F2B, s0  }
0xbd: {  	[sflag:s0] =	ssyncadd.remote.s32 $0x1  }
0xbe: {  	_ =	sfence.sel $0xFFFF  }
0xbf: {  	[dreg:$0x0] =	wrdreg $0xFFFFFFFF;
	(pc) =	sbr.abs _section_cstart, $3  }
0xc0: {  	[dreg:$0x1] =	wrdreg $0xFFFFFFFF  }
0xc1: {  	_ =	task.clear_ibuf [dreg:s6], $0x2FFFF;
	_ =	strace $0x9FFFFFFF  }
0xc2: {  	(tm) =	ssettm $0x7FFFFFFF  }
0xc3: {  	_ =	shalt  }
tec
execute0_lowered:
.L_overlay_start_1:
0x0: {  	(tag) =	ssettag $0x1  }
0x1: {  	s0 =	rddreg [dreg:$0x0];
	s2 =	srdreg.scid  }
0x2: {  	s3 =	simm.s32 $0x0;
	s14 =	stileid.u32;
	s31 =	simm.s32 $0xA600  }
0x3: {  	s30 =	simm.s32 $0x2800;
	s28 =	simm.s32 $0xD;
	s2 =	sand.u32 $0x1, s2  }
0x4: {  	[smem:$0x7FF] =	sst s3;
	s20 =	smul.u32 $0x2710, s14;
	s4 =	sshll.u32 s2, $0x4  }
0x5: {  	s5 =	sadd.s32 $0xDE00, s0;
	s23 =	smul.u32 $0x4E000, s14;
	s4 =	sor.u32 s14, s4  }
0x6: {  	s6 =	sadd.s32 $0x4000, s0;
	p0 =	sne.s32 s14, $0xF;
	s7 =	smul.u32 $0x2710, s4  }
0x7: {  	s1 =	rddreg [dreg:$0x1];
	_ =	strace $0x8000004D;
	s16 =	smul.u32 $0x138800, s2  }
0x8: {  	s8 =	ssub.s32 $0x2, s2;
	s2 =	smul.u32 $0x27100, s2;
	s10 =	sshrl.u32 s7, $0x3  }
0x9: {  	s9 =	sshrl.u32 s8, $0x1;
	s4 =	sadd.s32 $0x17C00, s0;
	s11 =	sadd.s32 s5, s10  }
0xa: {  	s25 =	sadd.s32 $0xA, s10;
	s24 =	sadd.s32 s6, s10;
	[dreg:$0x3] =	wrdreg s11  }
0xb: {  	s8 =	ssub.s32 s8, s9;
	s26 =	sadd.s32 s5, s25;
	[dreg:$0xf] =	wrdreg s24  }
0xc: {  	s29 =	sadd.s32 $0x14, s10;
	s9 =	sadd.s32 s6, s25;
	[dreg:$0x4] =	wrdreg s26  }
0xd: {  	s13 =	sadd.s32 $0x1E, s10;
	s12 =	sadd.s32 s5, s29;
	[dreg:$0x5] =	wrdreg s9  }
0xe: {  	s17 =	sadd.s32 $0x28, s10;
	s11 =	sadd.s32 s6, s29;
	[dreg:$0x6] =	wrdreg s12  }
0xf: {  	s18 =	sadd.s32 $0x32, s10;
	s15 =	sadd.s32 s5, s13;
	[dreg:$0x7] =	wrdreg s11  }
0x10: {  	s22 =	sadd.s32 $0x3C, s10;
	s19 =	sadd.s32 s5, s18;
	[dreg:$0x8] =	wrdreg s15  }
0x11: {  	s10 =	sadd.s32 $0x46, s10;
	s25 =	sadd.s32 s5, s22;
	[dreg:$0xc] =	wrdreg s19  }
0x12: {  	s0 =	sadd.s32 $0x3EE00, s0;
	s29 =	sadd.s32 s5, s10;
	[dreg:$0x10] =	wrdreg s25  }
0x13: {  	s2 =	sadd.s32 s20, s2;
	s10 =	sadd.s32 s6, s10;
	[dreg:$0x12] =	wrdreg s29  }
0x14: {  	s2 =	sadd.s32 $0x230, s2;
	s9 =	sadd.s32 s6, s13;
	[dreg:$0x13] =	wrdreg s10  }
0x15: {  	s12 =	smul.u32 $0x13800, s14;
	s13 =	sadd.s32 s5, s17;
	[dreg:$0x9] =	wrdreg s9  }
0x16: {  	s11 =	sshrl.u32 s16, $0x3;
	s15 =	sadd.s32 $0x370, s7;
	[dreg:$0xa] =	wrdreg s13  }
0x17: {  	s26 =	sshrl.u32 s23, $0x2;
	s19 =	smax.u32 s8, $0x1;
	[dreg:$0x18] =	wrdreg s15  }
0x18: {  	s14 =	simm.s32 $0xA000;
	s9 =	sadd.s32 s6, s17;
	[dreg:$0x1d] =	wrdreg s19  }
0x19: {  	s8 =	simm.s32 $0xA580;
	s13 =	sadd.s32 $0x320, s7;
	[dreg:$0xb] =	wrdreg s9  }
0x1a: {  	s10 =	sadd.s32 s26, s1;
	s17 =	sadd.s32 $0x410, s7;
	[dreg:$0x17] =	wrdreg s13  }
0x1b: {  	s15 =	simm.s32 $0x5000;
	s19 =	simm.s32 $0x4;
	[dreg:$0x1a] =	wrdreg s17  }
0x1c: {  	s12 =	sadd.s32 s12, s16;
	s9 =	sadd.s32 s6, s18;
	[dreg:$0x14] =	wrdreg s10  }
0x1d: {  	s16 =	sadd.s32 $0x3C0, s7;
	s18 =	sshrl.u32 s2, $0x3;
	[dreg:$0xd] =	wrdreg s9  }
0x1e: {  	s23 =	sadd.s32 $0x7800, s10;
	s24 =	sadd.s32 $0xA000, s10;
	[dreg:$0x19] =	wrdreg s16  }
0x1f: {  	s25 =	sadd.s32 $0xC800, s10;
	s26 =	sadd.s32 $0xF000, s10;
	[smem:$0x7F8] =	sst s23  }
0x20: {  	s29 =	sadd.s32 $0x11800, s10;
	s17 =	simm.s32 $0xA480;
	[smem:$0x7F9] =	sst s24  }
0x21: {  	s13 =	simm.s32 $0xA300;
	s12 =	sshrl.u32 s12, $0x3;
	[smem:$0x7FA] =	sst s25  }
0x22: {  	s9 =	sadd.s32 s6, s22;
	s20 =	sadd.s32 s18, s6;
	[smem:$0x7FB] =	sst s26  }
0x23: {  	s22 =	sadd.s32 $0x5000, s10;
	[smem:$0x7FC] =	sst s29;
	s23 =	simm.s32 $0xA500  }
0x24: {  	s16 =	simm.s32 $0xA200;
	s24 =	simm.s32 $0x50;
	[dreg:$0x11] =	wrdreg s9  }
0x25: {  	s25 =	simm.s32 $0xE;
	s26 =	simm.s32 $0xF;
	[dreg:$0x1e] =	wrdreg s20  }
0x26: {  	s21 =	sadd.s32 s0, s12;
	s0 =	sadd.s32 s0, s11;
	[smem:$0x7F7] =	sst s22  }
0x27: {  	s11 =	sadd.s32 $0x280, s7;
	s12 =	sadd.s32 $0x2D0, s7;
	[dreg:$0xe] =	wrdreg s21  }
0x28: {  	s7 =	sadd.s32 $0x460, s7;
	s22 =	simm.s32 $0xA400;
	[dreg:$0x15] =	wrdreg s11  }
0x29: {  	s20 =	simm.s32 $0xA100;
	s9 =	simm.s32 $0x0;
	[dreg:$0x16] =	wrdreg s12  }
.Ltmp0:
0x2a: {  	[dreg:$0x1b] =	wrdreg s7;
	s0 =	sadd.s32 $0x27000, s0;
	(pc) =	sbr.rel .LBB2_1-.Ltmp0, $4  }
0x2b: {  	s21 =	sadd.s32 $0x2800, s10;
	s11 =	sadd.s32 $0x138000, s1;
	[dreg:$0x1c] =	wrdreg s0  }
0x2c: {  	s7 =	simm.s32 $0xA180;
	s12 =	simm.s32 $0xA700;
	[smem:$0x7F6] =	sst s21  }
0x2d: {  	s0 =	sadd.s32 s18, s5;
	[smem:$0x7FD] =	sst s11;
	s18 =	simm.s32 $0x3  }
0x2e: {  	v0 =	vimm.f32 $0.0e+00;
	s21 =	simm.s32 $0x5000;
	[dreg:$0x1f] =	wrdreg s0;
	s0 =	simm.s32 $0xA080  }
.LBB2_6:
0x2f: {  	s10 =	simm.s32 $0x10  }
0x30: {  	_ =	swait.ge [sflag:s10], $0x2800  }
0x31: {  	[sflag:s10] =	ssyncset.done $0x0  }
0x32: {  	s2 =	simm.s32 $0x8;
	[sflag:s10] =	ssyncadd.s32 $0xFFFFD800  }
0x33: {  	_ =	swait.ge [sflag:s2], $0x50  }
0x34: {  	[sflag:s2] =	ssyncset.done $0x0  }
0x35: {  	[sflag:s2] =	ssyncadd.s32 $0xFFFFFFB0  }
0x36: {  	_ =	swait.ge [sflag:s2], $0x50  }
0x37: {  	s13 =	simm.s32 $0xA180;
	[sflag:s2] =	ssyncset.done $0x0  }
0x38: {  	s7 =	simm.s32 $0x7800;
	s8 =	simm.s32 $0x1;
	[sflag:s2] =	ssyncadd.s32 $0xFFFFFFB0  }
0x39: {  	[tilespmem:s7], [sflag:$0x4] =	stream.indirect.gather [hbm4b:s4+s24], $0x80, s13, s24, $0xb8;
	[tilespmem:$0x1E080] =	vst v63  }
0x3a: {  	_ =	swait.ge [sflag:s8], $0x2800  }
0x3b: {  	[sflag:s8] =	ssyncset.done $0x0  }
0x3c: {  	s22 =	simm.s32 $0xA400;
	s9 =	simm.s32 $0xD;
	[sflag:s8] =	ssyncadd.s32 $0xFFFFD800  }
0x3d: {  	[spmem:s1] =	stream.indirect.scatter.add.f32 [tilespmem:s3], [sflag:$0xD], $0x80, s22, s24, $0xb8;
	[tilespmem:$0x1E080] =	vst v63  }
0x3e: {  	_ =	swait.ge [sflag:s9], $0x2800  }
0x3f: {  	[sflag:s9] =	ssyncset.done $0x0  }
0x40: {  	s17 =	simm.s32 $0x9;
	[sflag:s9] =	ssyncadd.s32 $0xFFFFD800  }
0x41: {  	_ =	swait.ge [sflag:s17], $0x50  }
0x42: {  	[sflag:s17] =	ssyncset.done $0x0  }
0x43: {  	[sflag:s17] =	ssyncadd.s32 $0xFFFFFFB0  }
0x44: {  	_ =	swait.ge [sflag:s17], $0x50  }
0x45: {  	[sflag:s17] =	ssyncset.done $0x0  }
0x46: {  	s23 =	simm.s32 $0x2;
	[sflag:s17] =	ssyncadd.s32 $0xFFFFFFB0  }
0x47: {  	[tilespmem:s3], [sflag:$0x1] =	stream.indirect.gather [hbm4b:s4+s24], $0x80, s16, s24, $0xb8;
	[tilespmem:$0x1E080] =	vst v63  }
0x48: {  	_ =	swait.ge [sflag:s23], $0x2800  }
0x49: {  	[sflag:s23] =	ssyncset.done $0x0  }
0x4a: {  	s29 =	simm.s32 $0xE;
	s17 =	simm.s32 $0xA480;
	[sflag:s23] =	ssyncadd.s32 $0xFFFFD800  }
0x4b: {  	[spmem:s1] =	stream.indirect.scatter.add.f32 [tilespmem:s30], [sflag:$0xE], $0x80, s17, s24, $0xb8;
	[tilespmem:$0x1E080] =	vst v63  }
0x4c: {  	_ =	swait.ge [sflag:s29], $0x2800  }
0x4d: {  	[sflag:s29] =	ssyncset.done $0x0  }
0x4e: {  	s11 =	simm.s32 $0x3;
	[sflag:s29] =	ssyncadd.s32 $0xFFFFD800  }
0x4f: {  	_ =	swait.ge [sflag:s11], $0x2800  }
0x50: {  	[sflag:s11] =	ssyncset.done $0x0  }
0x51: {  	s13 =	simm.s32 $0xF;
	s23 =	simm.s32 $0xA500;
	[sflag:s11] =	ssyncadd.s32 $0xFFFFD800  }
0x52: {  	[spmem:s1] =	stream.indirect.scatter.add.f32 [tilespmem:s15], [sflag:$0xF], $0x80, s23, s24, $0xb8;
	[tilespmem:$0x1E080] =	vst v63  }
0x53: {  	_ =	swait.ge [sflag:s13], $0x2800  }
0x54: {  	[sflag:s13] =	ssyncset.done $0x0  }
0x55: {  	[sflag:s13] =	ssyncadd.s32 $0xFFFFD800  }
0x56: {  	_ =	swait.ge [sflag:s19], $0x2800  }
0x57: {  	[sflag:s19] =	ssyncset.done $0x0  }
0x58: {  	s29 =	simm.s32 $0xA580;
	[sflag:s19] =	ssyncadd.s32 $0xFFFFD800  }
0x59: {  	[spmem:s1] =	stream.indirect.scatter.add.f32 [tilespmem:s7], [sflag:$0x10], $0x80, s29, s24, $0xb8;
	[tilespmem:$0x1E080] =	vst v63  }
0x5a: {  	_ =	swait.ge [sflag:s10], $0x2800  }
0x5b: {  	[sflag:s10] =	ssyncset.done $0x0  }
0x5c: {  	[sflag:s10] =	ssyncadd.s32 $0xFFFFD800  }
0x5d: {  	_ =	swait.ge [sflag:s8], $0x2800  }
0x5e: {  	[sflag:s8] =	ssyncset.done $0x0  }
0x5f: {  	s31 =	simm.s32 $0xA600;
	[sflag:s8] =	ssyncadd.s32 $0xFFFFD800  }
0x60: {  	[spmem:s1] =	stream.indirect.scatter.add.f32 [tilespmem:s3], [sflag:$0xD], $0x80, s31, s24, $0xb8;
	[tilespmem:$0x1E080] =	vst v63  }
0x61: {  	_ =	swait.ge [sflag:s9], $0x2800  }
0x62: {  	[sflag:s9] =	ssyncset.done $0x0  }
0x63: {  	[sflag:s9] =	ssyncadd.s32 $0xFFFFD800  }
0x64: {  	s7 =	stileid.u32;
	[bflag:$0x0] =	sbarrier.arrive $0xFFFF  }
0x65: {  	s11 =	simm.s32 $0x12;
	s2 =	sshll.u32 s7, $0x6;
	s10 =	rddreg [dreg:$0x14]  }
0x66: {  	s2 =	sor.u32 $0x1C12, s2;
	s9 =	rddreg [dreg:$0xe];
	s8 =	sshrl.u32 s10, $0x3  }
0x67: {  	[hbm:s9], [sflag:s2] =	dma.local [spmem:s8], $0x2700  }
0x68: {  	_ =	swait.ge [sflag:s11], $0x2700  }
0x69: {  	[sflag:s11] =	ssyncset.done $0x0  }
0x6a: {  	[sflag:s11] =	ssyncadd.s32 $0xFFFFD900;
	s11 =	sld [smem:$0x7FD];
	_ =	sdelay $0x2  }
0x6b: {  	s8 =	rddreg [dreg:$0x1c];
	s7 =	sshrl.u32 @!p0 s11, $0x3  }
0x6c: {  	[hbm:s8], [sflag:s2] =	dma.local @!p0 [spmem:s7], $0x100  }
0x6d: {  	s2 =	simm.s32 @!p0 $0x12  }
0x6e: {  	_ =	swait.ge @!p0 [sflag:s2], $0x100  }
0x6f: {  	s13 =	sld [smem:$0x7F5];
	_ =	sdelay $0x2  }
0x70: {  	s29 =	rddreg [dreg:$0x1d];
	s9 =	sadd.s32 $0x1, s13  }
0x71: {  	p1 =	sne.s32 s9, s29  }
.Ltmp1:
0x72: {  	_ = 	snop;
	(pc) =	sbr.rel @!p1 .LBB2_7-.Ltmp1, $3  }
0x73: {  	_ =	sdelay $0x1  }
0x74: {  	s12 =	simm.s32 $0xA700;
	s8 =	simm.s32 $0xA580;
	[sflag:s2] =	ssyncset.done @!p0 $0x0  }
0x75: {  	s7 =	simm.s32 $0xA180;
	[sflag:s2] =	ssyncadd.s32 @!p0 $0xFFFFFF00;
	s13 =	simm.s32 $0xA300  }
.LBB2_1:
0x76: {  	[smem:$0x7F5] =	sst s9  }
0x77: {  	s2 =	rddreg [dreg:$0x3]  }
0x78: {  	[tilespmem:s14], [sflag:$0x5] =	stream.linear.gather [hbm4b:s2+s3], $0x50, $0x38;
	[tilespmem:$0x1E080] =	vst v63  }
0x79: {  	s9 =	rddreg [dreg:$0xf]  }
0x7a: {  	[tilespmem:s22], [sflag:$0x5] =	stream.linear.gather [hbm4b:s9+s3], $0x50, $0x38;
	[tilespmem:$0x1E080] =	vst v63  }
0x7b: {  	s29 =	rddreg [dreg:$0x4]  }
0x7c: {  	[tilespmem:s0], [sflag:$0x6] =	stream.linear.gather [hbm4b:s29+s3], $0x50, $0x38;
	[tilespmem:$0x1E080] =	vst v63  }
0x7d: {  	s9 =	rddreg [dreg:$0x5]  }
0x7e: {  	[tilespmem:s17], [sflag:$0x6] =	stream.linear.gather [hbm4b:s9+s3], $0x50, $0x38;
	[tilespmem:$0x1E080] =	vst v63  }
0x7f: {  	s22 =	rddreg [dreg:$0x6]  }
0x80: {  	[tilespmem:s20], [sflag:$0x7] =	stream.linear.gather [hbm4b:s22+s3], $0x50, $0x38;
	[tilespmem:$0x1E080] =	vst v63  }
0x81: {  	s29 =	rddreg [dreg:$0x7]  }
0x82: {  	[tilespmem:s23], [sflag:$0x7] =	stream.linear.gather [hbm4b:s29+s3], $0x50, $0x38;
	[tilespmem:$0x1E080] =	vst v63  }
0x83: {  	s9 =	rddreg [dreg:$0x8]  }
0x84: {  	[tilespmem:s7], [sflag:$0x8] =	stream.linear.gather [hbm4b:s9+s3], $0x50, $0x38;
	[tilespmem:$0x1E080] =	vst v63  }
0x85: {  	s17 =	rddreg [dreg:$0x9]  }
0x86: {  	[tilespmem:s8], [sflag:$0x8] =	stream.linear.gather [hbm4b:s17+s3], $0x50, $0x38;
	[tilespmem:$0x1E080] =	vst v63  }
0x87: {  	s22 =	rddreg [dreg:$0xa]  }
0x88: {  	[tilespmem:s16], [sflag:$0x9] =	stream.linear.gather [hbm4b:s22+s3], $0x50, $0x38;
	[tilespmem:$0x1E080] =	vst v63  }
0x89: {  	s23 =	rddreg [dreg:$0xb]  }
0x8a: {  	[tilespmem:s31], [sflag:$0x9] =	stream.linear.gather [hbm4b:s23+s3], $0x50, $0x38;
	[tilespmem:$0x1E080] =	vst v63  }
0x8b: {  	s29 =	rddreg [dreg:$0xc];
	s31 =	simm.s32 $0xA280  }
0x8c: {  	[tilespmem:s31], [sflag:$0xA] =	stream.linear.gather [hbm4b:s29+s3], $0x50, $0x38;
	[tilespmem:$0x1E080] =	vst v63  }
0x8d: {  	s9 =	simm.s32 $0xA680;
	s8 =	rddreg [dreg:$0xd]  }
0x8e: {  	[tilespmem:s9], [sflag:$0xA] =	stream.linear.gather [hbm4b:s8+s3], $0x50, $0x38;
	[tilespmem:$0x1E080] =	vst v63  }
0x8f: {  	s16 =	rddreg [dreg:$0x10]  }
0x90: {  	[tilespmem:s13], [sflag:$0xB] =	stream.linear.gather [hbm4b:s16+s3], $0x50, $0x38;
	[tilespmem:$0x1E080] =	vst v63  }
0x91: {  	s17 =	rddreg [dreg:$0x11]  }
0x92: {  	[tilespmem:s12], [sflag:$0xB] =	stream.linear.gather [hbm4b:s17+s3], $0x50, $0x38;
	[tilespmem:$0x1E080] =	vst v63  }
0x93: {  	s2 =	simm.s32 $0x0;
	s22 =	rddreg [dreg:$0x12];
	s23 =	simm.s32 $0xA380  }
0x94: {  	[tilespmem:s23], [sflag:$0xC] =	stream.linear.gather [hbm4b:s22+s3], $0x50, $0x38;
	[tilespmem:$0x1E080] =	vst v63  }
0x95: {  	s7 =	simm.s32 $0x200;
	s29 =	rddreg [dreg:$0x13];
	s31 =	simm.s32 $0xA780  }
0x96: {  	[tilespmem:s31], [sflag:$0xC] =	stream.linear.gather [hbm4b:s29+s3], $0x50, $0x38;
	[tilespmem:$0x1E080] =	vst v63  }
.LBB2_2:
0x97: {  	p1 =	sne.s32 s7, $0x9E00;
	[tilespmem:s2+$0x70] =	vst v0  }
0x98: {  	[tilespmem:s2+$0x0] =	vst v0  }
0x99: {  	[tilespmem:s2+$0x10] =	vst v0  }
.Ltmp2:
0x9a: {  	[tilespmem:s2+$0x20] =	vst v0;
	(pc) =	sbr.rel @p1 .LBB2_2-.Ltmp2, $4  }
0x9b: {  	[tilespmem:s2+$0x30] =	vst v0  }
0x9c: {  	[tilespmem:s2+$0x40] =	vst v0  }
0x9d: {  	[tilespmem:s2+$0x50] =	vst v0  }
0x9e: {  	[tilespmem:s2+$0x60] =	vst v0;
	s2 =	sshra.s32 s7, $0x2;
	s7 =	sadd.s32 $0x200, s7  }
0x9f: {  	[tilespmem:s2+$0x70] =	vst v0  }
0xa0: {  	[tilespmem:s2+$0x0] =	vst v0  }
0xa1: {  	[tilespmem:s2+$0x10] =	vst v0  }
0xa2: {  	[tilespmem:s2+$0x20] =	vst v0  }
0xa3: {  	[tilespmem:s2+$0x30] =	vst v0  }
0xa4: {  	[tilespmem:s2+$0x40] =	vst v0  }
0xa5: {  	[tilespmem:s2+$0x50] =	vst v0  }
0xa6: {  	[tilespmem:s2+$0x60] =	vst v0;
	s31 =	sld [smem:$0x7F6]  }
0xa7: {  	[spmem:s10] =	stream.linear.scatter [tilespmem:s3], [sflag:$0x11], $0x2800, $0x38;
	[tilespmem:$0x1E080] =	vst v63  }
0xa8: {  	s7 =	sld [smem:$0x7F7]  }
0xa9: {  	[spmem:s31] =	stream.linear.scatter [tilespmem:s3], [sflag:$0x11], $0x2800, $0x38;
	[tilespmem:$0x1E080] =	vst v63  }
0xaa: {  	s8 =	sld [smem:$0x7F8]  }
0xab: {  	[spmem:s7] =	stream.linear.scatter [tilespmem:s3], [sflag:$0x11], $0x2800, $0x38;
	[tilespmem:$0x1E080] =	vst v63  }
0xac: {  	s9 =	sld [smem:$0x7F9]  }
0xad: {  	[spmem:s8] =	stream.linear.scatter [tilespmem:s3], [sflag:$0x11], $0x2800, $0x38;
	[tilespmem:$0x1E080] =	vst v63  }
0xae: {  	s10 =	sld [smem:$0x7FA]  }
0xaf: {  	[spmem:s9] =	stream.linear.scatter [tilespmem:s3], [sflag:$0x11], $0x2800, $0x38;
	[tilespmem:$0x1E080] =	vst v63  }
0xb0: {  	s12 =	sld [smem:$0x7FB]  }
0xb1: {  	[spmem:s10] =	stream.linear.scatter [tilespmem:s3], [sflag:$0x11], $0x2800, $0x38;
	[tilespmem:$0x1E080] =	vst v63  }
0xb2: {  	s16 =	sld [smem:$0x7FC]  }
0xb3: {  	[spmem:s12] =	stream.linear.scatter [tilespmem:s3], [sflag:$0x11], $0x2800, $0x38;
	[tilespmem:$0x1E080] =	vst v63  }
0xb4: {  	_ = 	snop  }
0xb5: {  	[spmem:s16] =	stream.linear.scatter [tilespmem:s3], [sflag:$0x11], $0x2000, $0x38;
	[tilespmem:$0x1E080] =	vst v63  }
0xb6: {  	s2 =	simm.s32 @!p0 $0x0;
	s17 =	simm.s32 $0x11  }
0xb7: {  	[spmem:s11] =	stream.linear.scatter @!p0 [tilespmem:s2], [sflag:$0x11], $0x800, $0x38;
	[tilespmem:$0x1E080] =	vst v63  }
0xb8: {  	_ =	swait.ge [sflag:s17], $0x2800  }
0xb9: {  	[sflag:s17] =	ssyncset.done $0x0  }
0xba: {  	[sflag:s17] =	ssyncadd.s32 $0xFFFFD800  }
0xbb: {  	_ =	swait.ge [sflag:s17], $0x2800  }
0xbc: {  	[sflag:s17] =	ssyncset.done $0x0  }
0xbd: {  	[sflag:s17] =	ssyncadd.s32 $0xFFFFD800  }
0xbe: {  	_ =	swait.ge [sflag:s17], $0x2800  }
0xbf: {  	[sflag:s17] =	ssyncset.done $0x0  }
0xc0: {  	[sflag:s17] =	ssyncadd.s32 $0xFFFFD800  }
0xc1: {  	_ =	swait.ge [sflag:s17], $0x2800  }
0xc2: {  	[sflag:s17] =	ssyncset.done $0x0  }
0xc3: {  	[sflag:s17] =	ssyncadd.s32 $0xFFFFD800  }
0xc4: {  	_ =	swait.ge [sflag:s17], $0x2800  }
0xc5: {  	[sflag:s17] =	ssyncset.done $0x0  }
0xc6: {  	[sflag:s17] =	ssyncadd.s32 $0xFFFFD800  }
0xc7: {  	_ =	swait.ge [sflag:s17], $0x2800  }
0xc8: {  	[sflag:s17] =	ssyncset.done $0x0  }
0xc9: {  	[sflag:s17] =	ssyncadd.s32 $0xFFFFD800  }
0xca: {  	_ =	swait.ge [sflag:s17], $0x2800  }
0xcb: {  	[sflag:s17] =	ssyncset.done $0x0  }
0xcc: {  	[sflag:s17] =	ssyncadd.s32 $0xFFFFD800  }
0xcd: {  	_ =	swait.ge [sflag:s17], $0x2000  }
0xce: {  	[sflag:s17] =	ssyncset.done $0x0  }
0xcf: {  	s2 =	simm.s32 @!p0 $0x11;
	[sflag:s17] =	ssyncadd.s32 $0xFFFFE000  }
0xd0: {  	_ =	swait.ge @!p0 [sflag:s2], $0x800  }
0xd1: {  	[sflag:s2] =	ssyncset.done @!p0 $0x0  }
0xd2: {  	s22 =	simm.s32 $0x5;
	[sflag:s2] =	ssyncadd.s32 @!p0 $0xFFFFF800  }
0xd3: {  	_ =	swait.ge [sflag:s22], $0x50  }
0xd4: {  	[sflag:s22] =	ssyncset.done $0x0  }
0xd5: {  	[sflag:s22] =	ssyncadd.s32 $0xFFFFFFB0  }
0xd6: {  	_ =	swait.ge [sflag:s22], $0x50  }
0xd7: {  	[sflag:s22] =	ssyncset.done $0x0  }
0xd8: {  	s23 =	simm.s32 $0x6;
	s7 =	simm.s32 $0x0;
	[sflag:s22] =	ssyncadd.s32 $0xFFFFFFB0  }
0xd9: {  	[tilespmem:s7], [sflag:$0x1] =	stream.indirect.gather [hbm4b:s4+s24], $0x80, s14, s24, $0xb8;
	[tilespmem:$0x1E080] =	vst v63  }
0xda: {  	_ =	swait.ge [sflag:s23], $0x50  }
0xdb: {  	[sflag:s23] =	ssyncset.done $0x0  }
0xdc: {  	[sflag:s23] =	ssyncadd.s32 $0xFFFFFFB0  }
0xdd: {  	_ =	swait.ge [sflag:s23], $0x50  }
0xde: {  	[sflag:s23] =	ssyncset.done $0x0  }
0xdf: {  	s31 =	simm.s32 $0x7;
	[sflag:s23] =	ssyncadd.s32 $0xFFFFFFB0  }
0xe0: {  	[tilespmem:s30], [sflag:$0x2] =	stream.indirect.gather [hbm4b:s4+s24], $0x80, s0, s24, $0xb8;
	[tilespmem:$0x1E080] =	vst v63  }
0xe1: {  	_ =	swait.ge [sflag:s31], $0x50  }
0xe2: {  	[sflag:s31] =	ssyncset.done $0x0  }
0xe3: {  	[sflag:s31] =	ssyncadd.s32 $0xFFFFFFB0  }
0xe4: {  	_ =	swait.ge [sflag:s31], $0x50  }
0xe5: {  	[sflag:s31] =	ssyncset.done $0x0  }
0xe6: {  	[sflag:s31] =	ssyncadd.s32 $0xFFFFFFB0  }
0xe7: {  	[tilespmem:s15], [sflag:$0x3] =	stream.indirect.gather [hbm4b:s4+s24], $0x80, s20, s24, $0xb8;
	[tilespmem:$0x1E080] =	vst v63  }
0xe8: {  	[bflag:$0x0] =	sbarrier.arrive $0xFFFF  }
0xe9: {  	s23 =	rddreg [dreg:$0x1f]  }
0xea: {  	s29 =	simm.s32 $0xA700;
	s2 =	rddreg [dreg:$0x1e]  }
.LBB2_4:
0xeb: {  	p1 =	seq.s32 s7, $0x0  }
0xec: {  	s22 =	simm.s32 @!p1 $0x10  }
0xed: {  	_ =	swait.ge @!p1 [sflag:s22], $0x2800  }
0xee: {  	[sflag:s22] =	ssyncset.done @!p1 $0x0  }
0xef: {  	s0 =	simm.s32 $0x8;
	[sflag:s22] =	ssyncadd.s32 @!p1 $0xFFFFD800  }
0xf0: {  	_ =	swait.ge [sflag:s0], $0x50  }
0xf1: {  	[sflag:s0] =	ssyncset.done $0x0  }
0xf2: {  	[sflag:s0] =	ssyncadd.s32 $0xFFFFFFB0  }
0xf3: {  	_ =	swait.ge [sflag:s0], $0x50  }
0xf4: {  	s16 =	simm.s32 $0xA180;
	[sflag:s0] =	ssyncset.done $0x0  }
0xf5: {  	s9 =	simm.s32 $0x7800;
	s12 =	simm.s32 $0x1;
	[sflag:s0] =	ssyncadd.s32 $0xFFFFFFB0  }
0xf6: {  	[tilespmem:s9], [sflag:$0x4] =	stream.indirect.gather [hbm4b:s4+s24], $0x80, s16, s24, $0xb8;
	[tilespmem:$0x1E080] =	vst v63  }
0xf7: {  	_ =	swait.ge [sflag:s12], $0x2800  }
0xf8: {  	[sflag:s12] =	ssyncset.done $0x0  }
0xf9: {  	s14 =	simm.s32 $0xA400;
	[sflag:s12] =	ssyncadd.s32 $0xFFFFD800  }
0xfa: {  	[spmem:s1] =	stream.indirect.scatter.add.f32 [tilespmem:s3], [sflag:$0xD], $0x80, s14, s24, $0xb8;
	[tilespmem:$0x1E080] =	vst v63  }
0xfb: {  	s10 =	simm.s32 @!p1 $0xA380;
	s22 =	simm.s32 @!p1 $0x0  }
0xfc: {  	[tilespmem:s10], [sflag:$0xC] =	stream.linear.gather @!p1 [hbm4b:s23+s22], $0x50, $0x38;
	[tilespmem:$0x1E080] =	vst v63  }
0xfd: {  	s10 =	simm.s32 @!p1 $0xA780  }
0xfe: {  	[tilespmem:s10], [sflag:$0xC] =	stream.linear.gather @!p1 [hbm4b:s2+s22], $0x50, $0x38;
	[tilespmem:$0x1E080] =	vst v63  }
0xff: {  	_ =	swait.ge [sflag:s28], $0x2800  }
0x100: {  	[sflag:s28] =	ssyncset.done $0x0  }
0x101: {  	s22 =	simm.s32 $0x9;
	[sflag:s28] =	ssyncadd.s32 $0xFFFFD800  }
0x102: {  	_ =	swait.ge [sflag:s22], $0x50  }
0x103: {  	[sflag:s22] =	ssyncset.done $0x0  }
0x104: {  	[sflag:s22] =	ssyncadd.s32 $0xFFFFFFB0  }
0x105: {  	_ =	swait.ge [sflag:s22], $0x50  }
0x106: {  	[sflag:s22] =	ssyncset.done $0x0  }
0x107: {  	s31 =	simm.s32 $0xA200;
	s30 =	simm.s32 $0x2;
	[sflag:s22] =	ssyncadd.s32 $0xFFFFFFB0  }
0x108: {  	[tilespmem:s3], [sflag:$0x1] =	stream.indirect.gather [hbm4b:s4+s24], $0x80, s31, s24, $0xb8;
	[tilespmem:$0x1E080] =	vst v63  }
0x109: {  	s15 =	simm.s32 $0x2800;
	s22 =	smov.u32 s7;
	_ =	swait.ge [sflag:s30], $0x2800  }
0x10a: {  	s22 =	simm.s32 @p1 $0x0;
	[sflag:s30] =	ssyncset.done $0x0;
	s8 =	rddreg [dreg:$0x15]  }
0x10b: {  	s0 =	simm.s32 $0xA480;
	[sflag:s30] =	ssyncadd.s32 $0xFFFFD800;
	s8 =	sadd.s32 s22, s8  }
0x10c: {  	[spmem:s1] =	stream.indirect.scatter.add.f32 [tilespmem:s15], [sflag:$0xE], $0x80, s0, s24, $0xb8;
	[tilespmem:$0x1E080] =	vst v63  }
0x10d: {  	s10 =	sshrl.u32 s8, $0x3  }
0x10e: {  	s20 =	simm.s32 $0xA000;
	s11 =	sadd.s32 s5, s10  }
0x10f: {  	[tilespmem:s20], [sflag:$0x5] =	stream.linear.gather [hbm4b:s11+s3], $0x50, $0x38;
	[tilespmem:$0x1E080] =	vst v63  }
0x110: {  	s10 =	sadd.s32 s6, s10  }
0x111: {  	[tilespmem:s14], [sflag:$0x5] =	stream.linear.gather [hbm4b:s10+s3], $0x50, $0x38;
	[tilespmem:$0x1E080] =	vst v63  }
0x112: {  	_ =	swait.ge [sflag:s25], $0x2800  }
0x113: {  	[sflag:s25] =	ssyncset.done $0x0  }
0x114: {  	s11 =	simm.s32 $0xA;
	[sflag:s25] =	ssyncadd.s32 $0xFFFFD800  }
0x115: {  	_ =	swait.ge [sflag:s11], $0x50  }
0x116: {  	[sflag:s11] =	ssyncset.done $0x0  }
0x117: {  	[sflag:s11] =	ssyncadd.s32 $0xFFFFFFB0  }
0x118: {  	_ =	swait.ge [sflag:s11], $0x50  }
0x119: {  	[sflag:s11] =	ssyncset.done $0x0  }
0x11a: {  	s14 =	simm.s32 $0xA280;
	[sflag:s11] =	ssyncadd.s32 $0xFFFFFFB0  }
0x11b: {  	[tilespmem:s15], [sflag:$0x2] =	stream.indirect.gather [hbm4b:s4+s24], $0x80, s14, s24, $0xb8;
	[tilespmem:$0x1E080] =	vst v63  }
0x11c: {  	_ =	swait.ge [sflag:s18], $0x2800  }
0x11d: {  	[sflag:s18] =	ssyncset.done $0x0;
	s17 =	rddreg [dreg:$0x16]  }
0x11e: {  	s14 =	simm.s32 $0xA500;
	[sflag:s18] =	ssyncadd.s32 $0xFFFFD800;
	s31 =	sadd.s32 s22, s17  }
0x11f: {  	[spmem:s1] =	stream.indirect.scatter.add.f32 [tilespmem:s21], [sflag:$0xF], $0x80, s14, s24, $0xb8;
	[tilespmem:$0x1E080] =	vst v63  }
0x120: {  	s10 =	sshrl.u32 s31, $0x3  }
0x121: {  	s17 =	simm.s32 $0xA080;
	s8 =	sadd.s32 s5, s10  }
0x122: {  	[tilespmem:s17], [sflag:$0x6] =	stream.linear.gather [hbm4b:s8+s3], $0x50, $0x38;
	[tilespmem:$0x1E080] =	vst v63  }
0x123: {  	s10 =	sadd.s32 s6, s10  }
0x124: {  	[tilespmem:s0], [sflag:$0x6] =	stream.linear.gather [hbm4b:s10+s3], $0x50, $0x38;
	[tilespmem:$0x1E080] =	vst v63  }
0x125: {  	_ =	swait.ge [sflag:s26], $0x2800  }
0x126: {  	[sflag:s26] =	ssyncset.done $0x0  }
0x127: {  	s11 =	simm.s32 $0xB;
	[sflag:s26] =	ssyncadd.s32 $0xFFFFD800  }
0x128: {  	_ =	swait.ge [sflag:s11], $0x50  }
0x129: {  	[sflag:s11] =	ssyncset.done $0x0  }
0x12a: {  	[sflag:s11] =	ssyncadd.s32 $0xFFFFFFB0  }
0x12b: {  	_ =	swait.ge [sflag:s11], $0x50  }
0x12c: {  	[sflag:s11] =	ssyncset.done $0x0  }
0x12d: {  	[sflag:s11] =	ssyncadd.s32 $0xFFFFFFB0  }
0x12e: {  	[tilespmem:s21], [sflag:$0x3] =	stream.indirect.gather [hbm4b:s4+s24], $0x80, s13, s24, $0xb8;
	[tilespmem:$0x1E080] =	vst v63  }
0x12f: {  	_ =	swait.ge [sflag:s19], $0x2800  }
0x130: {  	[sflag:s19] =	ssyncset.done $0x0;
	s13 =	rddreg [dreg:$0x17]  }
0x131: {  	s0 =	simm.s32 $0xA580;
	[sflag:s19] =	ssyncadd.s32 $0xFFFFD800;
	s31 =	sadd.s32 s22, s13  }
0x132: {  	[spmem:s1] =	stream.indirect.scatter.add.f32 [tilespmem:s9], [sflag:$0x10], $0x80, s0, s24, $0xb8;
	[tilespmem:$0x1E080] =	vst v63  }
0x133: {  	s10 =	sshrl.u32 s31, $0x3  }
0x134: {  	s31 =	simm.s32 $0xA100;
	s8 =	sadd.s32 s5, s10  }
0x135: {  	[tilespmem:s31], [sflag:$0x7] =	stream.linear.gather [hbm4b:s8+s3], $0x50, $0x38;
	[tilespmem:$0x1E080] =	vst v63  }
0x136: {  	s13 =	simm.s32 $0x10;
	s10 =	sadd.s32 s6, s10  }
0x137: {  	[tilespmem:s14], [sflag:$0x7] =	stream.linear.gather [hbm4b:s10+s3], $0x50, $0x38;
	[tilespmem:$0x1E080] =	vst v63  }
0x138: {  	_ =	swait.ge [sflag:s13], $0x2800  }
0x139: {  	[sflag:s13] =	ssyncset.done $0x0  }
0x13a: {  	s14 =	simm.s32 $0xC;
	[sflag:s13] =	ssyncadd.s32 $0xFFFFD800  }
0x13b: {  	_ =	swait.ge [sflag:s14], $0x50  }
0x13c: {  	[sflag:s14] =	ssyncset.done $0x0  }
0x13d: {  	[sflag:s14] =	ssyncadd.s32 $0xFFFFFFB0  }
0x13e: {  	_ =	swait.ge [sflag:s14], $0x50  }
0x13f: {  	[sflag:s14] =	ssyncset.done $0x0  }
0x140: {  	s10 =	simm.s32 $0xA380;
	[sflag:s14] =	ssyncadd.s32 $0xFFFFFFB0  }
0x141: {  	[tilespmem:s9], [sflag:$0x4] =	stream.indirect.gather [hbm4b:s4+s24], $0x80, s10, s24, $0xb8;
	[tilespmem:$0x1E080] =	vst v63  }
0x142: {  	_ =	swait.ge [sflag:s12], $0x2800  }
0x143: {  	[sflag:s12] =	ssyncset.done $0x0;
	s11 =	rddreg [dreg:$0x18]  }
0x144: {  	s13 =	simm.s32 $0xA600;
	[sflag:s12] =	ssyncadd.s32 $0xFFFFD800;
	s14 =	sadd.s32 s22, s11  }
0x145: {  	[spmem:s1] =	stream.indirect.scatter.add.f32 [tilespmem:s3], [sflag:$0xD], $0x80, s13, s24, $0xb8;
	[tilespmem:$0x1E080] =	vst v63  }
0x146: {  	s10 =	sshrl.u32 s14, $0x3  }
0x147: {  	s8 =	sadd.s32 s5, s10  }
0x148: {  	[tilespmem:s16], [sflag:$0x8] =	stream.linear.gather [hbm4b:s8+s3], $0x50, $0x38;
	[tilespmem:$0x1E080] =	vst v63  }
0x149: {  	s10 =	sadd.s32 s6, s10  }
0x14a: {  	[tilespmem:s0], [sflag:$0x8] =	stream.linear.gather [hbm4b:s10+s3], $0x50, $0x38;
	[tilespmem:$0x1E080] =	vst v63  }
0x14b: {  	_ =	swait.ge [sflag:s28], $0x2800  }
0x14c: {  	[sflag:s28] =	ssyncset.done $0x0  }
0x14d: {  	s10 =	simm.s32 $0x5;
	[sflag:s28] =	ssyncadd.s32 $0xFFFFD800  }
0x14e: {  	_ =	swait.ge [sflag:s10], $0x50  }
0x14f: {  	[sflag:s10] =	ssyncset.done $0x0  }
0x150: {  	[sflag:s10] =	ssyncadd.s32 $0xFFFFFFB0  }
0x151: {  	_ =	swait.ge [sflag:s10], $0x50  }
0x152: {  	[sflag:s10] =	ssyncset.done $0x0  }
0x153: {  	[sflag:s10] =	ssyncadd.s32 $0xFFFFFFB0  }
0x154: {  	[tilespmem:s3], [sflag:$0x1] =	stream.indirect.gather [hbm4b:s4+s24], $0x80, s20, s24, $0xb8;
	[tilespmem:$0x1E080] =	vst v63  }
0x155: {  	_ =	swait.ge [sflag:s30], $0x2800  }
0x156: {  	[sflag:s30] =	ssyncset.done $0x0;
	s20 =	rddreg [dreg:$0x19]  }
0x157: {  	s11 =	simm.s32 $0xA680;
	[sflag:s30] =	ssyncadd.s32 $0xFFFFD800;
	s0 =	sadd.s32 s22, s20  }
0x158: {  	[spmem:s1] =	stream.indirect.scatter.add.f32 [tilespmem:s15], [sflag:$0xE], $0x80, s11, s24, $0xb8;
	[tilespmem:$0x1E080] =	vst v63  }
0x159: {  	s10 =	sshrl.u32 s0, $0x3  }
0x15a: {  	s16 =	simm.s32 $0xA200;
	s8 =	sadd.s32 s5, s10  }
0x15b: {  	[tilespmem:s16], [sflag:$0x9] =	stream.linear.gather [hbm4b:s8+s3], $0x50, $0x38;
	[tilespmem:$0x1E080] =	vst v63  }
0x15c: {  	s10 =	sadd.s32 s6, s10  }
0x15d: {  	[tilespmem:s13], [sflag:$0x9] =	stream.linear.gather [hbm4b:s10+s3], $0x50, $0x38;
	[tilespmem:$0x1E080] =	vst v63  }
0x15e: {  	_ =	swait.ge [sflag:s25], $0x2800  }
0x15f: {  	[sflag:s25] =	ssyncset.done $0x0  }
0x160: {  	s20 =	simm.s32 $0x6;
	[sflag:s25] =	ssyncadd.s32 $0xFFFFD800  }
0x161: {  	_ =	swait.ge [sflag:s20], $0x50  }
0x162: {  	[sflag:s20] =	ssyncset.done $0x0  }
0x163: {  	[sflag:s20] =	ssyncadd.s32 $0xFFFFFFB0  }
0x164: {  	_ =	swait.ge [sflag:s20], $0x50  }
0x165: {  	[sflag:s20] =	ssyncset.done $0x0  }
0x166: {  	[sflag:s20] =	ssyncadd.s32 $0xFFFFFFB0  }
0x167: {  	[tilespmem:s15], [sflag:$0x2] =	stream.indirect.gather [hbm4b:s4+s24], $0x80, s17, s24, $0xb8;
	[tilespmem:$0x1E080] =	vst v63  }
0x168: {  	_ =	swait.ge [sflag:s18], $0x2800  }
0x169: {  	p1 =	seq.s32 s7, $0x2300;
	[sflag:s18] =	ssyncset.done $0x0;
	s8 =	rddreg [dreg:$0x1a]  }
0x16a: {  	[sflag:s18] =	ssyncadd.s32 $0xFFFFD800;
	s10 =	sadd.s32 @!p1 s22, s8  }
0x16b: {  	[spmem:s1] =	stream.indirect.scatter.add.f32 [tilespmem:s21], [sflag:$0xF], $0x80, s29, s24, $0xb8;
	[tilespmem:$0x1E080] =	vst v63  }
0x16c: {  	s10 =	sshrl.u32 @!p1 s10, $0x3  }
0x16d: {  	s20 =	simm.s32 @!p1 $0x0;
	s8 =	simm.s32 @!p1 $0xA280;
	s11 =	sadd.s32 @!p1 s5, s10  }
0x16e: {  	[tilespmem:s8], [sflag:$0xA] =	stream.linear.gather @!p1 [hbm4b:s11+s20], $0x50, $0x38;
	[tilespmem:$0x1E080] =	vst v63  }
0x16f: {  	s8 =	sadd.s32 @!p1 s6, s10;
	s10 =	simm.s32 @!p1 $0xA680  }
0x170: {  	[tilespmem:s10], [sflag:$0xA] =	stream.linear.gather @!p1 [hbm4b:s8+s20], $0x50, $0x38;
	[tilespmem:$0x1E080] =	vst v63  }
0x171: {  	_ =	swait.ge [sflag:s26], $0x2800  }
0x172: {  	[sflag:s26] =	ssyncset.done $0x0  }
0x173: {  	s29 =	simm.s32 $0x7;
	[sflag:s26] =	ssyncadd.s32 $0xFFFFD800  }
0x174: {  	_ =	swait.ge [sflag:s29], $0x50  }
0x175: {  	[sflag:s29] =	ssyncset.done $0x0  }
0x176: {  	[sflag:s29] =	ssyncadd.s32 $0xFFFFFFB0  }
0x177: {  	_ =	swait.ge [sflag:s29], $0x50  }
0x178: {  	[sflag:s29] =	ssyncset.done $0x0  }
0x179: {  	[sflag:s29] =	ssyncadd.s32 $0xFFFFFFB0  }
0x17a: {  	[tilespmem:s21], [sflag:$0x3] =	stream.indirect.gather [hbm4b:s4+s24], $0x80, s31, s24, $0xb8;
	[tilespmem:$0x1E080] =	vst v63  }
.Ltmp3:
0x17b: {  	s12 =	simm.s32 $0xA300;
	s14 =	simm.s32 $0xA000;
	(pc) =	sbr.rel @p1 .LBB2_6-.Ltmp3, $4  }
0x17c: {  	s30 =	simm.s32 $0x2800;
	s0 =	simm.s32 $0xA080;
	_ =	swait.ge [sflag:s19], $0x2800  }
0x17d: {  	s15 =	simm.s32 $0x5000;
	s11 =	simm.s32 $0xA700;
	[sflag:s19] =	ssyncset.done $0x0  }
0x17e: {  	s20 =	simm.s32 $0xA100;
	s31 =	simm.s32 $0xA780;
	[sflag:s19] =	ssyncadd.s32 $0xFFFFD800  }
0x17f: {  	[spmem:s1] =	stream.indirect.scatter.add.f32 [tilespmem:s9], [sflag:$0x10], $0x80, s31, s24, $0xb8;
	[tilespmem:$0x1E080] =	vst v63  }
0x180: {  	s8 =	rddreg [dreg:$0x1b]  }
0x181: {  	s8 =	sadd.s32 s22, s8  }
.Ltmp4:
0x182: {  	s7 =	sadd.s32 $0x280, s7;
	s8 =	sshrl.u32 s8, $0x3;
	(pc) =	sbr.rel .LBB2_4-.Ltmp4, $4  }
0x183: {  	s2 =	sadd.s32 $0x50, s2;
	s23 =	sadd.s32 $0x50, s23;
	s10 =	sadd.s32 s5, s8  }
0x184: {  	[tilespmem:s12], [sflag:$0xB] =	stream.linear.gather [hbm4b:s10+s3], $0x50, $0x38;
	[tilespmem:$0x1E080] =	vst v63  }
0x185: {  	s29 =	simm.s32 $0xA700;
	s13 =	simm.s32 $0xA300;
	s8 =	sadd.s32 s6, s8  }
0x186: {  	[tilespmem:s11], [sflag:$0xB] =	stream.linear.gather [hbm4b:s8+s3], $0x50, $0x38;
	[tilespmem:$0x1E080] =	vst v63  }
.LBB2_7:
0x187: {  	_ =	sfence.sel $0x180000  }
0x188: {  	[bflag:$0x0] =	sbarrier.arrive $0xFFFF  }
0x189: {  	_ =	strace $0x9000004D  }
0x18a: {  	s0 =	stileid.u32;
	[bflag:$0x2] =	sbarrier.arrive $0xFFFF  }
0x18b: {  	p0 =	sne.s32 s0, $0x0;
	s0 =	rddreg [dreg:$0x2]  }
0x18c: {  	s0 =	sadd.s32 @!p0 $0x100000, s0  }
0x18d: {  	[sflag:s0] =	ssyncadd.tile.s32 @!p0 $0x1;
	_ =	shalt  }
.Lfunc_end2:
_tile_overlayer_lowered:
.L_overlay_start_2:
0x18e: {  	(tag) =	ssettag $0x2  }
0x18f: {  	s0 =	rddreg [dreg:$0x0];
	s2 =	stileid.u32  }
0x190: {  	s1 =	rddreg [dreg:$0x1];
	p0 =	sne.s32 s2, $0x0  }
0x191: {  	s3 =	rddreg [dreg:$0x2];
	[bflag:$0x3] =	sbarrier.arrive $0xFFFF;
	s2 =	simm.s32 @!p0 $0x1C12  }
0x192: {  	[timem:s3], [sflag:s2] =	dma.local @!p0 [hbm:s0], s1  }
0x193: {  	s0 =	simm.s32 @!p0 $0x12  }
0x194: {  	_ =	swait.ge @!p0 [sflag:s0], s1  }
0x195: {  	s1 =	ssub.s32 @!p0 $0x0, s1;
	[sflag:s0] =	ssyncset.done @!p0 $0x0  }
0x196: {  	[sflag:s0] =	ssyncadd.s32 @!p0 s1  }
0x197: {  	[bflag:$0x3] =	sbarrier.arrive $0xFFFF  }
0x198: {  	_ =	shalt  }

// kernel: kernel.8.cloned.1.call-start
scs
__scs_entry_jumppad:
0x0: {  	(pc) =	sbr.rel $0x88, $3  }
0x1: {  	(tag) =	ssettag $0x0;
	lr =	simm.s32 $0x1  }
0x2: {  	[smem:$0x3F88] =	sst lr;
	_ =	strace $0xD0000000  }
0x3: {  	_ = 	snop  }
0x4: {  	_ = 	snop  }
0x5: {  	_ = 	snop  }
0x6: {  	_ = 	snop  }
0x7: {  	_ = 	snop  }
__scs_overlays_trampoline_lowered:
0x8: {  	[smem:$0x3F97] =	sst s0  }
0x9: {  	[smem:$0x3F98] =	sst s1  }
0xa: {  	[smem:$0x3F99] =	sst s2  }
0xb: {  	[smem:$0x3F9A] =	sst s3  }
0xc: {  	[smem:$0x3F9B] =	sst s4  }
0xd: {  	[smem:$0x3F9C] =	sst s5  }
0xe: {  	[smem:$0x3F9D] =	sst s6  }
0xf: {  	[smem:$0x3F9E] =	sst s7  }
0x10: {  	[smem:$0x3F9F] =	sst s8  }
0x11: {  	[smem:$0x3FA0] =	sst s9;
	s0 =	simm.s32 @!p0 $0x0  }
0x12: {  	s1 =	sld [smem:$0x3F86];
	s0 =	simm.s32 @p0 $0x1  }
0x13: {  	[smem:$0x3FA1] =	sst s0;
	s0 =	simm.s32 @!p1 $0x0  }
0x14: {  	s2 =	sld [smem:$0x3F85];
	s0 =	simm.s32 @p1 $0x1  }
0x15: {  	[smem:$0x3FA2] =	sst s0;
	s0 =	simm.s32 @!p2 $0x0  }
0x16: {  	s3 =	sld [smem:$0x3FDB];
	s0 =	simm.s32 @p2 $0x1  }
0x17: {  	s4 =	simm.s32 $0x1BF5;
	[smem:$0x3FA4] =	sst s0  }
0x18: {  	s0 =	sld [smem:$0x3F87];
	_ =	swait.ge [sflag:s4], $0x0  }
0x19: {  	s7 =	sld [smem:$0x3F88]  }
0x1a: {  	s8 =	sadd.s32 $0xFFFFE003, lr  }
0x1b: {  	s9 =	sadd.s32 $0xFFFFFEF7, lr;
	s5 =	simm.s32 $0xFFFFFFFF;
	p2 =	slt.u32 s8, $0xFFFFF086  }
0x1c: {  	p1 =	slt.u32 s9, $0xF7A;
	s5 =	simm.s32 @!p2 $0x0  }
0x1d: {  	s5 =	simm.s32 @p1 $0x1;
	p0 =	seq.s32 s7, s2  }
0x1e: {  	s7 =	smul.u32 @!p0 $0xF7A, s2;
	p2 =	seq.s32 @!p0 s5, $0x0  }
0x1f: {  	s9 =	smul.u32 $0xF7A, s1;
	s8 =	simm.s32 @!p0 $0x1BF5;
	p2 =	por !p2, p0  }
0x20: {  	[sflag:s8] =	ssyncset.s32 @!p0 $0xFFFFF086;
	s6 =	sadd.s32 @!p0 s3, s7;
	s7 =	simm.s32 @!p0 $0x108  }
0x21: {  	s3 =	sadd.s32 s3, s9;
	s6 =	sadd.s32 @!p0 $0x88, s6;
	s7 =	simm.s32 @p2 $0x1082  }
0x22: {  	[simem:s7], [sflag:s8] =	dma.local @!p0 [hbm:s6], $0xF7A  }
0x23: {  	s9 =	sor.u32 $0xD0000000, s2;
	s6 =	simm.s32 $0x108;
	_ =	swait.ge @!p0 [sflag:s8], $0x0  }
0x24: {  	s3 =	sadd.s32 $0x88, s3;
	s6 =	simm.s32 @!p1 $0x1082;
	[sflag:s4] =	ssyncset.s32 $0xFFFFF086  }
0x25: {  	[simem:s6], [sflag:s4] =	dma.local [hbm:s3], $0xF7A  }
0x26: {  	[smem:$0x3F88] =	sst s1;
	(tag) =	ssettag s2;
	_ =	strace s9  }
0x27: {  	s1 =	sld [smem:$0x3F98]  }
0x28: {  	s2 =	sld [smem:$0x3F99]  }
0x29: {  	s4 =	sld [smem:$0x3F9B]  }
0x2a: {  	p0 =	seq.s32 s5, $0x0;
	s5 =	sld [smem:$0x3F9C]  }
0x2b: {  	s6 =	sld [smem:$0x3F9D]  }
0x2c: {  	s7 =	sld [smem:$0x3F9E]  }
0x2d: {  	s3 =	simm.s32 $0x108;
	s8 =	sld [smem:$0x3F9F]  }
0x2e: {  	s3 =	simm.s32 @!p0 $0x1082;
	s9 =	sld [smem:$0x3FA0]  }
0x2f: {  	lr =	sadd.s32 s0, s3;
	s0 =	sld [smem:$0x3F97]  }
0x30: {  	s3 =	sld [smem:$0x3F9A]  }
0x31: {  	[smem:$0x3FA3] =	sst s10  }
0x32: {  	s10 =	sld [smem:$0x3FA1];
	_ =	sdelay $0x3  }
0x33: {  	p0 =	seq.s32 s10, $0x1;
	s10 =	sld [smem:$0x3FA3];
	_ =	sdelay $0x3  }
0x34: {  	[smem:$0x3FA3] =	sst s10  }
0x35: {  	s10 =	sld [smem:$0x3FA2];
	_ =	sdelay $0x3  }
0x36: {  	p1 =	seq.s32 s10, $0x1;
	s10 =	sld [smem:$0x3FA3];
	_ =	sdelay $0x3  }
0x37: {  	[smem:$0x3FA3] =	sst s10  }
0x38: {  	s10 =	sld [smem:$0x3FA4]  }
0x39: {  	_ = 	snop;
	(pc) =	sbr.ind lr, $3  }
0x3a: {  	_ = 	snop  }
0x3b: {  	_ = 	snop  }
0x3c: {  	p2 =	seq.s32 s10, $0x1;
	s10 =	sld [smem:$0x3FA3]  }
0x3d: {  	_ =	shalt  }
0x3e: {  	_ =	shalt  }
0x3f: {  	_ =	shalt  }
0x40: {  	_ =	shalt  }
0x41: {  	_ =	shalt  }
0x42: {  	_ =	shalt  }
0x43: {  	_ =	shalt  }
0x44: {  	_ =	shalt  }
0x45: {  	_ =	shalt  }
0x46: {  	_ =	shalt  }
0x47: {  	_ =	shalt  }
0x48: {  	_ =	shalt  }
0x49: {  	_ =	shalt  }
0x4a: {  	_ =	shalt  }
0x4b: {  	_ =	shalt  }
0x4c: {  	_ =	shalt  }
0x4d: {  	_ =	shalt  }
0x4e: {  	_ =	shalt  }
0x4f: {  	_ =	shalt  }
0x50: {  	_ =	shalt  }
0x51: {  	_ =	shalt  }
0x52: {  	_ =	shalt  }
0x53: {  	_ =	shalt  }
0x54: {  	_ =	shalt  }
0x55: {  	_ =	shalt  }
0x56: {  	_ =	shalt  }
0x57: {  	_ =	shalt  }
0x58: {  	_ =	shalt  }
0x59: {  	_ =	shalt  }
0x5a: {  	_ =	shalt  }
0x5b: {  	_ =	shalt  }
0x5c: {  	_ =	shalt  }
0x5d: {  	_ =	shalt  }
0x5e: {  	_ =	shalt  }
0x5f: {  	_ =	shalt  }
0x60: {  	_ =	shalt  }
0x61: {  	_ =	shalt  }
0x62: {  	_ =	shalt  }
0x63: {  	_ =	shalt  }
0x64: {  	_ =	shalt  }
0x65: {  	_ =	shalt  }
0x66: {  	_ =	shalt  }
0x67: {  	_ =	shalt  }
0x68: {  	_ =	shalt  }
0x69: {  	_ =	shalt  }
0x6a: {  	_ =	shalt  }
0x6b: {  	_ =	shalt  }
0x6c: {  	_ =	shalt  }
0x6d: {  	_ =	shalt  }
0x6e: {  	_ =	shalt  }
0x6f: {  	_ =	shalt  }
0x70: {  	_ =	shalt  }
0x71: {  	_ =	shalt  }
0x72: {  	_ =	shalt  }
0x73: {  	_ =	shalt  }
0x74: {  	_ =	shalt  }
0x75: {  	_ =	shalt  }
0x76: {  	_ =	shalt  }
0x77: {  	_ =	shalt  }
0x78: {  	_ =	shalt  }
0x79: {  	_ =	shalt  }
0x7a: {  	_ =	shalt  }
0x7b: {  	_ =	shalt  }
0x7c: {  	_ =	shalt  }
0x7d: {  	_ =	shalt  }
0x7e: {  	_ =	shalt  }
0x7f: {  	_ =	shalt  }
0x80: {  	_ =	shalt  }
0x81: {  	_ =	shalt  }
0x82: {  	_ =	shalt  }
0x83: {  	_ =	shalt  }
0x84: {  	_ =	shalt  }
0x85: {  	_ =	shalt  }
0x86: {  	_ =	shalt  }
0x87: {  	_ =	shalt  }
.Lfunc_end0:
.L_simem_size_0:
called_computation_lowered:
.L_overlay_start_0:
0x88: {  	s2 =	sld [smem:$0x3FD9]  }
0x89: {  	s3 =	sld [smem:$0x3FFE];
	_ =	sdelay $0x1  }
0x8a: {  	s1 =	srdreg.scid  }
0x8b: {  	s0 =	sand.u32 $0x1, s1  }
0x8c: {  	s17 =	sshll.u32 s0, $0xA;
	s2 =	sadd.s32 s3, s2  }
0x8d: {  	s2 =	sadd.s32 s2, s17  }
0x8e: {  	[smem:$0x3FAF] =	sst s2  }
0x8f: {  	_ = 	snop  }
0x90: {  	s2 =	sld [smem:$0x3FC9];
	(tm) =	ssettm $0x1  }
0x91: {  	s18 =	sld [smem:$0x3FFB];
	_ =	sdelay $0x3  }
0x92: {  	_ =	strace s18  }
0x93: {  	s3 =	sld [smem:$0x3FFC];
	_ =	sdelay $0x3  }
0x94: {  	_ =	strace s3  }
0x95: {  	s3 =	sld [smem:$0x3FFD];
	_ =	sdelay $0x3  }
0x96: {  	_ =	strace s3  }
0x97: {  	_ =	strace $0x8FFFFFFF  }
0x98: {  	s19 =	sld [smem:$0x3FDB];
	_ =	sdelay $0x1  }
0x99: {  	s4 =	simm.s32 $_scs_section_size  }
0x9a: {  	s5 =	simm.s32 $_size__tile_overlayer_lowered;
	s6 =	simm.s32 $_tile_overlayer_lowered  }
0x9b: {  	s22 =	simm.s32 $0x1BFF;
	s21 =	sshll.u32 s6, $0x1;
	s3 =	sadd.s32 s4, s19  }
0x9c: {  	s7 =	simm.s32 $0x0;
	s20 =	sshll.u32 s5, $0x1;
	s5 =	sadd.s32 s21, s3  }
0x9d: {  	[timem:s7], [sflag:s22] =	dma.local [hbm:s5], s20  }
0x9e: {  	_ =	swait.ge [sflag:s22], s20  }
0x9f: {  	s4 =	ssub.s32 $0x0, s20;
	[sflag:s22] =	ssyncset.done $0x0  }
0xa0: {  	[sflag:s22] =	ssyncadd.s32 s4;
	_ =	sdelay $0x1  }
0xa1: {  	s23 =	simm.s32 $0x1B8B  }
0xa2: {  	_ =	swait.ge [sflag:s23], $0x1  }
0xa3: {  	[sflag:s23] =	ssyncset.done $0x0  }
0xa4: {  	s25 =	simm.s32 $0x1B8E;
	s24 =	sld [smem:$0x3FFE];
	[sflag:s23] =	ssyncadd.s32 $0xFFFFFFFF  }
0xa5: {  	s26 =	simm.s32 $execute0_lowered;
	[smem:$0x3FD2] =	sst s25  }
0xa6: {  	s5 =	sshll.u32 s26, $0x1;
	_ =	strace $0x80000046;
	[dreg:$0x1] =	wrdreg $0xFFFFFFFF  }
0xa7: {  	s28 =	simm.s32 $_size_execute0_lowered;
	s3 =	sadd.s32 s3, s5;
	[dreg:$0x0] =	wrdreg $0x0  }
0xa8: {  	s5 =	sshll.u32 s28, $0x1;
	[dreg:$0x2] =	wrdreg s3  }
0xa9: {  	[dreg:$0x3] =	wrdreg s5  }
0xaa: {  	[dreg:$0x4] =	wrdreg $0xC0  }
0xab: {  	_ =	task [dreg:s7], $0x5FFFF  }
0xac: {  	[dreg:$0x1] =	wrdreg $0xFFFFFFFF  }
0xad: {  	[dreg:$0x0] =	wrdreg $0x60  }
0xae: {  	[dreg:$0x2] =	wrdreg s2  }
0xaf: {  	[dreg:$0x3] =	wrdreg s24  }
0xb0: {  	[dreg:$0x4] =	wrdreg $0xA8000  }
0xb1: {  	[dreg:$0x5] =	wrdreg $0x9  }
0xb2: {  	_ =	task.clear_ibuf [dreg:s7], $0x6FFFF;
	_ =	strace $0x90000046  }
0xb3: {  	s29 =	simm.s32 $0x9;
	_ =	strace $0x80000048  }
0xb4: {  	_ =	swait.ge [sflag:s29], $0x1  }
0xb5: {  	[sflag:s29] =	ssyncadd.s32 $0xFFFFFFFF  }
0xb6: {  	_ =	strace $0x90000048  }
0xb7: {  	_ =	sfence  }
0xb8: {  	s30 =	sld [smem:$0x0];
	_ =	sdelay $0x2  }
0xb9: {  	s31 =	sshll.u32 s1, $0xD;
	s1 =	sshrl.u32 s1, $0x2  }
0xba: {  	s3 =	sand.u32 $0x4000, s31;
	s1 =	sadd.s32 s1, s30  }
0xbb: {  	s0 =	sor.u32 s3, s0;
	s1 =	sshll.u32 s1, $0x11  }
0xbc: {  	s0 =	sor.u32 s1, s0  }
0xbd: {  	s0 =	sadd.s32 $0x8F2B, s0  }
0xbe: {  	[sflag:s0] =	ssyncadd.remote.s32 $0x1  }
0xbf: {  	_ =	sfence.sel $0xFFFF  }
0xc0: {  	[dreg:$0x0] =	wrdreg $0xFFFFFFFF;
	(pc) =	sbr.abs _section_cstart, $3  }
0xc1: {  	[dreg:$0x1] =	wrdreg $0xFFFFFFFF  }
0xc2: {  	_ =	task.clear_ibuf [dreg:s7], $0x2FFFF;
	_ =	strace $0x9FFFFFFF  }
0xc3: {  	(tm) =	ssettm $0x7FFFFFFF  }
tec
execute0_lowered:
.L_overlay_start_1:
0x0: {  	(tag) =	ssettag $0x1  }
0x1: {  	s1 =	srdreg.scid;
	s14 =	stileid.u32  }
0x2: {  	s0 =	rddreg [dreg:$0x0];
	s1 =	sand.u32 $0x1, s1;
	s20 =	smul.u32 $0x2710, s14  }
0x3: {  	s2 =	rddreg [dreg:$0x1];
	s5 =	sshll.u32 s1, $0x4;
	s16 =	smul.u32 $0x138800, s1  }
0x4: {  	s8 =	ssub.s32 $0x2, s1;
	s1 =	smul.u32 $0x27100, s1;
	s5 =	sor.u32 s14, s5  }
0x5: {  	s3 =	rddreg [dreg:$0x2];
	s4 =	simm.s32 $0x0;
	s7 =	smul.u32 $0x2710, s5  }
0x6: {  	s31 =	simm.s32 $0xA600;
	[smem:$0x7FF] =	sst s4;
	s6 =	sadd.s32 $0x4000, s2  }
0x7: {  	s5 =	sadd.s32 $0xDE00, s2;
	s1 =	sadd.s32 s20, s1;
	s10 =	sshrl.u32 s7, $0x3  }
0x8: {  	_ =	strace $0x80000047;
	s1 =	sadd.s32 $0x230, s1;
	s11 =	sadd.s32 s5, s10  }
0x9: {  	s1 =	sshrl.u32 s1, $0x3;
	s24 =	sadd.s32 s6, s10;
	[dreg:$0x4] =	wrdreg s11  }
0xa: {  	s9 =	sshrl.u32 s8, $0x1;
	s20 =	sadd.s32 s1, s6;
	[dreg:$0x10] =	wrdreg s24  }
0xb: {  	s25 =	sadd.s32 $0xA, s10;
	s1 =	sadd.s32 s1, s5;
	[dreg:$0x1f] =	wrdreg s20  }
0xc: {  	s8 =	ssub.s32 s8, s9;
	s26 =	sadd.s32 s5, s25;
	[smem:$0x7F5] =	sst s1  }
0xd: {  	s29 =	sadd.s32 $0x14, s10;
	s9 =	sadd.s32 s6, s25;
	[dreg:$0x5] =	wrdreg s26  }
0xe: {  	s13 =	sadd.s32 $0x1E, s10;
	s12 =	sadd.s32 s5, s29;
	[dreg:$0x6] =	wrdreg s9  }
0xf: {  	s17 =	sadd.s32 $0x28, s10;
	s11 =	sadd.s32 s6, s29;
	[dreg:$0x7] =	wrdreg s12  }
0x10: {  	s18 =	sadd.s32 $0x32, s10;
	s15 =	sadd.s32 s5, s13;
	[dreg:$0x8] =	wrdreg s11  }
0x11: {  	s22 =	sadd.s32 $0x3C, s10;
	s19 =	sadd.s32 s5, s18;
	[dreg:$0x9] =	wrdreg s15  }
0x12: {  	s10 =	sadd.s32 $0x46, s10;
	s25 =	sadd.s32 s5, s22;
	[dreg:$0xd] =	wrdreg s19  }
0x13: {  	s30 =	simm.s32 $0x2800;
	s29 =	sadd.s32 s5, s10;
	[dreg:$0x11] =	wrdreg s25  }
0x14: {  	s28 =	simm.s32 $0xD;
	s10 =	sadd.s32 s6, s10;
	[dreg:$0x13] =	wrdreg s29  }
0x15: {  	s23 =	smul.u32 $0x4E000, s14;
	s9 =	sadd.s32 s6, s13;
	[dreg:$0x14] =	wrdreg s10  }
0x16: {  	p0 =	sne.s32 s14, $0xF;
	s13 =	sadd.s32 s5, s17;
	[dreg:$0xa] =	wrdreg s9  }
0x17: {  	s2 =	sadd.s32 $0x17C00, s2;
	s15 =	sadd.s32 $0x320, s7;
	[dreg:$0xb] =	wrdreg s13  }
0x18: {  	s1 =	simm.s32 $0xA080;
	s19 =	smax.u32 s8, $0x1;
	[dreg:$0x18] =	wrdreg s15  }
0x19: {  	s20 =	simm.s32 $0xA100;
	s9 =	sadd.s32 s6, s17;
	[dreg:$0x1e] =	wrdreg s19  }
0x1a: {  	s12 =	smul.u32 $0x13800, s14;
	s13 =	sadd.s32 $0x2D0, s7;
	[dreg:$0xc] =	wrdreg s9  }
0x1b: {  	s26 =	sshrl.u32 s23, $0x2;
	s17 =	sadd.s32 $0x3C0, s7;
	[dreg:$0x17] =	wrdreg s13  }
0x1c: {  	s11 =	sshrl.u32 s16, $0x3;
	s10 =	sadd.s32 s26, s3;
	[dreg:$0x1a] =	wrdreg s17  }
0x1d: {  	s14 =	simm.s32 $0xA000;
	s9 =	sadd.s32 s6, s18;
	[dreg:$0x15] =	wrdreg s10  }
0x1e: {  	s12 =	sadd.s32 s12, s16;
	s16 =	sadd.s32 $0x370, s7;
	[dreg:$0xe] =	wrdreg s9  }
0x1f: {  	s8 =	simm.s32 $0xA580;
	s18 =	sadd.s32 $0x410, s7;
	[dreg:$0x19] =	wrdreg s16  }
0x20: {  	s15 =	simm.s32 $0x5000;
	s23 =	sadd.s32 $0x7800, s10;
	[dreg:$0x1b] =	wrdreg s18  }
0x21: {  	s19 =	simm.s32 $0x4;
	s24 =	sadd.s32 $0xA000, s10;
	[smem:$0x7F8] =	sst s23  }
0x22: {  	s25 =	sadd.s32 $0xC800, s10;
	s26 =	sadd.s32 $0xF000, s10;
	[smem:$0x7F9] =	sst s24  }
0x23: {  	s29 =	sadd.s32 $0x11800, s10;
	s17 =	simm.s32 $0xA480;
	[smem:$0x7FA] =	sst s25  }
0x24: {  	s13 =	simm.s32 $0xA300;
	s12 =	sshrl.u32 s12, $0x3;
	[smem:$0x7FB] =	sst s26  }
0x25: {  	s9 =	sadd.s32 s6, s22;
	s22 =	sadd.s32 $0x5000, s10;
	[smem:$0x7FC] =	sst s29  }
0x26: {  	s23 =	simm.s32 $0xA500;
	s16 =	simm.s32 $0xA200;
	s24 =	simm.s32 $0x50  }
0x27: {  	s25 =	simm.s32 $0xE;
	s18 =	simm.s32 $0x3;
	[dreg:$0x12] =	wrdreg s9  }
0x28: {  	s26 =	simm.s32 $0xF;
	s21 =	sadd.s32 s2, s12;
	[smem:$0x7F7] =	sst s22  }
0x29: {  	s2 =	sadd.s32 s2, s11;
	s12 =	sadd.s32 $0x280, s7;
	[dreg:$0xf] =	wrdreg s21  }
.Ltmp0:
0x2a: {  	s7 =	sadd.s32 $0x460, s7;
	[dreg:$0x16] =	wrdreg s12;
	(pc) =	sbr.rel .LBB2_1-.Ltmp0, $4  }
0x2b: {  	s11 =	sadd.s32 $0x138000, s3;
	s22 =	simm.s32 $0xA400;
	[dreg:$0x1c] =	wrdreg s7  }
0x2c: {  	s9 =	simm.s32 $0x0;
	s2 =	sadd.s32 $0x27000, s2;
	[smem:$0x7FD] =	sst s11  }
0x2d: {  	s21 =	sadd.s32 $0x2800, s10;
	s7 =	simm.s32 $0xA180;
	[dreg:$0x1d] =	wrdreg s2  }
0x2e: {  	v0 =	vimm.f32 $0.0e+00;
	s12 =	simm.s32 $0xA700;
	[smem:$0x7F6] =	sst s21;
	s21 =	simm.s32 $0x5000  }
.LBB2_6:
0x2f: {  	s10 =	simm.s32 $0x10  }
0x30: {  	_ =	swait.ge [sflag:s10], $0x2800  }
0x31: {  	[sflag:s10] =	ssyncset.done $0x0  }
0x32: {  	s2 =	simm.s32 $0x8;
	[sflag:s10] =	ssyncadd.s32 $0xFFFFD800  }
0x33: {  	_ =	swait.ge [sflag:s2], $0x50  }
0x34: {  	[sflag:s2] =	ssyncset.done $0x0  }
0x35: {  	[sflag:s2] =	ssyncadd.s32 $0xFFFFFFB0  }
0x36: {  	_ =	swait.ge [sflag:s2], $0x50  }
0x37: {  	s13 =	simm.s32 $0xA180;
	[sflag:s2] =	ssyncset.done $0x0  }
0x38: {  	s7 =	simm.s32 $0x7800;
	s8 =	simm.s32 $0x1;
	[sflag:s2] =	ssyncadd.s32 $0xFFFFFFB0  }
0x39: {  	[tilespmem:s7], [sflag:$0x4] =	stream.indirect.gather [hbm4b:s0+s24], $0x80, s13, s24, $0xb8;
	[tilespmem:$0x1E080] =	vst v63  }
0x3a: {  	_ =	swait.ge [sflag:s8], $0x2800  }
0x3b: {  	[sflag:s8] =	ssyncset.done $0x0  }
0x3c: {  	s22 =	simm.s32 $0xA400;
	s9 =	simm.s32 $0xD;
	[sflag:s8] =	ssyncadd.s32 $0xFFFFD800  }
0x3d: {  	[spmem:s3] =	stream.indirect.scatter.add.f32 [tilespmem:s4], [sflag:$0xD], $0x80, s22, s24, $0xb8;
	[tilespmem:$0x1E080] =	vst v63  }
0x3e: {  	_ =	swait.ge [sflag:s9], $0x2800  }
0x3f: {  	[sflag:s9] =	ssyncset.done $0x0  }
0x40: {  	s17 =	simm.s32 $0x9;
	[sflag:s9] =	ssyncadd.s32 $0xFFFFD800  }
0x41: {  	_ =	swait.ge [sflag:s17], $0x50  }
0x42: {  	[sflag:s17] =	ssyncset.done $0x0  }
0x43: {  	[sflag:s17] =	ssyncadd.s32 $0xFFFFFFB0  }
0x44: {  	_ =	swait.ge [sflag:s17], $0x50  }
0x45: {  	[sflag:s17] =	ssyncset.done $0x0  }
0x46: {  	s23 =	simm.s32 $0x2;
	[sflag:s17] =	ssyncadd.s32 $0xFFFFFFB0  }
0x47: {  	[tilespmem:s4], [sflag:$0x1] =	stream.indirect.gather [hbm4b:s0+s24], $0x80, s16, s24, $0xb8;
	[tilespmem:$0x1E080] =	vst v63  }
0x48: {  	_ =	swait.ge [sflag:s23], $0x2800  }
0x49: {  	[sflag:s23] =	ssyncset.done $0x0  }
0x4a: {  	s29 =	simm.s32 $0xE;
	s17 =	simm.s32 $0xA480;
	[sflag:s23] =	ssyncadd.s32 $0xFFFFD800  }
0x4b: {  	[spmem:s3] =	stream.indirect.scatter.add.f32 [tilespmem:s30], [sflag:$0xE], $0x80, s17, s24, $0xb8;
	[tilespmem:$0x1E080] =	vst v63  }
0x4c: {  	_ =	swait.ge [sflag:s29], $0x2800  }
0x4d: {  	[sflag:s29] =	ssyncset.done $0x0  }
0x4e: {  	s11 =	simm.s32 $0x3;
	[sflag:s29] =	ssyncadd.s32 $0xFFFFD800  }
0x4f: {  	_ =	swait.ge [sflag:s11], $0x2800  }
0x50: {  	[sflag:s11] =	ssyncset.done $0x0  }
0x51: {  	s13 =	simm.s32 $0xF;
	s23 =	simm.s32 $0xA500;
	[sflag:s11] =	ssyncadd.s32 $0xFFFFD800  }
0x52: {  	[spmem:s3] =	stream.indirect.scatter.add.f32 [tilespmem:s15], [sflag:$0xF], $0x80, s23, s24, $0xb8;
	[tilespmem:$0x1E080] =	vst v63  }
0x53: {  	_ =	swait.ge [sflag:s13], $0x2800  }
0x54: {  	[sflag:s13] =	ssyncset.done $0x0  }
0x55: {  	[sflag:s13] =	ssyncadd.s32 $0xFFFFD800  }
0x56: {  	_ =	swait.ge [sflag:s19], $0x2800  }
0x57: {  	[sflag:s19] =	ssyncset.done $0x0  }
0x58: {  	s29 =	simm.s32 $0xA580;
	[sflag:s19] =	ssyncadd.s32 $0xFFFFD800  }
0x59: {  	[spmem:s3] =	stream.indirect.scatter.add.f32 [tilespmem:s7], [sflag:$0x10], $0x80, s29, s24, $0xb8;
	[tilespmem:$0x1E080] =	vst v63  }
0x5a: {  	_ =	swait.ge [sflag:s10], $0x2800  }
0x5b: {  	[sflag:s10] =	ssyncset.done $0x0  }
0x5c: {  	[sflag:s10] =	ssyncadd.s32 $0xFFFFD800  }
0x5d: {  	_ =	swait.ge [sflag:s8], $0x2800  }
0x5e: {  	[sflag:s8] =	ssyncset.done $0x0  }
0x5f: {  	s31 =	simm.s32 $0xA600;
	[sflag:s8] =	ssyncadd.s32 $0xFFFFD800  }
0x60: {  	[spmem:s3] =	stream.indirect.scatter.add.f32 [tilespmem:s4], [sflag:$0xD], $0x80, s31, s24, $0xb8;
	[tilespmem:$0x1E080] =	vst v63  }
0x61: {  	_ =	swait.ge [sflag:s9], $0x2800  }
0x62: {  	[sflag:s9] =	ssyncset.done $0x0  }
0x63: {  	[sflag:s9] =	ssyncadd.s32 $0xFFFFD800  }
0x64: {  	s7 =	stileid.u32;
	[bflag:$0x0] =	sbarrier.arrive $0xFFFF  }
0x65: {  	s11 =	simm.s32 $0x12;
	s2 =	sshll.u32 s7, $0x6;
	s10 =	rddreg [dreg:$0x15]  }
0x66: {  	s2 =	sor.u32 $0x1C12, s2;
	s9 =	rddreg [dreg:$0xf];
	s8 =	sshrl.u32 s10, $0x3  }
0x67: {  	[hbm:s9], [sflag:s2] =	dma.local [spmem:s8], $0x2700  }
0x68: {  	_ =	swait.ge [sflag:s11], $0x2700  }
0x69: {  	[sflag:s11] =	ssyncset.done $0x0  }
0x6a: {  	[sflag:s11] =	ssyncadd.s32 $0xFFFFD900;
	s11 =	sld [smem:$0x7FD];
	_ =	sdelay $0x2  }
0x6b: {  	s8 =	rddreg [dreg:$0x1d];
	s7 =	sshrl.u32 @!p0 s11, $0x3  }
0x6c: {  	[hbm:s8], [sflag:s2] =	dma.local @!p0 [spmem:s7], $0x100  }
0x6d: {  	s2 =	simm.s32 @!p0 $0x12  }
0x6e: {  	_ =	swait.ge @!p0 [sflag:s2], $0x100  }
0x6f: {  	s13 =	sld [smem:$0x7F4];
	_ =	sdelay $0x2  }
0x70: {  	s29 =	rddreg [dreg:$0x1e];
	s9 =	sadd.s32 $0x1, s13  }
0x71: {  	p1 =	sne.s32 s9, s29  }
.Ltmp1:
0x72: {  	_ = 	snop;
	(pc) =	sbr.rel @!p1 .LBB2_7-.Ltmp1, $3  }
0x73: {  	_ =	sdelay $0x1  }
0x74: {  	s12 =	simm.s32 $0xA700;
	s8 =	simm.s32 $0xA580;
	[sflag:s2] =	ssyncset.done @!p0 $0x0  }
0x75: {  	s7 =	simm.s32 $0xA180;
	[sflag:s2] =	ssyncadd.s32 @!p0 $0xFFFFFF00;
	s13 =	simm.s32 $0xA300  }
.LBB2_1:
0x76: {  	[smem:$0x7F4] =	sst s9  }
0x77: {  	s2 =	rddreg [dreg:$0x4]  }
0x78: {  	[tilespmem:s14], [sflag:$0x5] =	stream.linear.gather [hbm4b:s2+s4], $0x50, $0x38;
	[tilespmem:$0x1E080] =	vst v63  }
0x79: {  	s9 =	rddreg [dreg:$0x10]  }
0x7a: {  	[tilespmem:s22], [sflag:$0x5] =	stream.linear.gather [hbm4b:s9+s4], $0x50, $0x38;
	[tilespmem:$0x1E080] =	vst v63  }
0x7b: {  	s29 =	rddreg [dreg:$0x5]  }
0x7c: {  	[tilespmem:s1], [sflag:$0x6] =	stream.linear.gather [hbm4b:s29+s4], $0x50, $0x38;
	[tilespmem:$0x1E080] =	vst v63  }
0x7d: {  	s9 =	rddreg [dreg:$0x6]  }
0x7e: {  	[tilespmem:s17], [sflag:$0x6] =	stream.linear.gather [hbm4b:s9+s4], $0x50, $0x38;
	[tilespmem:$0x1E080] =	vst v63  }
0x7f: {  	s22 =	rddreg [dreg:$0x7]  }
0x80: {  	[tilespmem:s20], [sflag:$0x7] =	stream.linear.gather [hbm4b:s22+s4], $0x50, $0x38;
	[tilespmem:$0x1E080] =	vst v63  }
0x81: {  	s29 =	rddreg [dreg:$0x8]  }
0x82: {  	[tilespmem:s23], [sflag:$0x7] =	stream.linear.gather [hbm4b:s29+s4], $0x50, $0x38;
	[tilespmem:$0x1E080] =	vst v63  }
0x83: {  	s9 =	rddreg [dreg:$0x9]  }
0x84: {  	[tilespmem:s7], [sflag:$0x8] =	stream.linear.gather [hbm4b:s9+s4], $0x50, $0x38;
	[tilespmem:$0x1E080] =	vst v63  }
0x85: {  	s17 =	rddreg [dreg:$0xa]  }
0x86: {  	[tilespmem:s8], [sflag:$0x8] =	stream.linear.gather [hbm4b:s17+s4], $0x50, $0x38;
	[tilespmem:$0x1E080] =	vst v63  }
0x87: {  	s22 =	rddreg [dreg:$0xb]  }
0x88: {  	[tilespmem:s16], [sflag:$0x9] =	stream.linear.gather [hbm4b:s22+s4], $0x50, $0x38;
	[tilespmem:$0x1E080] =	vst v63  }
0x89: {  	s23 =	rddreg [dreg:$0xc]  }
0x8a: {  	[tilespmem:s31], [sflag:$0x9] =	stream.linear.gather [hbm4b:s23+s4], $0x50, $0x38;
	[tilespmem:$0x1E080] =	vst v63  }
0x8b: {  	s29 =	rddreg [dreg:$0xd];
	s31 =	simm.s32 $0xA280  }
0x8c: {  	[tilespmem:s31], [sflag:$0xA] =	stream.linear.gather [hbm4b:s29+s4], $0x50, $0x38;
	[tilespmem:$0x1E080] =	vst v63  }
0x8d: {  	s9 =	simm.s32 $0xA680;
	s8 =	rddreg [dreg:$0xe]  }
0x8e: {  	[tilespmem:s9], [sflag:$0xA] =	stream.linear.gather [hbm4b:s8+s4], $0x50, $0x38;
	[tilespmem:$0x1E080] =	vst v63  }
0x8f: {  	s16 =	rddreg [dreg:$0x11]  }
0x90: {  	[tilespmem:s13], [sflag:$0xB] =	stream.linear.gather [hbm4b:s16+s4], $0x50, $0x38;
	[tilespmem:$0x1E080] =	vst v63  }
0x91: {  	s17 =	rddreg [dreg:$0x12]  }
0x92: {  	[tilespmem:s12], [sflag:$0xB] =	stream.linear.gather [hbm4b:s17+s4], $0x50, $0x38;
	[tilespmem:$0x1E080] =	vst v63  }
0x93: {  	s2 =	simm.s32 $0x0;
	s22 =	rddreg [dreg:$0x13];
	s23 =	simm.s32 $0xA380  }
0x94: {  	[tilespmem:s23], [sflag:$0xC] =	stream.linear.gather [hbm4b:s22+s4], $0x50, $0x38;
	[tilespmem:$0x1E080] =	vst v63  }
0x95: {  	s7 =	simm.s32 $0x200;
	s29 =	rddreg [dreg:$0x14];
	s31 =	simm.s32 $0xA780  }
0x96: {  	[tilespmem:s31], [sflag:$0xC] =	stream.linear.gather [hbm4b:s29+s4], $0x50, $0x38;
	[tilespmem:$0x1E080] =	vst v63  }
.LBB2_2:
0x97: {  	p1 =	sne.s32 s7, $0x9E00;
	[tilespmem:s2+$0x70] =	vst v0  }
0x98: {  	[tilespmem:s2+$0x0] =	vst v0  }
0x99: {  	[tilespmem:s2+$0x10] =	vst v0  }
.Ltmp2:
0x9a: {  	[tilespmem:s2+$0x20] =	vst v0;
	(pc) =	sbr.rel @p1 .LBB2_2-.Ltmp2, $4  }
0x9b: {  	[tilespmem:s2+$0x30] =	vst v0  }
0x9c: {  	[tilespmem:s2+$0x40] =	vst v0  }
0x9d: {  	[tilespmem:s2+$0x50] =	vst v0  }
0x9e: {  	[tilespmem:s2+$0x60] =	vst v0;
	s2 =	sshra.s32 s7, $0x2;
	s7 =	sadd.s32 $0x200, s7  }
0x9f: {  	[tilespmem:s2+$0x70] =	vst v0  }
0xa0: {  	[tilespmem:s2+$0x0] =	vst v0  }
0xa1: {  	[tilespmem:s2+$0x10] =	vst v0  }
0xa2: {  	[tilespmem:s2+$0x20] =	vst v0  }
0xa3: {  	[tilespmem:s2+$0x30] =	vst v0  }
0xa4: {  	[tilespmem:s2+$0x40] =	vst v0  }
0xa5: {  	[tilespmem:s2+$0x50] =	vst v0  }
0xa6: {  	[tilespmem:s2+$0x60] =	vst v0;
	s31 =	sld [smem:$0x7F6]  }
0xa7: {  	[spmem:s10] =	stream.linear.scatter [tilespmem:s4], [sflag:$0x11], $0x2800, $0x38;
	[tilespmem:$0x1E080] =	vst v63  }
0xa8: {  	s7 =	sld [smem:$0x7F7]  }
0xa9: {  	[spmem:s31] =	stream.linear.scatter [tilespmem:s4], [sflag:$0x11], $0x2800, $0x38;
	[tilespmem:$0x1E080] =	vst v63  }
0xaa: {  	s8 =	sld [smem:$0x7F8]  }
0xab: {  	[spmem:s7] =	stream.linear.scatter [tilespmem:s4], [sflag:$0x11], $0x2800, $0x38;
	[tilespmem:$0x1E080] =	vst v63  }
0xac: {  	s9 =	sld [smem:$0x7F9]  }
0xad: {  	[spmem:s8] =	stream.linear.scatter [tilespmem:s4], [sflag:$0x11], $0x2800, $0x38;
	[tilespmem:$0x1E080] =	vst v63  }
0xae: {  	s10 =	sld [smem:$0x7FA]  }
0xaf: {  	[spmem:s9] =	stream.linear.scatter [tilespmem:s4], [sflag:$0x11], $0x2800, $0x38;
	[tilespmem:$0x1E080] =	vst v63  }
0xb0: {  	s12 =	sld [smem:$0x7FB]  }
0xb1: {  	[spmem:s10] =	stream.linear.scatter [tilespmem:s4], [sflag:$0x11], $0x2800, $0x38;
	[tilespmem:$0x1E080] =	vst v63  }
0xb2: {  	s16 =	sld [smem:$0x7FC]  }
0xb3: {  	[spmem:s12] =	stream.linear.scatter [tilespmem:s4], [sflag:$0x11], $0x2800, $0x38;
	[tilespmem:$0x1E080] =	vst v63  }
0xb4: {  	_ = 	snop  }
0xb5: {  	[spmem:s16] =	stream.linear.scatter [tilespmem:s4], [sflag:$0x11], $0x2000, $0x38;
	[tilespmem:$0x1E080] =	vst v63  }
0xb6: {  	s2 =	simm.s32 @!p0 $0x0;
	s17 =	simm.s32 $0x11  }
0xb7: {  	[spmem:s11] =	stream.linear.scatter @!p0 [tilespmem:s2], [sflag:$0x11], $0x800, $0x38;
	[tilespmem:$0x1E080] =	vst v63  }
0xb8: {  	_ =	swait.ge [sflag:s17], $0x2800  }
0xb9: {  	[sflag:s17] =	ssyncset.done $0x0  }
0xba: {  	[sflag:s17] =	ssyncadd.s32 $0xFFFFD800  }
0xbb: {  	_ =	swait.ge [sflag:s17], $0x2800  }
0xbc: {  	[sflag:s17] =	ssyncset.done $0x0  }
0xbd: {  	[sflag:s17] =	ssyncadd.s32 $0xFFFFD800  }
0xbe: {  	_ =	swait.ge [sflag:s17], $0x2800  }
0xbf: {  	[sflag:s17] =	ssyncset.done $0x0  }
0xc0: {  	[sflag:s17] =	ssyncadd.s32 $0xFFFFD800  }
0xc1: {  	_ =	swait.ge [sflag:s17], $0x2800  }
0xc2: {  	[sflag:s17] =	ssyncset.done $0x0  }
0xc3: {  	[sflag:s17] =	ssyncadd.s32 $0xFFFFD800  }
0xc4: {  	_ =	swait.ge [sflag:s17], $0x2800  }
0xc5: {  	[sflag:s17] =	ssyncset.done $0x0  }
0xc6: {  	[sflag:s17] =	ssyncadd.s32 $0xFFFFD800  }
0xc7: {  	_ =	swait.ge [sflag:s17], $0x2800  }
0xc8: {  	[sflag:s17] =	ssyncset.done $0x0  }
0xc9: {  	[sflag:s17] =	ssyncadd.s32 $0xFFFFD800  }
0xca: {  	_ =	swait.ge [sflag:s17], $0x2800  }
0xcb: {  	[sflag:s17] =	ssyncset.done $0x0  }
0xcc: {  	[sflag:s17] =	ssyncadd.s32 $0xFFFFD800  }
0xcd: {  	_ =	swait.ge [sflag:s17], $0x2000  }
0xce: {  	[sflag:s17] =	ssyncset.done $0x0  }
0xcf: {  	s2 =	simm.s32 @!p0 $0x11;
	[sflag:s17] =	ssyncadd.s32 $0xFFFFE000  }
0xd0: {  	_ =	swait.ge @!p0 [sflag:s2], $0x800  }
0xd1: {  	[sflag:s2] =	ssyncset.done @!p0 $0x0  }
0xd2: {  	s22 =	simm.s32 $0x5;
	[sflag:s2] =	ssyncadd.s32 @!p0 $0xFFFFF800  }
0xd3: {  	_ =	swait.ge [sflag:s22], $0x50  }
0xd4: {  	[sflag:s22] =	ssyncset.done $0x0  }
0xd5: {  	[sflag:s22] =	ssyncadd.s32 $0xFFFFFFB0  }
0xd6: {  	_ =	swait.ge [sflag:s22], $0x50  }
0xd7: {  	[sflag:s22] =	ssyncset.done $0x0  }
0xd8: {  	s23 =	simm.s32 $0x6;
	s7 =	simm.s32 $0x0;
	[sflag:s22] =	ssyncadd.s32 $0xFFFFFFB0  }
0xd9: {  	[tilespmem:s7], [sflag:$0x1] =	stream.indirect.gather [hbm4b:s0+s24], $0x80, s14, s24, $0xb8;
	[tilespmem:$0x1E080] =	vst v63  }
0xda: {  	_ =	swait.ge [sflag:s23], $0x50  }
0xdb: {  	[sflag:s23] =	ssyncset.done $0x0  }
0xdc: {  	[sflag:s23] =	ssyncadd.s32 $0xFFFFFFB0  }
0xdd: {  	_ =	swait.ge [sflag:s23], $0x50  }
0xde: {  	[sflag:s23] =	ssyncset.done $0x0  }
0xdf: {  	s31 =	simm.s32 $0x7;
	[sflag:s23] =	ssyncadd.s32 $0xFFFFFFB0  }
0xe0: {  	[tilespmem:s30], [sflag:$0x2] =	stream.indirect.gather [hbm4b:s0+s24], $0x80, s1, s24, $0xb8;
	[tilespmem:$0x1E080] =	vst v63  }
0xe1: {  	_ =	swait.ge [sflag:s31], $0x50  }
0xe2: {  	[sflag:s31] =	ssyncset.done $0x0  }
0xe3: {  	[sflag:s31] =	ssyncadd.s32 $0xFFFFFFB0  }
0xe4: {  	_ =	swait.ge [sflag:s31], $0x50  }
0xe5: {  	[sflag:s31] =	ssyncset.done $0x0  }
0xe6: {  	[sflag:s31] =	ssyncadd.s32 $0xFFFFFFB0  }
0xe7: {  	[tilespmem:s15], [sflag:$0x3] =	stream.indirect.gather [hbm4b:s0+s24], $0x80, s20, s24, $0xb8;
	[tilespmem:$0x1E080] =	vst v63  }
0xe8: {  	[bflag:$0x0] =	sbarrier.arrive $0xFFFF  }
0xe9: {  	s23 =	sld [smem:$0x7F5]  }
0xea: {  	s29 =	simm.s32 $0xA700;
	s2 =	rddreg [dreg:$0x1f]  }
.LBB2_4:
0xeb: {  	p1 =	seq.s32 s7, $0x0  }
0xec: {  	s22 =	simm.s32 @!p1 $0x10  }
0xed: {  	_ =	swait.ge @!p1 [sflag:s22], $0x2800  }
0xee: {  	[sflag:s22] =	ssyncset.done @!p1 $0x0  }
0xef: {  	s1 =	simm.s32 $0x8;
	[sflag:s22] =	ssyncadd.s32 @!p1 $0xFFFFD800  }
0xf0: {  	_ =	swait.ge [sflag:s1], $0x50  }
0xf1: {  	[sflag:s1] =	ssyncset.done $0x0  }
0xf2: {  	[sflag:s1] =	ssyncadd.s32 $0xFFFFFFB0  }
0xf3: {  	_ =	swait.ge [sflag:s1], $0x50  }
0xf4: {  	s16 =	simm.s32 $0xA180;
	[sflag:s1] =	ssyncset.done $0x0  }
0xf5: {  	s9 =	simm.s32 $0x7800;
	s12 =	simm.s32 $0x1;
	[sflag:s1] =	ssyncadd.s32 $0xFFFFFFB0  }
0xf6: {  	[tilespmem:s9], [sflag:$0x4] =	stream.indirect.gather [hbm4b:s0+s24], $0x80, s16, s24, $0xb8;
	[tilespmem:$0x1E080] =	vst v63  }
0xf7: {  	_ =	swait.ge [sflag:s12], $0x2800  }
0xf8: {  	[sflag:s12] =	ssyncset.done $0x0  }
0xf9: {  	s14 =	simm.s32 $0xA400;
	[sflag:s12] =	ssyncadd.s32 $0xFFFFD800  }
0xfa: {  	[spmem:s3] =	stream.indirect.scatter.add.f32 [tilespmem:s4], [sflag:$0xD], $0x80, s14, s24, $0xb8;
	[tilespmem:$0x1E080] =	vst v63  }
0xfb: {  	s10 =	simm.s32 @!p1 $0xA380;
	s22 =	simm.s32 @!p1 $0x0  }
0xfc: {  	[tilespmem:s10], [sflag:$0xC] =	stream.linear.gather @!p1 [hbm4b:s23+s22], $0x50, $0x38;
	[tilespmem:$0x1E080] =	vst v63  }
0xfd: {  	s10 =	simm.s32 @!p1 $0xA780  }
0xfe: {  	[tilespmem:s10], [sflag:$0xC] =	stream.linear.gather @!p1 [hbm4b:s2+s22], $0x50, $0x38;
	[tilespmem:$0x1E080] =	vst v63  }
0xff: {  	_ =	swait.ge [sflag:s28], $0x2800  }
0x100: {  	[sflag:s28] =	ssyncset.done $0x0  }
0x101: {  	s22 =	simm.s32 $0x9;
	[sflag:s28] =	ssyncadd.s32 $0xFFFFD800  }
0x102: {  	_ =	swait.ge [sflag:s22], $0x50  }
0x103: {  	[sflag:s22] =	ssyncset.done $0x0  }
0x104: {  	[sflag:s22] =	ssyncadd.s32 $0xFFFFFFB0  }
0x105: {  	_ =	swait.ge [sflag:s22], $0x50  }
0x106: {  	[sflag:s22] =	ssyncset.done $0x0  }
0x107: {  	s31 =	simm.s32 $0xA200;
	s30 =	simm.s32 $0x2;
	[sflag:s22] =	ssyncadd.s32 $0xFFFFFFB0  }
0x108: {  	[tilespmem:s4], [sflag:$0x1] =	stream.indirect.gather [hbm4b:s0+s24], $0x80, s31, s24, $0xb8;
	[tilespmem:$0x1E080] =	vst v63  }
0x109: {  	s15 =	simm.s32 $0x2800;
	s22 =	smov.u32 s7;
	_ =	swait.ge [sflag:s30], $0x2800  }
0x10a: {  	s22 =	simm.s32 @p1 $0x0;
	[sflag:s30] =	ssyncset.done $0x0;
	s8 =	rddreg [dreg:$0x16]  }
0x10b: {  	s1 =	simm.s32 $0xA480;
	[sflag:s30] =	ssyncadd.s32 $0xFFFFD800;
	s8 =	sadd.s32 s22, s8  }
0x10c: {  	[spmem:s3] =	stream.indirect.scatter.add.f32 [tilespmem:s15], [sflag:$0xE], $0x80, s1, s24, $0xb8;
	[tilespmem:$0x1E080] =	vst v63  }
0x10d: {  	s10 =	sshrl.u32 s8, $0x3  }
0x10e: {  	s20 =	simm.s32 $0xA000;
	s11 =	sadd.s32 s5, s10  }
0x10f: {  	[tilespmem:s20], [sflag:$0x5] =	stream.linear.gather [hbm4b:s11+s4], $0x50, $0x38;
	[tilespmem:$0x1E080] =	vst v63  }
0x110: {  	s10 =	sadd.s32 s6, s10  }
0x111: {  	[tilespmem:s14], [sflag:$0x5] =	stream.linear.gather [hbm4b:s10+s4], $0x50, $0x38;
	[tilespmem:$0x1E080] =	vst v63  }
0x112: {  	_ =	swait.ge [sflag:s25], $0x2800  }
0x113: {  	[sflag:s25] =	ssyncset.done $0x0  }
0x114: {  	s11 =	simm.s32 $0xA;
	[sflag:s25] =	ssyncadd.s32 $0xFFFFD800  }
0x115: {  	_ =	swait.ge [sflag:s11], $0x50  }
0x116: {  	[sflag:s11] =	ssyncset.done $0x0  }
0x117: {  	[sflag:s11] =	ssyncadd.s32 $0xFFFFFFB0  }
0x118: {  	_ =	swait.ge [sflag:s11], $0x50  }
0x119: {  	[sflag:s11] =	ssyncset.done $0x0  }
0x11a: {  	s14 =	simm.s32 $0xA280;
	[sflag:s11] =	ssyncadd.s32 $0xFFFFFFB0  }
0x11b: {  	[tilespmem:s15], [sflag:$0x2] =	stream.indirect.gather [hbm4b:s0+s24], $0x80, s14, s24, $0xb8;
	[tilespmem:$0x1E080] =	vst v63  }
0x11c: {  	_ =	swait.ge [sflag:s18], $0x2800  }
0x11d: {  	[sflag:s18] =	ssyncset.done $0x0;
	s17 =	rddreg [dreg:$0x17]  }
0x11e: {  	s14 =	simm.s32 $0xA500;
	[sflag:s18] =	ssyncadd.s32 $0xFFFFD800;
	s31 =	sadd.s32 s22, s17  }
0x11f: {  	[spmem:s3] =	stream.indirect.scatter.add.f32 [tilespmem:s21], [sflag:$0xF], $0x80, s14, s24, $0xb8;
	[tilespmem:$0x1E080] =	vst v63  }
0x120: {  	s10 =	sshrl.u32 s31, $0x3  }
0x121: {  	s17 =	simm.s32 $0xA080;
	s8 =	sadd.s32 s5, s10  }
0x122: {  	[tilespmem:s17], [sflag:$0x6] =	stream.linear.gather [hbm4b:s8+s4], $0x50, $0x38;
	[tilespmem:$0x1E080] =	vst v63  }
0x123: {  	s10 =	sadd.s32 s6, s10  }
0x124: {  	[tilespmem:s1], [sflag:$0x6] =	stream.linear.gather [hbm4b:s10+s4], $0x50, $0x38;
	[tilespmem:$0x1E080] =	vst v63  }
0x125: {  	_ =	swait.ge [sflag:s26], $0x2800  }
0x126: {  	[sflag:s26] =	ssyncset.done $0x0  }
0x127: {  	s11 =	simm.s32 $0xB;
	[sflag:s26] =	ssyncadd.s32 $0xFFFFD800  }
0x128: {  	_ =	swait.ge [sflag:s11], $0x50  }
0x129: {  	[sflag:s11] =	ssyncset.done $0x0  }
0x12a: {  	[sflag:s11] =	ssyncadd.s32 $0xFFFFFFB0  }
0x12b: {  	_ =	swait.ge [sflag:s11], $0x50  }
0x12c: {  	[sflag:s11] =	ssyncset.done $0x0  }
0x12d: {  	[sflag:s11] =	ssyncadd.s32 $0xFFFFFFB0  }
0x12e: {  	[tilespmem:s21], [sflag:$0x3] =	stream.indirect.gather [hbm4b:s0+s24], $0x80, s13, s24, $0xb8;
	[tilespmem:$0x1E080] =	vst v63  }
0x12f: {  	_ =	swait.ge [sflag:s19], $0x2800  }
0x130: {  	[sflag:s19] =	ssyncset.done $0x0;
	s13 =	rddreg [dreg:$0x18]  }
0x131: {  	s1 =	simm.s32 $0xA580;
	[sflag:s19] =	ssyncadd.s32 $0xFFFFD800;
	s31 =	sadd.s32 s22, s13  }
0x132: {  	[spmem:s3] =	stream.indirect.scatter.add.f32 [tilespmem:s9], [sflag:$0x10], $0x80, s1, s24, $0xb8;
	[tilespmem:$0x1E080] =	vst v63  }
0x133: {  	s10 =	sshrl.u32 s31, $0x3  }
0x134: {  	s31 =	simm.s32 $0xA100;
	s8 =	sadd.s32 s5, s10  }
0x135: {  	[tilespmem:s31], [sflag:$0x7] =	stream.linear.gather [hbm4b:s8+s4], $0x50, $0x38;
	[tilespmem:$0x1E080] =	vst v63  }
0x136: {  	s13 =	simm.s32 $0x10;
	s10 =	sadd.s32 s6, s10  }
0x137: {  	[tilespmem:s14], [sflag:$0x7] =	stream.linear.gather [hbm4b:s10+s4], $0x50, $0x38;
	[tilespmem:$0x1E080] =	vst v63  }
0x138: {  	_ =	swait.ge [sflag:s13], $0x2800  }
0x139: {  	[sflag:s13] =	ssyncset.done $0x0  }
0x13a: {  	s14 =	simm.s32 $0xC;
	[sflag:s13] =	ssyncadd.s32 $0xFFFFD800  }
0x13b: {  	_ =	swait.ge [sflag:s14], $0x50  }
0x13c: {  	[sflag:s14] =	ssyncset.done $0x0  }
0x13d: {  	[sflag:s14] =	ssyncadd.s32 $0xFFFFFFB0  }
0x13e: {  	_ =	swait.ge [sflag:s14], $0x50  }
0x13f: {  	[sflag:s14] =	ssyncset.done $0x0  }
0x140: {  	s10 =	simm.s32 $0xA380;
	[sflag:s14] =	ssyncadd.s32 $0xFFFFFFB0  }
0x141: {  	[tilespmem:s9], [sflag:$0x4] =	stream.indirect.gather [hbm4b:s0+s24], $0x80, s10, s24, $0xb8;
	[tilespmem:$0x1E080] =	vst v63  }
0x142: {  	_ =	swait.ge [sflag:s12], $0x2800  }
0x143: {  	[sflag:s12] =	ssyncset.done $0x0;
	s11 =	rddreg [dreg:$0x19]  }
0x144: {  	s13 =	simm.s32 $0xA600;
	[sflag:s12] =	ssyncadd.s32 $0xFFFFD800;
	s14 =	sadd.s32 s22, s11  }
0x145: {  	[spmem:s3] =	stream.indirect.scatter.add.f32 [tilespmem:s4], [sflag:$0xD], $0x80, s13, s24, $0xb8;
	[tilespmem:$0x1E080] =	vst v63  }
0x146: {  	s10 =	sshrl.u32 s14, $0x3  }
0x147: {  	s8 =	sadd.s32 s5, s10  }
0x148: {  	[tilespmem:s16], [sflag:$0x8] =	stream.linear.gather [hbm4b:s8+s4], $0x50, $0x38;
	[tilespmem:$0x1E080] =	vst v63  }
0x149: {  	s10 =	sadd.s32 s6, s10  }
0x14a: {  	[tilespmem:s1], [sflag:$0x8] =	stream.linear.gather [hbm4b:s10+s4], $0x50, $0x38;
	[tilespmem:$0x1E080] =	vst v63  }
0x14b: {  	_ =	swait.ge [sflag:s28], $0x2800  }
0x14c: {  	[sflag:s28] =	ssyncset.done $0x0  }
0x14d: {  	s10 =	simm.s32 $0x5;
	[sflag:s28] =	ssyncadd.s32 $0xFFFFD800  }
0x14e: {  	_ =	swait.ge [sflag:s10], $0x50  }
0x14f: {  	[sflag:s10] =	ssyncset.done $0x0  }
0x150: {  	[sflag:s10] =	ssyncadd.s32 $0xFFFFFFB0  }
0x151: {  	_ =	swait.ge [sflag:s10], $0x50  }
0x152: {  	[sflag:s10] =	ssyncset.done $0x0  }
0x153: {  	[sflag:s10] =	ssyncadd.s32 $0xFFFFFFB0  }
0x154: {  	[tilespmem:s4], [sflag:$0x1] =	stream.indirect.gather [hbm4b:s0+s24], $0x80, s20, s24, $0xb8;
	[tilespmem:$0x1E080] =	vst v63  }
0x155: {  	_ =	swait.ge [sflag:s30], $0x2800  }
0x156: {  	[sflag:s30] =	ssyncset.done $0x0;
	s20 =	rddreg [dreg:$0x1a]  }
0x157: {  	s11 =	simm.s32 $0xA680;
	[sflag:s30] =	ssyncadd.s32 $0xFFFFD800;
	s1 =	sadd.s32 s22, s20  }
0x158: {  	[spmem:s3] =	stream.indirect.scatter.add.f32 [tilespmem:s15], [sflag:$0xE], $0x80, s11, s24, $0xb8;
	[tilespmem:$0x1E080] =	vst v63  }
0x159: {  	s10 =	sshrl.u32 s1, $0x3  }
0x15a: {  	s16 =	simm.s32 $0xA200;
	s8 =	sadd.s32 s5, s10  }
0x15b: {  	[tilespmem:s16], [sflag:$0x9] =	stream.linear.gather [hbm4b:s8+s4], $0x50, $0x38;
	[tilespmem:$0x1E080] =	vst v63  }
0x15c: {  	s10 =	sadd.s32 s6, s10  }
0x15d: {  	[tilespmem:s13], [sflag:$0x9] =	stream.linear.gather [hbm4b:s10+s4], $0x50, $0x38;
	[tilespmem:$0x1E080] =	vst v63  }
0x15e: {  	_ =	swait.ge [sflag:s25], $0x2800  }
0x15f: {  	[sflag:s25] =	ssyncset.done $0x0  }
0x160: {  	s20 =	simm.s32 $0x6;
	[sflag:s25] =	ssyncadd.s32 $0xFFFFD800  }
0x161: {  	_ =	swait.ge [sflag:s20], $0x50  }
0x162: {  	[sflag:s20] =	ssyncset.done $0x0  }
0x163: {  	[sflag:s20] =	ssyncadd.s32 $0xFFFFFFB0  }
0x164: {  	_ =	swait.ge [sflag:s20], $0x50  }
0x165: {  	[sflag:s20] =	ssyncset.done $0x0  }
0x166: {  	[sflag:s20] =	ssyncadd.s32 $0xFFFFFFB0  }
0x167: {  	[tilespmem:s15], [sflag:$0x2] =	stream.indirect.gather [hbm4b:s0+s24], $0x80, s17, s24, $0xb8;
	[tilespmem:$0x1E080] =	vst v63  }
0x168: {  	_ =	swait.ge [sflag:s18], $0x2800  }
0x169: {  	p1 =	seq.s32 s7, $0x2300;
	[sflag:s18] =	ssyncset.done $0x0;
	s8 =	rddreg [dreg:$0x1b]  }
0x16a: {  	[sflag:s18] =	ssyncadd.s32 $0xFFFFD800;
	s10 =	sadd.s32 @!p1 s22, s8  }
0x16b: {  	[spmem:s3] =	stream.indirect.scatter.add.f32 [tilespmem:s21], [sflag:$0xF], $0x80, s29, s24, $0xb8;
	[tilespmem:$0x1E080] =	vst v63  }
0x16c: {  	s10 =	sshrl.u32 @!p1 s10, $0x3  }
0x16d: {  	s20 =	simm.s32 @!p1 $0x0;
	s8 =	simm.s32 @!p1 $0xA280;
	s11 =	sadd.s32 @!p1 s5, s10  }
0x16e: {  	[tilespmem:s8], [sflag:$0xA] =	stream.linear.gather @!p1 [hbm4b:s11+s20], $0x50, $0x38;
	[tilespmem:$0x1E080] =	vst v63  }
0x16f: {  	s8 =	sadd.s32 @!p1 s6, s10;
	s10 =	simm.s32 @!p1 $0xA680  }
0x170: {  	[tilespmem:s10], [sflag:$0xA] =	stream.linear.gather @!p1 [hbm4b:s8+s20], $0x50, $0x38;
	[tilespmem:$0x1E080] =	vst v63  }
0x171: {  	_ =	swait.ge [sflag:s26], $0x2800  }
0x172: {  	[sflag:s26] =	ssyncset.done $0x0  }
0x173: {  	s29 =	simm.s32 $0x7;
	[sflag:s26] =	ssyncadd.s32 $0xFFFFD800  }
0x174: {  	_ =	swait.ge [sflag:s29], $0x50  }
0x175: {  	[sflag:s29] =	ssyncset.done $0x0  }
0x176: {  	[sflag:s29] =	ssyncadd.s32 $0xFFFFFFB0  }
0x177: {  	_ =	swait.ge [sflag:s29], $0x50  }
0x178: {  	[sflag:s29] =	ssyncset.done $0x0  }
0x179: {  	[sflag:s29] =	ssyncadd.s32 $0xFFFFFFB0  }
0x17a: {  	[tilespmem:s21], [sflag:$0x3] =	stream.indirect.gather [hbm4b:s0+s24], $0x80, s31, s24, $0xb8;
	[tilespmem:$0x1E080] =	vst v63  }
.Ltmp3:
0x17b: {  	s12 =	simm.s32 $0xA300;
	s14 =	simm.s32 $0xA000;
	(pc) =	sbr.rel @p1 .LBB2_6-.Ltmp3, $4  }
0x17c: {  	s30 =	simm.s32 $0x2800;
	s1 =	simm.s32 $0xA080;
	_ =	swait.ge [sflag:s19], $0x2800  }
0x17d: {  	s15 =	simm.s32 $0x5000;
	s11 =	simm.s32 $0xA700;
	[sflag:s19] =	ssyncset.done $0x0  }
0x17e: {  	s20 =	simm.s32 $0xA100;
	s31 =	simm.s32 $0xA780;
	[sflag:s19] =	ssyncadd.s32 $0xFFFFD800  }
0x17f: {  	[spmem:s3] =	stream.indirect.scatter.add.f32 [tilespmem:s9], [sflag:$0x10], $0x80, s31, s24, $0xb8;
	[tilespmem:$0x1E080] =	vst v63  }
0x180: {  	s8 =	rddreg [dreg:$0x1c]  }
0x181: {  	s8 =	sadd.s32 s22, s8  }
.Ltmp4:
0x182: {  	s7 =	sadd.s32 $0x280, s7;
	s8 =	sshrl.u32 s8, $0x3;
	(pc) =	sbr.rel .LBB2_4-.Ltmp4, $4  }
0x183: {  	s2 =	sadd.s32 $0x50, s2;
	s23 =	sadd.s32 $0x50, s23;
	s10 =	sadd.s32 s5, s8  }
0x184: {  	[tilespmem:s12], [sflag:$0xB] =	stream.linear.gather [hbm4b:s10+s4], $0x50, $0x38;
	[tilespmem:$0x1E080] =	vst v63  }
0x185: {  	s29 =	simm.s32 $0xA700;
	s13 =	simm.s32 $0xA300;
	s8 =	sadd.s32 s6, s8  }
0x186: {  	[tilespmem:s11], [sflag:$0xB] =	stream.linear.gather [hbm4b:s8+s4], $0x50, $0x38;
	[tilespmem:$0x1E080] =	vst v63  }
.LBB2_7:
0x187: {  	_ =	sfence.sel $0x180000  }
0x188: {  	[bflag:$0x0] =	sbarrier.arrive $0xFFFF  }
0x189: {  	_ =	strace $0x90000047  }
0x18a: {  	s0 =	stileid.u32;
	[bflag:$0x2] =	sbarrier.arrive $0xFFFF  }
0x18b: {  	p0 =	sne.s32 s0, $0x0;
	s0 =	rddreg [dreg:$0x3]  }
0x18c: {  	s0 =	sadd.s32 @!p0 $0x100000, s0  }
0x18d: {  	[sflag:s0] =	ssyncadd.tile.s32 @!p0 $0x1;
	_ =	shalt  }
.Lfunc_end2:
_tile_overlayer_lowered:
.L_overlay_start_2:
0x18e: {  	(tag) =	ssettag $0x2  }
0x18f: {  	s0 =	rddreg [dreg:$0x0];
	s2 =	stileid.u32  }
0x190: {  	s1 =	rddreg [dreg:$0x1];
	p0 =	sne.s32 s2, $0x0  }
0x191: {  	s3 =	rddreg [dreg:$0x2];
	[bflag:$0x3] =	sbarrier.arrive $0xFFFF;
	s2 =	simm.s32 @!p0 $0x1C12  }
0x192: {  	[timem:s3], [sflag:s2] =	dma.local @!p0 [hbm:s0], s1  }
0x193: {  	s0 =	simm.s32 @!p0 $0x12  }
0x194: {  	_ =	swait.ge @!p0 [sflag:s0], s1  }
0x195: {  	s1 =	ssub.s32 @!p0 $0x0, s1;
	[sflag:s0] =	ssyncset.done @!p0 $0x0  }
0x196: {  	[sflag:s0] =	ssyncadd.s32 @!p0 s1  }
0x197: {  	[bflag:$0x3] =	sbarrier.arrive $0xFFFF  }
0x198: {  	_ =	shalt  }

</sc_bundles>
